<compile_context>
chip_gen: v7x
topology: tpu7x:2x2x1
jax: 0.10.2.dev20260603
libtpu: 0.0.44.dev20260713+nightly
codegen_flags: <defaults>
</compile_context>

<pallas_src>
import jax
import jax.numpy as jnp
from jax import lax
from jax.experimental import pallas as pl
from jax.experimental.pallas import tpu as pltpu
from jax.experimental.pallas import tpu_sc as plsc

_NC = 2
_NS = 16
_NW = _NC * _NS
_L = 16

_BLK = 128
_NJ = 50
_D = 64
_NBUF = 5


def _emb_body(x_hbm, table_hbm, out_hbm, idx_all, idx_j, rows_v, trans_v,
              *sems):
    gsems = sems[:_NBUF]
    wsems = sems[_NBUF:]
    wid = lax.axis_index("s") * _NC + lax.axis_index("c")

    pltpu.sync_copy(x_hbm.at[wid], idx_all)

    iota = lax.iota(jnp.int32, _L)

    def build_idx(j, b):
        for g in range(_BLK // _L):
            src = (iota + (g * _L)) * _NJ + j
            idx_j[b, g * _L:(g + 1) * _L] = plsc.load_gather(idx_all, [src])

    def gather(b):
        return pltpu.make_async_copy(
            table_hbm.at[idx_j.at[b]], rows_v.at[b], gsems[b]
        )

    def writeback(j, b):
        return pltpu.make_async_copy(
            trans_v.at[b, :, :, pl.ds(0, 128)], out_hbm.at[j, :, wid],
            wsems[b],
        )

    t_vec = [(iota + dg * _L) // 8 for dg in range(_D // _L)]
    r_vec = [(iota + dg * _L) % 8 for dg in range(_D // _L)]

    _TOK = 8
    _LA = 4
    _NG = _TOK * (_D // _L)

    def transpose(b):
        @pl.loop(0, _BLK, step=_TOK)
        def _l(l0):
            lanes = [jnp.full((_L,), l0 + u, jnp.int32) for u in range(_TOK)]
            vals = [None] * _NG
            for k in range(_NG + _LA):
                if k < _NG:
                    u, dg = divmod(k, _D // _L)
                    vals[k] = rows_v[b, l0 + u, dg * _L:(dg + 1) * _L]
                if k >= _LA:
                    u, dg = divmod(k - _LA, _D // _L)
                    plsc.store_scatter(
                        trans_v.at[b],
                        [t_vec[dg], r_vec[dg], lanes[u]],
                        vals[k - _LA],
                    )

    for b in range(_NBUF):
        build_idx(b, b)
        gather(b).start()

    @pl.loop(0, _NJ // _NBUF)
    def _outer(o):
        for b in range(_NBUF):
            j = o * _NBUF + b
            gather(b).wait()

            @pl.when(j >= _NBUF)
            def _():
                writeback(j - _NBUF, b).wait()

            transpose(b)
            writeback(j, b).start()
            nxt = j + _NBUF

            @pl.when(nxt < _NJ)
            def _():
                build_idx(nxt, b)
                gather(b).start()

    for b in range(_NBUF):
        writeback(_NJ - _NBUF + b, b).wait()


@jax.jit
def kernel(x, table):
    B0, B1 = x.shape
    V, D = table.shape

    idx = x.reshape(_NW, _BLK * B1).astype(jnp.int32)

    mesh = plsc.VectorSubcoreMesh(core_axis_name="c", subcore_axis_name="s")
    run = pl.kernel(
        _emb_body,
        out_type=jax.ShapeDtypeStruct((B1, 8, _NW, 8, 128), jnp.float32),
        mesh=mesh,
        scratch_types=[
            pltpu.VMEM((_BLK * B1,), jnp.int32),
            pltpu.VMEM((_NBUF, _BLK), jnp.int32),
            pltpu.VMEM((_NBUF, _BLK, D), jnp.float32),
            pltpu.VMEM((_NBUF, 8, 8, 129), jnp.float32),
        ]
        + [pltpu.SemaphoreType.DMA] * (2 * _NBUF),
        compiler_params=pltpu.CompilerParams(
            use_tc_tiling_on_sc=False, needs_layout_passes=False
        ),
        name="sc_embedding_gather",
    )
    out5d = run(idx, table)
    return out5d.transpose(2, 4, 0, 1, 3).reshape(B0, B1, D)

# --- scband reference (transcript-rebuilt; emitter-appended) ---
"""Pipeline reference for scband-point-embding-66090956751369 (READ-ONLY COPY).

The authoritative reference and input builder live on the scoring server;
editing this copy changes nothing except your own understanding.
"""

import jax, jax.numpy as jnp
import numpy as np


def setup_inputs(seed: int = 0) -> dict:
    key = jax.random.key(seed)
    k1, k2 = jax.random.split(key)
    x = jax.random.randint(k1, (4096, 50), 0, 100000)
    table = jax.random.normal(k2, (100000, 64), dtype=jnp.float32)
    # padding_idx=0: row 0 is zero
    table = table.at[0].set(0.0)
    return {"x": x, "table": table}


def reference(x, table):
    # nn.Embedding(num_embeddings=100000, embedding_dim=64, padding_idx=0)
    # padding row forced to zero, then gather rows by index
    t = table.at[0].set(0.0)
    return jnp.take(t, x, axis=0)

if __name__ == "__main__":
    import jax
    _d = setup_inputs()
    print(jax.jit(kernel)(*tuple(_d.values())))

</pallas_src>

<mosaic_0001>
#map = affine_map<(d0, d1) -> (0, 0)>
#map1 = affine_map<(d0, d1) -> (0, 0, 0, 0, 0)>
module attributes {stable_mosaic.version = 14 : i64} {
  func.func @sc_embedding_gather(%arg0: i32, %arg1: i32, %arg2: memref<32x6400xi32, #tpu.memory_space<hbm>>, %arg3: memref<100000x64xf32, #tpu.memory_space<hbm>>, %arg4: memref<50x8x32x8x128xf32, #tpu.memory_space<hbm>>, %arg5: memref<6400xi32, #tpu.memory_space<vmem>>, %arg6: memref<5x128xi32, #tpu.memory_space<vmem>>, %arg7: memref<5x128x64xf32, #tpu.memory_space<vmem>>, %arg8: memref<5x8x8x129xf32, #tpu.memory_space<vmem>>, %arg9: memref<!tpu.dma_semaphore, #tpu.memory_space<semaphore_mem>>, %arg10: memref<!tpu.dma_semaphore, #tpu.memory_space<semaphore_mem>>, %arg11: memref<!tpu.dma_semaphore, #tpu.memory_space<semaphore_mem>>, %arg12: memref<!tpu.dma_semaphore, #tpu.memory_space<semaphore_mem>>, %arg13: memref<!tpu.dma_semaphore, #tpu.memory_space<semaphore_mem>>, %arg14: memref<!tpu.dma_semaphore, #tpu.memory_space<semaphore_mem>>, %arg15: memref<!tpu.dma_semaphore, #tpu.memory_space<semaphore_mem>>, %arg16: memref<!tpu.dma_semaphore, #tpu.memory_space<semaphore_mem>>, %arg17: memref<!tpu.dma_semaphore, #tpu.memory_space<semaphore_mem>>, %arg18: memref<!tpu.dma_semaphore, #tpu.memory_space<semaphore_mem>>) attributes {dimension_semantics = [#tpu.dimension_semantics<core_parallel>, #tpu.dimension_semantics<subcore_parallel>], iteration_bounds = array<i64: 2, 16>, scalar_prefetch = 0 : i64, scratch_operands = 14 : i64, tpu.core_type = #tpu.core_type<sc_vector_subcore>, window_params = [{transform_indices = #map}, {transform_indices = #map}, {transform_indices = #map1}]} {
    %mul3A = arith.constant 2 : i32
    %mul3A_0 = arith.muli %arg1, %mul3A : i32
    %add3A = arith.addi %mul3A_0, %arg0 : i32
    "tpu.region"() ({
      %run_scoped3A = tpu.sem_alloc : memref<!tpu.dma_semaphore, #tpu.memory_space<semaphore_mem>>
      %dma_start3A_957 = arith.constant 0 : i32
      %dma_start3A_958 = tpu.memref_slice %arg2[%add3A, %dma_start3A_957] : memref<32x6400xi32, #tpu.memory_space<hbm>> -> memref<1x6400xi32, #tpu.memory_space<hbm>>
      %dma_start3A_959 = tpu.memref_squeeze %dma_start3A_958 : memref<1x6400xi32, #tpu.memory_space<hbm>> -> memref<6400xi32, #tpu.memory_space<hbm>>
      %dma_start3A_960 = arith.constant 0 : i32
      %dma_start3A_961 = tpu.memref_slice %arg2[%add3A, %dma_start3A_960] : memref<32x6400xi32, #tpu.memory_space<hbm>> -> memref<1x6400xi32, #tpu.memory_space<hbm>>
      %dma_start3A_962 = tpu.memref_squeeze %dma_start3A_961 : memref<1x6400xi32, #tpu.memory_space<hbm>> -> memref<6400xi32, #tpu.memory_space<hbm>>
      tpu.enqueue_dma source(%dma_start3A_962 : memref<6400xi32, #tpu.memory_space<hbm>>) target(%arg5 : memref<6400xi32, #tpu.memory_space<vmem>>) target_semaphore(%run_scoped3A : memref<!tpu.dma_semaphore, #tpu.memory_space<semaphore_mem>>)
      %dma_wait3A_963 = arith.constant 0 : i32
      %dma_wait3A_964 = tpu.memref_slice %arg2[%add3A, %dma_wait3A_963] : memref<32x6400xi32, #tpu.memory_space<hbm>> -> memref<1x6400xi32, #tpu.memory_space<hbm>>
      %dma_wait3A_965 = tpu.memref_squeeze %dma_wait3A_964 : memref<1x6400xi32, #tpu.memory_space<hbm>> -> memref<6400xi32, #tpu.memory_space<hbm>>
      %dma_wait3A_966 = arith.constant 0 : i32
      %dma_wait3A_967 = tpu.memref_slice %arg2[%add3A, %dma_wait3A_966] : memref<32x6400xi32, #tpu.memory_space<hbm>> -> memref<1x6400xi32, #tpu.memory_space<hbm>>
      %dma_wait3A_968 = tpu.memref_squeeze %dma_wait3A_967 : memref<1x6400xi32, #tpu.memory_space<hbm>> -> memref<6400xi32, #tpu.memory_space<hbm>>
      tpu.wait_dma2 semaphore(%run_scoped3A : memref<!tpu.dma_semaphore, #tpu.memory_space<semaphore_mem>>) src(%dma_wait3A_968 : memref<6400xi32, #tpu.memory_space<hbm>>) dst(%arg5 : memref<6400xi32, #tpu.memory_space<vmem>>)
      tpu.yield
    }) : () -> ()
    %iota3A = tpu.iota {dimensions = array<i32: 0>} : vector<16xi32>
    %add3A_1 = arith.constant 0 : i32
    %add3A_2 = vector.broadcast %add3A_1 : i32 to vector<16xi32>
    %add3A_3 = arith.addi %iota3A, %add3A_2 : vector<16xi32>
    %jit3A = arith.constant 8 : i32
    %div3A = vector.broadcast %jit3A : i32 to vector<16xi32>
    %div3A_4 = arith.divsi %add3A_3, %div3A : vector<16xi32>
    %sign3A = arith.constant 0 : i32
    %sign3A_5 = vector.broadcast %sign3A : i32 to vector<16xi32>
    %sign3A_6 = arith.cmpi sgt, %add3A_3, %sign3A_5 : vector<16xi32>
    %sign3A_7 = arith.extui %sign3A_6 : vector<16xi1> to vector<16xi32>
    %sign3A_8 = arith.constant 0 : i32
    %sign3A_9 = vector.broadcast %sign3A_8 : i32 to vector<16xi32>
    %sign3A_10 = arith.cmpi slt, %add3A_3, %sign3A_9 : vector<16xi32>
    %sign3A_11 = arith.extui %sign3A_10 : vector<16xi1> to vector<16xi32>
    %sign3A_12 = arith.subi %sign3A_7, %sign3A_11 : vector<16xi32>
    %sign3A_13 = arith.constant 0 : i32
    %sign3A_14 = arith.cmpi sgt, %jit3A, %sign3A_13 : i32
    %sign3A_15 = arith.extui %sign3A_14 : i1 to i32
    %sign3A_16 = arith.constant 0 : i32
    %sign3A_17 = arith.cmpi slt, %jit3A, %sign3A_16 : i32
    %sign3A_18 = arith.extui %sign3A_17 : i1 to i32
    %sign3A_19 = arith.subi %sign3A_15, %sign3A_18 : i32
    %ne3A = vector.broadcast %sign3A_19 : i32 to vector<16xi32>
    %ne3A_20 = arith.cmpi ne, %sign3A_12, %ne3A : vector<16xi32>
    %rem3A = vector.broadcast %jit3A : i32 to vector<16xi32>
    %rem3A_21 = arith.remsi %add3A_3, %rem3A : vector<16xi32>
    %ne3A_22 = arith.constant 0 : i32
    %ne3A_23 = vector.broadcast %ne3A_22 : i32 to vector<16xi32>
    %ne3A_24 = arith.cmpi ne, %rem3A_21, %ne3A_23 : vector<16xi32>
    %and3A = arith.andi %ne3A_20, %ne3A_24 : vector<16xi1>
    %sub3A = arith.constant 1 : i32
    %sub3A_25 = vector.broadcast %sub3A : i32 to vector<16xi32>
    %sub3A_26 = arith.subi %div3A_4, %sub3A_25 : vector<16xi32>
    %select_n3A = arith.select %and3A, %sub3A_26, %div3A_4 : vector<16xi1>, vector<16xi32>
    %add3A_27 = arith.constant 16 : i32
    %add3A_28 = vector.broadcast %add3A_27 : i32 to vector<16xi32>
    %add3A_29 = arith.addi %iota3A, %add3A_28 : vector<16xi32>
    %jit3A_30 = arith.constant 8 : i32
    %div3A_31 = vector.broadcast %jit3A_30 : i32 to vector<16xi32>
    %div3A_32 = arith.divsi %add3A_29, %div3A_31 : vector<16xi32>
    %sign3A_33 = arith.constant 0 : i32
    %sign3A_34 = vector.broadcast %sign3A_33 : i32 to vector<16xi32>
    %sign3A_35 = arith.cmpi sgt, %add3A_29, %sign3A_34 : vector<16xi32>
    %sign3A_36 = arith.extui %sign3A_35 : vector<16xi1> to vector<16xi32>
    %sign3A_37 = arith.constant 0 : i32
    %sign3A_38 = vector.broadcast %sign3A_37 : i32 to vector<16xi32>
    %sign3A_39 = arith.cmpi slt, %add3A_29, %sign3A_38 : vector<16xi32>
    %sign3A_40 = arith.extui %sign3A_39 : vector<16xi1> to vector<16xi32>
    %sign3A_41 = arith.subi %sign3A_36, %sign3A_40 : vector<16xi32>
    %sign3A_42 = arith.constant 0 : i32
    %sign3A_43 = arith.cmpi sgt, %jit3A_30, %sign3A_42 : i32
    %sign3A_44 = arith.extui %sign3A_43 : i1 to i32
    %sign3A_45 = arith.constant 0 : i32
    %sign3A_46 = arith.cmpi slt, %jit3A_30, %sign3A_45 : i32
    %sign3A_47 = arith.extui %sign3A_46 : i1 to i32
    %sign3A_48 = arith.subi %sign3A_44, %sign3A_47 : i32
    %ne3A_49 = vector.broadcast %sign3A_48 : i32 to vector<16xi32>
    %ne3A_50 = arith.cmpi ne, %sign3A_41, %ne3A_49 : vector<16xi32>
    %rem3A_51 = vector.broadcast %jit3A_30 : i32 to vector<16xi32>
    %rem3A_52 = arith.remsi %add3A_29, %rem3A_51 : vector<16xi32>
    %ne3A_53 = arith.constant 0 : i32
    %ne3A_54 = vector.broadcast %ne3A_53 : i32 to vector<16xi32>
    %ne3A_55 = arith.cmpi ne, %rem3A_52, %ne3A_54 : vector<16xi32>
    %and3A_56 = arith.andi %ne3A_50, %ne3A_55 : vector<16xi1>
    %sub3A_57 = arith.constant 1 : i32
    %sub3A_58 = vector.broadcast %sub3A_57 : i32 to vector<16xi32>
    %sub3A_59 = arith.subi %div3A_32, %sub3A_58 : vector<16xi32>
    %select_n3A_60 = arith.select %and3A_56, %sub3A_59, %div3A_32 : vector<16xi1>, vector<16xi32>
    %add3A_61 = arith.constant 32 : i32
    %add3A_62 = vector.broadcast %add3A_61 : i32 to vector<16xi32>
    %add3A_63 = arith.addi %iota3A, %add3A_62 : vector<16xi32>
    %jit3A_64 = arith.constant 8 : i32
    %div3A_65 = vector.broadcast %jit3A_64 : i32 to vector<16xi32>
    %div3A_66 = arith.divsi %add3A_63, %div3A_65 : vector<16xi32>
    %sign3A_67 = arith.constant 0 : i32
    %sign3A_68 = vector.broadcast %sign3A_67 : i32 to vector<16xi32>
    %sign3A_69 = arith.cmpi sgt, %add3A_63, %sign3A_68 : vector<16xi32>
    %sign3A_70 = arith.extui %sign3A_69 : vector<16xi1> to vector<16xi32>
    %sign3A_71 = arith.constant 0 : i32
    %sign3A_72 = vector.broadcast %sign3A_71 : i32 to vector<16xi32>
    %sign3A_73 = arith.cmpi slt, %add3A_63, %sign3A_72 : vector<16xi32>
    %sign3A_74 = arith.extui %sign3A_73 : vector<16xi1> to vector<16xi32>
    %sign3A_75 = arith.subi %sign3A_70, %sign3A_74 : vector<16xi32>
    %sign3A_76 = arith.constant 0 : i32
    %sign3A_77 = arith.cmpi sgt, %jit3A_64, %sign3A_76 : i32
    %sign3A_78 = arith.extui %sign3A_77 : i1 to i32
    %sign3A_79 = arith.constant 0 : i32
    %sign3A_80 = arith.cmpi slt, %jit3A_64, %sign3A_79 : i32
    %sign3A_81 = arith.extui %sign3A_80 : i1 to i32
    %sign3A_82 = arith.subi %sign3A_78, %sign3A_81 : i32
    %ne3A_83 = vector.broadcast %sign3A_82 : i32 to vector<16xi32>
    %ne3A_84 = arith.cmpi ne, %sign3A_75, %ne3A_83 : vector<16xi32>
    %rem3A_85 = vector.broadcast %jit3A_64 : i32 to vector<16xi32>
    %rem3A_86 = arith.remsi %add3A_63, %rem3A_85 : vector<16xi32>
    %ne3A_87 = arith.constant 0 : i32
    %ne3A_88 = vector.broadcast %ne3A_87 : i32 to vector<16xi32>
    %ne3A_89 = arith.cmpi ne, %rem3A_86, %ne3A_88 : vector<16xi32>
    %and3A_90 = arith.andi %ne3A_84, %ne3A_89 : vector<16xi1>
    %sub3A_91 = arith.constant 1 : i32
    %sub3A_92 = vector.broadcast %sub3A_91 : i32 to vector<16xi32>
    %sub3A_93 = arith.subi %div3A_66, %sub3A_92 : vector<16xi32>
    %select_n3A_94 = arith.select %and3A_90, %sub3A_93, %div3A_66 : vector<16xi1>, vector<16xi32>
    %add3A_95 = arith.constant 48 : i32
    %add3A_96 = vector.broadcast %add3A_95 : i32 to vector<16xi32>
    %add3A_97 = arith.addi %iota3A, %add3A_96 : vector<16xi32>
    %jit3A_98 = arith.constant 8 : i32
    %div3A_99 = vector.broadcast %jit3A_98 : i32 to vector<16xi32>
    %div3A_100 = arith.divsi %add3A_97, %div3A_99 : vector<16xi32>
    %sign3A_101 = arith.constant 0 : i32
    %sign3A_102 = vector.broadcast %sign3A_101 : i32 to vector<16xi32>
    %sign3A_103 = arith.cmpi sgt, %add3A_97, %sign3A_102 : vector<16xi32>
    %sign3A_104 = arith.extui %sign3A_103 : vector<16xi1> to vector<16xi32>
    %sign3A_105 = arith.constant 0 : i32
    %sign3A_106 = vector.broadcast %sign3A_105 : i32 to vector<16xi32>
    %sign3A_107 = arith.cmpi slt, %add3A_97, %sign3A_106 : vector<16xi32>
    %sign3A_108 = arith.extui %sign3A_107 : vector<16xi1> to vector<16xi32>
    %sign3A_109 = arith.subi %sign3A_104, %sign3A_108 : vector<16xi32>
    %sign3A_110 = arith.constant 0 : i32
    %sign3A_111 = arith.cmpi sgt, %jit3A_98, %sign3A_110 : i32
    %sign3A_112 = arith.extui %sign3A_111 : i1 to i32
    %sign3A_113 = arith.constant 0 : i32
    %sign3A_114 = arith.cmpi slt, %jit3A_98, %sign3A_113 : i32
    %sign3A_115 = arith.extui %sign3A_114 : i1 to i32
    %sign3A_116 = arith.subi %sign3A_112, %sign3A_115 : i32
    %ne3A_117 = vector.broadcast %sign3A_116 : i32 to vector<16xi32>
    %ne3A_118 = arith.cmpi ne, %sign3A_109, %ne3A_117 : vector<16xi32>
    %rem3A_119 = vector.broadcast %jit3A_98 : i32 to vector<16xi32>
    %rem3A_120 = arith.remsi %add3A_97, %rem3A_119 : vector<16xi32>
    %ne3A_121 = arith.constant 0 : i32
    %ne3A_122 = vector.broadcast %ne3A_121 : i32 to vector<16xi32>
    %ne3A_123 = arith.cmpi ne, %rem3A_120, %ne3A_122 : vector<16xi32>
    %and3A_124 = arith.andi %ne3A_118, %ne3A_123 : vector<16xi1>
    %sub3A_125 = arith.constant 1 : i32
    %sub3A_126 = vector.broadcast %sub3A_125 : i32 to vector<16xi32>
    %sub3A_127 = arith.subi %div3A_100, %sub3A_126 : vector<16xi32>
    %select_n3A_128 = arith.select %and3A_124, %sub3A_127, %div3A_100 : vector<16xi1>, vector<16xi32>
    %add3A_129 = arith.constant 0 : i32
    %add3A_130 = vector.broadcast %add3A_129 : i32 to vector<16xi32>
    %add3A_131 = arith.addi %iota3A, %add3A_130 : vector<16xi32>
    %jit3A_132 = arith.constant 8 : i32
    %eq3A = arith.constant 0 : i32
    %eq3A_133 = arith.cmpi eq, %jit3A_132, %eq3A : i32
    %jit3A_134 = arith.constant 1 : i32
    %select_n3A_135 = arith.select %eq3A_133, %jit3A_134, %jit3A_132 : i32
    %rem3A_136 = vector.broadcast %select_n3A_135 : i32 to vector<16xi32>
    %rem3A_137 = arith.remsi %add3A_131, %rem3A_136 : vector<16xi32>
    %ne3A_138 = arith.constant 0 : i32
    %ne3A_139 = vector.broadcast %ne3A_138 : i32 to vector<16xi32>
    %ne3A_140 = arith.cmpi ne, %rem3A_137, %ne3A_139 : vector<16xi32>
    %lt3A = arith.constant 0 : i32
    %lt3A_141 = vector.broadcast %lt3A : i32 to vector<16xi32>
    %lt3A_142 = arith.cmpi slt, %rem3A_137, %lt3A_141 : vector<16xi32>
    %lt3A_143 = arith.constant 0 : i32
    %lt3A_144 = arith.cmpi slt, %select_n3A_135, %lt3A_143 : i32
    %ne3A_145 = vector.broadcast %lt3A_144 : i1 to vector<16xi1>
    %ne3A_146 = vector.broadcast %ne3A_145 : vector<16xi1> to vector<16xi1>
    %ne3A_147 = arith.xori %lt3A_142, %ne3A_146 : vector<16xi1>
    %and3A_148 = arith.andi %ne3A_147, %ne3A_140 : vector<16xi1>
    %add3A_149 = vector.broadcast %select_n3A_135 : i32 to vector<16xi32>
    %add3A_150 = arith.addi %rem3A_137, %add3A_149 : vector<16xi32>
    %select_n3A_151 = arith.select %and3A_148, %add3A_150, %rem3A_137 : vector<16xi1>, vector<16xi32>
    %add3A_152 = arith.constant 16 : i32
    %add3A_153 = vector.broadcast %add3A_152 : i32 to vector<16xi32>
    %add3A_154 = arith.addi %iota3A, %add3A_153 : vector<16xi32>
    %jit3A_155 = arith.constant 8 : i32
    %eq3A_156 = arith.constant 0 : i32
    %eq3A_157 = arith.cmpi eq, %jit3A_155, %eq3A_156 : i32
    %jit3A_158 = arith.constant 1 : i32
    %select_n3A_159 = arith.select %eq3A_157, %jit3A_158, %jit3A_155 : i32
    %rem3A_160 = vector.broadcast %select_n3A_159 : i32 to vector<16xi32>
    %rem3A_161 = arith.remsi %add3A_154, %rem3A_160 : vector<16xi32>
    %ne3A_162 = arith.constant 0 : i32
    %ne3A_163 = vector.broadcast %ne3A_162 : i32 to vector<16xi32>
    %ne3A_164 = arith.cmpi ne, %rem3A_161, %ne3A_163 : vector<16xi32>
    %lt3A_165 = arith.constant 0 : i32
    %lt3A_166 = vector.broadcast %lt3A_165 : i32 to vector<16xi32>
    %lt3A_167 = arith.cmpi slt, %rem3A_161, %lt3A_166 : vector<16xi32>
    %lt3A_168 = arith.constant 0 : i32
    %lt3A_169 = arith.cmpi slt, %select_n3A_159, %lt3A_168 : i32
    %ne3A_170 = vector.broadcast %lt3A_169 : i1 to vector<16xi1>
    %ne3A_171 = vector.broadcast %ne3A_170 : vector<16xi1> to vector<16xi1>
    %ne3A_172 = arith.xori %lt3A_167, %ne3A_171 : vector<16xi1>
    %and3A_173 = arith.andi %ne3A_172, %ne3A_164 : vector<16xi1>
    %add3A_174 = vector.broadcast %select_n3A_159 : i32 to vector<16xi32>
    %add3A_175 = arith.addi %rem3A_161, %add3A_174 : vector<16xi32>
    %select_n3A_176 = arith.select %and3A_173, %add3A_175, %rem3A_161 : vector<16xi1>, vector<16xi32>
    %add3A_177 = arith.constant 32 : i32
    %add3A_178 = vector.broadcast %add3A_177 : i32 to vector<16xi32>
    %add3A_179 = arith.addi %iota3A, %add3A_178 : vector<16xi32>
    %jit3A_180 = arith.constant 8 : i32
    %eq3A_181 = arith.constant 0 : i32
    %eq3A_182 = arith.cmpi eq, %jit3A_180, %eq3A_181 : i32
    %jit3A_183 = arith.constant 1 : i32
    %select_n3A_184 = arith.select %eq3A_182, %jit3A_183, %jit3A_180 : i32
    %rem3A_185 = vector.broadcast %select_n3A_184 : i32 to vector<16xi32>
    %rem3A_186 = arith.remsi %add3A_179, %rem3A_185 : vector<16xi32>
    %ne3A_187 = arith.constant 0 : i32
    %ne3A_188 = vector.broadcast %ne3A_187 : i32 to vector<16xi32>
    %ne3A_189 = arith.cmpi ne, %rem3A_186, %ne3A_188 : vector<16xi32>
    %lt3A_190 = arith.constant 0 : i32
    %lt3A_191 = vector.broadcast %lt3A_190 : i32 to vector<16xi32>
    %lt3A_192 = arith.cmpi slt, %rem3A_186, %lt3A_191 : vector<16xi32>
    %lt3A_193 = arith.constant 0 : i32
    %lt3A_194 = arith.cmpi slt, %select_n3A_184, %lt3A_193 : i32
    %ne3A_195 = vector.broadcast %lt3A_194 : i1 to vector<16xi1>
    %ne3A_196 = vector.broadcast %ne3A_195 : vector<16xi1> to vector<16xi1>
    %ne3A_197 = arith.xori %lt3A_192, %ne3A_196 : vector<16xi1>
    %and3A_198 = arith.andi %ne3A_197, %ne3A_189 : vector<16xi1>
    %add3A_199 = vector.broadcast %select_n3A_184 : i32 to vector<16xi32>
    %add3A_200 = arith.addi %rem3A_186, %add3A_199 : vector<16xi32>
    %select_n3A_201 = arith.select %and3A_198, %add3A_200, %rem3A_186 : vector<16xi1>, vector<16xi32>
    %add3A_202 = arith.constant 48 : i32
    %add3A_203 = vector.broadcast %add3A_202 : i32 to vector<16xi32>
    %add3A_204 = arith.addi %iota3A, %add3A_203 : vector<16xi32>
    %jit3A_205 = arith.constant 8 : i32
    %eq3A_206 = arith.constant 0 : i32
    %eq3A_207 = arith.cmpi eq, %jit3A_205, %eq3A_206 : i32
    %jit3A_208 = arith.constant 1 : i32
    %select_n3A_209 = arith.select %eq3A_207, %jit3A_208, %jit3A_205 : i32
    %rem3A_210 = vector.broadcast %select_n3A_209 : i32 to vector<16xi32>
    %rem3A_211 = arith.remsi %add3A_204, %rem3A_210 : vector<16xi32>
    %ne3A_212 = arith.constant 0 : i32
    %ne3A_213 = vector.broadcast %ne3A_212 : i32 to vector<16xi32>
    %ne3A_214 = arith.cmpi ne, %rem3A_211, %ne3A_213 : vector<16xi32>
    %lt3A_215 = arith.constant 0 : i32
    %lt3A_216 = vector.broadcast %lt3A_215 : i32 to vector<16xi32>
    %lt3A_217 = arith.cmpi slt, %rem3A_211, %lt3A_216 : vector<16xi32>
    %lt3A_218 = arith.constant 0 : i32
    %lt3A_219 = arith.cmpi slt, %select_n3A_209, %lt3A_218 : i32
    %ne3A_220 = vector.broadcast %lt3A_219 : i1 to vector<16xi1>
    %ne3A_221 = vector.broadcast %ne3A_220 : vector<16xi1> to vector<16xi1>
    %ne3A_222 = arith.xori %lt3A_217, %ne3A_221 : vector<16xi1>
    %and3A_223 = arith.andi %ne3A_222, %ne3A_214 : vector<16xi1>
    %add3A_224 = vector.broadcast %select_n3A_209 : i32 to vector<16xi32>
    %add3A_225 = arith.addi %rem3A_211, %add3A_224 : vector<16xi32>
    %select_n3A_226 = arith.select %and3A_223, %add3A_225, %rem3A_211 : vector<16xi1>, vector<16xi32>
    %add3A_227 = arith.constant 0 : i32
    %add3A_228 = vector.broadcast %add3A_227 : i32 to vector<16xi32>
    %add3A_229 = arith.addi %iota3A, %add3A_228 : vector<16xi32>
    %mul3A_230 = arith.constant 50 : i32
    %mul3A_231 = vector.broadcast %mul3A_230 : i32 to vector<16xi32>
    %mul3A_232 = arith.muli %add3A_229, %mul3A_231 : vector<16xi32>
    %add3A_233 = arith.constant 0 : i32
    %add3A_234 = vector.broadcast %add3A_233 : i32 to vector<16xi32>
    %add3A_235 = arith.addi %mul3A_232, %add3A_234 : vector<16xi32>
    %gather3A = tpu.vector_load_idx %arg5[%add3A_235] : memref<6400xi32, #tpu.memory_space<vmem>>[vector<16xi32>], vector<16xi32>,
    %swap3A = arith.constant 0 : i32
    %swap3A_236 = arith.index_cast %swap3A : i32 to index
    %swap3A_237 = arith.constant 0 : index
    %swap3A_238 = tpu.vector_load %arg6[%swap3A_236, %swap3A_237] {strides = array<i32>} : memref<5x128xi32, #tpu.memory_space<vmem>>, vector<16xi32>,
    tpu.vector_store %arg6[%swap3A_236, %swap3A_237], %gather3A {strides = array<i32>} : memref<5x128xi32, #tpu.memory_space<vmem>>, vector<16xi32>,
    %add3A_239 = arith.constant 16 : i32
    %add3A_240 = vector.broadcast %add3A_239 : i32 to vector<16xi32>
    %add3A_241 = arith.addi %iota3A, %add3A_240 : vector<16xi32>
    %mul3A_242 = arith.constant 50 : i32
    %mul3A_243 = vector.broadcast %mul3A_242 : i32 to vector<16xi32>
    %mul3A_244 = arith.muli %add3A_241, %mul3A_243 : vector<16xi32>
    %add3A_245 = arith.constant 0 : i32
    %add3A_246 = vector.broadcast %add3A_245 : i32 to vector<16xi32>
    %add3A_247 = arith.addi %mul3A_244, %add3A_246 : vector<16xi32>
    %gather3A_248 = tpu.vector_load_idx %arg5[%add3A_247] : memref<6400xi32, #tpu.memory_space<vmem>>[vector<16xi32>], vector<16xi32>,
    %swap3A_249 = arith.constant 0 : i32
    %swap3A_250 = arith.index_cast %swap3A_249 : i32 to index
    %swap3A_251 = arith.constant 16 : index
    %swap3A_252 = tpu.vector_load %arg6[%swap3A_250, %swap3A_251] {strides = array<i32>} : memref<5x128xi32, #tpu.memory_space<vmem>>, vector<16xi32>,
    tpu.vector_store %arg6[%swap3A_250, %swap3A_251], %gather3A_248 {strides = array<i32>} : memref<5x128xi32, #tpu.memory_space<vmem>>, vector<16xi32>,
    %add3A_253 = arith.constant 32 : i32
    %add3A_254 = vector.broadcast %add3A_253 : i32 to vector<16xi32>
    %add3A_255 = arith.addi %iota3A, %add3A_254 : vector<16xi32>
    %mul3A_256 = arith.constant 50 : i32
    %mul3A_257 = vector.broadcast %mul3A_256 : i32 to vector<16xi32>
    %mul3A_258 = arith.muli %add3A_255, %mul3A_257 : vector<16xi32>
    %add3A_259 = arith.constant 0 : i32
    %add3A_260 = vector.broadcast %add3A_259 : i32 to vector<16xi32>
    %add3A_261 = arith.addi %mul3A_258, %add3A_260 : vector<16xi32>
    %gather3A_262 = tpu.vector_load_idx %arg5[%add3A_261] : memref<6400xi32, #tpu.memory_space<vmem>>[vector<16xi32>], vector<16xi32>,
    %swap3A_263 = arith.constant 0 : i32
    %swap3A_264 = arith.index_cast %swap3A_263 : i32 to index
    %swap3A_265 = arith.constant 32 : index
    %swap3A_266 = tpu.vector_load %arg6[%swap3A_264, %swap3A_265] {strides = array<i32>} : memref<5x128xi32, #tpu.memory_space<vmem>>, vector<16xi32>,
    tpu.vector_store %arg6[%swap3A_264, %swap3A_265], %gather3A_262 {strides = array<i32>} : memref<5x128xi32, #tpu.memory_space<vmem>>, vector<16xi32>,
    %add3A_267 = arith.constant 48 : i32
    %add3A_268 = vector.broadcast %add3A_267 : i32 to vector<16xi32>
    %add3A_269 = arith.addi %iota3A, %add3A_268 : vector<16xi32>
    %mul3A_270 = arith.constant 50 : i32
    %mul3A_271 = vector.broadcast %mul3A_270 : i32 to vector<16xi32>
    %mul3A_272 = arith.muli %add3A_269, %mul3A_271 : vector<16xi32>
    %add3A_273 = arith.constant 0 : i32
    %add3A_274 = vector.broadcast %add3A_273 : i32 to vector<16xi32>
    %add3A_275 = arith.addi %mul3A_272, %add3A_274 : vector<16xi32>
    %gather3A_276 = tpu.vector_load_idx %arg5[%add3A_275] : memref<6400xi32, #tpu.memory_space<vmem>>[vector<16xi32>], vector<16xi32>,
    %swap3A_277 = arith.constant 0 : i32
    %swap3A_278 = arith.index_cast %swap3A_277 : i32 to index
    %swap3A_279 = arith.constant 48 : index
    %swap3A_280 = tpu.vector_load %arg6[%swap3A_278, %swap3A_279] {strides = array<i32>} : memref<5x128xi32, #tpu.memory_space<vmem>>, vector<16xi32>,
    tpu.vector_store %arg6[%swap3A_278, %swap3A_279], %gather3A_276 {strides = array<i32>} : memref<5x128xi32, #tpu.memory_space<vmem>>, vector<16xi32>,
    %add3A_281 = arith.constant 64 : i32
    %add3A_282 = vector.broadcast %add3A_281 : i32 to vector<16xi32>
    %add3A_283 = arith.addi %iota3A, %add3A_282 : vector<16xi32>
    %mul3A_284 = arith.constant 50 : i32
    %mul3A_285 = vector.broadcast %mul3A_284 : i32 to vector<16xi32>
    %mul3A_286 = arith.muli %add3A_283, %mul3A_285 : vector<16xi32>
    %add3A_287 = arith.constant 0 : i32
    %add3A_288 = vector.broadcast %add3A_287 : i32 to vector<16xi32>
    %add3A_289 = arith.addi %mul3A_286, %add3A_288 : vector<16xi32>
    %gather3A_290 = tpu.vector_load_idx %arg5[%add3A_289] : memref<6400xi32, #tpu.memory_space<vmem>>[vector<16xi32>], vector<16xi32>,
    %swap3A_291 = arith.constant 0 : i32
    %swap3A_292 = arith.index_cast %swap3A_291 : i32 to index
    %swap3A_293 = arith.constant 64 : index
    %swap3A_294 = tpu.vector_load %arg6[%swap3A_292, %swap3A_293] {strides = array<i32>} : memref<5x128xi32, #tpu.memory_space<vmem>>, vector<16xi32>,
    tpu.vector_store %arg6[%swap3A_292, %swap3A_293], %gather3A_290 {strides = array<i32>} : memref<5x128xi32, #tpu.memory_space<vmem>>, vector<16xi32>,
    %add3A_295 = arith.constant 80 : i32
    %add3A_296 = vector.broadcast %add3A_295 : i32 to vector<16xi32>
    %add3A_297 = arith.addi %iota3A, %add3A_296 : vector<16xi32>
    %mul3A_298 = arith.constant 50 : i32
    %mul3A_299 = vector.broadcast %mul3A_298 : i32 to vector<16xi32>
    %mul3A_300 = arith.muli %add3A_297, %mul3A_299 : vector<16xi32>
    %add3A_301 = arith.constant 0 : i32
    %add3A_302 = vector.broadcast %add3A_301 : i32 to vector<16xi32>
    %add3A_303 = arith.addi %mul3A_300, %add3A_302 : vector<16xi32>
    %gather3A_304 = tpu.vector_load_idx %arg5[%add3A_303] : memref<6400xi32, #tpu.memory_space<vmem>>[vector<16xi32>], vector<16xi32>,
    %swap3A_305 = arith.constant 0 : i32
    %swap3A_306 = arith.index_cast %swap3A_305 : i32 to index
    %swap3A_307 = arith.constant 80 : index
    %swap3A_308 = tpu.vector_load %arg6[%swap3A_306, %swap3A_307] {strides = array<i32>} : memref<5x128xi32, #tpu.memory_space<vmem>>, vector<16xi32>,
    tpu.vector_store %arg6[%swap3A_306, %swap3A_307], %gather3A_304 {strides = array<i32>} : memref<5x128xi32, #tpu.memory_space<vmem>>, vector<16xi32>,
    %add3A_309 = arith.constant 96 : i32
    %add3A_310 = vector.broadcast %add3A_309 : i32 to vector<16xi32>
    %add3A_311 = arith.addi %iota3A, %add3A_310 : vector<16xi32>
    %mul3A_312 = arith.constant 50 : i32
    %mul3A_313 = vector.broadcast %mul3A_312 : i32 to vector<16xi32>
    %mul3A_314 = arith.muli %add3A_311, %mul3A_313 : vector<16xi32>
    %add3A_315 = arith.constant 0 : i32
    %add3A_316 = vector.broadcast %add3A_315 : i32 to vector<16xi32>
    %add3A_317 = arith.addi %mul3A_314, %add3A_316 : vector<16xi32>
    %gather3A_318 = tpu.vector_load_idx %arg5[%add3A_317] : memref<6400xi32, #tpu.memory_space<vmem>>[vector<16xi32>], vector<16xi32>,
    %swap3A_319 = arith.constant 0 : i32
    %swap3A_320 = arith.index_cast %swap3A_319 : i32 to index
    %swap3A_321 = arith.constant 96 : index
    %swap3A_322 = tpu.vector_load %arg6[%swap3A_320, %swap3A_321] {strides = array<i32>} : memref<5x128xi32, #tpu.memory_space<vmem>>, vector<16xi32>,
    tpu.vector_store %arg6[%swap3A_320, %swap3A_321], %gather3A_318 {strides = array<i32>} : memref<5x128xi32, #tpu.memory_space<vmem>>, vector<16xi32>,
    %add3A_323 = arith.constant 112 : i32
    %add3A_324 = vector.broadcast %add3A_323 : i32 to vector<16xi32>
    %add3A_325 = arith.addi %iota3A, %add3A_324 : vector<16xi32>
    %mul3A_326 = arith.constant 50 : i32
    %mul3A_327 = vector.broadcast %mul3A_326 : i32 to vector<16xi32>
    %mul3A_328 = arith.muli %add3A_325, %mul3A_327 : vector<16xi32>
    %add3A_329 = arith.constant 0 : i32
    %add3A_330 = vector.broadcast %add3A_329 : i32 to vector<16xi32>
    %add3A_331 = arith.addi %mul3A_328, %add3A_330 : vector<16xi32>
    %gather3A_332 = tpu.vector_load_idx %arg5[%add3A_331] : memref<6400xi32, #tpu.memory_space<vmem>>[vector<16xi32>], vector<16xi32>,
    %swap3A_333 = arith.constant 0 : i32
    %swap3A_334 = arith.index_cast %swap3A_333 : i32 to index
    %swap3A_335 = arith.constant 112 : index
    %swap3A_336 = tpu.vector_load %arg6[%swap3A_334, %swap3A_335] {strides = array<i32>} : memref<5x128xi32, #tpu.memory_space<vmem>>, vector<16xi32>,
    tpu.vector_store %arg6[%swap3A_334, %swap3A_335], %gather3A_332 {strides = array<i32>} : memref<5x128xi32, #tpu.memory_space<vmem>>, vector<16xi32>,
    %dma_start3A = arith.constant 0 : i32
    %dma_start3A_337 = arith.constant 0 : i32
    %dma_start3A_338 = arith.constant 0 : i32
    %dma_start3A_339 = arith.constant 0 : i32
    %dma_start3A_340 = tpu.memref_slice %arg7[%dma_start3A_337, %dma_start3A_338, %dma_start3A_339] : memref<5x128x64xf32, #tpu.memory_space<vmem>> -> memref<1x128x64xf32, #tpu.memory_space<vmem>>
    %dma_start3A_341 = tpu.memref_squeeze %dma_start3A_340 : memref<1x128x64xf32, #tpu.memory_space<vmem>> -> memref<128x64xf32, #tpu.memory_space<vmem>>
    %dma_start3A_342 = arith.constant 0 : i32
    %dma_start3A_343 = tpu.memref_slice %arg6[%dma_start3A, %dma_start3A_342] : memref<5x128xi32, #tpu.memory_space<vmem>> -> memref<1x128xi32, #tpu.memory_space<vmem>>
    %dma_start3A_344 = tpu.memref_squeeze %dma_start3A_343 : memref<1x128xi32, #tpu.memory_space<vmem>> -> memref<128xi32, #tpu.memory_space<vmem>>
    %dma_start3A_345 = arith.constant 0 : i32
    %dma_start3A_346 = arith.constant 0 : i32
    %dma_start3A_347 = tpu.memref_slice %arg3[%dma_start3A_345, %dma_start3A_346] : memref<100000x64xf32, #tpu.memory_space<hbm>> -> memref<100000x64xf32, #tpu.memory_space<hbm>>
    tpu.enqueue_indirect_dma source(%dma_start3A_347 : memref<100000x64xf32, #tpu.memory_space<hbm>>) target(%dma_start3A_341 : memref<128x64xf32, #tpu.memory_space<vmem>>) offsets(%dma_start3A_344 : memref<128xi32, #tpu.memory_space<vmem>>) semaphore(%arg9 : memref<!tpu.dma_semaphore, #tpu.memory_space<semaphore_mem>>)
    %add3A_348 = arith.constant 0 : i32
    %add3A_349 = vector.broadcast %add3A_348 : i32 to vector<16xi32>
    %add3A_350 = arith.addi %iota3A, %add3A_349 : vector<16xi32>
    %mul3A_351 = arith.constant 50 : i32
    %mul3A_352 = vector.broadcast %mul3A_351 : i32 to vector<16xi32>
    %mul3A_353 = arith.muli %add3A_350, %mul3A_352 : vector<16xi32>
    %add3A_354 = arith.constant 1 : i32
    %add3A_355 = vector.broadcast %add3A_354 : i32 to vector<16xi32>
    %add3A_356 = arith.addi %mul3A_353, %add3A_355 : vector<16xi32>
    %gather3A_357 = tpu.vector_load_idx %arg5[%add3A_356] : memref<6400xi32, #tpu.memory_space<vmem>>[vector<16xi32>], vector<16xi32>,
    %swap3A_358 = arith.constant 1 : i32
    %swap3A_359 = arith.index_cast %swap3A_358 : i32 to index
    %swap3A_360 = arith.constant 0 : index
    %swap3A_361 = tpu.vector_load %arg6[%swap3A_359, %swap3A_360] {strides = array<i32>} : memref<5x128xi32, #tpu.memory_space<vmem>>, vector<16xi32>,
    tpu.vector_store %arg6[%swap3A_359, %swap3A_360], %gather3A_357 {strides = array<i32>} : memref<5x128xi32, #tpu.memory_space<vmem>>, vector<16xi32>,
    %add3A_362 = arith.constant 16 : i32
    %add3A_363 = vector.broadcast %add3A_362 : i32 to vector<16xi32>
    %add3A_364 = arith.addi %iota3A, %add3A_363 : vector<16xi32>
    %mul3A_365 = arith.constant 50 : i32
    %mul3A_366 = vector.broadcast %mul3A_365 : i32 to vector<16xi32>
    %mul3A_367 = arith.muli %add3A_364, %mul3A_366 : vector<16xi32>
    %add3A_368 = arith.constant 1 : i32
    %add3A_369 = vector.broadcast %add3A_368 : i32 to vector<16xi32>
    %add3A_370 = arith.addi %mul3A_367, %add3A_369 : vector<16xi32>
    %gather3A_371 = tpu.vector_load_idx %arg5[%add3A_370] : memref<6400xi32, #tpu.memory_space<vmem>>[vector<16xi32>], vector<16xi32>,
    %swap3A_372 = arith.constant 1 : i32
    %swap3A_373 = arith.index_cast %swap3A_372 : i32 to index
    %swap3A_374 = arith.constant 16 : index
    %swap3A_375 = tpu.vector_load %arg6[%swap3A_373, %swap3A_374] {strides = array<i32>} : memref<5x128xi32, #tpu.memory_space<vmem>>, vector<16xi32>,
    tpu.vector_store %arg6[%swap3A_373, %swap3A_374], %gather3A_371 {strides = array<i32>} : memref<5x128xi32, #tpu.memory_space<vmem>>, vector<16xi32>,
    %add3A_376 = arith.constant 32 : i32
    %add3A_377 = vector.broadcast %add3A_376 : i32 to vector<16xi32>
    %add3A_378 = arith.addi %iota3A, %add3A_377 : vector<16xi32>
    %mul3A_379 = arith.constant 50 : i32
    %mul3A_380 = vector.broadcast %mul3A_379 : i32 to vector<16xi32>
    %mul3A_381 = arith.muli %add3A_378, %mul3A_380 : vector<16xi32>
    %add3A_382 = arith.constant 1 : i32
    %add3A_383 = vector.broadcast %add3A_382 : i32 to vector<16xi32>
    %add3A_384 = arith.addi %mul3A_381, %add3A_383 : vector<16xi32>
    %gather3A_385 = tpu.vector_load_idx %arg5[%add3A_384] : memref<6400xi32, #tpu.memory_space<vmem>>[vector<16xi32>], vector<16xi32>,
    %swap3A_386 = arith.constant 1 : i32
    %swap3A_387 = arith.index_cast %swap3A_386 : i32 to index
    %swap3A_388 = arith.constant 32 : index
    %swap3A_389 = tpu.vector_load %arg6[%swap3A_387, %swap3A_388] {strides = array<i32>} : memref<5x128xi32, #tpu.memory_space<vmem>>, vector<16xi32>,
    tpu.vector_store %arg6[%swap3A_387, %swap3A_388], %gather3A_385 {strides = array<i32>} : memref<5x128xi32, #tpu.memory_space<vmem>>, vector<16xi32>,
    %add3A_390 = arith.constant 48 : i32
    %add3A_391 = vector.broadcast %add3A_390 : i32 to vector<16xi32>
    %add3A_392 = arith.addi %iota3A, %add3A_391 : vector<16xi32>
    %mul3A_393 = arith.constant 50 : i32
    %mul3A_394 = vector.broadcast %mul3A_393 : i32 to vector<16xi32>
    %mul3A_395 = arith.muli %add3A_392, %mul3A_394 : vector<16xi32>
    %add3A_396 = arith.constant 1 : i32
    %add3A_397 = vector.broadcast %add3A_396 : i32 to vector<16xi32>
    %add3A_398 = arith.addi %mul3A_395, %add3A_397 : vector<16xi32>
    %gather3A_399 = tpu.vector_load_idx %arg5[%add3A_398] : memref<6400xi32, #tpu.memory_space<vmem>>[vector<16xi32>], vector<16xi32>,
    %swap3A_400 = arith.constant 1 : i32
    %swap3A_401 = arith.index_cast %swap3A_400 : i32 to index
    %swap3A_402 = arith.constant 48 : index
    %swap3A_403 = tpu.vector_load %arg6[%swap3A_401, %swap3A_402] {strides = array<i32>} : memref<5x128xi32, #tpu.memory_space<vmem>>, vector<16xi32>,
    tpu.vector_store %arg6[%swap3A_401, %swap3A_402], %gather3A_399 {strides = array<i32>} : memref<5x128xi32, #tpu.memory_space<vmem>>, vector<16xi32>,
    %add3A_404 = arith.constant 64 : i32
    %add3A_405 = vector.broadcast %add3A_404 : i32 to vector<16xi32>
    %add3A_406 = arith.addi %iota3A, %add3A_405 : vector<16xi32>
    %mul3A_407 = arith.constant 50 : i32
    %mul3A_408 = vector.broadcast %mul3A_407 : i32 to vector<16xi32>
    %mul3A_409 = arith.muli %add3A_406, %mul3A_408 : vector<16xi32>
    %add3A_410 = arith.constant 1 : i32
    %add3A_411 = vector.broadcast %add3A_410 : i32 to vector<16xi32>
    %add3A_412 = arith.addi %mul3A_409, %add3A_411 : vector<16xi32>
    %gather3A_413 = tpu.vector_load_idx %arg5[%add3A_412] : memref<6400xi32, #tpu.memory_space<vmem>>[vector<16xi32>], vector<16xi32>,
    %swap3A_414 = arith.constant 1 : i32
    %swap3A_415 = arith.index_cast %swap3A_414 : i32 to index
    %swap3A_416 = arith.constant 64 : index
    %swap3A_417 = tpu.vector_load %arg6[%swap3A_415, %swap3A_416] {strides = array<i32>} : memref<5x128xi32, #tpu.memory_space<vmem>>, vector<16xi32>,
    tpu.vector_store %arg6[%swap3A_415, %swap3A_416], %gather3A_413 {strides = array<i32>} : memref<5x128xi32, #tpu.memory_space<vmem>>, vector<16xi32>,
    %add3A_418 = arith.constant 80 : i32
    %add3A_419 = vector.broadcast %add3A_418 : i32 to vector<16xi32>
    %add3A_420 = arith.addi %iota3A, %add3A_419 : vector<16xi32>
    %mul3A_421 = arith.constant 50 : i32
    %mul3A_422 = vector.broadcast %mul3A_421 : i32 to vector<16xi32>
    %mul3A_423 = arith.muli %add3A_420, %mul3A_422 : vector<16xi32>
    %add3A_424 = arith.constant 1 : i32
    %add3A_425 = vector.broadcast %add3A_424 : i32 to vector<16xi32>
    %add3A_426 = arith.addi %mul3A_423, %add3A_425 : vector<16xi32>
    %gather3A_427 = tpu.vector_load_idx %arg5[%add3A_426] : memref<6400xi32, #tpu.memory_space<vmem>>[vector<16xi32>], vector<16xi32>,
    %swap3A_428 = arith.constant 1 : i32
    %swap3A_429 = arith.index_cast %swap3A_428 : i32 to index
    %swap3A_430 = arith.constant 80 : index
    %swap3A_431 = tpu.vector_load %arg6[%swap3A_429, %swap3A_430] {strides = array<i32>} : memref<5x128xi32, #tpu.memory_space<vmem>>, vector<16xi32>,
    tpu.vector_store %arg6[%swap3A_429, %swap3A_430], %gather3A_427 {strides = array<i32>} : memref<5x128xi32, #tpu.memory_space<vmem>>, vector<16xi32>,
    %add3A_432 = arith.constant 96 : i32
    %add3A_433 = vector.broadcast %add3A_432 : i32 to vector<16xi32>
    %add3A_434 = arith.addi %iota3A, %add3A_433 : vector<16xi32>
    %mul3A_435 = arith.constant 50 : i32
    %mul3A_436 = vector.broadcast %mul3A_435 : i32 to vector<16xi32>
    %mul3A_437 = arith.muli %add3A_434, %mul3A_436 : vector<16xi32>
    %add3A_438 = arith.constant 1 : i32
    %add3A_439 = vector.broadcast %add3A_438 : i32 to vector<16xi32>
    %add3A_440 = arith.addi %mul3A_437, %add3A_439 : vector<16xi32>
    %gather3A_441 = tpu.vector_load_idx %arg5[%add3A_440] : memref<6400xi32, #tpu.memory_space<vmem>>[vector<16xi32>], vector<16xi32>,
    %swap3A_442 = arith.constant 1 : i32
    %swap3A_443 = arith.index_cast %swap3A_442 : i32 to index
    %swap3A_444 = arith.constant 96 : index
    %swap3A_445 = tpu.vector_load %arg6[%swap3A_443, %swap3A_444] {strides = array<i32>} : memref<5x128xi32, #tpu.memory_space<vmem>>, vector<16xi32>,
    tpu.vector_store %arg6[%swap3A_443, %swap3A_444], %gather3A_441 {strides = array<i32>} : memref<5x128xi32, #tpu.memory_space<vmem>>, vector<16xi32>,
    %add3A_446 = arith.constant 112 : i32
    %add3A_447 = vector.broadcast %add3A_446 : i32 to vector<16xi32>
    %add3A_448 = arith.addi %iota3A, %add3A_447 : vector<16xi32>
    %mul3A_449 = arith.constant 50 : i32
    %mul3A_450 = vector.broadcast %mul3A_449 : i32 to vector<16xi32>
    %mul3A_451 = arith.muli %add3A_448, %mul3A_450 : vector<16xi32>
    %add3A_452 = arith.constant 1 : i32
    %add3A_453 = vector.broadcast %add3A_452 : i32 to vector<16xi32>
    %add3A_454 = arith.addi %mul3A_451, %add3A_453 : vector<16xi32>
    %gather3A_455 = tpu.vector_load_idx %arg5[%add3A_454] : memref<6400xi32, #tpu.memory_space<vmem>>[vector<16xi32>], vector<16xi32>,
    %swap3A_456 = arith.constant 1 : i32
    %swap3A_457 = arith.index_cast %swap3A_456 : i32 to index
    %swap3A_458 = arith.constant 112 : index
    %swap3A_459 = tpu.vector_load %arg6[%swap3A_457, %swap3A_458] {strides = array<i32>} : memref<5x128xi32, #tpu.memory_space<vmem>>, vector<16xi32>,
    tpu.vector_store %arg6[%swap3A_457, %swap3A_458], %gather3A_455 {strides = array<i32>} : memref<5x128xi32, #tpu.memory_space<vmem>>, vector<16xi32>,
    %dma_start3A_460 = arith.constant 1 : i32
    %dma_start3A_461 = arith.constant 1 : i32
    %dma_start3A_462 = arith.constant 0 : i32
    %dma_start3A_463 = arith.constant 0 : i32
    %dma_start3A_464 = tpu.memref_slice %arg7[%dma_start3A_461, %dma_start3A_462, %dma_start3A_463] : memref<5x128x64xf32, #tpu.memory_space<vmem>> -> memref<1x128x64xf32, #tpu.memory_space<vmem>>
    %dma_start3A_465 = tpu.memref_squeeze %dma_start3A_464 : memref<1x128x64xf32, #tpu.memory_space<vmem>> -> memref<128x64xf32, #tpu.memory_space<vmem>>
    %dma_start3A_466 = arith.constant 0 : i32
    %dma_start3A_467 = tpu.memref_slice %arg6[%dma_start3A_460, %dma_start3A_466] : memref<5x128xi32, #tpu.memory_space<vmem>> -> memref<1x128xi32, #tpu.memory_space<vmem>>
    %dma_start3A_468 = tpu.memref_squeeze %dma_start3A_467 : memref<1x128xi32, #tpu.memory_space<vmem>> -> memref<128xi32, #tpu.memory_space<vmem>>
    %dma_start3A_469 = arith.constant 0 : i32
    %dma_start3A_470 = arith.constant 0 : i32
    %dma_start3A_471 = tpu.memref_slice %arg3[%dma_start3A_469, %dma_start3A_470] : memref<100000x64xf32, #tpu.memory_space<hbm>> -> memref<100000x64xf32, #tpu.memory_space<hbm>>
    tpu.enqueue_indirect_dma source(%dma_start3A_471 : memref<100000x64xf32, #tpu.memory_space<hbm>>) target(%dma_start3A_465 : memref<128x64xf32, #tpu.memory_space<vmem>>) offsets(%dma_start3A_468 : memref<128xi32, #tpu.memory_space<vmem>>) semaphore(%arg10 : memref<!tpu.dma_semaphore, #tpu.memory_space<semaphore_mem>>)
    %add3A_472 = arith.constant 0 : i32
    %add3A_473 = vector.broadcast %add3A_472 : i32 to vector<16xi32>
    %add3A_474 = arith.addi %iota3A, %add3A_473 : vector<16xi32>
    %mul3A_475 = arith.constant 50 : i32
    %mul3A_476 = vector.broadcast %mul3A_475 : i32 to vector<16xi32>
    %mul3A_477 = arith.muli %add3A_474, %mul3A_476 : vector<16xi32>
    %add3A_478 = arith.constant 2 : i32
    %add3A_479 = vector.broadcast %add3A_478 : i32 to vector<16xi32>
    %add3A_480 = arith.addi %mul3A_477, %add3A_479 : vector<16xi32>
    %gather3A_481 = tpu.vector_load_idx %arg5[%add3A_480] : memref<6400xi32, #tpu.memory_space<vmem>>[vector<16xi32>], vector<16xi32>,
    %swap3A_482 = arith.constant 2 : i32
    %swap3A_483 = arith.index_cast %swap3A_482 : i32 to index
    %swap3A_484 = arith.constant 0 : index
    %swap3A_485 = tpu.vector_load %arg6[%swap3A_483, %swap3A_484] {strides = array<i32>} : memref<5x128xi32, #tpu.memory_space<vmem>>, vector<16xi32>,
    tpu.vector_store %arg6[%swap3A_483, %swap3A_484], %gather3A_481 {strides = array<i32>} : memref<5x128xi32, #tpu.memory_space<vmem>>, vector<16xi32>,
    %add3A_486 = arith.constant 16 : i32
    %add3A_487 = vector.broadcast %add3A_486 : i32 to vector<16xi32>
    %add3A_488 = arith.addi %iota3A, %add3A_487 : vector<16xi32>
    %mul3A_489 = arith.constant 50 : i32
    %mul3A_490 = vector.broadcast %mul3A_489 : i32 to vector<16xi32>
    %mul3A_491 = arith.muli %add3A_488, %mul3A_490 : vector<16xi32>
    %add3A_492 = arith.constant 2 : i32
    %add3A_493 = vector.broadcast %add3A_492 : i32 to vector<16xi32>
    %add3A_494 = arith.addi %mul3A_491, %add3A_493 : vector<16xi32>
    %gather3A_495 = tpu.vector_load_idx %arg5[%add3A_494] : memref<6400xi32, #tpu.memory_space<vmem>>[vector<16xi32>], vector<16xi32>,
    %swap3A_496 = arith.constant 2 : i32
    %swap3A_497 = arith.index_cast %swap3A_496 : i32 to index
    %swap3A_498 = arith.constant 16 : index
    %swap3A_499 = tpu.vector_load %arg6[%swap3A_497, %swap3A_498] {strides = array<i32>} : memref<5x128xi32, #tpu.memory_space<vmem>>, vector<16xi32>,
    tpu.vector_store %arg6[%swap3A_497, %swap3A_498], %gather3A_495 {strides = array<i32>} : memref<5x128xi32, #tpu.memory_space<vmem>>, vector<16xi32>,
    %add3A_500 = arith.constant 32 : i32
    %add3A_501 = vector.broadcast %add3A_500 : i32 to vector<16xi32>
    %add3A_502 = arith.addi %iota3A, %add3A_501 : vector<16xi32>
    %mul3A_503 = arith.constant 50 : i32
    %mul3A_504 = vector.broadcast %mul3A_503 : i32 to vector<16xi32>
    %mul3A_505 = arith.muli %add3A_502, %mul3A_504 : vector<16xi32>
    %add3A_506 = arith.constant 2 : i32
    %add3A_507 = vector.broadcast %add3A_506 : i32 to vector<16xi32>
    %add3A_508 = arith.addi %mul3A_505, %add3A_507 : vector<16xi32>
    %gather3A_509 = tpu.vector_load_idx %arg5[%add3A_508] : memref<6400xi32, #tpu.memory_space<vmem>>[vector<16xi32>], vector<16xi32>,
    %swap3A_510 = arith.constant 2 : i32
    %swap3A_511 = arith.index_cast %swap3A_510 : i32 to index
    %swap3A_512 = arith.constant 32 : index
    %swap3A_513 = tpu.vector_load %arg6[%swap3A_511, %swap3A_512] {strides = array<i32>} : memref<5x128xi32, #tpu.memory_space<vmem>>, vector<16xi32>,
    tpu.vector_store %arg6[%swap3A_511, %swap3A_512], %gather3A_509 {strides = array<i32>} : memref<5x128xi32, #tpu.memory_space<vmem>>, vector<16xi32>,
    %add3A_514 = arith.constant 48 : i32
    %add3A_515 = vector.broadcast %add3A_514 : i32 to vector<16xi32>
    %add3A_516 = arith.addi %iota3A, %add3A_515 : vector<16xi32>
    %mul3A_517 = arith.constant 50 : i32
    %mul3A_518 = vector.broadcast %mul3A_517 : i32 to vector<16xi32>
    %mul3A_519 = arith.muli %add3A_516, %mul3A_518 : vector<16xi32>
    %add3A_520 = arith.constant 2 : i32
    %add3A_521 = vector.broadcast %add3A_520 : i32 to vector<16xi32>
    %add3A_522 = arith.addi %mul3A_519, %add3A_521 : vector<16xi32>
    %gather3A_523 = tpu.vector_load_idx %arg5[%add3A_522] : memref<6400xi32, #tpu.memory_space<vmem>>[vector<16xi32>], vector<16xi32>,
    %swap3A_524 = arith.constant 2 : i32
    %swap3A_525 = arith.index_cast %swap3A_524 : i32 to index
    %swap3A_526 = arith.constant 48 : index
    %swap3A_527 = tpu.vector_load %arg6[%swap3A_525, %swap3A_526] {strides = array<i32>} : memref<5x128xi32, #tpu.memory_space<vmem>>, vector<16xi32>,
    tpu.vector_store %arg6[%swap3A_525, %swap3A_526], %gather3A_523 {strides = array<i32>} : memref<5x128xi32, #tpu.memory_space<vmem>>, vector<16xi32>,
    %add3A_528 = arith.constant 64 : i32
    %add3A_529 = vector.broadcast %add3A_528 : i32 to vector<16xi32>
    %add3A_530 = arith.addi %iota3A, %add3A_529 : vector<16xi32>
    %mul3A_531 = arith.constant 50 : i32
    %mul3A_532 = vector.broadcast %mul3A_531 : i32 to vector<16xi32>
    %mul3A_533 = arith.muli %add3A_530, %mul3A_532 : vector<16xi32>
    %add3A_534 = arith.constant 2 : i32
    %add3A_535 = vector.broadcast %add3A_534 : i32 to vector<16xi32>
    %add3A_536 = arith.addi %mul3A_533, %add3A_535 : vector<16xi32>
    %gather3A_537 = tpu.vector_load_idx %arg5[%add3A_536] : memref<6400xi32, #tpu.memory_space<vmem>>[vector<16xi32>], vector<16xi32>,
    %swap3A_538 = arith.constant 2 : i32
    %swap3A_539 = arith.index_cast %swap3A_538 : i32 to index
    %swap3A_540 = arith.constant 64 : index
    %swap3A_541 = tpu.vector_load %arg6[%swap3A_539, %swap3A_540] {strides = array<i32>} : memref<5x128xi32, #tpu.memory_space<vmem>>, vector<16xi32>,
    tpu.vector_store %arg6[%swap3A_539, %swap3A_540], %gather3A_537 {strides = array<i32>} : memref<5x128xi32, #tpu.memory_space<vmem>>, vector<16xi32>,
    %add3A_542 = arith.constant 80 : i32
    %add3A_543 = vector.broadcast %add3A_542 : i32 to vector<16xi32>
    %add3A_544 = arith.addi %iota3A, %add3A_543 : vector<16xi32>
    %mul3A_545 = arith.constant 50 : i32
    %mul3A_546 = vector.broadcast %mul3A_545 : i32 to vector<16xi32>
    %mul3A_547 = arith.muli %add3A_544, %mul3A_546 : vector<16xi32>
    %add3A_548 = arith.constant 2 : i32
    %add3A_549 = vector.broadcast %add3A_548 : i32 to vector<16xi32>
    %add3A_550 = arith.addi %mul3A_547, %add3A_549 : vector<16xi32>
    %gather3A_551 = tpu.vector_load_idx %arg5[%add3A_550] : memref<6400xi32, #tpu.memory_space<vmem>>[vector<16xi32>], vector<16xi32>,
    %swap3A_552 = arith.constant 2 : i32
    %swap3A_553 = arith.index_cast %swap3A_552 : i32 to index
    %swap3A_554 = arith.constant 80 : index
    %swap3A_555 = tpu.vector_load %arg6[%swap3A_553, %swap3A_554] {strides = array<i32>} : memref<5x128xi32, #tpu.memory_space<vmem>>, vector<16xi32>,
    tpu.vector_store %arg6[%swap3A_553, %swap3A_554], %gather3A_551 {strides = array<i32>} : memref<5x128xi32, #tpu.memory_space<vmem>>, vector<16xi32>,
    %add3A_556 = arith.constant 96 : i32
    %add3A_557 = vector.broadcast %add3A_556 : i32 to vector<16xi32>
    %add3A_558 = arith.addi %iota3A, %add3A_557 : vector<16xi32>
    %mul3A_559 = arith.constant 50 : i32
    %mul3A_560 = vector.broadcast %mul3A_559 : i32 to vector<16xi32>
    %mul3A_561 = arith.muli %add3A_558, %mul3A_560 : vector<16xi32>
    %add3A_562 = arith.constant 2 : i32
    %add3A_563 = vector.broadcast %add3A_562 : i32 to vector<16xi32>
    %add3A_564 = arith.addi %mul3A_561, %add3A_563 : vector<16xi32>
    %gather3A_565 = tpu.vector_load_idx %arg5[%add3A_564] : memref<6400xi32, #tpu.memory_space<vmem>>[vector<16xi32>], vector<16xi32>,
    %swap3A_566 = arith.constant 2 : i32
    %swap3A_567 = arith.index_cast %swap3A_566 : i32 to index
    %swap3A_568 = arith.constant 96 : index
    %swap3A_569 = tpu.vector_load %arg6[%swap3A_567, %swap3A_568] {strides = array<i32>} : memref<5x128xi32, #tpu.memory_space<vmem>>, vector<16xi32>,
    tpu.vector_store %arg6[%swap3A_567, %swap3A_568], %gather3A_565 {strides = array<i32>} : memref<5x128xi32, #tpu.memory_space<vmem>>, vector<16xi32>,
    %add3A_570 = arith.constant 112 : i32
    %add3A_571 = vector.broadcast %add3A_570 : i32 to vector<16xi32>
    %add3A_572 = arith.addi %iota3A, %add3A_571 : vector<16xi32>
    %mul3A_573 = arith.constant 50 : i32
    %mul3A_574 = vector.broadcast %mul3A_573 : i32 to vector<16xi32>
    %mul3A_575 = arith.muli %add3A_572, %mul3A_574 : vector<16xi32>
    %add3A_576 = arith.constant 2 : i32
    %add3A_577 = vector.broadcast %add3A_576 : i32 to vector<16xi32>
    %add3A_578 = arith.addi %mul3A_575, %add3A_577 : vector<16xi32>
    %gather3A_579 = tpu.vector_load_idx %arg5[%add3A_578] : memref<6400xi32, #tpu.memory_space<vmem>>[vector<16xi32>], vector<16xi32>,
    %swap3A_580 = arith.constant 2 : i32
    %swap3A_581 = arith.index_cast %swap3A_580 : i32 to index
    %swap3A_582 = arith.constant 112 : index
    %swap3A_583 = tpu.vector_load %arg6[%swap3A_581, %swap3A_582] {strides = array<i32>} : memref<5x128xi32, #tpu.memory_space<vmem>>, vector<16xi32>,
    tpu.vector_store %arg6[%swap3A_581, %swap3A_582], %gather3A_579 {strides = array<i32>} : memref<5x128xi32, #tpu.memory_space<vmem>>, vector<16xi32>,
    %dma_start3A_584 = arith.constant 2 : i32
    %dma_start3A_585 = arith.constant 2 : i32
    %dma_start3A_586 = arith.constant 0 : i32
    %dma_start3A_587 = arith.constant 0 : i32
    %dma_start3A_588 = tpu.memref_slice %arg7[%dma_start3A_585, %dma_start3A_586, %dma_start3A_587] : memref<5x128x64xf32, #tpu.memory_space<vmem>> -> memref<1x128x64xf32, #tpu.memory_space<vmem>>
    %dma_start3A_589 = tpu.memref_squeeze %dma_start3A_588 : memref<1x128x64xf32, #tpu.memory_space<vmem>> -> memref<128x64xf32, #tpu.memory_space<vmem>>
    %dma_start3A_590 = arith.constant 0 : i32
    %dma_start3A_591 = tpu.memref_slice %arg6[%dma_start3A_584, %dma_start3A_590] : memref<5x128xi32, #tpu.memory_space<vmem>> -> memref<1x128xi32, #tpu.memory_space<vmem>>
    %dma_start3A_592 = tpu.memref_squeeze %dma_start3A_591 : memref<1x128xi32, #tpu.memory_space<vmem>> -> memref<128xi32, #tpu.memory_space<vmem>>
    %dma_start3A_593 = arith.constant 0 : i32
    %dma_start3A_594 = arith.constant 0 : i32
    %dma_start3A_595 = tpu.memref_slice %arg3[%dma_start3A_593, %dma_start3A_594] : memref<100000x64xf32, #tpu.memory_space<hbm>> -> memref<100000x64xf32, #tpu.memory_space<hbm>>
    tpu.enqueue_indirect_dma source(%dma_start3A_595 : memref<100000x64xf32, #tpu.memory_space<hbm>>) target(%dma_start3A_589 : memref<128x64xf32, #tpu.memory_space<vmem>>) offsets(%dma_start3A_592 : memref<128xi32, #tpu.memory_space<vmem>>) semaphore(%arg11 : memref<!tpu.dma_semaphore, #tpu.memory_space<semaphore_mem>>)
    %add3A_596 = arith.constant 0 : i32
    %add3A_597 = vector.broadcast %add3A_596 : i32 to vector<16xi32>
    %add3A_598 = arith.addi %iota3A, %add3A_597 : vector<16xi32>
    %mul3A_599 = arith.constant 50 : i32
    %mul3A_600 = vector.broadcast %mul3A_599 : i32 to vector<16xi32>
    %mul3A_601 = arith.muli %add3A_598, %mul3A_600 : vector<16xi32>
    %add3A_602 = arith.constant 3 : i32
    %add3A_603 = vector.broadcast %add3A_602 : i32 to vector<16xi32>
    %add3A_604 = arith.addi %mul3A_601, %add3A_603 : vector<16xi32>
    %gather3A_605 = tpu.vector_load_idx %arg5[%add3A_604] : memref<6400xi32, #tpu.memory_space<vmem>>[vector<16xi32>], vector<16xi32>,
    %swap3A_606 = arith.constant 3 : i32
    %swap3A_607 = arith.index_cast %swap3A_606 : i32 to index
    %swap3A_608 = arith.constant 0 : index
    %swap3A_609 = tpu.vector_load %arg6[%swap3A_607, %swap3A_608] {strides = array<i32>} : memref<5x128xi32, #tpu.memory_space<vmem>>, vector<16xi32>,
    tpu.vector_store %arg6[%swap3A_607, %swap3A_608], %gather3A_605 {strides = array<i32>} : memref<5x128xi32, #tpu.memory_space<vmem>>, vector<16xi32>,
    %add3A_610 = arith.constant 16 : i32
    %add3A_611 = vector.broadcast %add3A_610 : i32 to vector<16xi32>
    %add3A_612 = arith.addi %iota3A, %add3A_611 : vector<16xi32>
    %mul3A_613 = arith.constant 50 : i32
    %mul3A_614 = vector.broadcast %mul3A_613 : i32 to vector<16xi32>
    %mul3A_615 = arith.muli %add3A_612, %mul3A_614 : vector<16xi32>
    %add3A_616 = arith.constant 3 : i32
    %add3A_617 = vector.broadcast %add3A_616 : i32 to vector<16xi32>
    %add3A_618 = arith.addi %mul3A_615, %add3A_617 : vector<16xi32>
    %gather3A_619 = tpu.vector_load_idx %arg5[%add3A_618] : memref<6400xi32, #tpu.memory_space<vmem>>[vector<16xi32>], vector<16xi32>,
    %swap3A_620 = arith.constant 3 : i32
    %swap3A_621 = arith.index_cast %swap3A_620 : i32 to index
    %swap3A_622 = arith.constant 16 : index
    %swap3A_623 = tpu.vector_load %arg6[%swap3A_621, %swap3A_622] {strides = array<i32>} : memref<5x128xi32, #tpu.memory_space<vmem>>, vector<16xi32>,
    tpu.vector_store %arg6[%swap3A_621, %swap3A_622], %gather3A_619 {strides = array<i32>} : memref<5x128xi32, #tpu.memory_space<vmem>>, vector<16xi32>,
    %add3A_624 = arith.constant 32 : i32
    %add3A_625 = vector.broadcast %add3A_624 : i32 to vector<16xi32>
    %add3A_626 = arith.addi %iota3A, %add3A_625 : vector<16xi32>
    %mul3A_627 = arith.constant 50 : i32
    %mul3A_628 = vector.broadcast %mul3A_627 : i32 to vector<16xi32>
    %mul3A_629 = arith.muli %add3A_626, %mul3A_628 : vector<16xi32>
    %add3A_630 = arith.constant 3 : i32
    %add3A_631 = vector.broadcast %add3A_630 : i32 to vector<16xi32>
    %add3A_632 = arith.addi %mul3A_629, %add3A_631 : vector<16xi32>
    %gather3A_633 = tpu.vector_load_idx %arg5[%add3A_632] : memref<6400xi32, #tpu.memory_space<vmem>>[vector<16xi32>], vector<16xi32>,
    %swap3A_634 = arith.constant 3 : i32
    %swap3A_635 = arith.index_cast %swap3A_634 : i32 to index
    %swap3A_636 = arith.constant 32 : index
    %swap3A_637 = tpu.vector_load %arg6[%swap3A_635, %swap3A_636] {strides = array<i32>} : memref<5x128xi32, #tpu.memory_space<vmem>>, vector<16xi32>,
    tpu.vector_store %arg6[%swap3A_635, %swap3A_636], %gather3A_633 {strides = array<i32>} : memref<5x128xi32, #tpu.memory_space<vmem>>, vector<16xi32>,
    %add3A_638 = arith.constant 48 : i32
    %add3A_639 = vector.broadcast %add3A_638 : i32 to vector<16xi32>
    %add3A_640 = arith.addi %iota3A, %add3A_639 : vector<16xi32>
    %mul3A_641 = arith.constant 50 : i32
    %mul3A_642 = vector.broadcast %mul3A_641 : i32 to vector<16xi32>
    %mul3A_643 = arith.muli %add3A_640, %mul3A_642 : vector<16xi32>
    %add3A_644 = arith.constant 3 : i32
    %add3A_645 = vector.broadcast %add3A_644 : i32 to vector<16xi32>
    %add3A_646 = arith.addi %mul3A_643, %add3A_645 : vector<16xi32>
    %gather3A_647 = tpu.vector_load_idx %arg5[%add3A_646] : memref<6400xi32, #tpu.memory_space<vmem>>[vector<16xi32>], vector<16xi32>,
    %swap3A_648 = arith.constant 3 : i32
    %swap3A_649 = arith.index_cast %swap3A_648 : i32 to index
    %swap3A_650 = arith.constant 48 : index
    %swap3A_651 = tpu.vector_load %arg6[%swap3A_649, %swap3A_650] {strides = array<i32>} : memref<5x128xi32, #tpu.memory_space<vmem>>, vector<16xi32>,
    tpu.vector_store %arg6[%swap3A_649, %swap3A_650], %gather3A_647 {strides = array<i32>} : memref<5x128xi32, #tpu.memory_space<vmem>>, vector<16xi32>,
    %add3A_652 = arith.constant 64 : i32
    %add3A_653 = vector.broadcast %add3A_652 : i32 to vector<16xi32>
    %add3A_654 = arith.addi %iota3A, %add3A_653 : vector<16xi32>
    %mul3A_655 = arith.constant 50 : i32
    %mul3A_656 = vector.broadcast %mul3A_655 : i32 to vector<16xi32>
    %mul3A_657 = arith.muli %add3A_654, %mul3A_656 : vector<16xi32>
    %add3A_658 = arith.constant 3 : i32
    %add3A_659 = vector.broadcast %add3A_658 : i32 to vector<16xi32>
    %add3A_660 = arith.addi %mul3A_657, %add3A_659 : vector<16xi32>
    %gather3A_661 = tpu.vector_load_idx %arg5[%add3A_660] : memref<6400xi32, #tpu.memory_space<vmem>>[vector<16xi32>], vector<16xi32>,
    %swap3A_662 = arith.constant 3 : i32
    %swap3A_663 = arith.index_cast %swap3A_662 : i32 to index
    %swap3A_664 = arith.constant 64 : index
    %swap3A_665 = tpu.vector_load %arg6[%swap3A_663, %swap3A_664] {strides = array<i32>} : memref<5x128xi32, #tpu.memory_space<vmem>>, vector<16xi32>,
    tpu.vector_store %arg6[%swap3A_663, %swap3A_664], %gather3A_661 {strides = array<i32>} : memref<5x128xi32, #tpu.memory_space<vmem>>, vector<16xi32>,
    %add3A_666 = arith.constant 80 : i32
    %add3A_667 = vector.broadcast %add3A_666 : i32 to vector<16xi32>
    %add3A_668 = arith.addi %iota3A, %add3A_667 : vector<16xi32>
    %mul3A_669 = arith.constant 50 : i32
    %mul3A_670 = vector.broadcast %mul3A_669 : i32 to vector<16xi32>
    %mul3A_671 = arith.muli %add3A_668, %mul3A_670 : vector<16xi32>
    %add3A_672 = arith.constant 3 : i32
    %add3A_673 = vector.broadcast %add3A_672 : i32 to vector<16xi32>
    %add3A_674 = arith.addi %mul3A_671, %add3A_673 : vector<16xi32>
    %gather3A_675 = tpu.vector_load_idx %arg5[%add3A_674] : memref<6400xi32, #tpu.memory_space<vmem>>[vector<16xi32>], vector<16xi32>,
    %swap3A_676 = arith.constant 3 : i32
    %swap3A_677 = arith.index_cast %swap3A_676 : i32 to index
    %swap3A_678 = arith.constant 80 : index
    %swap3A_679 = tpu.vector_load %arg6[%swap3A_677, %swap3A_678] {strides = array<i32>} : memref<5x128xi32, #tpu.memory_space<vmem>>, vector<16xi32>,
    tpu.vector_store %arg6[%swap3A_677, %swap3A_678], %gather3A_675 {strides = array<i32>} : memref<5x128xi32, #tpu.memory_space<vmem>>, vector<16xi32>,
    %add3A_680 = arith.constant 96 : i32
    %add3A_681 = vector.broadcast %add3A_680 : i32 to vector<16xi32>
    %add3A_682 = arith.addi %iota3A, %add3A_681 : vector<16xi32>
    %mul3A_683 = arith.constant 50 : i32
    %mul3A_684 = vector.broadcast %mul3A_683 : i32 to vector<16xi32>
    %mul3A_685 = arith.muli %add3A_682, %mul3A_684 : vector<16xi32>
    %add3A_686 = arith.constant 3 : i32
    %add3A_687 = vector.broadcast %add3A_686 : i32 to vector<16xi32>
    %add3A_688 = arith.addi %mul3A_685, %add3A_687 : vector<16xi32>
    %gather3A_689 = tpu.vector_load_idx %arg5[%add3A_688] : memref<6400xi32, #tpu.memory_space<vmem>>[vector<16xi32>], vector<16xi32>,
    %swap3A_690 = arith.constant 3 : i32
    %swap3A_691 = arith.index_cast %swap3A_690 : i32 to index
    %swap3A_692 = arith.constant 96 : index
    %swap3A_693 = tpu.vector_load %arg6[%swap3A_691, %swap3A_692] {strides = array<i32>} : memref<5x128xi32, #tpu.memory_space<vmem>>, vector<16xi32>,
    tpu.vector_store %arg6[%swap3A_691, %swap3A_692], %gather3A_689 {strides = array<i32>} : memref<5x128xi32, #tpu.memory_space<vmem>>, vector<16xi32>,
    %add3A_694 = arith.constant 112 : i32
    %add3A_695 = vector.broadcast %add3A_694 : i32 to vector<16xi32>
    %add3A_696 = arith.addi %iota3A, %add3A_695 : vector<16xi32>
    %mul3A_697 = arith.constant 50 : i32
    %mul3A_698 = vector.broadcast %mul3A_697 : i32 to vector<16xi32>
    %mul3A_699 = arith.muli %add3A_696, %mul3A_698 : vector<16xi32>
    %add3A_700 = arith.constant 3 : i32
    %add3A_701 = vector.broadcast %add3A_700 : i32 to vector<16xi32>
    %add3A_702 = arith.addi %mul3A_699, %add3A_701 : vector<16xi32>
    %gather3A_703 = tpu.vector_load_idx %arg5[%add3A_702] : memref<6400xi32, #tpu.memory_space<vmem>>[vector<16xi32>], vector<16xi32>,
    %swap3A_704 = arith.constant 3 : i32
    %swap3A_705 = arith.index_cast %swap3A_704 : i32 to index
    %swap3A_706 = arith.constant 112 : index
    %swap3A_707 = tpu.vector_load %arg6[%swap3A_705, %swap3A_706] {strides = array<i32>} : memref<5x128xi32, #tpu.memory_space<vmem>>, vector<16xi32>,
    tpu.vector_store %arg6[%swap3A_705, %swap3A_706], %gather3A_703 {strides = array<i32>} : memref<5x128xi32, #tpu.memory_space<vmem>>, vector<16xi32>,
    %dma_start3A_708 = arith.constant 3 : i32
    %dma_start3A_709 = arith.constant 3 : i32
    %dma_start3A_710 = arith.constant 0 : i32
    %dma_start3A_711 = arith.constant 0 : i32
    %dma_start3A_712 = tpu.memref_slice %arg7[%dma_start3A_709, %dma_start3A_710, %dma_start3A_711] : memref<5x128x64xf32, #tpu.memory_space<vmem>> -> memref<1x128x64xf32, #tpu.memory_space<vmem>>
    %dma_start3A_713 = tpu.memref_squeeze %dma_start3A_712 : memref<1x128x64xf32, #tpu.memory_space<vmem>> -> memref<128x64xf32, #tpu.memory_space<vmem>>
    %dma_start3A_714 = arith.constant 0 : i32
    %dma_start3A_715 = tpu.memref_slice %arg6[%dma_start3A_708, %dma_start3A_714] : memref<5x128xi32, #tpu.memory_space<vmem>> -> memref<1x128xi32, #tpu.memory_space<vmem>>
    %dma_start3A_716 = tpu.memref_squeeze %dma_start3A_715 : memref<1x128xi32, #tpu.memory_space<vmem>> -> memref<128xi32, #tpu.memory_space<vmem>>
    %dma_start3A_717 = arith.constant 0 : i32
    %dma_start3A_718 = arith.constant 0 : i32
    %dma_start3A_719 = tpu.memref_slice %arg3[%dma_start3A_717, %dma_start3A_718] : memref<100000x64xf32, #tpu.memory_space<hbm>> -> memref<100000x64xf32, #tpu.memory_space<hbm>>
    tpu.enqueue_indirect_dma source(%dma_start3A_719 : memref<100000x64xf32, #tpu.memory_space<hbm>>) target(%dma_start3A_713 : memref<128x64xf32, #tpu.memory_space<vmem>>) offsets(%dma_start3A_716 : memref<128xi32, #tpu.memory_space<vmem>>) semaphore(%arg12 : memref<!tpu.dma_semaphore, #tpu.memory_space<semaphore_mem>>)
    %add3A_720 = arith.constant 0 : i32
    %add3A_721 = vector.broadcast %add3A_720 : i32 to vector<16xi32>
    %add3A_722 = arith.addi %iota3A, %add3A_721 : vector<16xi32>
    %mul3A_723 = arith.constant 50 : i32
    %mul3A_724 = vector.broadcast %mul3A_723 : i32 to vector<16xi32>
    %mul3A_725 = arith.muli %add3A_722, %mul3A_724 : vector<16xi32>
    %add3A_726 = arith.constant 4 : i32
    %add3A_727 = vector.broadcast %add3A_726 : i32 to vector<16xi32>
    %add3A_728 = arith.addi %mul3A_725, %add3A_727 : vector<16xi32>
    %gather3A_729 = tpu.vector_load_idx %arg5[%add3A_728] : memref<6400xi32, #tpu.memory_space<vmem>>[vector<16xi32>], vector<16xi32>,
    %swap3A_730 = arith.constant 4 : i32
    %swap3A_731 = arith.index_cast %swap3A_730 : i32 to index
    %swap3A_732 = arith.constant 0 : index
    %swap3A_733 = tpu.vector_load %arg6[%swap3A_731, %swap3A_732] {strides = array<i32>} : memref<5x128xi32, #tpu.memory_space<vmem>>, vector<16xi32>,
    tpu.vector_store %arg6[%swap3A_731, %swap3A_732], %gather3A_729 {strides = array<i32>} : memref<5x128xi32, #tpu.memory_space<vmem>>, vector<16xi32>,
    %add3A_734 = arith.constant 16 : i32
    %add3A_735 = vector.broadcast %add3A_734 : i32 to vector<16xi32>
    %add3A_736 = arith.addi %iota3A, %add3A_735 : vector<16xi32>
    %mul3A_737 = arith.constant 50 : i32
    %mul3A_738 = vector.broadcast %mul3A_737 : i32 to vector<16xi32>
    %mul3A_739 = arith.muli %add3A_736, %mul3A_738 : vector<16xi32>
    %add3A_740 = arith.constant 4 : i32
    %add3A_741 = vector.broadcast %add3A_740 : i32 to vector<16xi32>
    %add3A_742 = arith.addi %mul3A_739, %add3A_741 : vector<16xi32>
    %gather3A_743 = tpu.vector_load_idx %arg5[%add3A_742] : memref<6400xi32, #tpu.memory_space<vmem>>[vector<16xi32>], vector<16xi32>,
    %swap3A_744 = arith.constant 4 : i32
    %swap3A_745 = arith.index_cast %swap3A_744 : i32 to index
    %swap3A_746 = arith.constant 16 : index
    %swap3A_747 = tpu.vector_load %arg6[%swap3A_745, %swap3A_746] {strides = array<i32>} : memref<5x128xi32, #tpu.memory_space<vmem>>, vector<16xi32>,
    tpu.vector_store %arg6[%swap3A_745, %swap3A_746], %gather3A_743 {strides = array<i32>} : memref<5x128xi32, #tpu.memory_space<vmem>>, vector<16xi32>,
    %add3A_748 = arith.constant 32 : i32
    %add3A_749 = vector.broadcast %add3A_748 : i32 to vector<16xi32>
    %add3A_750 = arith.addi %iota3A, %add3A_749 : vector<16xi32>
    %mul3A_751 = arith.constant 50 : i32
    %mul3A_752 = vector.broadcast %mul3A_751 : i32 to vector<16xi32>
    %mul3A_753 = arith.muli %add3A_750, %mul3A_752 : vector<16xi32>
    %add3A_754 = arith.constant 4 : i32
    %add3A_755 = vector.broadcast %add3A_754 : i32 to vector<16xi32>
    %add3A_756 = arith.addi %mul3A_753, %add3A_755 : vector<16xi32>
    %gather3A_757 = tpu.vector_load_idx %arg5[%add3A_756] : memref<6400xi32, #tpu.memory_space<vmem>>[vector<16xi32>], vector<16xi32>,
    %swap3A_758 = arith.constant 4 : i32
    %swap3A_759 = arith.index_cast %swap3A_758 : i32 to index
    %swap3A_760 = arith.constant 32 : index
    %swap3A_761 = tpu.vector_load %arg6[%swap3A_759, %swap3A_760] {strides = array<i32>} : memref<5x128xi32, #tpu.memory_space<vmem>>, vector<16xi32>,
    tpu.vector_store %arg6[%swap3A_759, %swap3A_760], %gather3A_757 {strides = array<i32>} : memref<5x128xi32, #tpu.memory_space<vmem>>, vector<16xi32>,
    %add3A_762 = arith.constant 48 : i32
    %add3A_763 = vector.broadcast %add3A_762 : i32 to vector<16xi32>
    %add3A_764 = arith.addi %iota3A, %add3A_763 : vector<16xi32>
    %mul3A_765 = arith.constant 50 : i32
    %mul3A_766 = vector.broadcast %mul3A_765 : i32 to vector<16xi32>
    %mul3A_767 = arith.muli %add3A_764, %mul3A_766 : vector<16xi32>
    %add3A_768 = arith.constant 4 : i32
    %add3A_769 = vector.broadcast %add3A_768 : i32 to vector<16xi32>
    %add3A_770 = arith.addi %mul3A_767, %add3A_769 : vector<16xi32>
    %gather3A_771 = tpu.vector_load_idx %arg5[%add3A_770] : memref<6400xi32, #tpu.memory_space<vmem>>[vector<16xi32>], vector<16xi32>,
    %swap3A_772 = arith.constant 4 : i32
    %swap3A_773 = arith.index_cast %swap3A_772 : i32 to index
    %swap3A_774 = arith.constant 48 : index
    %swap3A_775 = tpu.vector_load %arg6[%swap3A_773, %swap3A_774] {strides = array<i32>} : memref<5x128xi32, #tpu.memory_space<vmem>>, vector<16xi32>,
    tpu.vector_store %arg6[%swap3A_773, %swap3A_774], %gather3A_771 {strides = array<i32>} : memref<5x128xi32, #tpu.memory_space<vmem>>, vector<16xi32>,
    %add3A_776 = arith.constant 64 : i32
    %add3A_777 = vector.broadcast %add3A_776 : i32 to vector<16xi32>
    %add3A_778 = arith.addi %iota3A, %add3A_777 : vector<16xi32>
    %mul3A_779 = arith.constant 50 : i32
    %mul3A_780 = vector.broadcast %mul3A_779 : i32 to vector<16xi32>
    %mul3A_781 = arith.muli %add3A_778, %mul3A_780 : vector<16xi32>
    %add3A_782 = arith.constant 4 : i32
    %add3A_783 = vector.broadcast %add3A_782 : i32 to vector<16xi32>
    %add3A_784 = arith.addi %mul3A_781, %add3A_783 : vector<16xi32>
    %gather3A_785 = tpu.vector_load_idx %arg5[%add3A_784] : memref<6400xi32, #tpu.memory_space<vmem>>[vector<16xi32>], vector<16xi32>,
    %swap3A_786 = arith.constant 4 : i32
    %swap3A_787 = arith.index_cast %swap3A_786 : i32 to index
    %swap3A_788 = arith.constant 64 : index
    %swap3A_789 = tpu.vector_load %arg6[%swap3A_787, %swap3A_788] {strides = array<i32>} : memref<5x128xi32, #tpu.memory_space<vmem>>, vector<16xi32>,
    tpu.vector_store %arg6[%swap3A_787, %swap3A_788], %gather3A_785 {strides = array<i32>} : memref<5x128xi32, #tpu.memory_space<vmem>>, vector<16xi32>,
    %add3A_790 = arith.constant 80 : i32
    %add3A_791 = vector.broadcast %add3A_790 : i32 to vector<16xi32>
    %add3A_792 = arith.addi %iota3A, %add3A_791 : vector<16xi32>
    %mul3A_793 = arith.constant 50 : i32
    %mul3A_794 = vector.broadcast %mul3A_793 : i32 to vector<16xi32>
    %mul3A_795 = arith.muli %add3A_792, %mul3A_794 : vector<16xi32>
    %add3A_796 = arith.constant 4 : i32
    %add3A_797 = vector.broadcast %add3A_796 : i32 to vector<16xi32>
    %add3A_798 = arith.addi %mul3A_795, %add3A_797 : vector<16xi32>
    %gather3A_799 = tpu.vector_load_idx %arg5[%add3A_798] : memref<6400xi32, #tpu.memory_space<vmem>>[vector<16xi32>], vector<16xi32>,
    %swap3A_800 = arith.constant 4 : i32
    %swap3A_801 = arith.index_cast %swap3A_800 : i32 to index
    %swap3A_802 = arith.constant 80 : index
    %swap3A_803 = tpu.vector_load %arg6[%swap3A_801, %swap3A_802] {strides = array<i32>} : memref<5x128xi32, #tpu.memory_space<vmem>>, vector<16xi32>,
    tpu.vector_store %arg6[%swap3A_801, %swap3A_802], %gather3A_799 {strides = array<i32>} : memref<5x128xi32, #tpu.memory_space<vmem>>, vector<16xi32>,
    %add3A_804 = arith.constant 96 : i32
    %add3A_805 = vector.broadcast %add3A_804 : i32 to vector<16xi32>
    %add3A_806 = arith.addi %iota3A, %add3A_805 : vector<16xi32>
    %mul3A_807 = arith.constant 50 : i32
    %mul3A_808 = vector.broadcast %mul3A_807 : i32 to vector<16xi32>
    %mul3A_809 = arith.muli %add3A_806, %mul3A_808 : vector<16xi32>
    %add3A_810 = arith.constant 4 : i32
    %add3A_811 = vector.broadcast %add3A_810 : i32 to vector<16xi32>
    %add3A_812 = arith.addi %mul3A_809, %add3A_811 : vector<16xi32>
    %gather3A_813 = tpu.vector_load_idx %arg5[%add3A_812] : memref<6400xi32, #tpu.memory_space<vmem>>[vector<16xi32>], vector<16xi32>,
    %swap3A_814 = arith.constant 4 : i32
    %swap3A_815 = arith.index_cast %swap3A_814 : i32 to index
    %swap3A_816 = arith.constant 96 : index
    %swap3A_817 = tpu.vector_load %arg6[%swap3A_815, %swap3A_816] {strides = array<i32>} : memref<5x128xi32, #tpu.memory_space<vmem>>, vector<16xi32>,
    tpu.vector_store %arg6[%swap3A_815, %swap3A_816], %gather3A_813 {strides = array<i32>} : memref<5x128xi32, #tpu.memory_space<vmem>>, vector<16xi32>,
    %add3A_818 = arith.constant 112 : i32
    %add3A_819 = vector.broadcast %add3A_818 : i32 to vector<16xi32>
    %add3A_820 = arith.addi %iota3A, %add3A_819 : vector<16xi32>
    %mul3A_821 = arith.constant 50 : i32
    %mul3A_822 = vector.broadcast %mul3A_821 : i32 to vector<16xi32>
    %mul3A_823 = arith.muli %add3A_820, %mul3A_822 : vector<16xi32>
    %add3A_824 = arith.constant 4 : i32
    %add3A_825 = vector.broadcast %add3A_824 : i32 to vector<16xi32>
    %add3A_826 = arith.addi %mul3A_823, %add3A_825 : vector<16xi32>
    %gather3A_827 = tpu.vector_load_idx %arg5[%add3A_826] : memref<6400xi32, #tpu.memory_space<vmem>>[vector<16xi32>], vector<16xi32>,
    %swap3A_828 = arith.constant 4 : i32
    %swap3A_829 = arith.index_cast %swap3A_828 : i32 to index
    %swap3A_830 = arith.constant 112 : index
    %swap3A_831 = tpu.vector_load %arg6[%swap3A_829, %swap3A_830] {strides = array<i32>} : memref<5x128xi32, #tpu.memory_space<vmem>>, vector<16xi32>,
    tpu.vector_store %arg6[%swap3A_829, %swap3A_830], %gather3A_827 {strides = array<i32>} : memref<5x128xi32, #tpu.memory_space<vmem>>, vector<16xi32>,
    %dma_start3A_832 = arith.constant 4 : i32
    %dma_start3A_833 = arith.constant 4 : i32
    %dma_start3A_834 = arith.constant 0 : i32
    %dma_start3A_835 = arith.constant 0 : i32
    %dma_start3A_836 = tpu.memref_slice %arg7[%dma_start3A_833, %dma_start3A_834, %dma_start3A_835] : memref<5x128x64xf32, #tpu.memory_space<vmem>> -> memref<1x128x64xf32, #tpu.memory_space<vmem>>
    %dma_start3A_837 = tpu.memref_squeeze %dma_start3A_836 : memref<1x128x64xf32, #tpu.memory_space<vmem>> -> memref<128x64xf32, #tpu.memory_space<vmem>>
    %dma_start3A_838 = arith.constant 0 : i32
    %dma_start3A_839 = tpu.memref_slice %arg6[%dma_start3A_832, %dma_start3A_838] : memref<5x128xi32, #tpu.memory_space<vmem>> -> memref<1x128xi32, #tpu.memory_space<vmem>>
    %dma_start3A_840 = tpu.memref_squeeze %dma_start3A_839 : memref<1x128xi32, #tpu.memory_space<vmem>> -> memref<128xi32, #tpu.memory_space<vmem>>
    %dma_start3A_841 = arith.constant 0 : i32
    %dma_start3A_842 = arith.constant 0 : i32
    %dma_start3A_843 = tpu.memref_slice %arg3[%dma_start3A_841, %dma_start3A_842] : memref<100000x64xf32, #tpu.memory_space<hbm>> -> memref<100000x64xf32, #tpu.memory_space<hbm>>
    tpu.enqueue_indirect_dma source(%dma_start3A_843 : memref<100000x64xf32, #tpu.memory_space<hbm>>) target(%dma_start3A_837 : memref<128x64xf32, #tpu.memory_space<vmem>>) offsets(%dma_start3A_840 : memref<128xi32, #tpu.memory_space<vmem>>) semaphore(%arg13 : memref<!tpu.dma_semaphore, #tpu.memory_space<semaphore_mem>>)
    %scan3A = arith.constant 0 : i32
    %scan3A_844 = arith.constant 10 : i32
    %scan3A_845 = arith.addi %scan3A, %scan3A_844 : i32
    %scan3A_846 = arith.constant 1 : i32
    scf.for %scan3A_957 = %scan3A to %scan3A_845 step %scan3A_846  : i32 {
      %mul3A_958 = arith.constant 1 : i32
      %mul3A_959 = arith.muli %scan3A_957, %mul3A_958 : i32
      %add3A_960 = arith.constant 0 : i32
      %add3A_961 = arith.addi %add3A_960, %mul3A_959 : i32
      %mul3A_962 = arith.constant 5 : i32
      %mul3A_963 = arith.muli %add3A_961, %mul3A_962 : i32
      %add3A_964 = arith.constant 0 : i32
      %add3A_965 = arith.addi %mul3A_963, %add3A_964 : i32
      %dma_wait3A_966 = arith.constant 0 : i32
      %dma_wait3A_967 = arith.constant 0 : i32
      %dma_wait3A_968 = arith.constant 0 : i32
      %dma_wait3A_969 = arith.constant 0 : i32
      %dma_wait3A_970 = tpu.memref_slice %arg7[%dma_wait3A_967, %dma_wait3A_968, %dma_wait3A_969] : memref<5x128x64xf32, #tpu.memory_space<vmem>> -> memref<1x128x64xf32, #tpu.memory_space<vmem>>
      %dma_wait3A_971 = tpu.memref_squeeze %dma_wait3A_970 : memref<1x128x64xf32, #tpu.memory_space<vmem>> -> memref<128x64xf32, #tpu.memory_space<vmem>>
      %dma_wait3A_972 = arith.constant 0 : i32
      %dma_wait3A_973 = tpu.memref_slice %arg6[%dma_wait3A_966, %dma_wait3A_972] : memref<5x128xi32, #tpu.memory_space<vmem>> -> memref<1x128xi32, #tpu.memory_space<vmem>>
      %dma_wait3A_974 = tpu.memref_squeeze %dma_wait3A_973 : memref<1x128xi32, #tpu.memory_space<vmem>> -> memref<128xi32, #tpu.memory_space<vmem>>
      %dma_wait3A_975 = arith.constant 0 : i32
      %dma_wait3A_976 = arith.constant 0 : i32
      %dma_wait3A_977 = tpu.memref_slice %arg3[%dma_wait3A_975, %dma_wait3A_976] : memref<100000x64xf32, #tpu.memory_space<hbm>> -> memref<100000x64xf32, #tpu.memory_space<hbm>>
      tpu.wait_indirect_dma semaphore(%arg9 : memref<!tpu.dma_semaphore, #tpu.memory_space<semaphore_mem>>) src(%dma_wait3A_977 : memref<100000x64xf32, #tpu.memory_space<hbm>>) dst(%dma_wait3A_971 : memref<128x64xf32, #tpu.memory_space<vmem>>)
      %ge3A = arith.constant 5 : i32
      %ge3A_978 = arith.cmpi sge, %add3A_965, %ge3A : i32
      %convert_element_type3A = arith.extui %ge3A_978 : i1 to i32
      %cond3A = arith.constant 0 : i32
      %cond3A_979 = arith.cmpi ne, %convert_element_type3A, %cond3A : i32
      scf.if %cond3A_979 {
        %sub3A_1229 = arith.constant 5 : i32
        %sub3A_1230 = arith.subi %add3A_965, %sub3A_1229 : i32
        %dma_wait3A_1231 = arith.constant 0 : i32
        %dma_wait3A_1232 = arith.constant 0 : i32
        %dma_wait3A_1233 = arith.constant 0 : i32
        %dma_wait3A_1234 = arith.constant 0 : i32
        %dma_wait3A_1235 = tpu.memref_slice %arg8[%dma_wait3A_1231, %dma_wait3A_1232, %dma_wait3A_1233, %dma_wait3A_1234] : memref<5x8x8x129xf32, #tpu.memory_space<vmem>> -> memref<1x8x8x128xf32, #tpu.memory_space<vmem>>
        %dma_wait3A_1236 = tpu.memref_squeeze %dma_wait3A_1235 : memref<1x8x8x128xf32, #tpu.memory_space<vmem>> -> memref<8x8x128xf32, #tpu.memory_space<vmem>>
        %dma_wait3A_1237 = arith.constant 0 : i32
        %dma_wait3A_1238 = arith.constant 0 : i32
        %dma_wait3A_1239 = arith.constant 0 : i32
        %dma_wait3A_1240 = tpu.memref_slice %arg4[%sub3A_1230, %dma_wait3A_1237, %add3A, %dma_wait3A_1238, %dma_wait3A_1239] : memref<50x8x32x8x128xf32, #tpu.memory_space<hbm>> -> memref<1x8x1x8x128xf32, #tpu.memory_space<hbm>>
        %dma_wait3A_1241 = tpu.memref_squeeze %dma_wait3A_1240 : memref<1x8x1x8x128xf32, #tpu.memory_space<hbm>> -> memref<8x8x128xf32, #tpu.memory_space<hbm>>
        %dma_wait3A_1242 = arith.constant 0 : i32
        %dma_wait3A_1243 = arith.constant 0 : i32
        %dma_wait3A_1244 = arith.constant 0 : i32
        %dma_wait3A_1245 = tpu.memref_slice %arg4[%sub3A_1230, %dma_wait3A_1242, %add3A, %dma_wait3A_1243, %dma_wait3A_1244] : memref<50x8x32x8x128xf32, #tpu.memory_space<hbm>> -> memref<1x8x1x8x128xf32, #tpu.memory_space<hbm>>
        %dma_wait3A_1246 = tpu.memref_squeeze %dma_wait3A_1245 : memref<1x8x1x8x128xf32, #tpu.memory_space<hbm>> -> memref<8x8x128xf32, #tpu.memory_space<hbm>>
        %dma_wait3A_1247 = arith.constant 0 : i32
        %dma_wait3A_1248 = arith.constant 0 : i32
        %dma_wait3A_1249 = arith.constant 0 : i32
        %dma_wait3A_1250 = tpu.memref_slice %arg8[%dma_wait3A_1231, %dma_wait3A_1247, %dma_wait3A_1248, %dma_wait3A_1249] : memref<5x8x8x129xf32, #tpu.memory_space<vmem>> -> memref<1x8x8x128xf32, #tpu.memory_space<vmem>>
        %dma_wait3A_1251 = tpu.memref_squeeze %dma_wait3A_1250 : memref<1x8x8x128xf32, #tpu.memory_space<vmem>> -> memref<8x8x128xf32, #tpu.memory_space<vmem>>
        tpu.wait_dma2 semaphore(%arg14 : memref<!tpu.dma_semaphore, #tpu.memory_space<semaphore_mem>>) src(%dma_wait3A_1251 : memref<8x8x128xf32, #tpu.memory_space<vmem>>) dst(%dma_wait3A_1246 : memref<8x8x128xf32, #tpu.memory_space<hbm>>)
      } else {
      }
      %scan3A_980 = arith.constant 0 : i32
      %scan3A_981 = arith.constant 16 : i32
      %scan3A_982 = arith.addi %scan3A_980, %scan3A_981 : i32
      %scan3A_983 = arith.constant 1 : i32
      scf.for %scan3A_1229 = %scan3A_980 to %scan3A_982 step %scan3A_983  : i32 {
        %mul3A_1230 = arith.constant 8 : i32
        %mul3A_1231 = arith.muli %scan3A_1229, %mul3A_1230 : i32
        %add3A_1232 = arith.constant 0 : i32
        %add3A_1233 = arith.addi %add3A_1232, %mul3A_1231 : i32
        %add3A_1234 = arith.constant 0 : i32
        %add3A_1235 = arith.addi %add3A_1233, %add3A_1234 : i32
        %broadcast_in_dim3A = vector.broadcast %add3A_1235 : i32 to vector<16xi32>
        %add3A_1236 = arith.constant 1 : i32
        %add3A_1237 = arith.addi %add3A_1233, %add3A_1236 : i32
        %broadcast_in_dim3A_1238 = vector.broadcast %add3A_1237 : i32 to vector<16xi32>
        %add3A_1239 = arith.constant 2 : i32
        %add3A_1240 = arith.addi %add3A_1233, %add3A_1239 : i32
        %broadcast_in_dim3A_1241 = vector.broadcast %add3A_1240 : i32 to vector<16xi32>
        %add3A_1242 = arith.constant 3 : i32
        %add3A_1243 = arith.addi %add3A_1233, %add3A_1242 : i32
        %broadcast_in_dim3A_1244 = vector.broadcast %add3A_1243 : i32 to vector<16xi32>
        %add3A_1245 = arith.constant 4 : i32
        %add3A_1246 = arith.addi %add3A_1233, %add3A_1245 : i32
        %broadcast_in_dim3A_1247 = vector.broadcast %add3A_1246 : i32 to vector<16xi32>
        %add3A_1248 = arith.constant 5 : i32
        %add3A_1249 = arith.addi %add3A_1233, %add3A_1248 : i32
        %broadcast_in_dim3A_1250 = vector.broadcast %add3A_1249 : i32 to vector<16xi32>
        %add3A_1251 = arith.constant 6 : i32
        %add3A_1252 = arith.addi %add3A_1233, %add3A_1251 : i32
        %broadcast_in_dim3A_1253 = vector.broadcast %add3A_1252 : i32 to vector<16xi32>
        %add3A_1254 = arith.constant 7 : i32
        %add3A_1255 = arith.addi %add3A_1233, %add3A_1254 : i32
        %broadcast_in_dim3A_1256 = vector.broadcast %add3A_1255 : i32 to vector<16xi32>
        %add3A_1257 = arith.constant 0 : i32
        %add3A_1258 = arith.addi %add3A_1233, %add3A_1257 : i32
        %get3A = arith.constant 0 : i32
        %get3A_1259 = arith.index_cast %get3A : i32 to index
        %get3A_1260 = arith.index_cast %add3A_1258 : i32 to index
        %get3A_1261 = arith.constant 0 : index
        %get3A_1262 = tpu.vector_load %arg7[%get3A_1259, %get3A_1260, %get3A_1261] {strides = array<i32>} : memref<5x128x64xf32, #tpu.memory_space<vmem>>, vector<16xf32>,
        %add3A_1263 = arith.constant 0 : i32
        %add3A_1264 = arith.addi %add3A_1233, %add3A_1263 : i32
        %get3A_1265 = arith.constant 0 : i32
        %get3A_1266 = arith.index_cast %get3A_1265 : i32 to index
        %get3A_1267 = arith.index_cast %add3A_1264 : i32 to index
        %get3A_1268 = arith.constant 16 : index
        %get3A_1269 = tpu.vector_load %arg7[%get3A_1266, %get3A_1267, %get3A_1268] {strides = array<i32>} : memref<5x128x64xf32, #tpu.memory_space<vmem>>, vector<16xf32>,
        %add3A_1270 = arith.constant 0 : i32
        %add3A_1271 = arith.addi %add3A_1233, %add3A_1270 : i32
        %get3A_1272 = arith.constant 0 : i32
        %get3A_1273 = arith.index_cast %get3A_1272 : i32 to index
        %get3A_1274 = arith.index_cast %add3A_1271 : i32 to index
        %get3A_1275 = arith.constant 32 : index
        %get3A_1276 = tpu.vector_load %arg7[%get3A_1273, %get3A_1274, %get3A_1275] {strides = array<i32>} : memref<5x128x64xf32, #tpu.memory_space<vmem>>, vector<16xf32>,
        %add3A_1277 = arith.constant 0 : i32
        %add3A_1278 = arith.addi %add3A_1233, %add3A_1277 : i32
        %get3A_1279 = arith.constant 0 : i32
        %get3A_1280 = arith.index_cast %get3A_1279 : i32 to index
        %get3A_1281 = arith.index_cast %add3A_1278 : i32 to index
        %get3A_1282 = arith.constant 48 : index
        %get3A_1283 = tpu.vector_load %arg7[%get3A_1280, %get3A_1281, %get3A_1282] {strides = array<i32>} : memref<5x128x64xf32, #tpu.memory_space<vmem>>, vector<16xf32>,
        %add3A_1284 = arith.constant 1 : i32
        %add3A_1285 = arith.addi %add3A_1233, %add3A_1284 : i32
        %get3A_1286 = arith.constant 0 : i32
        %get3A_1287 = arith.index_cast %get3A_1286 : i32 to index
        %get3A_1288 = arith.index_cast %add3A_1285 : i32 to index
        %get3A_1289 = arith.constant 0 : index
        %get3A_1290 = tpu.vector_load %arg7[%get3A_1287, %get3A_1288, %get3A_1289] {strides = array<i32>} : memref<5x128x64xf32, #tpu.memory_space<vmem>>, vector<16xf32>,
        %scatter3A = arith.constant 0 : i32
        %scatter3A_1291 = arith.constant 0 : i32
        %scatter3A_1292 = arith.constant 0 : i32
        %scatter3A_1293 = arith.constant 0 : i32
        %scatter3A_1294 = tpu.memref_slice %arg8[%scatter3A, %scatter3A_1291, %scatter3A_1292, %scatter3A_1293] : memref<5x8x8x129xf32, #tpu.memory_space<vmem>> -> memref<1x8x8x129xf32, #tpu.memory_space<vmem>>
        %scatter3A_1295 = tpu.memref_squeeze %scatter3A_1294 : memref<1x8x8x129xf32, #tpu.memory_space<vmem>> -> memref<8x8x129xf32, #tpu.memory_space<vmem>>
        tpu.vector_store_idx %scatter3A_1295[%select_n3A, %select_n3A_151, %broadcast_in_dim3A], %get3A_1262 : memref<8x8x129xf32, #tpu.memory_space<vmem>>[vector<16xi32>, vector<16xi32>, vector<16xi32>], vector<16xf32>,
        %add3A_1296 = arith.constant 1 : i32
        %add3A_1297 = arith.addi %add3A_1233, %add3A_1296 : i32
        %get3A_1298 = arith.constant 0 : i32
        %get3A_1299 = arith.index_cast %get3A_1298 : i32 to index
        %get3A_1300 = arith.index_cast %add3A_1297 : i32 to index
        %get3A_1301 = arith.constant 16 : index
        %get3A_1302 = tpu.vector_load %arg7[%get3A_1299, %get3A_1300, %get3A_1301] {strides = array<i32>} : memref<5x128x64xf32, #tpu.memory_space<vmem>>, vector<16xf32>,
        %scatter3A_1303 = arith.constant 0 : i32
        %scatter3A_1304 = arith.constant 0 : i32
        %scatter3A_1305 = arith.constant 0 : i32
        %scatter3A_1306 = arith.constant 0 : i32
        %scatter3A_1307 = tpu.memref_slice %arg8[%scatter3A_1303, %scatter3A_1304, %scatter3A_1305, %scatter3A_1306] : memref<5x8x8x129xf32, #tpu.memory_space<vmem>> -> memref<1x8x8x129xf32, #tpu.memory_space<vmem>>
        %scatter3A_1308 = tpu.memref_squeeze %scatter3A_1307 : memref<1x8x8x129xf32, #tpu.memory_space<vmem>> -> memref<8x8x129xf32, #tpu.memory_space<vmem>>
        tpu.vector_store_idx %scatter3A_1308[%select_n3A_60, %select_n3A_176, %broadcast_in_dim3A], %get3A_1269 : memref<8x8x129xf32, #tpu.memory_space<vmem>>[vector<16xi32>, vector<16xi32>, vector<16xi32>], vector<16xf32>,
        %add3A_1309 = arith.constant 1 : i32
        %add3A_1310 = arith.addi %add3A_1233, %add3A_1309 : i32
        %get3A_1311 = arith.constant 0 : i32
        %get3A_1312 = arith.index_cast %get3A_1311 : i32 to index
        %get3A_1313 = arith.index_cast %add3A_1310 : i32 to index
        %get3A_1314 = arith.constant 32 : index
        %get3A_1315 = tpu.vector_load %arg7[%get3A_1312, %get3A_1313, %get3A_1314] {strides = array<i32>} : memref<5x128x64xf32, #tpu.memory_space<vmem>>, vector<16xf32>,
        %scatter3A_1316 = arith.constant 0 : i32
        %scatter3A_1317 = arith.constant 0 : i32
        %scatter3A_1318 = arith.constant 0 : i32
        %scatter3A_1319 = arith.constant 0 : i32
        %scatter3A_1320 = tpu.memref_slice %arg8[%scatter3A_1316, %scatter3A_1317, %scatter3A_1318, %scatter3A_1319] : memref<5x8x8x129xf32, #tpu.memory_space<vmem>> -> memref<1x8x8x129xf32, #tpu.memory_space<vmem>>
        %scatter3A_1321 = tpu.memref_squeeze %scatter3A_1320 : memref<1x8x8x129xf32, #tpu.memory_space<vmem>> -> memref<8x8x129xf32, #tpu.memory_space<vmem>>
        tpu.vector_store_idx %scatter3A_1321[%select_n3A_94, %select_n3A_201, %broadcast_in_dim3A], %get3A_1276 : memref<8x8x129xf32, #tpu.memory_space<vmem>>[vector<16xi32>, vector<16xi32>, vector<16xi32>], vector<16xf32>,
        %add3A_1322 = arith.constant 1 : i32
        %add3A_1323 = arith.addi %add3A_1233, %add3A_1322 : i32
        %get3A_1324 = arith.constant 0 : i32
        %get3A_1325 = arith.index_cast %get3A_1324 : i32 to index
        %get3A_1326 = arith.index_cast %add3A_1323 : i32 to index
        %get3A_1327 = arith.constant 48 : index
        %get3A_1328 = tpu.vector_load %arg7[%get3A_1325, %get3A_1326, %get3A_1327] {strides = array<i32>} : memref<5x128x64xf32, #tpu.memory_space<vmem>>, vector<16xf32>,
        %scatter3A_1329 = arith.constant 0 : i32
        %scatter3A_1330 = arith.constant 0 : i32
        %scatter3A_1331 = arith.constant 0 : i32
        %scatter3A_1332 = arith.constant 0 : i32
        %scatter3A_1333 = tpu.memref_slice %arg8[%scatter3A_1329, %scatter3A_1330, %scatter3A_1331, %scatter3A_1332] : memref<5x8x8x129xf32, #tpu.memory_space<vmem>> -> memref<1x8x8x129xf32, #tpu.memory_space<vmem>>
        %scatter3A_1334 = tpu.memref_squeeze %scatter3A_1333 : memref<1x8x8x129xf32, #tpu.memory_space<vmem>> -> memref<8x8x129xf32, #tpu.memory_space<vmem>>
        tpu.vector_store_idx %scatter3A_1334[%select_n3A_128, %select_n3A_226, %broadcast_in_dim3A], %get3A_1283 : memref<8x8x129xf32, #tpu.memory_space<vmem>>[vector<16xi32>, vector<16xi32>, vector<16xi32>], vector<16xf32>,
        %add3A_1335 = arith.constant 2 : i32
        %add3A_1336 = arith.addi %add3A_1233, %add3A_1335 : i32
        %get3A_1337 = arith.constant 0 : i32
        %get3A_1338 = arith.index_cast %get3A_1337 : i32 to index
        %get3A_1339 = arith.index_cast %add3A_1336 : i32 to index
        %get3A_1340 = arith.constant 0 : index
        %get3A_1341 = tpu.vector_load %arg7[%get3A_1338, %get3A_1339, %get3A_1340] {strides = array<i32>} : memref<5x128x64xf32, #tpu.memory_space<vmem>>, vector<16xf32>,
        %scatter3A_1342 = arith.constant 0 : i32
        %scatter3A_1343 = arith.constant 0 : i32
        %scatter3A_1344 = arith.constant 0 : i32
        %scatter3A_1345 = arith.constant 0 : i32
        %scatter3A_1346 = tpu.memref_slice %arg8[%scatter3A_1342, %scatter3A_1343, %scatter3A_1344, %scatter3A_1345] : memref<5x8x8x129xf32, #tpu.memory_space<vmem>> -> memref<1x8x8x129xf32, #tpu.memory_space<vmem>>
        %scatter3A_1347 = tpu.memref_squeeze %scatter3A_1346 : memref<1x8x8x129xf32, #tpu.memory_space<vmem>> -> memref<8x8x129xf32, #tpu.memory_space<vmem>>
        tpu.vector_store_idx %scatter3A_1347[%select_n3A, %select_n3A_151, %broadcast_in_dim3A_1238], %get3A_1290 : memref<8x8x129xf32, #tpu.memory_space<vmem>>[vector<16xi32>, vector<16xi32>, vector<16xi32>], vector<16xf32>,
        %add3A_1348 = arith.constant 2 : i32
        %add3A_1349 = arith.addi %add3A_1233, %add3A_1348 : i32
        %get3A_1350 = arith.constant 0 : i32
        %get3A_1351 = arith.index_cast %get3A_1350 : i32 to index
        %get3A_1352 = arith.index_cast %add3A_1349 : i32 to index
        %get3A_1353 = arith.constant 16 : index
        %get3A_1354 = tpu.vector_load %arg7[%get3A_1351, %get3A_1352, %get3A_1353] {strides = array<i32>} : memref<5x128x64xf32, #tpu.memory_space<vmem>>, vector<16xf32>,
        %scatter3A_1355 = arith.constant 0 : i32
        %scatter3A_1356 = arith.constant 0 : i32
        %scatter3A_1357 = arith.constant 0 : i32
        %scatter3A_1358 = arith.constant 0 : i32
        %scatter3A_1359 = tpu.memref_slice %arg8[%scatter3A_1355, %scatter3A_1356, %scatter3A_1357, %scatter3A_1358] : memref<5x8x8x129xf32, #tpu.memory_space<vmem>> -> memref<1x8x8x129xf32, #tpu.memory_space<vmem>>
        %scatter3A_1360 = tpu.memref_squeeze %scatter3A_1359 : memref<1x8x8x129xf32, #tpu.memory_space<vmem>> -> memref<8x8x129xf32, #tpu.memory_space<vmem>>
        tpu.vector_store_idx %scatter3A_1360[%select_n3A_60, %select_n3A_176, %broadcast_in_dim3A_1238], %get3A_1302 : memref<8x8x129xf32, #tpu.memory_space<vmem>>[vector<16xi32>, vector<16xi32>, vector<16xi32>], vector<16xf32>,
        %add3A_1361 = arith.constant 2 : i32
        %add3A_1362 = arith.addi %add3A_1233, %add3A_1361 : i32
        %get3A_1363 = arith.constant 0 : i32
        %get3A_1364 = arith.index_cast %get3A_1363 : i32 to index
        %get3A_1365 = arith.index_cast %add3A_1362 : i32 to index
        %get3A_1366 = arith.constant 32 : index
        %get3A_1367 = tpu.vector_load %arg7[%get3A_1364, %get3A_1365, %get3A_1366] {strides = array<i32>} : memref<5x128x64xf32, #tpu.memory_space<vmem>>, vector<16xf32>,
        %scatter3A_1368 = arith.constant 0 : i32
        %scatter3A_1369 = arith.constant 0 : i32
        %scatter3A_1370 = arith.constant 0 : i32
        %scatter3A_1371 = arith.constant 0 : i32
        %scatter3A_1372 = tpu.memref_slice %arg8[%scatter3A_1368, %scatter3A_1369, %scatter3A_1370, %scatter3A_1371] : memref<5x8x8x129xf32, #tpu.memory_space<vmem>> -> memref<1x8x8x129xf32, #tpu.memory_space<vmem>>
        %scatter3A_1373 = tpu.memref_squeeze %scatter3A_1372 : memref<1x8x8x129xf32, #tpu.memory_space<vmem>> -> memref<8x8x129xf32, #tpu.memory_space<vmem>>
        tpu.vector_store_idx %scatter3A_1373[%select_n3A_94, %select_n3A_201, %broadcast_in_dim3A_1238], %get3A_1315 : memref<8x8x129xf32, #tpu.memory_space<vmem>>[vector<16xi32>, vector<16xi32>, vector<16xi32>], vector<16xf32>,
        %add3A_1374 = arith.constant 2 : i32
        %add3A_1375 = arith.addi %add3A_1233, %add3A_1374 : i32
        %get3A_1376 = arith.constant 0 : i32
        %get3A_1377 = arith.index_cast %get3A_1376 : i32 to index
        %get3A_1378 = arith.index_cast %add3A_1375 : i32 to index
        %get3A_1379 = arith.constant 48 : index
        %get3A_1380 = tpu.vector_load %arg7[%get3A_1377, %get3A_1378, %get3A_1379] {strides = array<i32>} : memref<5x128x64xf32, #tpu.memory_space<vmem>>, vector<16xf32>,
        %scatter3A_1381 = arith.constant 0 : i32
        %scatter3A_1382 = arith.constant 0 : i32
        %scatter3A_1383 = arith.constant 0 : i32
        %scatter3A_1384 = arith.constant 0 : i32
        %scatter3A_1385 = tpu.memref_slice %arg8[%scatter3A_1381, %scatter3A_1382, %scatter3A_1383, %scatter3A_1384] : memref<5x8x8x129xf32, #tpu.memory_space<vmem>> -> memref<1x8x8x129xf32, #tpu.memory_space<vmem>>
        %scatter3A_1386 = tpu.memref_squeeze %scatter3A_1385 : memref<1x8x8x129xf32, #tpu.memory_space<vmem>> -> memref<8x8x129xf32, #tpu.memory_space<vmem>>
        tpu.vector_store_idx %scatter3A_1386[%select_n3A_128, %select_n3A_226, %broadcast_in_dim3A_1238], %get3A_1328 : memref<8x8x129xf32, #tpu.memory_space<vmem>>[vector<16xi32>, vector<16xi32>, vector<16xi32>], vector<16xf32>,
        %add3A_1387 = arith.constant 3 : i32
        %add3A_1388 = arith.addi %add3A_1233, %add3A_1387 : i32
        %get3A_1389 = arith.constant 0 : i32
        %get3A_1390 = arith.index_cast %get3A_1389 : i32 to index
        %get3A_1391 = arith.index_cast %add3A_1388 : i32 to index
        %get3A_1392 = arith.constant 0 : index
        %get3A_1393 = tpu.vector_load %arg7[%get3A_1390, %get3A_1391, %get3A_1392] {strides = array<i32>} : memref<5x128x64xf32, #tpu.memory_space<vmem>>, vector<16xf32>,
        %scatter3A_1394 = arith.constant 0 : i32
        %scatter3A_1395 = arith.constant 0 : i32
        %scatter3A_1396 = arith.constant 0 : i32
        %scatter3A_1397 = arith.constant 0 : i32
        %scatter3A_1398 = tpu.memref_slice %arg8[%scatter3A_1394, %scatter3A_1395, %scatter3A_1396, %scatter3A_1397] : memref<5x8x8x129xf32, #tpu.memory_space<vmem>> -> memref<1x8x8x129xf32, #tpu.memory_space<vmem>>
        %scatter3A_1399 = tpu.memref_squeeze %scatter3A_1398 : memref<1x8x8x129xf32, #tpu.memory_space<vmem>> -> memref<8x8x129xf32, #tpu.memory_space<vmem>>
        tpu.vector_store_idx %scatter3A_1399[%select_n3A, %select_n3A_151, %broadcast_in_dim3A_1241], %get3A_1341 : memref<8x8x129xf32, #tpu.memory_space<vmem>>[vector<16xi32>, vector<16xi32>, vector<16xi32>], vector<16xf32>,
        %add3A_1400 = arith.constant 3 : i32
        %add3A_1401 = arith.addi %add3A_1233, %add3A_1400 : i32
        %get3A_1402 = arith.constant 0 : i32
        %get3A_1403 = arith.index_cast %get3A_1402 : i32 to index
        %get3A_1404 = arith.index_cast %add3A_1401 : i32 to index
        %get3A_1405 = arith.constant 16 : index
        %get3A_1406 = tpu.vector_load %arg7[%get3A_1403, %get3A_1404, %get3A_1405] {strides = array<i32>} : memref<5x128x64xf32, #tpu.memory_space<vmem>>, vector<16xf32>,
        %scatter3A_1407 = arith.constant 0 : i32
        %scatter3A_1408 = arith.constant 0 : i32
        %scatter3A_1409 = arith.constant 0 : i32
        %scatter3A_1410 = arith.constant 0 : i32
        %scatter3A_1411 = tpu.memref_slice %arg8[%scatter3A_1407, %scatter3A_1408, %scatter3A_1409, %scatter3A_1410] : memref<5x8x8x129xf32, #tpu.memory_space<vmem>> -> memref<1x8x8x129xf32, #tpu.memory_space<vmem>>
        %scatter3A_1412 = tpu.memref_squeeze %scatter3A_1411 : memref<1x8x8x129xf32, #tpu.memory_space<vmem>> -> memref<8x8x129xf32, #tpu.memory_space<vmem>>
        tpu.vector_store_idx %scatter3A_1412[%select_n3A_60, %select_n3A_176, %broadcast_in_dim3A_1241], %get3A_1354 : memref<8x8x129xf32, #tpu.memory_space<vmem>>[vector<16xi32>, vector<16xi32>, vector<16xi32>], vector<16xf32>,
        %add3A_1413 = arith.constant 3 : i32
        %add3A_1414 = arith.addi %add3A_1233, %add3A_1413 : i32
        %get3A_1415 = arith.constant 0 : i32
        %get3A_1416 = arith.index_cast %get3A_1415 : i32 to index
        %get3A_1417 = arith.index_cast %add3A_1414 : i32 to index
        %get3A_1418 = arith.constant 32 : index
        %get3A_1419 = tpu.vector_load %arg7[%get3A_1416, %get3A_1417, %get3A_1418] {strides = array<i32>} : memref<5x128x64xf32, #tpu.memory_space<vmem>>, vector<16xf32>,
        %scatter3A_1420 = arith.constant 0 : i32
        %scatter3A_1421 = arith.constant 0 : i32
        %scatter3A_1422 = arith.constant 0 : i32
        %scatter3A_1423 = arith.constant 0 : i32
        %scatter3A_1424 = tpu.memref_slice %arg8[%scatter3A_1420, %scatter3A_1421, %scatter3A_1422, %scatter3A_1423] : memref<5x8x8x129xf32, #tpu.memory_space<vmem>> -> memref<1x8x8x129xf32, #tpu.memory_space<vmem>>
        %scatter3A_1425 = tpu.memref_squeeze %scatter3A_1424 : memref<1x8x8x129xf32, #tpu.memory_space<vmem>> -> memref<8x8x129xf32, #tpu.memory_space<vmem>>
        tpu.vector_store_idx %scatter3A_1425[%select_n3A_94, %select_n3A_201, %broadcast_in_dim3A_1241], %get3A_1367 : memref<8x8x129xf32, #tpu.memory_space<vmem>>[vector<16xi32>, vector<16xi32>, vector<16xi32>], vector<16xf32>,
        %add3A_1426 = arith.constant 3 : i32
        %add3A_1427 = arith.addi %add3A_1233, %add3A_1426 : i32
        %get3A_1428 = arith.constant 0 : i32
        %get3A_1429 = arith.index_cast %get3A_1428 : i32 to index
        %get3A_1430 = arith.index_cast %add3A_1427 : i32 to index
        %get3A_1431 = arith.constant 48 : index
        %get3A_1432 = tpu.vector_load %arg7[%get3A_1429, %get3A_1430, %get3A_1431] {strides = array<i32>} : memref<5x128x64xf32, #tpu.memory_space<vmem>>, vector<16xf32>,
        %scatter3A_1433 = arith.constant 0 : i32
        %scatter3A_1434 = arith.constant 0 : i32
        %scatter3A_1435 = arith.constant 0 : i32
        %scatter3A_1436 = arith.constant 0 : i32
        %scatter3A_1437 = tpu.memref_slice %arg8[%scatter3A_1433, %scatter3A_1434, %scatter3A_1435, %scatter3A_1436] : memref<5x8x8x129xf32, #tpu.memory_space<vmem>> -> memref<1x8x8x129xf32, #tpu.memory_space<vmem>>
        %scatter3A_1438 = tpu.memref_squeeze %scatter3A_1437 : memref<1x8x8x129xf32, #tpu.memory_space<vmem>> -> memref<8x8x129xf32, #tpu.memory_space<vmem>>
        tpu.vector_store_idx %scatter3A_1438[%select_n3A_128, %select_n3A_226, %broadcast_in_dim3A_1241], %get3A_1380 : memref<8x8x129xf32, #tpu.memory_space<vmem>>[vector<16xi32>, vector<16xi32>, vector<16xi32>], vector<16xf32>,
        %add3A_1439 = arith.constant 4 : i32
        %add3A_1440 = arith.addi %add3A_1233, %add3A_1439 : i32
        %get3A_1441 = arith.constant 0 : i32
        %get3A_1442 = arith.index_cast %get3A_1441 : i32 to index
        %get3A_1443 = arith.index_cast %add3A_1440 : i32 to index
        %get3A_1444 = arith.constant 0 : index
        %get3A_1445 = tpu.vector_load %arg7[%get3A_1442, %get3A_1443, %get3A_1444] {strides = array<i32>} : memref<5x128x64xf32, #tpu.memory_space<vmem>>, vector<16xf32>,
        %scatter3A_1446 = arith.constant 0 : i32
        %scatter3A_1447 = arith.constant 0 : i32
        %scatter3A_1448 = arith.constant 0 : i32
        %scatter3A_1449 = arith.constant 0 : i32
        %scatter3A_1450 = tpu.memref_slice %arg8[%scatter3A_1446, %scatter3A_1447, %scatter3A_1448, %scatter3A_1449] : memref<5x8x8x129xf32, #tpu.memory_space<vmem>> -> memref<1x8x8x129xf32, #tpu.memory_space<vmem>>
        %scatter3A_1451 = tpu.memref_squeeze %scatter3A_1450 : memref<1x8x8x129xf32, #tpu.memory_space<vmem>> -> memref<8x8x129xf32, #tpu.memory_space<vmem>>
        tpu.vector_store_idx %scatter3A_1451[%select_n3A, %select_n3A_151, %broadcast_in_dim3A_1244], %get3A_1393 : memref<8x8x129xf32, #tpu.memory_space<vmem>>[vector<16xi32>, vector<16xi32>, vector<16xi32>], vector<16xf32>,
        %add3A_1452 = arith.constant 4 : i32
        %add3A_1453 = arith.addi %add3A_1233, %add3A_1452 : i32
        %get3A_1454 = arith.constant 0 : i32
        %get3A_1455 = arith.index_cast %get3A_1454 : i32 to index
        %get3A_1456 = arith.index_cast %add3A_1453 : i32 to index
        %get3A_1457 = arith.constant 16 : index
        %get3A_1458 = tpu.vector_load %arg7[%get3A_1455, %get3A_1456, %get3A_1457] {strides = array<i32>} : memref<5x128x64xf32, #tpu.memory_space<vmem>>, vector<16xf32>,
        %scatter3A_1459 = arith.constant 0 : i32
        %scatter3A_1460 = arith.constant 0 : i32
        %scatter3A_1461 = arith.constant 0 : i32
        %scatter3A_1462 = arith.constant 0 : i32
        %scatter3A_1463 = tpu.memref_slice %arg8[%scatter3A_1459, %scatter3A_1460, %scatter3A_1461, %scatter3A_1462] : memref<5x8x8x129xf32, #tpu.memory_space<vmem>> -> memref<1x8x8x129xf32, #tpu.memory_space<vmem>>
        %scatter3A_1464 = tpu.memref_squeeze %scatter3A_1463 : memref<1x8x8x129xf32, #tpu.memory_space<vmem>> -> memref<8x8x129xf32, #tpu.memory_space<vmem>>
        tpu.vector_store_idx %scatter3A_1464[%select_n3A_60, %select_n3A_176, %broadcast_in_dim3A_1244], %get3A_1406 : memref<8x8x129xf32, #tpu.memory_space<vmem>>[vector<16xi32>, vector<16xi32>, vector<16xi32>], vector<16xf32>,
        %add3A_1465 = arith.constant 4 : i32
        %add3A_1466 = arith.addi %add3A_1233, %add3A_1465 : i32
        %get3A_1467 = arith.constant 0 : i32
        %get3A_1468 = arith.index_cast %get3A_1467 : i32 to index
        %get3A_1469 = arith.index_cast %add3A_1466 : i32 to index
        %get3A_1470 = arith.constant 32 : index
        %get3A_1471 = tpu.vector_load %arg7[%get3A_1468, %get3A_1469, %get3A_1470] {strides = array<i32>} : memref<5x128x64xf32, #tpu.memory_space<vmem>>, vector<16xf32>,
        %scatter3A_1472 = arith.constant 0 : i32
        %scatter3A_1473 = arith.constant 0 : i32
        %scatter3A_1474 = arith.constant 0 : i32
        %scatter3A_1475 = arith.constant 0 : i32
        %scatter3A_1476 = tpu.memref_slice %arg8[%scatter3A_1472, %scatter3A_1473, %scatter3A_1474, %scatter3A_1475] : memref<5x8x8x129xf32, #tpu.memory_space<vmem>> -> memref<1x8x8x129xf32, #tpu.memory_space<vmem>>
        %scatter3A_1477 = tpu.memref_squeeze %scatter3A_1476 : memref<1x8x8x129xf32, #tpu.memory_space<vmem>> -> memref<8x8x129xf32, #tpu.memory_space<vmem>>
        tpu.vector_store_idx %scatter3A_1477[%select_n3A_94, %select_n3A_201, %broadcast_in_dim3A_1244], %get3A_1419 : memref<8x8x129xf32, #tpu.memory_space<vmem>>[vector<16xi32>, vector<16xi32>, vector<16xi32>], vector<16xf32>,
        %add3A_1478 = arith.constant 4 : i32
        %add3A_1479 = arith.addi %add3A_1233, %add3A_1478 : i32
        %get3A_1480 = arith.constant 0 : i32
        %get3A_1481 = arith.index_cast %get3A_1480 : i32 to index
        %get3A_1482 = arith.index_cast %add3A_1479 : i32 to index
        %get3A_1483 = arith.constant 48 : index
        %get3A_1484 = tpu.vector_load %arg7[%get3A_1481, %get3A_1482, %get3A_1483] {strides = array<i32>} : memref<5x128x64xf32, #tpu.memory_space<vmem>>, vector<16xf32>,
        %scatter3A_1485 = arith.constant 0 : i32
        %scatter3A_1486 = arith.constant 0 : i32
        %scatter3A_1487 = arith.constant 0 : i32
        %scatter3A_1488 = arith.constant 0 : i32
        %scatter3A_1489 = tpu.memref_slice %arg8[%scatter3A_1485, %scatter3A_1486, %scatter3A_1487, %scatter3A_1488] : memref<5x8x8x129xf32, #tpu.memory_space<vmem>> -> memref<1x8x8x129xf32, #tpu.memory_space<vmem>>
        %scatter3A_1490 = tpu.memref_squeeze %scatter3A_1489 : memref<1x8x8x129xf32, #tpu.memory_space<vmem>> -> memref<8x8x129xf32, #tpu.memory_space<vmem>>
        tpu.vector_store_idx %scatter3A_1490[%select_n3A_128, %select_n3A_226, %broadcast_in_dim3A_1244], %get3A_1432 : memref<8x8x129xf32, #tpu.memory_space<vmem>>[vector<16xi32>, vector<16xi32>, vector<16xi32>], vector<16xf32>,
        %add3A_1491 = arith.constant 5 : i32
        %add3A_1492 = arith.addi %add3A_1233, %add3A_1491 : i32
        %get3A_1493 = arith.constant 0 : i32
        %get3A_1494 = arith.index_cast %get3A_1493 : i32 to index
        %get3A_1495 = arith.index_cast %add3A_1492 : i32 to index
        %get3A_1496 = arith.constant 0 : index
        %get3A_1497 = tpu.vector_load %arg7[%get3A_1494, %get3A_1495, %get3A_1496] {strides = array<i32>} : memref<5x128x64xf32, #tpu.memory_space<vmem>>, vector<16xf32>,
        %scatter3A_1498 = arith.constant 0 : i32
        %scatter3A_1499 = arith.constant 0 : i32
        %scatter3A_1500 = arith.constant 0 : i32
        %scatter3A_1501 = arith.constant 0 : i32
        %scatter3A_1502 = tpu.memref_slice %arg8[%scatter3A_1498, %scatter3A_1499, %scatter3A_1500, %scatter3A_1501] : memref<5x8x8x129xf32, #tpu.memory_space<vmem>> -> memref<1x8x8x129xf32, #tpu.memory_space<vmem>>
        %scatter3A_1503 = tpu.memref_squeeze %scatter3A_1502 : memref<1x8x8x129xf32, #tpu.memory_space<vmem>> -> memref<8x8x129xf32, #tpu.memory_space<vmem>>
        tpu.vector_store_idx %scatter3A_1503[%select_n3A, %select_n3A_151, %broadcast_in_dim3A_1247], %get3A_1445 : memref<8x8x129xf32, #tpu.memory_space<vmem>>[vector<16xi32>, vector<16xi32>, vector<16xi32>], vector<16xf32>,
        %add3A_1504 = arith.constant 5 : i32
        %add3A_1505 = arith.addi %add3A_1233, %add3A_1504 : i32
        %get3A_1506 = arith.constant 0 : i32
        %get3A_1507 = arith.index_cast %get3A_1506 : i32 to index
        %get3A_1508 = arith.index_cast %add3A_1505 : i32 to index
        %get3A_1509 = arith.constant 16 : index
        %get3A_1510 = tpu.vector_load %arg7[%get3A_1507, %get3A_1508, %get3A_1509] {strides = array<i32>} : memref<5x128x64xf32, #tpu.memory_space<vmem>>, vector<16xf32>,
        %scatter3A_1511 = arith.constant 0 : i32
        %scatter3A_1512 = arith.constant 0 : i32
        %scatter3A_1513 = arith.constant 0 : i32
        %scatter3A_1514 = arith.constant 0 : i32
        %scatter3A_1515 = tpu.memref_slice %arg8[%scatter3A_1511, %scatter3A_1512, %scatter3A_1513, %scatter3A_1514] : memref<5x8x8x129xf32, #tpu.memory_space<vmem>> -> memref<1x8x8x129xf32, #tpu.memory_space<vmem>>
        %scatter3A_1516 = tpu.memref_squeeze %scatter3A_1515 : memref<1x8x8x129xf32, #tpu.memory_space<vmem>> -> memref<8x8x129xf32, #tpu.memory_space<vmem>>
        tpu.vector_store_idx %scatter3A_1516[%select_n3A_60, %select_n3A_176, %broadcast_in_dim3A_1247], %get3A_1458 : memref<8x8x129xf32, #tpu.memory_space<vmem>>[vector<16xi32>, vector<16xi32>, vector<16xi32>], vector<16xf32>,
        %add3A_1517 = arith.constant 5 : i32
        %add3A_1518 = arith.addi %add3A_1233, %add3A_1517 : i32
        %get3A_1519 = arith.constant 0 : i32
        %get3A_1520 = arith.index_cast %get3A_1519 : i32 to index
        %get3A_1521 = arith.index_cast %add3A_1518 : i32 to index
        %get3A_1522 = arith.constant 32 : index
        %get3A_1523 = tpu.vector_load %arg7[%get3A_1520, %get3A_1521, %get3A_1522] {strides = array<i32>} : memref<5x128x64xf32, #tpu.memory_space<vmem>>, vector<16xf32>,
        %scatter3A_1524 = arith.constant 0 : i32
        %scatter3A_1525 = arith.constant 0 : i32
        %scatter3A_1526 = arith.constant 0 : i32
        %scatter3A_1527 = arith.constant 0 : i32
        %scatter3A_1528 = tpu.memref_slice %arg8[%scatter3A_1524, %scatter3A_1525, %scatter3A_1526, %scatter3A_1527] : memref<5x8x8x129xf32, #tpu.memory_space<vmem>> -> memref<1x8x8x129xf32, #tpu.memory_space<vmem>>
        %scatter3A_1529 = tpu.memref_squeeze %scatter3A_1528 : memref<1x8x8x129xf32, #tpu.memory_space<vmem>> -> memref<8x8x129xf32, #tpu.memory_space<vmem>>
        tpu.vector_store_idx %scatter3A_1529[%select_n3A_94, %select_n3A_201, %broadcast_in_dim3A_1247], %get3A_1471 : memref<8x8x129xf32, #tpu.memory_space<vmem>>[vector<16xi32>, vector<16xi32>, vector<16xi32>], vector<16xf32>,
        %add3A_1530 = arith.constant 5 : i32
        %add3A_1531 = arith.addi %add3A_1233, %add3A_1530 : i32
        %get3A_1532 = arith.constant 0 : i32
        %get3A_1533 = arith.index_cast %get3A_1532 : i32 to index
        %get3A_1534 = arith.index_cast %add3A_1531 : i32 to index
        %get3A_1535 = arith.constant 48 : index
        %get3A_1536 = tpu.vector_load %arg7[%get3A_1533, %get3A_1534, %get3A_1535] {strides = array<i32>} : memref<5x128x64xf32, #tpu.memory_space<vmem>>, vector<16xf32>,
        %scatter3A_1537 = arith.constant 0 : i32
        %scatter3A_1538 = arith.constant 0 : i32
        %scatter3A_1539 = arith.constant 0 : i32
        %scatter3A_1540 = arith.constant 0 : i32
        %scatter3A_1541 = tpu.memref_slice %arg8[%scatter3A_1537, %scatter3A_1538, %scatter3A_1539, %scatter3A_1540] : memref<5x8x8x129xf32, #tpu.memory_space<vmem>> -> memref<1x8x8x129xf32, #tpu.memory_space<vmem>>
        %scatter3A_1542 = tpu.memref_squeeze %scatter3A_1541 : memref<1x8x8x129xf32, #tpu.memory_space<vmem>> -> memref<8x8x129xf32, #tpu.memory_space<vmem>>
        tpu.vector_store_idx %scatter3A_1542[%select_n3A_128, %select_n3A_226, %broadcast_in_dim3A_1247], %get3A_1484 : memref<8x8x129xf32, #tpu.memory_space<vmem>>[vector<16xi32>, vector<16xi32>, vector<16xi32>], vector<16xf32>,
        %add3A_1543 = arith.constant 6 : i32
        %add3A_1544 = arith.addi %add3A_1233, %add3A_1543 : i32
        %get3A_1545 = arith.constant 0 : i32
        %get3A_1546 = arith.index_cast %get3A_1545 : i32 to index
        %get3A_1547 = arith.index_cast %add3A_1544 : i32 to index
        %get3A_1548 = arith.constant 0 : index
        %get3A_1549 = tpu.vector_load %arg7[%get3A_1546, %get3A_1547, %get3A_1548] {strides = array<i32>} : memref<5x128x64xf32, #tpu.memory_space<vmem>>, vector<16xf32>,
        %scatter3A_1550 = arith.constant 0 : i32
        %scatter3A_1551 = arith.constant 0 : i32
        %scatter3A_1552 = arith.constant 0 : i32
        %scatter3A_1553 = arith.constant 0 : i32
        %scatter3A_1554 = tpu.memref_slice %arg8[%scatter3A_1550, %scatter3A_1551, %scatter3A_1552, %scatter3A_1553] : memref<5x8x8x129xf32, #tpu.memory_space<vmem>> -> memref<1x8x8x129xf32, #tpu.memory_space<vmem>>
        %scatter3A_1555 = tpu.memref_squeeze %scatter3A_1554 : memref<1x8x8x129xf32, #tpu.memory_space<vmem>> -> memref<8x8x129xf32, #tpu.memory_space<vmem>>
        tpu.vector_store_idx %scatter3A_1555[%select_n3A, %select_n3A_151, %broadcast_in_dim3A_1250], %get3A_1497 : memref<8x8x129xf32, #tpu.memory_space<vmem>>[vector<16xi32>, vector<16xi32>, vector<16xi32>], vector<16xf32>,
        %add3A_1556 = arith.constant 6 : i32
        %add3A_1557 = arith.addi %add3A_1233, %add3A_1556 : i32
        %get3A_1558 = arith.constant 0 : i32
        %get3A_1559 = arith.index_cast %get3A_1558 : i32 to index
        %get3A_1560 = arith.index_cast %add3A_1557 : i32 to index
        %get3A_1561 = arith.constant 16 : index
        %get3A_1562 = tpu.vector_load %arg7[%get3A_1559, %get3A_1560, %get3A_1561] {strides = array<i32>} : memref<5x128x64xf32, #tpu.memory_space<vmem>>, vector<16xf32>,
        %scatter3A_1563 = arith.constant 0 : i32
        %scatter3A_1564 = arith.constant 0 : i32
        %scatter3A_1565 = arith.constant 0 : i32
        %scatter3A_1566 = arith.constant 0 : i32
        %scatter3A_1567 = tpu.memref_slice %arg8[%scatter3A_1563, %scatter3A_1564, %scatter3A_1565, %scatter3A_1566] : memref<5x8x8x129xf32, #tpu.memory_space<vmem>> -> memref<1x8x8x129xf32, #tpu.memory_space<vmem>>
        %scatter3A_1568 = tpu.memref_squeeze %scatter3A_1567 : memref<1x8x8x129xf32, #tpu.memory_space<vmem>> -> memref<8x8x129xf32, #tpu.memory_space<vmem>>
        tpu.vector_store_idx %scatter3A_1568[%select_n3A_60, %select_n3A_176, %broadcast_in_dim3A_1250], %get3A_1510 : memref<8x8x129xf32, #tpu.memory_space<vmem>>[vector<16xi32>, vector<16xi32>, vector<16xi32>], vector<16xf32>,
        %add3A_1569 = arith.constant 6 : i32
        %add3A_1570 = arith.addi %add3A_1233, %add3A_1569 : i32
        %get3A_1571 = arith.constant 0 : i32
        %get3A_1572 = arith.index_cast %get3A_1571 : i32 to index
        %get3A_1573 = arith.index_cast %add3A_1570 : i32 to index
        %get3A_1574 = arith.constant 32 : index
        %get3A_1575 = tpu.vector_load %arg7[%get3A_1572, %get3A_1573, %get3A_1574] {strides = array<i32>} : memref<5x128x64xf32, #tpu.memory_space<vmem>>, vector<16xf32>,
        %scatter3A_1576 = arith.constant 0 : i32
        %scatter3A_1577 = arith.constant 0 : i32
        %scatter3A_1578 = arith.constant 0 : i32
        %scatter3A_1579 = arith.constant 0 : i32
        %scatter3A_1580 = tpu.memref_slice %arg8[%scatter3A_1576, %scatter3A_1577, %scatter3A_1578, %scatter3A_1579] : memref<5x8x8x129xf32, #tpu.memory_space<vmem>> -> memref<1x8x8x129xf32, #tpu.memory_space<vmem>>
        %scatter3A_1581 = tpu.memref_squeeze %scatter3A_1580 : memref<1x8x8x129xf32, #tpu.memory_space<vmem>> -> memref<8x8x129xf32, #tpu.memory_space<vmem>>
        tpu.vector_store_idx %scatter3A_1581[%select_n3A_94, %select_n3A_201, %broadcast_in_dim3A_1250], %get3A_1523 : memref<8x8x129xf32, #tpu.memory_space<vmem>>[vector<16xi32>, vector<16xi32>, vector<16xi32>], vector<16xf32>,
        %add3A_1582 = arith.constant 6 : i32
        %add3A_1583 = arith.addi %add3A_1233, %add3A_1582 : i32
        %get3A_1584 = arith.constant 0 : i32
        %get3A_1585 = arith.index_cast %get3A_1584 : i32 to index
        %get3A_1586 = arith.index_cast %add3A_1583 : i32 to index
        %get3A_1587 = arith.constant 48 : index
        %get3A_1588 = tpu.vector_load %arg7[%get3A_1585, %get3A_1586, %get3A_1587] {strides = array<i32>} : memref<5x128x64xf32, #tpu.memory_space<vmem>>, vector<16xf32>,
        %scatter3A_1589 = arith.constant 0 : i32
        %scatter3A_1590 = arith.constant 0 : i32
        %scatter3A_1591 = arith.constant 0 : i32
        %scatter3A_1592 = arith.constant 0 : i32
        %scatter3A_1593 = tpu.memref_slice %arg8[%scatter3A_1589, %scatter3A_1590, %scatter3A_1591, %scatter3A_1592] : memref<5x8x8x129xf32, #tpu.memory_space<vmem>> -> memref<1x8x8x129xf32, #tpu.memory_space<vmem>>
        %scatter3A_1594 = tpu.memref_squeeze %scatter3A_1593 : memref<1x8x8x129xf32, #tpu.memory_space<vmem>> -> memref<8x8x129xf32, #tpu.memory_space<vmem>>
        tpu.vector_store_idx %scatter3A_1594[%select_n3A_128, %select_n3A_226, %broadcast_in_dim3A_1250], %get3A_1536 : memref<8x8x129xf32, #tpu.memory_space<vmem>>[vector<16xi32>, vector<16xi32>, vector<16xi32>], vector<16xf32>,
        %add3A_1595 = arith.constant 7 : i32
        %add3A_1596 = arith.addi %add3A_1233, %add3A_1595 : i32
        %get3A_1597 = arith.constant 0 : i32
        %get3A_1598 = arith.index_cast %get3A_1597 : i32 to index
        %get3A_1599 = arith.index_cast %add3A_1596 : i32 to index
        %get3A_1600 = arith.constant 0 : index
        %get3A_1601 = tpu.vector_load %arg7[%get3A_1598, %get3A_1599, %get3A_1600] {strides = array<i32>} : memref<5x128x64xf32, #tpu.memory_space<vmem>>, vector<16xf32>,
        %scatter3A_1602 = arith.constant 0 : i32
        %scatter3A_1603 = arith.constant 0 : i32
        %scatter3A_1604 = arith.constant 0 : i32
        %scatter3A_1605 = arith.constant 0 : i32
        %scatter3A_1606 = tpu.memref_slice %arg8[%scatter3A_1602, %scatter3A_1603, %scatter3A_1604, %scatter3A_1605] : memref<5x8x8x129xf32, #tpu.memory_space<vmem>> -> memref<1x8x8x129xf32, #tpu.memory_space<vmem>>
        %scatter3A_1607 = tpu.memref_squeeze %scatter3A_1606 : memref<1x8x8x129xf32, #tpu.memory_space<vmem>> -> memref<8x8x129xf32, #tpu.memory_space<vmem>>
        tpu.vector_store_idx %scatter3A_1607[%select_n3A, %select_n3A_151, %broadcast_in_dim3A_1253], %get3A_1549 : memref<8x8x129xf32, #tpu.memory_space<vmem>>[vector<16xi32>, vector<16xi32>, vector<16xi32>], vector<16xf32>,
        %add3A_1608 = arith.constant 7 : i32
        %add3A_1609 = arith.addi %add3A_1233, %add3A_1608 : i32
        %get3A_1610 = arith.constant 0 : i32
        %get3A_1611 = arith.index_cast %get3A_1610 : i32 to index
        %get3A_1612 = arith.index_cast %add3A_1609 : i32 to index
        %get3A_1613 = arith.constant 16 : index
        %get3A_1614 = tpu.vector_load %arg7[%get3A_1611, %get3A_1612, %get3A_1613] {strides = array<i32>} : memref<5x128x64xf32, #tpu.memory_space<vmem>>, vector<16xf32>,
        %scatter3A_1615 = arith.constant 0 : i32
        %scatter3A_1616 = arith.constant 0 : i32
        %scatter3A_1617 = arith.constant 0 : i32
        %scatter3A_1618 = arith.constant 0 : i32
        %scatter3A_1619 = tpu.memref_slice %arg8[%scatter3A_1615, %scatter3A_1616, %scatter3A_1617, %scatter3A_1618] : memref<5x8x8x129xf32, #tpu.memory_space<vmem>> -> memref<1x8x8x129xf32, #tpu.memory_space<vmem>>
        %scatter3A_1620 = tpu.memref_squeeze %scatter3A_1619 : memref<1x8x8x129xf32, #tpu.memory_space<vmem>> -> memref<8x8x129xf32, #tpu.memory_space<vmem>>
        tpu.vector_store_idx %scatter3A_1620[%select_n3A_60, %select_n3A_176, %broadcast_in_dim3A_1253], %get3A_1562 : memref<8x8x129xf32, #tpu.memory_space<vmem>>[vector<16xi32>, vector<16xi32>, vector<16xi32>], vector<16xf32>,
        %add3A_1621 = arith.constant 7 : i32
        %add3A_1622 = arith.addi %add3A_1233, %add3A_1621 : i32
        %get3A_1623 = arith.constant 0 : i32
        %get3A_1624 = arith.index_cast %get3A_1623 : i32 to index
        %get3A_1625 = arith.index_cast %add3A_1622 : i32 to index
        %get3A_1626 = arith.constant 32 : index
        %get3A_1627 = tpu.vector_load %arg7[%get3A_1624, %get3A_1625, %get3A_1626] {strides = array<i32>} : memref<5x128x64xf32, #tpu.memory_space<vmem>>, vector<16xf32>,
        %scatter3A_1628 = arith.constant 0 : i32
        %scatter3A_1629 = arith.constant 0 : i32
        %scatter3A_1630 = arith.constant 0 : i32
        %scatter3A_1631 = arith.constant 0 : i32
        %scatter3A_1632 = tpu.memref_slice %arg8[%scatter3A_1628, %scatter3A_1629, %scatter3A_1630, %scatter3A_1631] : memref<5x8x8x129xf32, #tpu.memory_space<vmem>> -> memref<1x8x8x129xf32, #tpu.memory_space<vmem>>
        %scatter3A_1633 = tpu.memref_squeeze %scatter3A_1632 : memref<1x8x8x129xf32, #tpu.memory_space<vmem>> -> memref<8x8x129xf32, #tpu.memory_space<vmem>>
        tpu.vector_store_idx %scatter3A_1633[%select_n3A_94, %select_n3A_201, %broadcast_in_dim3A_1253], %get3A_1575 : memref<8x8x129xf32, #tpu.memory_space<vmem>>[vector<16xi32>, vector<16xi32>, vector<16xi32>], vector<16xf32>,
        %add3A_1634 = arith.constant 7 : i32
        %add3A_1635 = arith.addi %add3A_1233, %add3A_1634 : i32
        %get3A_1636 = arith.constant 0 : i32
        %get3A_1637 = arith.index_cast %get3A_1636 : i32 to index
        %get3A_1638 = arith.index_cast %add3A_1635 : i32 to index
        %get3A_1639 = arith.constant 48 : index
        %get3A_1640 = tpu.vector_load %arg7[%get3A_1637, %get3A_1638, %get3A_1639] {strides = array<i32>} : memref<5x128x64xf32, #tpu.memory_space<vmem>>, vector<16xf32>,
        %scatter3A_1641 = arith.constant 0 : i32
        %scatter3A_1642 = arith.constant 0 : i32
        %scatter3A_1643 = arith.constant 0 : i32
        %scatter3A_1644 = arith.constant 0 : i32
        %scatter3A_1645 = tpu.memref_slice %arg8[%scatter3A_1641, %scatter3A_1642, %scatter3A_1643, %scatter3A_1644] : memref<5x8x8x129xf32, #tpu.memory_space<vmem>> -> memref<1x8x8x129xf32, #tpu.memory_space<vmem>>
        %scatter3A_1646 = tpu.memref_squeeze %scatter3A_1645 : memref<1x8x8x129xf32, #tpu.memory_space<vmem>> -> memref<8x8x129xf32, #tpu.memory_space<vmem>>
        tpu.vector_store_idx %scatter3A_1646[%select_n3A_128, %select_n3A_226, %broadcast_in_dim3A_1253], %get3A_1588 : memref<8x8x129xf32, #tpu.memory_space<vmem>>[vector<16xi32>, vector<16xi32>, vector<16xi32>], vector<16xf32>,
        %scatter3A_1647 = arith.constant 0 : i32
        %scatter3A_1648 = arith.constant 0 : i32
        %scatter3A_1649 = arith.constant 0 : i32
        %scatter3A_1650 = arith.constant 0 : i32
        %scatter3A_1651 = tpu.memref_slice %arg8[%scatter3A_1647, %scatter3A_1648, %scatter3A_1649, %scatter3A_1650] : memref<5x8x8x129xf32, #tpu.memory_space<vmem>> -> memref<1x8x8x129xf32, #tpu.memory_space<vmem>>
        %scatter3A_1652 = tpu.memref_squeeze %scatter3A_1651 : memref<1x8x8x129xf32, #tpu.memory_space<vmem>> -> memref<8x8x129xf32, #tpu.memory_space<vmem>>
        tpu.vector_store_idx %scatter3A_1652[%select_n3A, %select_n3A_151, %broadcast_in_dim3A_1256], %get3A_1601 : memref<8x8x129xf32, #tpu.memory_space<vmem>>[vector<16xi32>, vector<16xi32>, vector<16xi32>], vector<16xf32>,
        %scatter3A_1653 = arith.constant 0 : i32
        %scatter3A_1654 = arith.constant 0 : i32
        %scatter3A_1655 = arith.constant 0 : i32
        %scatter3A_1656 = arith.constant 0 : i32
        %scatter3A_1657 = tpu.memref_slice %arg8[%scatter3A_1653, %scatter3A_1654, %scatter3A_1655, %scatter3A_1656] : memref<5x8x8x129xf32, #tpu.memory_space<vmem>> -> memref<1x8x8x129xf32, #tpu.memory_space<vmem>>
        %scatter3A_1658 = tpu.memref_squeeze %scatter3A_1657 : memref<1x8x8x129xf32, #tpu.memory_space<vmem>> -> memref<8x8x129xf32, #tpu.memory_space<vmem>>
        tpu.vector_store_idx %scatter3A_1658[%select_n3A_60, %select_n3A_176, %broadcast_in_dim3A_1256], %get3A_1614 : memref<8x8x129xf32, #tpu.memory_space<vmem>>[vector<16xi32>, vector<16xi32>, vector<16xi32>], vector<16xf32>,
        %scatter3A_1659 = arith.constant 0 : i32
        %scatter3A_1660 = arith.constant 0 : i32
        %scatter3A_1661 = arith.constant 0 : i32
        %scatter3A_1662 = arith.constant 0 : i32
        %scatter3A_1663 = tpu.memref_slice %arg8[%scatter3A_1659, %scatter3A_1660, %scatter3A_1661, %scatter3A_1662] : memref<5x8x8x129xf32, #tpu.memory_space<vmem>> -> memref<1x8x8x129xf32, #tpu.memory_space<vmem>>
        %scatter3A_1664 = tpu.memref_squeeze %scatter3A_1663 : memref<1x8x8x129xf32, #tpu.memory_space<vmem>> -> memref<8x8x129xf32, #tpu.memory_space<vmem>>
        tpu.vector_store_idx %scatter3A_1664[%select_n3A_94, %select_n3A_201, %broadcast_in_dim3A_1256], %get3A_1627 : memref<8x8x129xf32, #tpu.memory_space<vmem>>[vector<16xi32>, vector<16xi32>, vector<16xi32>], vector<16xf32>,
        %scatter3A_1665 = arith.constant 0 : i32
        %scatter3A_1666 = arith.constant 0 : i32
        %scatter3A_1667 = arith.constant 0 : i32
        %scatter3A_1668 = arith.constant 0 : i32
        %scatter3A_1669 = tpu.memref_slice %arg8[%scatter3A_1665, %scatter3A_1666, %scatter3A_1667, %scatter3A_1668] : memref<5x8x8x129xf32, #tpu.memory_space<vmem>> -> memref<1x8x8x129xf32, #tpu.memory_space<vmem>>
        %scatter3A_1670 = tpu.memref_squeeze %scatter3A_1669 : memref<1x8x8x129xf32, #tpu.memory_space<vmem>> -> memref<8x8x129xf32, #tpu.memory_space<vmem>>
        tpu.vector_store_idx %scatter3A_1670[%select_n3A_128, %select_n3A_226, %broadcast_in_dim3A_1256], %get3A_1640 : memref<8x8x129xf32, #tpu.memory_space<vmem>>[vector<16xi32>, vector<16xi32>, vector<16xi32>], vector<16xf32>,
      }
      %scan3A_984 = arith.constant 16 : i32
      %dma_start3A_985 = arith.constant 0 : i32
      %dma_start3A_986 = arith.constant 0 : i32
      %dma_start3A_987 = arith.constant 0 : i32
      %dma_start3A_988 = arith.constant 0 : i32
      %dma_start3A_989 = tpu.memref_slice %arg8[%dma_start3A_985, %dma_start3A_986, %dma_start3A_987, %dma_start3A_988] : memref<5x8x8x129xf32, #tpu.memory_space<vmem>> -> memref<1x8x8x128xf32, #tpu.memory_space<vmem>>
      %dma_start3A_990 = tpu.memref_squeeze %dma_start3A_989 : memref<1x8x8x128xf32, #tpu.memory_space<vmem>> -> memref<8x8x128xf32, #tpu.memory_space<vmem>>
      %dma_start3A_991 = arith.constant 0 : i32
      %dma_start3A_992 = arith.constant 0 : i32
      %dma_start3A_993 = arith.constant 0 : i32
      %dma_start3A_994 = tpu.memref_slice %arg4[%add3A_965, %dma_start3A_991, %add3A, %dma_start3A_992, %dma_start3A_993] : memref<50x8x32x8x128xf32, #tpu.memory_space<hbm>> -> memref<1x8x1x8x128xf32, #tpu.memory_space<hbm>>
      %dma_start3A_995 = tpu.memref_squeeze %dma_start3A_994 : memref<1x8x1x8x128xf32, #tpu.memory_space<hbm>> -> memref<8x8x128xf32, #tpu.memory_space<hbm>>
      %dma_start3A_996 = arith.constant 0 : i32
      %dma_start3A_997 = arith.constant 0 : i32
      %dma_start3A_998 = arith.constant 0 : i32
      %dma_start3A_999 = tpu.memref_slice %arg4[%add3A_965, %dma_start3A_996, %add3A, %dma_start3A_997, %dma_start3A_998] : memref<50x8x32x8x128xf32, #tpu.memory_space<hbm>> -> memref<1x8x1x8x128xf32, #tpu.memory_space<hbm>>
      %dma_start3A_1000 = tpu.memref_squeeze %dma_start3A_999 : memref<1x8x1x8x128xf32, #tpu.memory_space<hbm>> -> memref<8x8x128xf32, #tpu.memory_space<hbm>>
      %dma_start3A_1001 = arith.constant 0 : i32
      %dma_start3A_1002 = arith.constant 0 : i32
      %dma_start3A_1003 = arith.constant 0 : i32
      %dma_start3A_1004 = tpu.memref_slice %arg8[%dma_start3A_985, %dma_start3A_1001, %dma_start3A_1002, %dma_start3A_1003] : memref<5x8x8x129xf32, #tpu.memory_space<vmem>> -> memref<1x8x8x128xf32, #tpu.memory_space<vmem>>
      %dma_start3A_1005 = tpu.memref_squeeze %dma_start3A_1004 : memref<1x8x8x128xf32, #tpu.memory_space<vmem>> -> memref<8x8x128xf32, #tpu.memory_space<vmem>>
      tpu.enqueue_dma source(%dma_start3A_1005 : memref<8x8x128xf32, #tpu.memory_space<vmem>>) target(%dma_start3A_1000 : memref<8x8x128xf32, #tpu.memory_space<hbm>>) target_semaphore(%arg14 : memref<!tpu.dma_semaphore, #tpu.memory_space<semaphore_mem>>)
      %add3A_1006 = arith.constant 5 : i32
      %add3A_1007 = arith.addi %add3A_965, %add3A_1006 : i32
      %lt3A_1008 = arith.constant 50 : i32
      %lt3A_1009 = arith.cmpi slt, %add3A_1007, %lt3A_1008 : i32
      %convert_element_type3A_1010 = arith.extui %lt3A_1009 : i1 to i32
      %cond3A_1011 = arith.constant 0 : i32
      %cond3A_1012 = arith.cmpi ne, %convert_element_type3A_1010, %cond3A_1011 : i32
      scf.if %cond3A_1012 {
        %add3A_1229 = arith.constant 0 : i32
        %add3A_1230 = vector.broadcast %add3A_1229 : i32 to vector<16xi32>
        %add3A_1231 = arith.addi %iota3A, %add3A_1230 : vector<16xi32>
        %mul3A_1232 = arith.constant 50 : i32
        %mul3A_1233 = vector.broadcast %mul3A_1232 : i32 to vector<16xi32>
        %mul3A_1234 = arith.muli %add3A_1231, %mul3A_1233 : vector<16xi32>
        %add3A_1235 = vector.broadcast %add3A_1007 : i32 to vector<16xi32>
        %add3A_1236 = arith.addi %mul3A_1234, %add3A_1235 : vector<16xi32>
        %gather3A_1237 = tpu.vector_load_idx %arg5[%add3A_1236] : memref<6400xi32, #tpu.memory_space<vmem>>[vector<16xi32>], vector<16xi32>,
        %swap3A_1238 = arith.constant 0 : i32
        %swap3A_1239 = arith.index_cast %swap3A_1238 : i32 to index
        %swap3A_1240 = arith.constant 0 : index
        %swap3A_1241 = tpu.vector_load %arg6[%swap3A_1239, %swap3A_1240] {strides = array<i32>} : memref<5x128xi32, #tpu.memory_space<vmem>>, vector<16xi32>,
        tpu.vector_store %arg6[%swap3A_1239, %swap3A_1240], %gather3A_1237 {strides = array<i32>} : memref<5x128xi32, #tpu.memory_space<vmem>>, vector<16xi32>,
        %add3A_1242 = arith.constant 16 : i32
        %add3A_1243 = vector.broadcast %add3A_1242 : i32 to vector<16xi32>
        %add3A_1244 = arith.addi %iota3A, %add3A_1243 : vector<16xi32>
        %mul3A_1245 = arith.constant 50 : i32
        %mul3A_1246 = vector.broadcast %mul3A_1245 : i32 to vector<16xi32>
        %mul3A_1247 = arith.muli %add3A_1244, %mul3A_1246 : vector<16xi32>
        %add3A_1248 = vector.broadcast %add3A_1007 : i32 to vector<16xi32>
        %add3A_1249 = arith.addi %mul3A_1247, %add3A_1248 : vector<16xi32>
        %gather3A_1250 = tpu.vector_load_idx %arg5[%add3A_1249] : memref<6400xi32, #tpu.memory_space<vmem>>[vector<16xi32>], vector<16xi32>,
        %swap3A_1251 = arith.constant 0 : i32
        %swap3A_1252 = arith.index_cast %swap3A_1251 : i32 to index
        %swap3A_1253 = arith.constant 16 : index
        %swap3A_1254 = tpu.vector_load %arg6[%swap3A_1252, %swap3A_1253] {strides = array<i32>} : memref<5x128xi32, #tpu.memory_space<vmem>>, vector<16xi32>,
        tpu.vector_store %arg6[%swap3A_1252, %swap3A_1253], %gather3A_1250 {strides = array<i32>} : memref<5x128xi32, #tpu.memory_space<vmem>>, vector<16xi32>,
        %add3A_1255 = arith.constant 32 : i32
        %add3A_1256 = vector.broadcast %add3A_1255 : i32 to vector<16xi32>
        %add3A_1257 = arith.addi %iota3A, %add3A_1256 : vector<16xi32>
        %mul3A_1258 = arith.constant 50 : i32
        %mul3A_1259 = vector.broadcast %mul3A_1258 : i32 to vector<16xi32>
        %mul3A_1260 = arith.muli %add3A_1257, %mul3A_1259 : vector<16xi32>
        %add3A_1261 = vector.broadcast %add3A_1007 : i32 to vector<16xi32>
        %add3A_1262 = arith.addi %mul3A_1260, %add3A_1261 : vector<16xi32>
        %gather3A_1263 = tpu.vector_load_idx %arg5[%add3A_1262] : memref<6400xi32, #tpu.memory_space<vmem>>[vector<16xi32>], vector<16xi32>,
        %swap3A_1264 = arith.constant 0 : i32
        %swap3A_1265 = arith.index_cast %swap3A_1264 : i32 to index
        %swap3A_1266 = arith.constant 32 : index
        %swap3A_1267 = tpu.vector_load %arg6[%swap3A_1265, %swap3A_1266] {strides = array<i32>} : memref<5x128xi32, #tpu.memory_space<vmem>>, vector<16xi32>,
        tpu.vector_store %arg6[%swap3A_1265, %swap3A_1266], %gather3A_1263 {strides = array<i32>} : memref<5x128xi32, #tpu.memory_space<vmem>>, vector<16xi32>,
        %add3A_1268 = arith.constant 48 : i32
        %add3A_1269 = vector.broadcast %add3A_1268 : i32 to vector<16xi32>
        %add3A_1270 = arith.addi %iota3A, %add3A_1269 : vector<16xi32>
        %mul3A_1271 = arith.constant 50 : i32
        %mul3A_1272 = vector.broadcast %mul3A_1271 : i32 to vector<16xi32>
        %mul3A_1273 = arith.muli %add3A_1270, %mul3A_1272 : vector<16xi32>
        %add3A_1274 = vector.broadcast %add3A_1007 : i32 to vector<16xi32>
        %add3A_1275 = arith.addi %mul3A_1273, %add3A_1274 : vector<16xi32>
        %gather3A_1276 = tpu.vector_load_idx %arg5[%add3A_1275] : memref<6400xi32, #tpu.memory_space<vmem>>[vector<16xi32>], vector<16xi32>,
        %swap3A_1277 = arith.constant 0 : i32
        %swap3A_1278 = arith.index_cast %swap3A_1277 : i32 to index
        %swap3A_1279 = arith.constant 48 : index
        %swap3A_1280 = tpu.vector_load %arg6[%swap3A_1278, %swap3A_1279] {strides = array<i32>} : memref<5x128xi32, #tpu.memory_space<vmem>>, vector<16xi32>,
        tpu.vector_store %arg6[%swap3A_1278, %swap3A_1279], %gather3A_1276 {strides = array<i32>} : memref<5x128xi32, #tpu.memory_space<vmem>>, vector<16xi32>,
        %add3A_1281 = arith.constant 64 : i32
        %add3A_1282 = vector.broadcast %add3A_1281 : i32 to vector<16xi32>
        %add3A_1283 = arith.addi %iota3A, %add3A_1282 : vector<16xi32>
        %mul3A_1284 = arith.constant 50 : i32
        %mul3A_1285 = vector.broadcast %mul3A_1284 : i32 to vector<16xi32>
        %mul3A_1286 = arith.muli %add3A_1283, %mul3A_1285 : vector<16xi32>
        %add3A_1287 = vector.broadcast %add3A_1007 : i32 to vector<16xi32>
        %add3A_1288 = arith.addi %mul3A_1286, %add3A_1287 : vector<16xi32>
        %gather3A_1289 = tpu.vector_load_idx %arg5[%add3A_1288] : memref<6400xi32, #tpu.memory_space<vmem>>[vector<16xi32>], vector<16xi32>,
        %swap3A_1290 = arith.constant 0 : i32
        %swap3A_1291 = arith.index_cast %swap3A_1290 : i32 to index
        %swap3A_1292 = arith.constant 64 : index
        %swap3A_1293 = tpu.vector_load %arg6[%swap3A_1291, %swap3A_1292] {strides = array<i32>} : memref<5x128xi32, #tpu.memory_space<vmem>>, vector<16xi32>,
        tpu.vector_store %arg6[%swap3A_1291, %swap3A_1292], %gather3A_1289 {strides = array<i32>} : memref<5x128xi32, #tpu.memory_space<vmem>>, vector<16xi32>,
        %add3A_1294 = arith.constant 80 : i32
        %add3A_1295 = vector.broadcast %add3A_1294 : i32 to vector<16xi32>
        %add3A_1296 = arith.addi %iota3A, %add3A_1295 : vector<16xi32>
        %mul3A_1297 = arith.constant 50 : i32
        %mul3A_1298 = vector.broadcast %mul3A_1297 : i32 to vector<16xi32>
        %mul3A_1299 = arith.muli %add3A_1296, %mul3A_1298 : vector<16xi32>
        %add3A_1300 = vector.broadcast %add3A_1007 : i32 to vector<16xi32>
        %add3A_1301 = arith.addi %mul3A_1299, %add3A_1300 : vector<16xi32>
        %gather3A_1302 = tpu.vector_load_idx %arg5[%add3A_1301] : memref<6400xi32, #tpu.memory_space<vmem>>[vector<16xi32>], vector<16xi32>,
        %swap3A_1303 = arith.constant 0 : i32
        %swap3A_1304 = arith.index_cast %swap3A_1303 : i32 to index
        %swap3A_1305 = arith.constant 80 : index
        %swap3A_1306 = tpu.vector_load %arg6[%swap3A_1304, %swap3A_1305] {strides = array<i32>} : memref<5x128xi32, #tpu.memory_space<vmem>>, vector<16xi32>,
        tpu.vector_store %arg6[%swap3A_1304, %swap3A_1305], %gather3A_1302 {strides = array<i32>} : memref<5x128xi32, #tpu.memory_space<vmem>>, vector<16xi32>,
        %add3A_1307 = arith.constant 96 : i32
        %add3A_1308 = vector.broadcast %add3A_1307 : i32 to vector<16xi32>
        %add3A_1309 = arith.addi %iota3A, %add3A_1308 : vector<16xi32>
        %mul3A_1310 = arith.constant 50 : i32
        %mul3A_1311 = vector.broadcast %mul3A_1310 : i32 to vector<16xi32>
        %mul3A_1312 = arith.muli %add3A_1309, %mul3A_1311 : vector<16xi32>
        %add3A_1313 = vector.broadcast %add3A_1007 : i32 to vector<16xi32>
        %add3A_1314 = arith.addi %mul3A_1312, %add3A_1313 : vector<16xi32>
        %gather3A_1315 = tpu.vector_load_idx %arg5[%add3A_1314] : memref<6400xi32, #tpu.memory_space<vmem>>[vector<16xi32>], vector<16xi32>,
        %swap3A_1316 = arith.constant 0 : i32
        %swap3A_1317 = arith.index_cast %swap3A_1316 : i32 to index
        %swap3A_1318 = arith.constant 96 : index
        %swap3A_1319 = tpu.vector_load %arg6[%swap3A_1317, %swap3A_1318] {strides = array<i32>} : memref<5x128xi32, #tpu.memory_space<vmem>>, vector<16xi32>,
        tpu.vector_store %arg6[%swap3A_1317, %swap3A_1318], %gather3A_1315 {strides = array<i32>} : memref<5x128xi32, #tpu.memory_space<vmem>>, vector<16xi32>,
        %add3A_1320 = arith.constant 112 : i32
        %add3A_1321 = vector.broadcast %add3A_1320 : i32 to vector<16xi32>
        %add3A_1322 = arith.addi %iota3A, %add3A_1321 : vector<16xi32>
        %mul3A_1323 = arith.constant 50 : i32
        %mul3A_1324 = vector.broadcast %mul3A_1323 : i32 to vector<16xi32>
        %mul3A_1325 = arith.muli %add3A_1322, %mul3A_1324 : vector<16xi32>
        %add3A_1326 = vector.broadcast %add3A_1007 : i32 to vector<16xi32>
        %add3A_1327 = arith.addi %mul3A_1325, %add3A_1326 : vector<16xi32>
        %gather3A_1328 = tpu.vector_load_idx %arg5[%add3A_1327] : memref<6400xi32, #tpu.memory_space<vmem>>[vector<16xi32>], vector<16xi32>,
        %swap3A_1329 = arith.constant 0 : i32
        %swap3A_1330 = arith.index_cast %swap3A_1329 : i32 to index
        %swap3A_1331 = arith.constant 112 : index
        %swap3A_1332 = tpu.vector_load %arg6[%swap3A_1330, %swap3A_1331] {strides = array<i32>} : memref<5x128xi32, #tpu.memory_space<vmem>>, vector<16xi32>,
        tpu.vector_store %arg6[%swap3A_1330, %swap3A_1331], %gather3A_1328 {strides = array<i32>} : memref<5x128xi32, #tpu.memory_space<vmem>>, vector<16xi32>,
        %dma_start3A_1333 = arith.constant 0 : i32
        %dma_start3A_1334 = arith.constant 0 : i32
        %dma_start3A_1335 = arith.constant 0 : i32
        %dma_start3A_1336 = arith.constant 0 : i32
        %dma_start3A_1337 = tpu.memref_slice %arg7[%dma_start3A_1334, %dma_start3A_1335, %dma_start3A_1336] : memref<5x128x64xf32, #tpu.memory_space<vmem>> -> memref<1x128x64xf32, #tpu.memory_space<vmem>>
        %dma_start3A_1338 = tpu.memref_squeeze %dma_start3A_1337 : memref<1x128x64xf32, #tpu.memory_space<vmem>> -> memref<128x64xf32, #tpu.memory_space<vmem>>
        %dma_start3A_1339 = arith.constant 0 : i32
        %dma_start3A_1340 = tpu.memref_slice %arg6[%dma_start3A_1333, %dma_start3A_1339] : memref<5x128xi32, #tpu.memory_space<vmem>> -> memref<1x128xi32, #tpu.memory_space<vmem>>
        %dma_start3A_1341 = tpu.memref_squeeze %dma_start3A_1340 : memref<1x128xi32, #tpu.memory_space<vmem>> -> memref<128xi32, #tpu.memory_space<vmem>>
        %dma_start3A_1342 = arith.constant 0 : i32
        %dma_start3A_1343 = arith.constant 0 : i32
        %dma_start3A_1344 = tpu.memref_slice %arg3[%dma_start3A_1342, %dma_start3A_1343] : memref<100000x64xf32, #tpu.memory_space<hbm>> -> memref<100000x64xf32, #tpu.memory_space<hbm>>
        tpu.enqueue_indirect_dma source(%dma_start3A_1344 : memref<100000x64xf32, #tpu.memory_space<hbm>>) target(%dma_start3A_1338 : memref<128x64xf32, #tpu.memory_space<vmem>>) offsets(%dma_start3A_1341 : memref<128xi32, #tpu.memory_space<vmem>>) semaphore(%arg9 : memref<!tpu.dma_semaphore, #tpu.memory_space<semaphore_mem>>)
      } else {
      }
      %mul3A_1013 = arith.constant 5 : i32
      %mul3A_1014 = arith.muli %add3A_961, %mul3A_1013 : i32
      %add3A_1015 = arith.constant 1 : i32
      %add3A_1016 = arith.addi %mul3A_1014, %add3A_1015 : i32
      %dma_wait3A_1017 = arith.constant 1 : i32
      %dma_wait3A_1018 = arith.constant 1 : i32
      %dma_wait3A_1019 = arith.constant 0 : i32
      %dma_wait3A_1020 = arith.constant 0 : i32
      %dma_wait3A_1021 = tpu.memref_slice %arg7[%dma_wait3A_1018, %dma_wait3A_1019, %dma_wait3A_1020] : memref<5x128x64xf32, #tpu.memory_space<vmem>> -> memref<1x128x64xf32, #tpu.memory_space<vmem>>
      %dma_wait3A_1022 = tpu.memref_squeeze %dma_wait3A_1021 : memref<1x128x64xf32, #tpu.memory_space<vmem>> -> memref<128x64xf32, #tpu.memory_space<vmem>>
      %dma_wait3A_1023 = arith.constant 0 : i32
      %dma_wait3A_1024 = tpu.memref_slice %arg6[%dma_wait3A_1017, %dma_wait3A_1023] : memref<5x128xi32, #tpu.memory_space<vmem>> -> memref<1x128xi32, #tpu.memory_space<vmem>>
      %dma_wait3A_1025 = tpu.memref_squeeze %dma_wait3A_1024 : memref<1x128xi32, #tpu.memory_space<vmem>> -> memref<128xi32, #tpu.memory_space<vmem>>
      %dma_wait3A_1026 = arith.constant 0 : i32
      %dma_wait3A_1027 = arith.constant 0 : i32
      %dma_wait3A_1028 = tpu.memref_slice %arg3[%dma_wait3A_1026, %dma_wait3A_1027] : memref<100000x64xf32, #tpu.memory_space<hbm>> -> memref<100000x64xf32, #tpu.memory_space<hbm>>
      tpu.wait_indirect_dma semaphore(%arg10 : memref<!tpu.dma_semaphore, #tpu.memory_space<semaphore_mem>>) src(%dma_wait3A_1028 : memref<100000x64xf32, #tpu.memory_space<hbm>>) dst(%dma_wait3A_1022 : memref<128x64xf32, #tpu.memory_space<vmem>>)
      %ge3A_1029 = arith.constant 5 : i32
      %ge3A_1030 = arith.cmpi sge, %add3A_1016, %ge3A_1029 : i32
      %convert_element_type3A_1031 = arith.extui %ge3A_1030 : i1 to i32
      %cond3A_1032 = arith.constant 0 : i32
      %cond3A_1033 = arith.cmpi ne, %convert_element_type3A_1031, %cond3A_1032 : i32
      scf.if %cond3A_1033 {
        %sub3A_1229 = arith.constant 5 : i32
        %sub3A_1230 = arith.subi %add3A_1016, %sub3A_1229 : i32
        %dma_wait3A_1231 = arith.constant 1 : i32
        %dma_wait3A_1232 = arith.constant 0 : i32
        %dma_wait3A_1233 = arith.constant 0 : i32
        %dma_wait3A_1234 = arith.constant 0 : i32
        %dma_wait3A_1235 = tpu.memref_slice %arg8[%dma_wait3A_1231, %dma_wait3A_1232, %dma_wait3A_1233, %dma_wait3A_1234] : memref<5x8x8x129xf32, #tpu.memory_space<vmem>> -> memref<1x8x8x128xf32, #tpu.memory_space<vmem>>
        %dma_wait3A_1236 = tpu.memref_squeeze %dma_wait3A_1235 : memref<1x8x8x128xf32, #tpu.memory_space<vmem>> -> memref<8x8x128xf32, #tpu.memory_space<vmem>>
        %dma_wait3A_1237 = arith.constant 0 : i32
        %dma_wait3A_1238 = arith.constant 0 : i32
        %dma_wait3A_1239 = arith.constant 0 : i32
        %dma_wait3A_1240 = tpu.memref_slice %arg4[%sub3A_1230, %dma_wait3A_1237, %add3A, %dma_wait3A_1238, %dma_wait3A_1239] : memref<50x8x32x8x128xf32, #tpu.memory_space<hbm>> -> memref<1x8x1x8x128xf32, #tpu.memory_space<hbm>>
        %dma_wait3A_1241 = tpu.memref_squeeze %dma_wait3A_1240 : memref<1x8x1x8x128xf32, #tpu.memory_space<hbm>> -> memref<8x8x128xf32, #tpu.memory_space<hbm>>
        %dma_wait3A_1242 = arith.constant 0 : i32
        %dma_wait3A_1243 = arith.constant 0 : i32
        %dma_wait3A_1244 = arith.constant 0 : i32
        %dma_wait3A_1245 = tpu.memref_slice %arg4[%sub3A_1230, %dma_wait3A_1242, %add3A, %dma_wait3A_1243, %dma_wait3A_1244] : memref<50x8x32x8x128xf32, #tpu.memory_space<hbm>> -> memref<1x8x1x8x128xf32, #tpu.memory_space<hbm>>
        %dma_wait3A_1246 = tpu.memref_squeeze %dma_wait3A_1245 : memref<1x8x1x8x128xf32, #tpu.memory_space<hbm>> -> memref<8x8x128xf32, #tpu.memory_space<hbm>>
        %dma_wait3A_1247 = arith.constant 0 : i32
        %dma_wait3A_1248 = arith.constant 0 : i32
        %dma_wait3A_1249 = arith.constant 0 : i32
        %dma_wait3A_1250 = tpu.memref_slice %arg8[%dma_wait3A_1231, %dma_wait3A_1247, %dma_wait3A_1248, %dma_wait3A_1249] : memref<5x8x8x129xf32, #tpu.memory_space<vmem>> -> memref<1x8x8x128xf32, #tpu.memory_space<vmem>>
        %dma_wait3A_1251 = tpu.memref_squeeze %dma_wait3A_1250 : memref<1x8x8x128xf32, #tpu.memory_space<vmem>> -> memref<8x8x128xf32, #tpu.memory_space<vmem>>
        tpu.wait_dma2 semaphore(%arg15 : memref<!tpu.dma_semaphore, #tpu.memory_space<semaphore_mem>>) src(%dma_wait3A_1251 : memref<8x8x128xf32, #tpu.memory_space<vmem>>) dst(%dma_wait3A_1246 : memref<8x8x128xf32, #tpu.memory_space<hbm>>)
      } else {
      }
      %scan3A_1034 = arith.constant 0 : i32
      %scan3A_1035 = arith.constant 16 : i32
      %scan3A_1036 = arith.addi %scan3A_1034, %scan3A_1035 : i32
      %scan3A_1037 = arith.constant 1 : i32
      scf.for %scan3A_1229 = %scan3A_1034 to %scan3A_1036 step %scan3A_1037  : i32 {
        %mul3A_1230 = arith.constant 8 : i32
        %mul3A_1231 = arith.muli %scan3A_1229, %mul3A_1230 : i32
        %add3A_1232 = arith.constant 0 : i32
        %add3A_1233 = arith.addi %add3A_1232, %mul3A_1231 : i32
        %add3A_1234 = arith.constant 0 : i32
        %add3A_1235 = arith.addi %add3A_1233, %add3A_1234 : i32
        %broadcast_in_dim3A = vector.broadcast %add3A_1235 : i32 to vector<16xi32>
        %add3A_1236 = arith.constant 1 : i32
        %add3A_1237 = arith.addi %add3A_1233, %add3A_1236 : i32
        %broadcast_in_dim3A_1238 = vector.broadcast %add3A_1237 : i32 to vector<16xi32>
        %add3A_1239 = arith.constant 2 : i32
        %add3A_1240 = arith.addi %add3A_1233, %add3A_1239 : i32
        %broadcast_in_dim3A_1241 = vector.broadcast %add3A_1240 : i32 to vector<16xi32>
        %add3A_1242 = arith.constant 3 : i32
        %add3A_1243 = arith.addi %add3A_1233, %add3A_1242 : i32
        %broadcast_in_dim3A_1244 = vector.broadcast %add3A_1243 : i32 to vector<16xi32>
        %add3A_1245 = arith.constant 4 : i32
        %add3A_1246 = arith.addi %add3A_1233, %add3A_1245 : i32
        %broadcast_in_dim3A_1247 = vector.broadcast %add3A_1246 : i32 to vector<16xi32>
        %add3A_1248 = arith.constant 5 : i32
        %add3A_1249 = arith.addi %add3A_1233, %add3A_1248 : i32
        %broadcast_in_dim3A_1250 = vector.broadcast %add3A_1249 : i32 to vector<16xi32>
        %add3A_1251 = arith.constant 6 : i32
        %add3A_1252 = arith.addi %add3A_1233, %add3A_1251 : i32
        %broadcast_in_dim3A_1253 = vector.broadcast %add3A_1252 : i32 to vector<16xi32>
        %add3A_1254 = arith.constant 7 : i32
        %add3A_1255 = arith.addi %add3A_1233, %add3A_1254 : i32
        %broadcast_in_dim3A_1256 = vector.broadcast %add3A_1255 : i32 to vector<16xi32>
        %add3A_1257 = arith.constant 0 : i32
        %add3A_1258 = arith.addi %add3A_1233, %add3A_1257 : i32
        %get3A = arith.constant 1 : i32
        %get3A_1259 = arith.index_cast %get3A : i32 to index
        %get3A_1260 = arith.index_cast %add3A_1258 : i32 to index
        %get3A_1261 = arith.constant 0 : index
        %get3A_1262 = tpu.vector_load %arg7[%get3A_1259, %get3A_1260, %get3A_1261] {strides = array<i32>} : memref<5x128x64xf32, #tpu.memory_space<vmem>>, vector<16xf32>,
        %add3A_1263 = arith.constant 0 : i32
        %add3A_1264 = arith.addi %add3A_1233, %add3A_1263 : i32
        %get3A_1265 = arith.constant 1 : i32
        %get3A_1266 = arith.index_cast %get3A_1265 : i32 to index
        %get3A_1267 = arith.index_cast %add3A_1264 : i32 to index
        %get3A_1268 = arith.constant 16 : index
        %get3A_1269 = tpu.vector_load %arg7[%get3A_1266, %get3A_1267, %get3A_1268] {strides = array<i32>} : memref<5x128x64xf32, #tpu.memory_space<vmem>>, vector<16xf32>,
        %add3A_1270 = arith.constant 0 : i32
        %add3A_1271 = arith.addi %add3A_1233, %add3A_1270 : i32
        %get3A_1272 = arith.constant 1 : i32
        %get3A_1273 = arith.index_cast %get3A_1272 : i32 to index
        %get3A_1274 = arith.index_cast %add3A_1271 : i32 to index
        %get3A_1275 = arith.constant 32 : index
        %get3A_1276 = tpu.vector_load %arg7[%get3A_1273, %get3A_1274, %get3A_1275] {strides = array<i32>} : memref<5x128x64xf32, #tpu.memory_space<vmem>>, vector<16xf32>,
        %add3A_1277 = arith.constant 0 : i32
        %add3A_1278 = arith.addi %add3A_1233, %add3A_1277 : i32
        %get3A_1279 = arith.constant 1 : i32
        %get3A_1280 = arith.index_cast %get3A_1279 : i32 to index
        %get3A_1281 = arith.index_cast %add3A_1278 : i32 to index
        %get3A_1282 = arith.constant 48 : index
        %get3A_1283 = tpu.vector_load %arg7[%get3A_1280, %get3A_1281, %get3A_1282] {strides = array<i32>} : memref<5x128x64xf32, #tpu.memory_space<vmem>>, vector<16xf32>,
        %add3A_1284 = arith.constant 1 : i32
        %add3A_1285 = arith.addi %add3A_1233, %add3A_1284 : i32
        %get3A_1286 = arith.constant 1 : i32
        %get3A_1287 = arith.index_cast %get3A_1286 : i32 to index
        %get3A_1288 = arith.index_cast %add3A_1285 : i32 to index
        %get3A_1289 = arith.constant 0 : index
        %get3A_1290 = tpu.vector_load %arg7[%get3A_1287, %get3A_1288, %get3A_1289] {strides = array<i32>} : memref<5x128x64xf32, #tpu.memory_space<vmem>>, vector<16xf32>,
        %scatter3A = arith.constant 1 : i32
        %scatter3A_1291 = arith.constant 0 : i32
        %scatter3A_1292 = arith.constant 0 : i32
        %scatter3A_1293 = arith.constant 0 : i32
        %scatter3A_1294 = tpu.memref_slice %arg8[%scatter3A, %scatter3A_1291, %scatter3A_1292, %scatter3A_1293] : memref<5x8x8x129xf32, #tpu.memory_space<vmem>> -> memref<1x8x8x129xf32, #tpu.memory_space<vmem>>
        %scatter3A_1295 = tpu.memref_squeeze %scatter3A_1294 : memref<1x8x8x129xf32, #tpu.memory_space<vmem>> -> memref<8x8x129xf32, #tpu.memory_space<vmem>>
        tpu.vector_store_idx %scatter3A_1295[%select_n3A, %select_n3A_151, %broadcast_in_dim3A], %get3A_1262 : memref<8x8x129xf32, #tpu.memory_space<vmem>>[vector<16xi32>, vector<16xi32>, vector<16xi32>], vector<16xf32>,
        %add3A_1296 = arith.constant 1 : i32
        %add3A_1297 = arith.addi %add3A_1233, %add3A_1296 : i32
        %get3A_1298 = arith.constant 1 : i32
        %get3A_1299 = arith.index_cast %get3A_1298 : i32 to index
        %get3A_1300 = arith.index_cast %add3A_1297 : i32 to index
        %get3A_1301 = arith.constant 16 : index
        %get3A_1302 = tpu.vector_load %arg7[%get3A_1299, %get3A_1300, %get3A_1301] {strides = array<i32>} : memref<5x128x64xf32, #tpu.memory_space<vmem>>, vector<16xf32>,
        %scatter3A_1303 = arith.constant 1 : i32
        %scatter3A_1304 = arith.constant 0 : i32
        %scatter3A_1305 = arith.constant 0 : i32
        %scatter3A_1306 = arith.constant 0 : i32
        %scatter3A_1307 = tpu.memref_slice %arg8[%scatter3A_1303, %scatter3A_1304, %scatter3A_1305, %scatter3A_1306] : memref<5x8x8x129xf32, #tpu.memory_space<vmem>> -> memref<1x8x8x129xf32, #tpu.memory_space<vmem>>
        %scatter3A_1308 = tpu.memref_squeeze %scatter3A_1307 : memref<1x8x8x129xf32, #tpu.memory_space<vmem>> -> memref<8x8x129xf32, #tpu.memory_space<vmem>>
        tpu.vector_store_idx %scatter3A_1308[%select_n3A_60, %select_n3A_176, %broadcast_in_dim3A], %get3A_1269 : memref<8x8x129xf32, #tpu.memory_space<vmem>>[vector<16xi32>, vector<16xi32>, vector<16xi32>], vector<16xf32>,
        %add3A_1309 = arith.constant 1 : i32
        %add3A_1310 = arith.addi %add3A_1233, %add3A_1309 : i32
        %get3A_1311 = arith.constant 1 : i32
        %get3A_1312 = arith.index_cast %get3A_1311 : i32 to index
        %get3A_1313 = arith.index_cast %add3A_1310 : i32 to index
        %get3A_1314 = arith.constant 32 : index
        %get3A_1315 = tpu.vector_load %arg7[%get3A_1312, %get3A_1313, %get3A_1314] {strides = array<i32>} : memref<5x128x64xf32, #tpu.memory_space<vmem>>, vector<16xf32>,
        %scatter3A_1316 = arith.constant 1 : i32
        %scatter3A_1317 = arith.constant 0 : i32
        %scatter3A_1318 = arith.constant 0 : i32
        %scatter3A_1319 = arith.constant 0 : i32
        %scatter3A_1320 = tpu.memref_slice %arg8[%scatter3A_1316, %scatter3A_1317, %scatter3A_1318, %scatter3A_1319] : memref<5x8x8x129xf32, #tpu.memory_space<vmem>> -> memref<1x8x8x129xf32, #tpu.memory_space<vmem>>
        %scatter3A_1321 = tpu.memref_squeeze %scatter3A_1320 : memref<1x8x8x129xf32, #tpu.memory_space<vmem>> -> memref<8x8x129xf32, #tpu.memory_space<vmem>>
        tpu.vector_store_idx %scatter3A_1321[%select_n3A_94, %select_n3A_201, %broadcast_in_dim3A], %get3A_1276 : memref<8x8x129xf32, #tpu.memory_space<vmem>>[vector<16xi32>, vector<16xi32>, vector<16xi32>], vector<16xf32>,
        %add3A_1322 = arith.constant 1 : i32
        %add3A_1323 = arith.addi %add3A_1233, %add3A_1322 : i32
        %get3A_1324 = arith.constant 1 : i32
        %get3A_1325 = arith.index_cast %get3A_1324 : i32 to index
        %get3A_1326 = arith.index_cast %add3A_1323 : i32 to index
        %get3A_1327 = arith.constant 48 : index
        %get3A_1328 = tpu.vector_load %arg7[%get3A_1325, %get3A_1326, %get3A_1327] {strides = array<i32>} : memref<5x128x64xf32, #tpu.memory_space<vmem>>, vector<16xf32>,
        %scatter3A_1329 = arith.constant 1 : i32
        %scatter3A_1330 = arith.constant 0 : i32
        %scatter3A_1331 = arith.constant 0 : i32
        %scatter3A_1332 = arith.constant 0 : i32
        %scatter3A_1333 = tpu.memref_slice %arg8[%scatter3A_1329, %scatter3A_1330, %scatter3A_1331, %scatter3A_1332] : memref<5x8x8x129xf32, #tpu.memory_space<vmem>> -> memref<1x8x8x129xf32, #tpu.memory_space<vmem>>
        %scatter3A_1334 = tpu.memref_squeeze %scatter3A_1333 : memref<1x8x8x129xf32, #tpu.memory_space<vmem>> -> memref<8x8x129xf32, #tpu.memory_space<vmem>>
        tpu.vector_store_idx %scatter3A_1334[%select_n3A_128, %select_n3A_226, %broadcast_in_dim3A], %get3A_1283 : memref<8x8x129xf32, #tpu.memory_space<vmem>>[vector<16xi32>, vector<16xi32>, vector<16xi32>], vector<16xf32>,
        %add3A_1335 = arith.constant 2 : i32
        %add3A_1336 = arith.addi %add3A_1233, %add3A_1335 : i32
        %get3A_1337 = arith.constant 1 : i32
        %get3A_1338 = arith.index_cast %get3A_1337 : i32 to index
        %get3A_1339 = arith.index_cast %add3A_1336 : i32 to index
        %get3A_1340 = arith.constant 0 : index
        %get3A_1341 = tpu.vector_load %arg7[%get3A_1338, %get3A_1339, %get3A_1340] {strides = array<i32>} : memref<5x128x64xf32, #tpu.memory_space<vmem>>, vector<16xf32>,
        %scatter3A_1342 = arith.constant 1 : i32
        %scatter3A_1343 = arith.constant 0 : i32
        %scatter3A_1344 = arith.constant 0 : i32
        %scatter3A_1345 = arith.constant 0 : i32
        %scatter3A_1346 = tpu.memref_slice %arg8[%scatter3A_1342, %scatter3A_1343, %scatter3A_1344, %scatter3A_1345] : memref<5x8x8x129xf32, #tpu.memory_space<vmem>> -> memref<1x8x8x129xf32, #tpu.memory_space<vmem>>
        %scatter3A_1347 = tpu.memref_squeeze %scatter3A_1346 : memref<1x8x8x129xf32, #tpu.memory_space<vmem>> -> memref<8x8x129xf32, #tpu.memory_space<vmem>>
        tpu.vector_store_idx %scatter3A_1347[%select_n3A, %select_n3A_151, %broadcast_in_dim3A_1238], %get3A_1290 : memref<8x8x129xf32, #tpu.memory_space<vmem>>[vector<16xi32>, vector<16xi32>, vector<16xi32>], vector<16xf32>,
        %add3A_1348 = arith.constant 2 : i32
        %add3A_1349 = arith.addi %add3A_1233, %add3A_1348 : i32
        %get3A_1350 = arith.constant 1 : i32
        %get3A_1351 = arith.index_cast %get3A_1350 : i32 to index
        %get3A_1352 = arith.index_cast %add3A_1349 : i32 to index
        %get3A_1353 = arith.constant 16 : index
        %get3A_1354 = tpu.vector_load %arg7[%get3A_1351, %get3A_1352, %get3A_1353] {strides = array<i32>} : memref<5x128x64xf32, #tpu.memory_space<vmem>>, vector<16xf32>,
        %scatter3A_1355 = arith.constant 1 : i32
        %scatter3A_1356 = arith.constant 0 : i32
        %scatter3A_1357 = arith.constant 0 : i32
        %scatter3A_1358 = arith.constant 0 : i32
        %scatter3A_1359 = tpu.memref_slice %arg8[%scatter3A_1355, %scatter3A_1356, %scatter3A_1357, %scatter3A_1358] : memref<5x8x8x129xf32, #tpu.memory_space<vmem>> -> memref<1x8x8x129xf32, #tpu.memory_space<vmem>>
        %scatter3A_1360 = tpu.memref_squeeze %scatter3A_1359 : memref<1x8x8x129xf32, #tpu.memory_space<vmem>> -> memref<8x8x129xf32, #tpu.memory_space<vmem>>
        tpu.vector_store_idx %scatter3A_1360[%select_n3A_60, %select_n3A_176, %broadcast_in_dim3A_1238], %get3A_1302 : memref<8x8x129xf32, #tpu.memory_space<vmem>>[vector<16xi32>, vector<16xi32>, vector<16xi32>], vector<16xf32>,
        %add3A_1361 = arith.constant 2 : i32
        %add3A_1362 = arith.addi %add3A_1233, %add3A_1361 : i32
        %get3A_1363 = arith.constant 1 : i32
        %get3A_1364 = arith.index_cast %get3A_1363 : i32 to index
        %get3A_1365 = arith.index_cast %add3A_1362 : i32 to index
        %get3A_1366 = arith.constant 32 : index
        %get3A_1367 = tpu.vector_load %arg7[%get3A_1364, %get3A_1365, %get3A_1366] {strides = array<i32>} : memref<5x128x64xf32, #tpu.memory_space<vmem>>, vector<16xf32>,
        %scatter3A_1368 = arith.constant 1 : i32
        %scatter3A_1369 = arith.constant 0 : i32
        %scatter3A_1370 = arith.constant 0 : i32
        %scatter3A_1371 = arith.constant 0 : i32
        %scatter3A_1372 = tpu.memref_slice %arg8[%scatter3A_1368, %scatter3A_1369, %scatter3A_1370, %scatter3A_1371] : memref<5x8x8x129xf32, #tpu.memory_space<vmem>> -> memref<1x8x8x129xf32, #tpu.memory_space<vmem>>
        %scatter3A_1373 = tpu.memref_squeeze %scatter3A_1372 : memref<1x8x8x129xf32, #tpu.memory_space<vmem>> -> memref<8x8x129xf32, #tpu.memory_space<vmem>>
        tpu.vector_store_idx %scatter3A_1373[%select_n3A_94, %select_n3A_201, %broadcast_in_dim3A_1238], %get3A_1315 : memref<8x8x129xf32, #tpu.memory_space<vmem>>[vector<16xi32>, vector<16xi32>, vector<16xi32>], vector<16xf32>,
        %add3A_1374 = arith.constant 2 : i32
        %add3A_1375 = arith.addi %add3A_1233, %add3A_1374 : i32
        %get3A_1376 = arith.constant 1 : i32
        %get3A_1377 = arith.index_cast %get3A_1376 : i32 to index
        %get3A_1378 = arith.index_cast %add3A_1375 : i32 to index
        %get3A_1379 = arith.constant 48 : index
        %get3A_1380 = tpu.vector_load %arg7[%get3A_1377, %get3A_1378, %get3A_1379] {strides = array<i32>} : memref<5x128x64xf32, #tpu.memory_space<vmem>>, vector<16xf32>,
        %scatter3A_1381 = arith.constant 1 : i32
        %scatter3A_1382 = arith.constant 0 : i32
        %scatter3A_1383 = arith.constant 0 : i32
        %scatter3A_1384 = arith.constant 0 : i32
        %scatter3A_1385 = tpu.memref_slice %arg8[%scatter3A_1381, %scatter3A_1382, %scatter3A_1383, %scatter3A_1384] : memref<5x8x8x129xf32, #tpu.memory_space<vmem>> -> memref<1x8x8x129xf32, #tpu.memory_space<vmem>>
        %scatter3A_1386 = tpu.memref_squeeze %scatter3A_1385 : memref<1x8x8x129xf32, #tpu.memory_space<vmem>> -> memref<8x8x129xf32, #tpu.memory_space<vmem>>
        tpu.vector_store_idx %scatter3A_1386[%select_n3A_128, %select_n3A_226, %broadcast_in_dim3A_1238], %get3A_1328 : memref<8x8x129xf32, #tpu.memory_space<vmem>>[vector<16xi32>, vector<16xi32>, vector<16xi32>], vector<16xf32>,
        %add3A_1387 = arith.constant 3 : i32
        %add3A_1388 = arith.addi %add3A_1233, %add3A_1387 : i32
        %get3A_1389 = arith.constant 1 : i32
        %get3A_1390 = arith.index_cast %get3A_1389 : i32 to index
        %get3A_1391 = arith.index_cast %add3A_1388 : i32 to index
        %get3A_1392 = arith.constant 0 : index
        %get3A_1393 = tpu.vector_load %arg7[%get3A_1390, %get3A_1391, %get3A_1392] {strides = array<i32>} : memref<5x128x64xf32, #tpu.memory_space<vmem>>, vector<16xf32>,
        %scatter3A_1394 = arith.constant 1 : i32
        %scatter3A_1395 = arith.constant 0 : i32
        %scatter3A_1396 = arith.constant 0 : i32
        %scatter3A_1397 = arith.constant 0 : i32
        %scatter3A_1398 = tpu.memref_slice %arg8[%scatter3A_1394, %scatter3A_1395, %scatter3A_1396, %scatter3A_1397] : memref<5x8x8x129xf32, #tpu.memory_space<vmem>> -> memref<1x8x8x129xf32, #tpu.memory_space<vmem>>
        %scatter3A_1399 = tpu.memref_squeeze %scatter3A_1398 : memref<1x8x8x129xf32, #tpu.memory_space<vmem>> -> memref<8x8x129xf32, #tpu.memory_space<vmem>>
        tpu.vector_store_idx %scatter3A_1399[%select_n3A, %select_n3A_151, %broadcast_in_dim3A_1241], %get3A_1341 : memref<8x8x129xf32, #tpu.memory_space<vmem>>[vector<16xi32>, vector<16xi32>, vector<16xi32>], vector<16xf32>,
        %add3A_1400 = arith.constant 3 : i32
        %add3A_1401 = arith.addi %add3A_1233, %add3A_1400 : i32
        %get3A_1402 = arith.constant 1 : i32
        %get3A_1403 = arith.index_cast %get3A_1402 : i32 to index
        %get3A_1404 = arith.index_cast %add3A_1401 : i32 to index
        %get3A_1405 = arith.constant 16 : index
        %get3A_1406 = tpu.vector_load %arg7[%get3A_1403, %get3A_1404, %get3A_1405] {strides = array<i32>} : memref<5x128x64xf32, #tpu.memory_space<vmem>>, vector<16xf32>,
        %scatter3A_1407 = arith.constant 1 : i32
        %scatter3A_1408 = arith.constant 0 : i32
        %scatter3A_1409 = arith.constant 0 : i32
        %scatter3A_1410 = arith.constant 0 : i32
        %scatter3A_1411 = tpu.memref_slice %arg8[%scatter3A_1407, %scatter3A_1408, %scatter3A_1409, %scatter3A_1410] : memref<5x8x8x129xf32, #tpu.memory_space<vmem>> -> memref<1x8x8x129xf32, #tpu.memory_space<vmem>>
        %scatter3A_1412 = tpu.memref_squeeze %scatter3A_1411 : memref<1x8x8x129xf32, #tpu.memory_space<vmem>> -> memref<8x8x129xf32, #tpu.memory_space<vmem>>
        tpu.vector_store_idx %scatter3A_1412[%select_n3A_60, %select_n3A_176, %broadcast_in_dim3A_1241], %get3A_1354 : memref<8x8x129xf32, #tpu.memory_space<vmem>>[vector<16xi32>, vector<16xi32>, vector<16xi32>], vector<16xf32>,
        %add3A_1413 = arith.constant 3 : i32
        %add3A_1414 = arith.addi %add3A_1233, %add3A_1413 : i32
        %get3A_1415 = arith.constant 1 : i32
        %get3A_1416 = arith.index_cast %get3A_1415 : i32 to index
        %get3A_1417 = arith.index_cast %add3A_1414 : i32 to index
        %get3A_1418 = arith.constant 32 : index
        %get3A_1419 = tpu.vector_load %arg7[%get3A_1416, %get3A_1417, %get3A_1418] {strides = array<i32>} : memref<5x128x64xf32, #tpu.memory_space<vmem>>, vector<16xf32>,
        %scatter3A_1420 = arith.constant 1 : i32
        %scatter3A_1421 = arith.constant 0 : i32
        %scatter3A_1422 = arith.constant 0 : i32
        %scatter3A_1423 = arith.constant 0 : i32
        %scatter3A_1424 = tpu.memref_slice %arg8[%scatter3A_1420, %scatter3A_1421, %scatter3A_1422, %scatter3A_1423] : memref<5x8x8x129xf32, #tpu.memory_space<vmem>> -> memref<1x8x8x129xf32, #tpu.memory_space<vmem>>
        %scatter3A_1425 = tpu.memref_squeeze %scatter3A_1424 : memref<1x8x8x129xf32, #tpu.memory_space<vmem>> -> memref<8x8x129xf32, #tpu.memory_space<vmem>>
        tpu.vector_store_idx %scatter3A_1425[%select_n3A_94, %select_n3A_201, %broadcast_in_dim3A_1241], %get3A_1367 : memref<8x8x129xf32, #tpu.memory_space<vmem>>[vector<16xi32>, vector<16xi32>, vector<16xi32>], vector<16xf32>,
        %add3A_1426 = arith.constant 3 : i32
        %add3A_1427 = arith.addi %add3A_1233, %add3A_1426 : i32
        %get3A_1428 = arith.constant 1 : i32
        %get3A_1429 = arith.index_cast %get3A_1428 : i32 to index
        %get3A_1430 = arith.index_cast %add3A_1427 : i32 to index
        %get3A_1431 = arith.constant 48 : index
        %get3A_1432 = tpu.vector_load %arg7[%get3A_1429, %get3A_1430, %get3A_1431] {strides = array<i32>} : memref<5x128x64xf32, #tpu.memory_space<vmem>>, vector<16xf32>,
        %scatter3A_1433 = arith.constant 1 : i32
        %scatter3A_1434 = arith.constant 0 : i32
        %scatter3A_1435 = arith.constant 0 : i32
        %scatter3A_1436 = arith.constant 0 : i32
        %scatter3A_1437 = tpu.memref_slice %arg8[%scatter3A_1433, %scatter3A_1434, %scatter3A_1435, %scatter3A_1436] : memref<5x8x8x129xf32, #tpu.memory_space<vmem>> -> memref<1x8x8x129xf32, #tpu.memory_space<vmem>>
        %scatter3A_1438 = tpu.memref_squeeze %scatter3A_1437 : memref<1x8x8x129xf32, #tpu.memory_space<vmem>> -> memref<8x8x129xf32, #tpu.memory_space<vmem>>
        tpu.vector_store_idx %scatter3A_1438[%select_n3A_128, %select_n3A_226, %broadcast_in_dim3A_1241], %get3A_1380 : memref<8x8x129xf32, #tpu.memory_space<vmem>>[vector<16xi32>, vector<16xi32>, vector<16xi32>], vector<16xf32>,
        %add3A_1439 = arith.constant 4 : i32
        %add3A_1440 = arith.addi %add3A_1233, %add3A_1439 : i32
        %get3A_1441 = arith.constant 1 : i32
        %get3A_1442 = arith.index_cast %get3A_1441 : i32 to index
        %get3A_1443 = arith.index_cast %add3A_1440 : i32 to index
        %get3A_1444 = arith.constant 0 : index
        %get3A_1445 = tpu.vector_load %arg7[%get3A_1442, %get3A_1443, %get3A_1444] {strides = array<i32>} : memref<5x128x64xf32, #tpu.memory_space<vmem>>, vector<16xf32>,
        %scatter3A_1446 = arith.constant 1 : i32
        %scatter3A_1447 = arith.constant 0 : i32
        %scatter3A_1448 = arith.constant 0 : i32
        %scatter3A_1449 = arith.constant 0 : i32
        %scatter3A_1450 = tpu.memref_slice %arg8[%scatter3A_1446, %scatter3A_1447, %scatter3A_1448, %scatter3A_1449] : memref<5x8x8x129xf32, #tpu.memory_space<vmem>> -> memref<1x8x8x129xf32, #tpu.memory_space<vmem>>
        %scatter3A_1451 = tpu.memref_squeeze %scatter3A_1450 : memref<1x8x8x129xf32, #tpu.memory_space<vmem>> -> memref<8x8x129xf32, #tpu.memory_space<vmem>>
        tpu.vector_store_idx %scatter3A_1451[%select_n3A, %select_n3A_151, %broadcast_in_dim3A_1244], %get3A_1393 : memref<8x8x129xf32, #tpu.memory_space<vmem>>[vector<16xi32>, vector<16xi32>, vector<16xi32>], vector<16xf32>,
        %add3A_1452 = arith.constant 4 : i32
        %add3A_1453 = arith.addi %add3A_1233, %add3A_1452 : i32
        %get3A_1454 = arith.constant 1 : i32
        %get3A_1455 = arith.index_cast %get3A_1454 : i32 to index
        %get3A_1456 = arith.index_cast %add3A_1453 : i32 to index
        %get3A_1457 = arith.constant 16 : index
        %get3A_1458 = tpu.vector_load %arg7[%get3A_1455, %get3A_1456, %get3A_1457] {strides = array<i32>} : memref<5x128x64xf32, #tpu.memory_space<vmem>>, vector<16xf32>,
        %scatter3A_1459 = arith.constant 1 : i32
        %scatter3A_1460 = arith.constant 0 : i32
        %scatter3A_1461 = arith.constant 0 : i32
        %scatter3A_1462 = arith.constant 0 : i32
        %scatter3A_1463 = tpu.memref_slice %arg8[%scatter3A_1459, %scatter3A_1460, %scatter3A_1461, %scatter3A_1462] : memref<5x8x8x129xf32, #tpu.memory_space<vmem>> -> memref<1x8x8x129xf32, #tpu.memory_space<vmem>>
        %scatter3A_1464 = tpu.memref_squeeze %scatter3A_1463 : memref<1x8x8x129xf32, #tpu.memory_space<vmem>> -> memref<8x8x129xf32, #tpu.memory_space<vmem>>
        tpu.vector_store_idx %scatter3A_1464[%select_n3A_60, %select_n3A_176, %broadcast_in_dim3A_1244], %get3A_1406 : memref<8x8x129xf32, #tpu.memory_space<vmem>>[vector<16xi32>, vector<16xi32>, vector<16xi32>], vector<16xf32>,
        %add3A_1465 = arith.constant 4 : i32
        %add3A_1466 = arith.addi %add3A_1233, %add3A_1465 : i32
        %get3A_1467 = arith.constant 1 : i32
        %get3A_1468 = arith.index_cast %get3A_1467 : i32 to index
        %get3A_1469 = arith.index_cast %add3A_1466 : i32 to index
        %get3A_1470 = arith.constant 32 : index
        %get3A_1471 = tpu.vector_load %arg7[%get3A_1468, %get3A_1469, %get3A_1470] {strides = array<i32>} : memref<5x128x64xf32, #tpu.memory_space<vmem>>, vector<16xf32>,
        %scatter3A_1472 = arith.constant 1 : i32
        %scatter3A_1473 = arith.constant 0 : i32
        %scatter3A_1474 = arith.constant 0 : i32
        %scatter3A_1475 = arith.constant 0 : i32
        %scatter3A_1476 = tpu.memref_slice %arg8[%scatter3A_1472, %scatter3A_1473, %scatter3A_1474, %scatter3A_1475] : memref<5x8x8x129xf32, #tpu.memory_space<vmem>> -> memref<1x8x8x129xf32, #tpu.memory_space<vmem>>
        %scatter3A_1477 = tpu.memref_squeeze %scatter3A_1476 : memref<1x8x8x129xf32, #tpu.memory_space<vmem>> -> memref<8x8x129xf32, #tpu.memory_space<vmem>>
        tpu.vector_store_idx %scatter3A_1477[%select_n3A_94, %select_n3A_201, %broadcast_in_dim3A_1244], %get3A_1419 : memref<8x8x129xf32, #tpu.memory_space<vmem>>[vector<16xi32>, vector<16xi32>, vector<16xi32>], vector<16xf32>,
        %add3A_1478 = arith.constant 4 : i32
        %add3A_1479 = arith.addi %add3A_1233, %add3A_1478 : i32
        %get3A_1480 = arith.constant 1 : i32
        %get3A_1481 = arith.index_cast %get3A_1480 : i32 to index
        %get3A_1482 = arith.index_cast %add3A_1479 : i32 to index
        %get3A_1483 = arith.constant 48 : index
        %get3A_1484 = tpu.vector_load %arg7[%get3A_1481, %get3A_1482, %get3A_1483] {strides = array<i32>} : memref<5x128x64xf32, #tpu.memory_space<vmem>>, vector<16xf32>,
        %scatter3A_1485 = arith.constant 1 : i32
        %scatter3A_1486 = arith.constant 0 : i32
        %scatter3A_1487 = arith.constant 0 : i32
        %scatter3A_1488 = arith.constant 0 : i32
        %scatter3A_1489 = tpu.memref_slice %arg8[%scatter3A_1485, %scatter3A_1486, %scatter3A_1487, %scatter3A_1488] : memref<5x8x8x129xf32, #tpu.memory_space<vmem>> -> memref<1x8x8x129xf32, #tpu.memory_space<vmem>>
        %scatter3A_1490 = tpu.memref_squeeze %scatter3A_1489 : memref<1x8x8x129xf32, #tpu.memory_space<vmem>> -> memref<8x8x129xf32, #tpu.memory_space<vmem>>
        tpu.vector_store_idx %scatter3A_1490[%select_n3A_128, %select_n3A_226, %broadcast_in_dim3A_1244], %get3A_1432 : memref<8x8x129xf32, #tpu.memory_space<vmem>>[vector<16xi32>, vector<16xi32>, vector<16xi32>], vector<16xf32>,
        %add3A_1491 = arith.constant 5 : i32
        %add3A_1492 = arith.addi %add3A_1233, %add3A_1491 : i32
        %get3A_1493 = arith.constant 1 : i32
        %get3A_1494 = arith.index_cast %get3A_1493 : i32 to index
        %get3A_1495 = arith.index_cast %add3A_1492 : i32 to index
        %get3A_1496 = arith.constant 0 : index
        %get3A_1497 = tpu.vector_load %arg7[%get3A_1494, %get3A_1495, %get3A_1496] {strides = array<i32>} : memref<5x128x64xf32, #tpu.memory_space<vmem>>, vector<16xf32>,
        %scatter3A_1498 = arith.constant 1 : i32
        %scatter3A_1499 = arith.constant 0 : i32
        %scatter3A_1500 = arith.constant 0 : i32
        %scatter3A_1501 = arith.constant 0 : i32
        %scatter3A_1502 = tpu.memref_slice %arg8[%scatter3A_1498, %scatter3A_1499, %scatter3A_1500, %scatter3A_1501] : memref<5x8x8x129xf32, #tpu.memory_space<vmem>> -> memref<1x8x8x129xf32, #tpu.memory_space<vmem>>
        %scatter3A_1503 = tpu.memref_squeeze %scatter3A_1502 : memref<1x8x8x129xf32, #tpu.memory_space<vmem>> -> memref<8x8x129xf32, #tpu.memory_space<vmem>>
        tpu.vector_store_idx %scatter3A_1503[%select_n3A, %select_n3A_151, %broadcast_in_dim3A_1247], %get3A_1445 : memref<8x8x129xf32, #tpu.memory_space<vmem>>[vector<16xi32>, vector<16xi32>, vector<16xi32>], vector<16xf32>,
        %add3A_1504 = arith.constant 5 : i32
        %add3A_1505 = arith.addi %add3A_1233, %add3A_1504 : i32
        %get3A_1506 = arith.constant 1 : i32
        %get3A_1507 = arith.index_cast %get3A_1506 : i32 to index
        %get3A_1508 = arith.index_cast %add3A_1505 : i32 to index
        %get3A_1509 = arith.constant 16 : index
        %get3A_1510 = tpu.vector_load %arg7[%get3A_1507, %get3A_1508, %get3A_1509] {strides = array<i32>} : memref<5x128x64xf32, #tpu.memory_space<vmem>>, vector<16xf32>,
        %scatter3A_1511 = arith.constant 1 : i32
        %scatter3A_1512 = arith.constant 0 : i32
        %scatter3A_1513 = arith.constant 0 : i32
        %scatter3A_1514 = arith.constant 0 : i32
        %scatter3A_1515 = tpu.memref_slice %arg8[%scatter3A_1511, %scatter3A_1512, %scatter3A_1513, %scatter3A_1514] : memref<5x8x8x129xf32, #tpu.memory_space<vmem>> -> memref<1x8x8x129xf32, #tpu.memory_space<vmem>>
        %scatter3A_1516 = tpu.memref_squeeze %scatter3A_1515 : memref<1x8x8x129xf32, #tpu.memory_space<vmem>> -> memref<8x8x129xf32, #tpu.memory_space<vmem>>
        tpu.vector_store_idx %scatter3A_1516[%select_n3A_60, %select_n3A_176, %broadcast_in_dim3A_1247], %get3A_1458 : memref<8x8x129xf32, #tpu.memory_space<vmem>>[vector<16xi32>, vector<16xi32>, vector<16xi32>], vector<16xf32>,
        %add3A_1517 = arith.constant 5 : i32
        %add3A_1518 = arith.addi %add3A_1233, %add3A_1517 : i32
        %get3A_1519 = arith.constant 1 : i32
        %get3A_1520 = arith.index_cast %get3A_1519 : i32 to index
        %get3A_1521 = arith.index_cast %add3A_1518 : i32 to index
        %get3A_1522 = arith.constant 32 : index
        %get3A_1523 = tpu.vector_load %arg7[%get3A_1520, %get3A_1521, %get3A_1522] {strides = array<i32>} : memref<5x128x64xf32, #tpu.memory_space<vmem>>, vector<16xf32>,
        %scatter3A_1524 = arith.constant 1 : i32
        %scatter3A_1525 = arith.constant 0 : i32
        %scatter3A_1526 = arith.constant 0 : i32
        %scatter3A_1527 = arith.constant 0 : i32
        %scatter3A_1528 = tpu.memref_slice %arg8[%scatter3A_1524, %scatter3A_1525, %scatter3A_1526, %scatter3A_1527] : memref<5x8x8x129xf32, #tpu.memory_space<vmem>> -> memref<1x8x8x129xf32, #tpu.memory_space<vmem>>
        %scatter3A_1529 = tpu.memref_squeeze %scatter3A_1528 : memref<1x8x8x129xf32, #tpu.memory_space<vmem>> -> memref<8x8x129xf32, #tpu.memory_space<vmem>>
        tpu.vector_store_idx %scatter3A_1529[%select_n3A_94, %select_n3A_201, %broadcast_in_dim3A_1247], %get3A_1471 : memref<8x8x129xf32, #tpu.memory_space<vmem>>[vector<16xi32>, vector<16xi32>, vector<16xi32>], vector<16xf32>,
        %add3A_1530 = arith.constant 5 : i32
        %add3A_1531 = arith.addi %add3A_1233, %add3A_1530 : i32
        %get3A_1532 = arith.constant 1 : i32
        %get3A_1533 = arith.index_cast %get3A_1532 : i32 to index
        %get3A_1534 = arith.index_cast %add3A_1531 : i32 to index
        %get3A_1535 = arith.constant 48 : index
        %get3A_1536 = tpu.vector_load %arg7[%get3A_1533, %get3A_1534, %get3A_1535] {strides = array<i32>} : memref<5x128x64xf32, #tpu.memory_space<vmem>>, vector<16xf32>,
        %scatter3A_1537 = arith.constant 1 : i32
        %scatter3A_1538 = arith.constant 0 : i32
        %scatter3A_1539 = arith.constant 0 : i32
        %scatter3A_1540 = arith.constant 0 : i32
        %scatter3A_1541 = tpu.memref_slice %arg8[%scatter3A_1537, %scatter3A_1538, %scatter3A_1539, %scatter3A_1540] : memref<5x8x8x129xf32, #tpu.memory_space<vmem>> -> memref<1x8x8x129xf32, #tpu.memory_space<vmem>>
        %scatter3A_1542 = tpu.memref_squeeze %scatter3A_1541 : memref<1x8x8x129xf32, #tpu.memory_space<vmem>> -> memref<8x8x129xf32, #tpu.memory_space<vmem>>
        tpu.vector_store_idx %scatter3A_1542[%select_n3A_128, %select_n3A_226, %broadcast_in_dim3A_1247], %get3A_1484 : memref<8x8x129xf32, #tpu.memory_space<vmem>>[vector<16xi32>, vector<16xi32>, vector<16xi32>], vector<16xf32>,
        %add3A_1543 = arith.constant 6 : i32
        %add3A_1544 = arith.addi %add3A_1233, %add3A_1543 : i32
        %get3A_1545 = arith.constant 1 : i32
        %get3A_1546 = arith.index_cast %get3A_1545 : i32 to index
        %get3A_1547 = arith.index_cast %add3A_1544 : i32 to index
        %get3A_1548 = arith.constant 0 : index
        %get3A_1549 = tpu.vector_load %arg7[%get3A_1546, %get3A_1547, %get3A_1548] {strides = array<i32>} : memref<5x128x64xf32, #tpu.memory_space<vmem>>, vector<16xf32>,
        %scatter3A_1550 = arith.constant 1 : i32
        %scatter3A_1551 = arith.constant 0 : i32
        %scatter3A_1552 = arith.constant 0 : i32
        %scatter3A_1553 = arith.constant 0 : i32
        %scatter3A_1554 = tpu.memref_slice %arg8[%scatter3A_1550, %scatter3A_1551, %scatter3A_1552, %scatter3A_1553] : memref<5x8x8x129xf32, #tpu.memory_space<vmem>> -> memref<1x8x8x129xf32, #tpu.memory_space<vmem>>
        %scatter3A_1555 = tpu.memref_squeeze %scatter3A_1554 : memref<1x8x8x129xf32, #tpu.memory_space<vmem>> -> memref<8x8x129xf32, #tpu.memory_space<vmem>>
        tpu.vector_store_idx %scatter3A_1555[%select_n3A, %select_n3A_151, %broadcast_in_dim3A_1250], %get3A_1497 : memref<8x8x129xf32, #tpu.memory_space<vmem>>[vector<16xi32>, vector<16xi32>, vector<16xi32>], vector<16xf32>,
        %add3A_1556 = arith.constant 6 : i32
        %add3A_1557 = arith.addi %add3A_1233, %add3A_1556 : i32
        %get3A_1558 = arith.constant 1 : i32
        %get3A_1559 = arith.index_cast %get3A_1558 : i32 to index
        %get3A_1560 = arith.index_cast %add3A_1557 : i32 to index
        %get3A_1561 = arith.constant 16 : index
        %get3A_1562 = tpu.vector_load %arg7[%get3A_1559, %get3A_1560, %get3A_1561] {strides = array<i32>} : memref<5x128x64xf32, #tpu.memory_space<vmem>>, vector<16xf32>,
        %scatter3A_1563 = arith.constant 1 : i32
        %scatter3A_1564 = arith.constant 0 : i32
        %scatter3A_1565 = arith.constant 0 : i32
        %scatter3A_1566 = arith.constant 0 : i32
        %scatter3A_1567 = tpu.memref_slice %arg8[%scatter3A_1563, %scatter3A_1564, %scatter3A_1565, %scatter3A_1566] : memref<5x8x8x129xf32, #tpu.memory_space<vmem>> -> memref<1x8x8x129xf32, #tpu.memory_space<vmem>>
        %scatter3A_1568 = tpu.memref_squeeze %scatter3A_1567 : memref<1x8x8x129xf32, #tpu.memory_space<vmem>> -> memref<8x8x129xf32, #tpu.memory_space<vmem>>
        tpu.vector_store_idx %scatter3A_1568[%select_n3A_60, %select_n3A_176, %broadcast_in_dim3A_1250], %get3A_1510 : memref<8x8x129xf32, #tpu.memory_space<vmem>>[vector<16xi32>, vector<16xi32>, vector<16xi32>], vector<16xf32>,
        %add3A_1569 = arith.constant 6 : i32
        %add3A_1570 = arith.addi %add3A_1233, %add3A_1569 : i32
        %get3A_1571 = arith.constant 1 : i32
        %get3A_1572 = arith.index_cast %get3A_1571 : i32 to index
        %get3A_1573 = arith.index_cast %add3A_1570 : i32 to index
        %get3A_1574 = arith.constant 32 : index
        %get3A_1575 = tpu.vector_load %arg7[%get3A_1572, %get3A_1573, %get3A_1574] {strides = array<i32>} : memref<5x128x64xf32, #tpu.memory_space<vmem>>, vector<16xf32>,
        %scatter3A_1576 = arith.constant 1 : i32
        %scatter3A_1577 = arith.constant 0 : i32
        %scatter3A_1578 = arith.constant 0 : i32
        %scatter3A_1579 = arith.constant 0 : i32
        %scatter3A_1580 = tpu.memref_slice %arg8[%scatter3A_1576, %scatter3A_1577, %scatter3A_1578, %scatter3A_1579] : memref<5x8x8x129xf32, #tpu.memory_space<vmem>> -> memref<1x8x8x129xf32, #tpu.memory_space<vmem>>
        %scatter3A_1581 = tpu.memref_squeeze %scatter3A_1580 : memref<1x8x8x129xf32, #tpu.memory_space<vmem>> -> memref<8x8x129xf32, #tpu.memory_space<vmem>>
        tpu.vector_store_idx %scatter3A_1581[%select_n3A_94, %select_n3A_201, %broadcast_in_dim3A_1250], %get3A_1523 : memref<8x8x129xf32, #tpu.memory_space<vmem>>[vector<16xi32>, vector<16xi32>, vector<16xi32>], vector<16xf32>,
        %add3A_1582 = arith.constant 6 : i32
        %add3A_1583 = arith.addi %add3A_1233, %add3A_1582 : i32
        %get3A_1584 = arith.constant 1 : i32
        %get3A_1585 = arith.index_cast %get3A_1584 : i32 to index
        %get3A_1586 = arith.index_cast %add3A_1583 : i32 to index
        %get3A_1587 = arith.constant 48 : index
        %get3A_1588 = tpu.vector_load %arg7[%get3A_1585, %get3A_1586, %get3A_1587] {strides = array<i32>} : memref<5x128x64xf32, #tpu.memory_space<vmem>>, vector<16xf32>,
        %scatter3A_1589 = arith.constant 1 : i32
        %scatter3A_1590 = arith.constant 0 : i32
        %scatter3A_1591 = arith.constant 0 : i32
        %scatter3A_1592 = arith.constant 0 : i32
        %scatter3A_1593 = tpu.memref_slice %arg8[%scatter3A_1589, %scatter3A_1590, %scatter3A_1591, %scatter3A_1592] : memref<5x8x8x129xf32, #tpu.memory_space<vmem>> -> memref<1x8x8x129xf32, #tpu.memory_space<vmem>>
        %scatter3A_1594 = tpu.memref_squeeze %scatter3A_1593 : memref<1x8x8x129xf32, #tpu.memory_space<vmem>> -> memref<8x8x129xf32, #tpu.memory_space<vmem>>
        tpu.vector_store_idx %scatter3A_1594[%select_n3A_128, %select_n3A_226, %broadcast_in_dim3A_1250], %get3A_1536 : memref<8x8x129xf32, #tpu.memory_space<vmem>>[vector<16xi32>, vector<16xi32>, vector<16xi32>], vector<16xf32>,
        %add3A_1595 = arith.constant 7 : i32
        %add3A_1596 = arith.addi %add3A_1233, %add3A_1595 : i32
        %get3A_1597 = arith.constant 1 : i32
        %get3A_1598 = arith.index_cast %get3A_1597 : i32 to index
        %get3A_1599 = arith.index_cast %add3A_1596 : i32 to index
        %get3A_1600 = arith.constant 0 : index
        %get3A_1601 = tpu.vector_load %arg7[%get3A_1598, %get3A_1599, %get3A_1600] {strides = array<i32>} : memref<5x128x64xf32, #tpu.memory_space<vmem>>, vector<16xf32>,
        %scatter3A_1602 = arith.constant 1 : i32
        %scatter3A_1603 = arith.constant 0 : i32
        %scatter3A_1604 = arith.constant 0 : i32
        %scatter3A_1605 = arith.constant 0 : i32
        %scatter3A_1606 = tpu.memref_slice %arg8[%scatter3A_1602, %scatter3A_1603, %scatter3A_1604, %scatter3A_1605] : memref<5x8x8x129xf32, #tpu.memory_space<vmem>> -> memref<1x8x8x129xf32, #tpu.memory_space<vmem>>
        %scatter3A_1607 = tpu.memref_squeeze %scatter3A_1606 : memref<1x8x8x129xf32, #tpu.memory_space<vmem>> -> memref<8x8x129xf32, #tpu.memory_space<vmem>>
        tpu.vector_store_idx %scatter3A_1607[%select_n3A, %select_n3A_151, %broadcast_in_dim3A_1253], %get3A_1549 : memref<8x8x129xf32, #tpu.memory_space<vmem>>[vector<16xi32>, vector<16xi32>, vector<16xi32>], vector<16xf32>,
        %add3A_1608 = arith.constant 7 : i32
        %add3A_1609 = arith.addi %add3A_1233, %add3A_1608 : i32
        %get3A_1610 = arith.constant 1 : i32
        %get3A_1611 = arith.index_cast %get3A_1610 : i32 to index
        %get3A_1612 = arith.index_cast %add3A_1609 : i32 to index
        %get3A_1613 = arith.constant 16 : index
        %get3A_1614 = tpu.vector_load %arg7[%get3A_1611, %get3A_1612, %get3A_1613] {strides = array<i32>} : memref<5x128x64xf32, #tpu.memory_space<vmem>>, vector<16xf32>,
        %scatter3A_1615 = arith.constant 1 : i32
        %scatter3A_1616 = arith.constant 0 : i32
        %scatter3A_1617 = arith.constant 0 : i32
        %scatter3A_1618 = arith.constant 0 : i32
        %scatter3A_1619 = tpu.memref_slice %arg8[%scatter3A_1615, %scatter3A_1616, %scatter3A_1617, %scatter3A_1618] : memref<5x8x8x129xf32, #tpu.memory_space<vmem>> -> memref<1x8x8x129xf32, #tpu.memory_space<vmem>>
        %scatter3A_1620 = tpu.memref_squeeze %scatter3A_1619 : memref<1x8x8x129xf32, #tpu.memory_space<vmem>> -> memref<8x8x129xf32, #tpu.memory_space<vmem>>
        tpu.vector_store_idx %scatter3A_1620[%select_n3A_60, %select_n3A_176, %broadcast_in_dim3A_1253], %get3A_1562 : memref<8x8x129xf32, #tpu.memory_space<vmem>>[vector<16xi32>, vector<16xi32>, vector<16xi32>], vector<16xf32>,
        %add3A_1621 = arith.constant 7 : i32
        %add3A_1622 = arith.addi %add3A_1233, %add3A_1621 : i32
        %get3A_1623 = arith.constant 1 : i32
        %get3A_1624 = arith.index_cast %get3A_1623 : i32 to index
        %get3A_1625 = arith.index_cast %add3A_1622 : i32 to index
        %get3A_1626 = arith.constant 32 : index
        %get3A_1627 = tpu.vector_load %arg7[%get3A_1624, %get3A_1625, %get3A_1626] {strides = array<i32>} : memref<5x128x64xf32, #tpu.memory_space<vmem>>, vector<16xf32>,
        %scatter3A_1628 = arith.constant 1 : i32
        %scatter3A_1629 = arith.constant 0 : i32
        %scatter3A_1630 = arith.constant 0 : i32
        %scatter3A_1631 = arith.constant 0 : i32
        %scatter3A_1632 = tpu.memref_slice %arg8[%scatter3A_1628, %scatter3A_1629, %scatter3A_1630, %scatter3A_1631] : memref<5x8x8x129xf32, #tpu.memory_space<vmem>> -> memref<1x8x8x129xf32, #tpu.memory_space<vmem>>
        %scatter3A_1633 = tpu.memref_squeeze %scatter3A_1632 : memref<1x8x8x129xf32, #tpu.memory_space<vmem>> -> memref<8x8x129xf32, #tpu.memory_space<vmem>>
        tpu.vector_store_idx %scatter3A_1633[%select_n3A_94, %select_n3A_201, %broadcast_in_dim3A_1253], %get3A_1575 : memref<8x8x129xf32, #tpu.memory_space<vmem>>[vector<16xi32>, vector<16xi32>, vector<16xi32>], vector<16xf32>,
        %add3A_1634 = arith.constant 7 : i32
        %add3A_1635 = arith.addi %add3A_1233, %add3A_1634 : i32
        %get3A_1636 = arith.constant 1 : i32
        %get3A_1637 = arith.index_cast %get3A_1636 : i32 to index
        %get3A_1638 = arith.index_cast %add3A_1635 : i32 to index
        %get3A_1639 = arith.constant 48 : index
        %get3A_1640 = tpu.vector_load %arg7[%get3A_1637, %get3A_1638, %get3A_1639] {strides = array<i32>} : memref<5x128x64xf32, #tpu.memory_space<vmem>>, vector<16xf32>,
        %scatter3A_1641 = arith.constant 1 : i32
        %scatter3A_1642 = arith.constant 0 : i32
        %scatter3A_1643 = arith.constant 0 : i32
        %scatter3A_1644 = arith.constant 0 : i32
        %scatter3A_1645 = tpu.memref_slice %arg8[%scatter3A_1641, %scatter3A_1642, %scatter3A_1643, %scatter3A_1644] : memref<5x8x8x129xf32, #tpu.memory_space<vmem>> -> memref<1x8x8x129xf32, #tpu.memory_space<vmem>>
        %scatter3A_1646 = tpu.memref_squeeze %scatter3A_1645 : memref<1x8x8x129xf32, #tpu.memory_space<vmem>> -> memref<8x8x129xf32, #tpu.memory_space<vmem>>
        tpu.vector_store_idx %scatter3A_1646[%select_n3A_128, %select_n3A_226, %broadcast_in_dim3A_1253], %get3A_1588 : memref<8x8x129xf32, #tpu.memory_space<vmem>>[vector<16xi32>, vector<16xi32>, vector<16xi32>], vector<16xf32>,
        %scatter3A_1647 = arith.constant 1 : i32
        %scatter3A_1648 = arith.constant 0 : i32
        %scatter3A_1649 = arith.constant 0 : i32
        %scatter3A_1650 = arith.constant 0 : i32
        %scatter3A_1651 = tpu.memref_slice %arg8[%scatter3A_1647, %scatter3A_1648, %scatter3A_1649, %scatter3A_1650] : memref<5x8x8x129xf32, #tpu.memory_space<vmem>> -> memref<1x8x8x129xf32, #tpu.memory_space<vmem>>
        %scatter3A_1652 = tpu.memref_squeeze %scatter3A_1651 : memref<1x8x8x129xf32, #tpu.memory_space<vmem>> -> memref<8x8x129xf32, #tpu.memory_space<vmem>>
        tpu.vector_store_idx %scatter3A_1652[%select_n3A, %select_n3A_151, %broadcast_in_dim3A_1256], %get3A_1601 : memref<8x8x129xf32, #tpu.memory_space<vmem>>[vector<16xi32>, vector<16xi32>, vector<16xi32>], vector<16xf32>,
        %scatter3A_1653 = arith.constant 1 : i32
        %scatter3A_1654 = arith.constant 0 : i32
        %scatter3A_1655 = arith.constant 0 : i32
        %scatter3A_1656 = arith.constant 0 : i32
        %scatter3A_1657 = tpu.memref_slice %arg8[%scatter3A_1653, %scatter3A_1654, %scatter3A_1655, %scatter3A_1656] : memref<5x8x8x129xf32, #tpu.memory_space<vmem>> -> memref<1x8x8x129xf32, #tpu.memory_space<vmem>>
        %scatter3A_1658 = tpu.memref_squeeze %scatter3A_1657 : memref<1x8x8x129xf32, #tpu.memory_space<vmem>> -> memref<8x8x129xf32, #tpu.memory_space<vmem>>
        tpu.vector_store_idx %scatter3A_1658[%select_n3A_60, %select_n3A_176, %broadcast_in_dim3A_1256], %get3A_1614 : memref<8x8x129xf32, #tpu.memory_space<vmem>>[vector<16xi32>, vector<16xi32>, vector<16xi32>], vector<16xf32>,
        %scatter3A_1659 = arith.constant 1 : i32
        %scatter3A_1660 = arith.constant 0 : i32
        %scatter3A_1661 = arith.constant 0 : i32
        %scatter3A_1662 = arith.constant 0 : i32
        %scatter3A_1663 = tpu.memref_slice %arg8[%scatter3A_1659, %scatter3A_1660, %scatter3A_1661, %scatter3A_1662] : memref<5x8x8x129xf32, #tpu.memory_space<vmem>> -> memref<1x8x8x129xf32, #tpu.memory_space<vmem>>
        %scatter3A_1664 = tpu.memref_squeeze %scatter3A_1663 : memref<1x8x8x129xf32, #tpu.memory_space<vmem>> -> memref<8x8x129xf32, #tpu.memory_space<vmem>>
        tpu.vector_store_idx %scatter3A_1664[%select_n3A_94, %select_n3A_201, %broadcast_in_dim3A_1256], %get3A_1627 : memref<8x8x129xf32, #tpu.memory_space<vmem>>[vector<16xi32>, vector<16xi32>, vector<16xi32>], vector<16xf32>,
        %scatter3A_1665 = arith.constant 1 : i32
        %scatter3A_1666 = arith.constant 0 : i32
        %scatter3A_1667 = arith.constant 0 : i32
        %scatter3A_1668 = arith.constant 0 : i32
        %scatter3A_1669 = tpu.memref_slice %arg8[%scatter3A_1665, %scatter3A_1666, %scatter3A_1667, %scatter3A_1668] : memref<5x8x8x129xf32, #tpu.memory_space<vmem>> -> memref<1x8x8x129xf32, #tpu.memory_space<vmem>>
        %scatter3A_1670 = tpu.memref_squeeze %scatter3A_1669 : memref<1x8x8x129xf32, #tpu.memory_space<vmem>> -> memref<8x8x129xf32, #tpu.memory_space<vmem>>
        tpu.vector_store_idx %scatter3A_1670[%select_n3A_128, %select_n3A_226, %broadcast_in_dim3A_1256], %get3A_1640 : memref<8x8x129xf32, #tpu.memory_space<vmem>>[vector<16xi32>, vector<16xi32>, vector<16xi32>], vector<16xf32>,
      }
      %scan3A_1038 = arith.constant 16 : i32
      %dma_start3A_1039 = arith.constant 1 : i32
      %dma_start3A_1040 = arith.constant 0 : i32
      %dma_start3A_1041 = arith.constant 0 : i32
      %dma_start3A_1042 = arith.constant 0 : i32
      %dma_start3A_1043 = tpu.memref_slice %arg8[%dma_start3A_1039, %dma_start3A_1040, %dma_start3A_1041, %dma_start3A_1042] : memref<5x8x8x129xf32, #tpu.memory_space<vmem>> -> memref<1x8x8x128xf32, #tpu.memory_space<vmem>>
      %dma_start3A_1044 = tpu.memref_squeeze %dma_start3A_1043 : memref<1x8x8x128xf32, #tpu.memory_space<vmem>> -> memref<8x8x128xf32, #tpu.memory_space<vmem>>
      %dma_start3A_1045 = arith.constant 0 : i32
      %dma_start3A_1046 = arith.constant 0 : i32
      %dma_start3A_1047 = arith.constant 0 : i32
      %dma_start3A_1048 = tpu.memref_slice %arg4[%add3A_1016, %dma_start3A_1045, %add3A, %dma_start3A_1046, %dma_start3A_1047] : memref<50x8x32x8x128xf32, #tpu.memory_space<hbm>> -> memref<1x8x1x8x128xf32, #tpu.memory_space<hbm>>
      %dma_start3A_1049 = tpu.memref_squeeze %dma_start3A_1048 : memref<1x8x1x8x128xf32, #tpu.memory_space<hbm>> -> memref<8x8x128xf32, #tpu.memory_space<hbm>>
      %dma_start3A_1050 = arith.constant 0 : i32
      %dma_start3A_1051 = arith.constant 0 : i32
      %dma_start3A_1052 = arith.constant 0 : i32
      %dma_start3A_1053 = tpu.memref_slice %arg4[%add3A_1016, %dma_start3A_1050, %add3A, %dma_start3A_1051, %dma_start3A_1052] : memref<50x8x32x8x128xf32, #tpu.memory_space<hbm>> -> memref<1x8x1x8x128xf32, #tpu.memory_space<hbm>>
      %dma_start3A_1054 = tpu.memref_squeeze %dma_start3A_1053 : memref<1x8x1x8x128xf32, #tpu.memory_space<hbm>> -> memref<8x8x128xf32, #tpu.memory_space<hbm>>
      %dma_start3A_1055 = arith.constant 0 : i32
      %dma_start3A_1056 = arith.constant 0 : i32
      %dma_start3A_1057 = arith.constant 0 : i32
      %dma_start3A_1058 = tpu.memref_slice %arg8[%dma_start3A_1039, %dma_start3A_1055, %dma_start3A_1056, %dma_start3A_1057] : memref<5x8x8x129xf32, #tpu.memory_space<vmem>> -> memref<1x8x8x128xf32, #tpu.memory_space<vmem>>
      %dma_start3A_1059 = tpu.memref_squeeze %dma_start3A_1058 : memref<1x8x8x128xf32, #tpu.memory_space<vmem>> -> memref<8x8x128xf32, #tpu.memory_space<vmem>>
      tpu.enqueue_dma source(%dma_start3A_1059 : memref<8x8x128xf32, #tpu.memory_space<vmem>>) target(%dma_start3A_1054 : memref<8x8x128xf32, #tpu.memory_space<hbm>>) target_semaphore(%arg15 : memref<!tpu.dma_semaphore, #tpu.memory_space<semaphore_mem>>)
      %add3A_1060 = arith.constant 5 : i32
      %add3A_1061 = arith.addi %add3A_1016, %add3A_1060 : i32
      %lt3A_1062 = arith.constant 50 : i32
      %lt3A_1063 = arith.cmpi slt, %add3A_1061, %lt3A_1062 : i32
      %convert_element_type3A_1064 = arith.extui %lt3A_1063 : i1 to i32
      %cond3A_1065 = arith.constant 0 : i32
      %cond3A_1066 = arith.cmpi ne, %convert_element_type3A_1064, %cond3A_1065 : i32
      scf.if %cond3A_1066 {
        %add3A_1229 = arith.constant 0 : i32
        %add3A_1230 = vector.broadcast %add3A_1229 : i32 to vector<16xi32>
        %add3A_1231 = arith.addi %iota3A, %add3A_1230 : vector<16xi32>
        %mul3A_1232 = arith.constant 50 : i32
        %mul3A_1233 = vector.broadcast %mul3A_1232 : i32 to vector<16xi32>
        %mul3A_1234 = arith.muli %add3A_1231, %mul3A_1233 : vector<16xi32>
        %add3A_1235 = vector.broadcast %add3A_1061 : i32 to vector<16xi32>
        %add3A_1236 = arith.addi %mul3A_1234, %add3A_1235 : vector<16xi32>
        %gather3A_1237 = tpu.vector_load_idx %arg5[%add3A_1236] : memref<6400xi32, #tpu.memory_space<vmem>>[vector<16xi32>], vector<16xi32>,
        %swap3A_1238 = arith.constant 1 : i32
        %swap3A_1239 = arith.index_cast %swap3A_1238 : i32 to index
        %swap3A_1240 = arith.constant 0 : index
        %swap3A_1241 = tpu.vector_load %arg6[%swap3A_1239, %swap3A_1240] {strides = array<i32>} : memref<5x128xi32, #tpu.memory_space<vmem>>, vector<16xi32>,
        tpu.vector_store %arg6[%swap3A_1239, %swap3A_1240], %gather3A_1237 {strides = array<i32>} : memref<5x128xi32, #tpu.memory_space<vmem>>, vector<16xi32>,
        %add3A_1242 = arith.constant 16 : i32
        %add3A_1243 = vector.broadcast %add3A_1242 : i32 to vector<16xi32>
        %add3A_1244 = arith.addi %iota3A, %add3A_1243 : vector<16xi32>
        %mul3A_1245 = arith.constant 50 : i32
        %mul3A_1246 = vector.broadcast %mul3A_1245 : i32 to vector<16xi32>
        %mul3A_1247 = arith.muli %add3A_1244, %mul3A_1246 : vector<16xi32>
        %add3A_1248 = vector.broadcast %add3A_1061 : i32 to vector<16xi32>
        %add3A_1249 = arith.addi %mul3A_1247, %add3A_1248 : vector<16xi32>
        %gather3A_1250 = tpu.vector_load_idx %arg5[%add3A_1249] : memref<6400xi32, #tpu.memory_space<vmem>>[vector<16xi32>], vector<16xi32>,
        %swap3A_1251 = arith.constant 1 : i32
        %swap3A_1252 = arith.index_cast %swap3A_1251 : i32 to index
        %swap3A_1253 = arith.constant 16 : index
        %swap3A_1254 = tpu.vector_load %arg6[%swap3A_1252, %swap3A_1253] {strides = array<i32>} : memref<5x128xi32, #tpu.memory_space<vmem>>, vector<16xi32>,
        tpu.vector_store %arg6[%swap3A_1252, %swap3A_1253], %gather3A_1250 {strides = array<i32>} : memref<5x128xi32, #tpu.memory_space<vmem>>, vector<16xi32>,
        %add3A_1255 = arith.constant 32 : i32
        %add3A_1256 = vector.broadcast %add3A_1255 : i32 to vector<16xi32>
        %add3A_1257 = arith.addi %iota3A, %add3A_1256 : vector<16xi32>
        %mul3A_1258 = arith.constant 50 : i32
        %mul3A_1259 = vector.broadcast %mul3A_1258 : i32 to vector<16xi32>
        %mul3A_1260 = arith.muli %add3A_1257, %mul3A_1259 : vector<16xi32>
        %add3A_1261 = vector.broadcast %add3A_1061 : i32 to vector<16xi32>
        %add3A_1262 = arith.addi %mul3A_1260, %add3A_1261 : vector<16xi32>
        %gather3A_1263 = tpu.vector_load_idx %arg5[%add3A_1262] : memref<6400xi32, #tpu.memory_space<vmem>>[vector<16xi32>], vector<16xi32>,
        %swap3A_1264 = arith.constant 1 : i32
        %swap3A_1265 = arith.index_cast %swap3A_1264 : i32 to index
        %swap3A_1266 = arith.constant 32 : index
        %swap3A_1267 = tpu.vector_load %arg6[%swap3A_1265, %swap3A_1266] {strides = array<i32>} : memref<5x128xi32, #tpu.memory_space<vmem>>, vector<16xi32>,
        tpu.vector_store %arg6[%swap3A_1265, %swap3A_1266], %gather3A_1263 {strides = array<i32>} : memref<5x128xi32, #tpu.memory_space<vmem>>, vector<16xi32>,
        %add3A_1268 = arith.constant 48 : i32
        %add3A_1269 = vector.broadcast %add3A_1268 : i32 to vector<16xi32>
        %add3A_1270 = arith.addi %iota3A, %add3A_1269 : vector<16xi32>
        %mul3A_1271 = arith.constant 50 : i32
        %mul3A_1272 = vector.broadcast %mul3A_1271 : i32 to vector<16xi32>
        %mul3A_1273 = arith.muli %add3A_1270, %mul3A_1272 : vector<16xi32>
        %add3A_1274 = vector.broadcast %add3A_1061 : i32 to vector<16xi32>
        %add3A_1275 = arith.addi %mul3A_1273, %add3A_1274 : vector<16xi32>
        %gather3A_1276 = tpu.vector_load_idx %arg5[%add3A_1275] : memref<6400xi32, #tpu.memory_space<vmem>>[vector<16xi32>], vector<16xi32>,
        %swap3A_1277 = arith.constant 1 : i32
        %swap3A_1278 = arith.index_cast %swap3A_1277 : i32 to index
        %swap3A_1279 = arith.constant 48 : index
        %swap3A_1280 = tpu.vector_load %arg6[%swap3A_1278, %swap3A_1279] {strides = array<i32>} : memref<5x128xi32, #tpu.memory_space<vmem>>, vector<16xi32>,
        tpu.vector_store %arg6[%swap3A_1278, %swap3A_1279], %gather3A_1276 {strides = array<i32>} : memref<5x128xi32, #tpu.memory_space<vmem>>, vector<16xi32>,
        %add3A_1281 = arith.constant 64 : i32
        %add3A_1282 = vector.broadcast %add3A_1281 : i32 to vector<16xi32>
        %add3A_1283 = arith.addi %iota3A, %add3A_1282 : vector<16xi32>
        %mul3A_1284 = arith.constant 50 : i32
        %mul3A_1285 = vector.broadcast %mul3A_1284 : i32 to vector<16xi32>
        %mul3A_1286 = arith.muli %add3A_1283, %mul3A_1285 : vector<16xi32>
        %add3A_1287 = vector.broadcast %add3A_1061 : i32 to vector<16xi32>
        %add3A_1288 = arith.addi %mul3A_1286, %add3A_1287 : vector<16xi32>
        %gather3A_1289 = tpu.vector_load_idx %arg5[%add3A_1288] : memref<6400xi32, #tpu.memory_space<vmem>>[vector<16xi32>], vector<16xi32>,
        %swap3A_1290 = arith.constant 1 : i32
        %swap3A_1291 = arith.index_cast %swap3A_1290 : i32 to index
        %swap3A_1292 = arith.constant 64 : index
        %swap3A_1293 = tpu.vector_load %arg6[%swap3A_1291, %swap3A_1292] {strides = array<i32>} : memref<5x128xi32, #tpu.memory_space<vmem>>, vector<16xi32>,
        tpu.vector_store %arg6[%swap3A_1291, %swap3A_1292], %gather3A_1289 {strides = array<i32>} : memref<5x128xi32, #tpu.memory_space<vmem>>, vector<16xi32>,
        %add3A_1294 = arith.constant 80 : i32
        %add3A_1295 = vector.broadcast %add3A_1294 : i32 to vector<16xi32>
        %add3A_1296 = arith.addi %iota3A, %add3A_1295 : vector<16xi32>
        %mul3A_1297 = arith.constant 50 : i32
        %mul3A_1298 = vector.broadcast %mul3A_1297 : i32 to vector<16xi32>
        %mul3A_1299 = arith.muli %add3A_1296, %mul3A_1298 : vector<16xi32>
        %add3A_1300 = vector.broadcast %add3A_1061 : i32 to vector<16xi32>
        %add3A_1301 = arith.addi %mul3A_1299, %add3A_1300 : vector<16xi32>
        %gather3A_1302 = tpu.vector_load_idx %arg5[%add3A_1301] : memref<6400xi32, #tpu.memory_space<vmem>>[vector<16xi32>], vector<16xi32>,
        %swap3A_1303 = arith.constant 1 : i32
        %swap3A_1304 = arith.index_cast %swap3A_1303 : i32 to index
        %swap3A_1305 = arith.constant 80 : index
        %swap3A_1306 = tpu.vector_load %arg6[%swap3A_1304, %swap3A_1305] {strides = array<i32>} : memref<5x128xi32, #tpu.memory_space<vmem>>, vector<16xi32>,
        tpu.vector_store %arg6[%swap3A_1304, %swap3A_1305], %gather3A_1302 {strides = array<i32>} : memref<5x128xi32, #tpu.memory_space<vmem>>, vector<16xi32>,
        %add3A_1307 = arith.constant 96 : i32
        %add3A_1308 = vector.broadcast %add3A_1307 : i32 to vector<16xi32>
        %add3A_1309 = arith.addi %iota3A, %add3A_1308 : vector<16xi32>
        %mul3A_1310 = arith.constant 50 : i32
        %mul3A_1311 = vector.broadcast %mul3A_1310 : i32 to vector<16xi32>
        %mul3A_1312 = arith.muli %add3A_1309, %mul3A_1311 : vector<16xi32>
        %add3A_1313 = vector.broadcast %add3A_1061 : i32 to vector<16xi32>
        %add3A_1314 = arith.addi %mul3A_1312, %add3A_1313 : vector<16xi32>
        %gather3A_1315 = tpu.vector_load_idx %arg5[%add3A_1314] : memref<6400xi32, #tpu.memory_space<vmem>>[vector<16xi32>], vector<16xi32>,
        %swap3A_1316 = arith.constant 1 : i32
        %swap3A_1317 = arith.index_cast %swap3A_1316 : i32 to index
        %swap3A_1318 = arith.constant 96 : index
        %swap3A_1319 = tpu.vector_load %arg6[%swap3A_1317, %swap3A_1318] {strides = array<i32>} : memref<5x128xi32, #tpu.memory_space<vmem>>, vector<16xi32>,
        tpu.vector_store %arg6[%swap3A_1317, %swap3A_1318], %gather3A_1315 {strides = array<i32>} : memref<5x128xi32, #tpu.memory_space<vmem>>, vector<16xi32>,
        %add3A_1320 = arith.constant 112 : i32
        %add3A_1321 = vector.broadcast %add3A_1320 : i32 to vector<16xi32>
        %add3A_1322 = arith.addi %iota3A, %add3A_1321 : vector<16xi32>
        %mul3A_1323 = arith.constant 50 : i32
        %mul3A_1324 = vector.broadcast %mul3A_1323 : i32 to vector<16xi32>
        %mul3A_1325 = arith.muli %add3A_1322, %mul3A_1324 : vector<16xi32>
        %add3A_1326 = vector.broadcast %add3A_1061 : i32 to vector<16xi32>
        %add3A_1327 = arith.addi %mul3A_1325, %add3A_1326 : vector<16xi32>
        %gather3A_1328 = tpu.vector_load_idx %arg5[%add3A_1327] : memref<6400xi32, #tpu.memory_space<vmem>>[vector<16xi32>], vector<16xi32>,
        %swap3A_1329 = arith.constant 1 : i32
        %swap3A_1330 = arith.index_cast %swap3A_1329 : i32 to index
        %swap3A_1331 = arith.constant 112 : index
        %swap3A_1332 = tpu.vector_load %arg6[%swap3A_1330, %swap3A_1331] {strides = array<i32>} : memref<5x128xi32, #tpu.memory_space<vmem>>, vector<16xi32>,
        tpu.vector_store %arg6[%swap3A_1330, %swap3A_1331], %gather3A_1328 {strides = array<i32>} : memref<5x128xi32, #tpu.memory_space<vmem>>, vector<16xi32>,
        %dma_start3A_1333 = arith.constant 1 : i32
        %dma_start3A_1334 = arith.constant 1 : i32
        %dma_start3A_1335 = arith.constant 0 : i32
        %dma_start3A_1336 = arith.constant 0 : i32
        %dma_start3A_1337 = tpu.memref_slice %arg7[%dma_start3A_1334, %dma_start3A_1335, %dma_start3A_1336] : memref<5x128x64xf32, #tpu.memory_space<vmem>> -> memref<1x128x64xf32, #tpu.memory_space<vmem>>
        %dma_start3A_1338 = tpu.memref_squeeze %dma_start3A_1337 : memref<1x128x64xf32, #tpu.memory_space<vmem>> -> memref<128x64xf32, #tpu.memory_space<vmem>>
        %dma_start3A_1339 = arith.constant 0 : i32
        %dma_start3A_1340 = tpu.memref_slice %arg6[%dma_start3A_1333, %dma_start3A_1339] : memref<5x128xi32, #tpu.memory_space<vmem>> -> memref<1x128xi32, #tpu.memory_space<vmem>>
        %dma_start3A_1341 = tpu.memref_squeeze %dma_start3A_1340 : memref<1x128xi32, #tpu.memory_space<vmem>> -> memref<128xi32, #tpu.memory_space<vmem>>
        %dma_start3A_1342 = arith.constant 0 : i32
        %dma_start3A_1343 = arith.constant 0 : i32
        %dma_start3A_1344 = tpu.memref_slice %arg3[%dma_start3A_1342, %dma_start3A_1343] : memref<100000x64xf32, #tpu.memory_space<hbm>> -> memref<100000x64xf32, #tpu.memory_space<hbm>>
        tpu.enqueue_indirect_dma source(%dma_start3A_1344 : memref<100000x64xf32, #tpu.memory_space<hbm>>) target(%dma_start3A_1338 : memref<128x64xf32, #tpu.memory_space<vmem>>) offsets(%dma_start3A_1341 : memref<128xi32, #tpu.memory_space<vmem>>) semaphore(%arg10 : memref<!tpu.dma_semaphore, #tpu.memory_space<semaphore_mem>>)
      } else {
      }
      %mul3A_1067 = arith.constant 5 : i32
      %mul3A_1068 = arith.muli %add3A_961, %mul3A_1067 : i32
      %add3A_1069 = arith.constant 2 : i32
      %add3A_1070 = arith.addi %mul3A_1068, %add3A_1069 : i32
      %dma_wait3A_1071 = arith.constant 2 : i32
      %dma_wait3A_1072 = arith.constant 2 : i32
      %dma_wait3A_1073 = arith.constant 0 : i32
      %dma_wait3A_1074 = arith.constant 0 : i32
      %dma_wait3A_1075 = tpu.memref_slice %arg7[%dma_wait3A_1072, %dma_wait3A_1073, %dma_wait3A_1074] : memref<5x128x64xf32, #tpu.memory_space<vmem>> -> memref<1x128x64xf32, #tpu.memory_space<vmem>>
      %dma_wait3A_1076 = tpu.memref_squeeze %dma_wait3A_1075 : memref<1x128x64xf32, #tpu.memory_space<vmem>> -> memref<128x64xf32, #tpu.memory_space<vmem>>
      %dma_wait3A_1077 = arith.constant 0 : i32
      %dma_wait3A_1078 = tpu.memref_slice %arg6[%dma_wait3A_1071, %dma_wait3A_1077] : memref<5x128xi32, #tpu.memory_space<vmem>> -> memref<1x128xi32, #tpu.memory_space<vmem>>
      %dma_wait3A_1079 = tpu.memref_squeeze %dma_wait3A_1078 : memref<1x128xi32, #tpu.memory_space<vmem>> -> memref<128xi32, #tpu.memory_space<vmem>>
      %dma_wait3A_1080 = arith.constant 0 : i32
      %dma_wait3A_1081 = arith.constant 0 : i32
      %dma_wait3A_1082 = tpu.memref_slice %arg3[%dma_wait3A_1080, %dma_wait3A_1081] : memref<100000x64xf32, #tpu.memory_space<hbm>> -> memref<100000x64xf32, #tpu.memory_space<hbm>>
      tpu.wait_indirect_dma semaphore(%arg11 : memref<!tpu.dma_semaphore, #tpu.memory_space<semaphore_mem>>) src(%dma_wait3A_1082 : memref<100000x64xf32, #tpu.memory_space<hbm>>) dst(%dma_wait3A_1076 : memref<128x64xf32, #tpu.memory_space<vmem>>)
      %ge3A_1083 = arith.constant 5 : i32
      %ge3A_1084 = arith.cmpi sge, %add3A_1070, %ge3A_1083 : i32
      %convert_element_type3A_1085 = arith.extui %ge3A_1084 : i1 to i32
      %cond3A_1086 = arith.constant 0 : i32
      %cond3A_1087 = arith.cmpi ne, %convert_element_type3A_1085, %cond3A_1086 : i32
      scf.if %cond3A_1087 {
        %sub3A_1229 = arith.constant 5 : i32
        %sub3A_1230 = arith.subi %add3A_1070, %sub3A_1229 : i32
        %dma_wait3A_1231 = arith.constant 2 : i32
        %dma_wait3A_1232 = arith.constant 0 : i32
        %dma_wait3A_1233 = arith.constant 0 : i32
        %dma_wait3A_1234 = arith.constant 0 : i32
        %dma_wait3A_1235 = tpu.memref_slice %arg8[%dma_wait3A_1231, %dma_wait3A_1232, %dma_wait3A_1233, %dma_wait3A_1234] : memref<5x8x8x129xf32, #tpu.memory_space<vmem>> -> memref<1x8x8x128xf32, #tpu.memory_space<vmem>>
        %dma_wait3A_1236 = tpu.memref_squeeze %dma_wait3A_1235 : memref<1x8x8x128xf32, #tpu.memory_space<vmem>> -> memref<8x8x128xf32, #tpu.memory_space<vmem>>
        %dma_wait3A_1237 = arith.constant 0 : i32
        %dma_wait3A_1238 = arith.constant 0 : i32
        %dma_wait3A_1239 = arith.constant 0 : i32
        %dma_wait3A_1240 = tpu.memref_slice %arg4[%sub3A_1230, %dma_wait3A_1237, %add3A, %dma_wait3A_1238, %dma_wait3A_1239] : memref<50x8x32x8x128xf32, #tpu.memory_space<hbm>> -> memref<1x8x1x8x128xf32, #tpu.memory_space<hbm>>
        %dma_wait3A_1241 = tpu.memref_squeeze %dma_wait3A_1240 : memref<1x8x1x8x128xf32, #tpu.memory_space<hbm>> -> memref<8x8x128xf32, #tpu.memory_space<hbm>>
        %dma_wait3A_1242 = arith.constant 0 : i32
        %dma_wait3A_1243 = arith.constant 0 : i32
        %dma_wait3A_1244 = arith.constant 0 : i32
        %dma_wait3A_1245 = tpu.memref_slice %arg4[%sub3A_1230, %dma_wait3A_1242, %add3A, %dma_wait3A_1243, %dma_wait3A_1244] : memref<50x8x32x8x128xf32, #tpu.memory_space<hbm>> -> memref<1x8x1x8x128xf32, #tpu.memory_space<hbm>>
        %dma_wait3A_1246 = tpu.memref_squeeze %dma_wait3A_1245 : memref<1x8x1x8x128xf32, #tpu.memory_space<hbm>> -> memref<8x8x128xf32, #tpu.memory_space<hbm>>
        %dma_wait3A_1247 = arith.constant 0 : i32
        %dma_wait3A_1248 = arith.constant 0 : i32
        %dma_wait3A_1249 = arith.constant 0 : i32
        %dma_wait3A_1250 = tpu.memref_slice %arg8[%dma_wait3A_1231, %dma_wait3A_1247, %dma_wait3A_1248, %dma_wait3A_1249] : memref<5x8x8x129xf32, #tpu.memory_space<vmem>> -> memref<1x8x8x128xf32, #tpu.memory_space<vmem>>
        %dma_wait3A_1251 = tpu.memref_squeeze %dma_wait3A_1250 : memref<1x8x8x128xf32, #tpu.memory_space<vmem>> -> memref<8x8x128xf32, #tpu.memory_space<vmem>>
        tpu.wait_dma2 semaphore(%arg16 : memref<!tpu.dma_semaphore, #tpu.memory_space<semaphore_mem>>) src(%dma_wait3A_1251 : memref<8x8x128xf32, #tpu.memory_space<vmem>>) dst(%dma_wait3A_1246 : memref<8x8x128xf32, #tpu.memory_space<hbm>>)
      } else {
      }
      %scan3A_1088 = arith.constant 0 : i32
      %scan3A_1089 = arith.constant 16 : i32
      %scan3A_1090 = arith.addi %scan3A_1088, %scan3A_1089 : i32
      %scan3A_1091 = arith.constant 1 : i32
      scf.for %scan3A_1229 = %scan3A_1088 to %scan3A_1090 step %scan3A_1091  : i32 {
        %mul3A_1230 = arith.constant 8 : i32
        %mul3A_1231 = arith.muli %scan3A_1229, %mul3A_1230 : i32
        %add3A_1232 = arith.constant 0 : i32
        %add3A_1233 = arith.addi %add3A_1232, %mul3A_1231 : i32
        %add3A_1234 = arith.constant 0 : i32
        %add3A_1235 = arith.addi %add3A_1233, %add3A_1234 : i32
        %broadcast_in_dim3A = vector.broadcast %add3A_1235 : i32 to vector<16xi32>
        %add3A_1236 = arith.constant 1 : i32
        %add3A_1237 = arith.addi %add3A_1233, %add3A_1236 : i32
        %broadcast_in_dim3A_1238 = vector.broadcast %add3A_1237 : i32 to vector<16xi32>
        %add3A_1239 = arith.constant 2 : i32
        %add3A_1240 = arith.addi %add3A_1233, %add3A_1239 : i32
        %broadcast_in_dim3A_1241 = vector.broadcast %add3A_1240 : i32 to vector<16xi32>
        %add3A_1242 = arith.constant 3 : i32
        %add3A_1243 = arith.addi %add3A_1233, %add3A_1242 : i32
        %broadcast_in_dim3A_1244 = vector.broadcast %add3A_1243 : i32 to vector<16xi32>
        %add3A_1245 = arith.constant 4 : i32
        %add3A_1246 = arith.addi %add3A_1233, %add3A_1245 : i32
        %broadcast_in_dim3A_1247 = vector.broadcast %add3A_1246 : i32 to vector<16xi32>
        %add3A_1248 = arith.constant 5 : i32
        %add3A_1249 = arith.addi %add3A_1233, %add3A_1248 : i32
        %broadcast_in_dim3A_1250 = vector.broadcast %add3A_1249 : i32 to vector<16xi32>
        %add3A_1251 = arith.constant 6 : i32
        %add3A_1252 = arith.addi %add3A_1233, %add3A_1251 : i32
        %broadcast_in_dim3A_1253 = vector.broadcast %add3A_1252 : i32 to vector<16xi32>
        %add3A_1254 = arith.constant 7 : i32
        %add3A_1255 = arith.addi %add3A_1233, %add3A_1254 : i32
        %broadcast_in_dim3A_1256 = vector.broadcast %add3A_1255 : i32 to vector<16xi32>
        %add3A_1257 = arith.constant 0 : i32
        %add3A_1258 = arith.addi %add3A_1233, %add3A_1257 : i32
        %get3A = arith.constant 2 : i32
        %get3A_1259 = arith.index_cast %get3A : i32 to index
        %get3A_1260 = arith.index_cast %add3A_1258 : i32 to index
        %get3A_1261 = arith.constant 0 : index
        %get3A_1262 = tpu.vector_load %arg7[%get3A_1259, %get3A_1260, %get3A_1261] {strides = array<i32>} : memref<5x128x64xf32, #tpu.memory_space<vmem>>, vector<16xf32>,
        %add3A_1263 = arith.constant 0 : i32
        %add3A_1264 = arith.addi %add3A_1233, %add3A_1263 : i32
        %get3A_1265 = arith.constant 2 : i32
        %get3A_1266 = arith.index_cast %get3A_1265 : i32 to index
        %get3A_1267 = arith.index_cast %add3A_1264 : i32 to index
        %get3A_1268 = arith.constant 16 : index
        %get3A_1269 = tpu.vector_load %arg7[%get3A_1266, %get3A_1267, %get3A_1268] {strides = array<i32>} : memref<5x128x64xf32, #tpu.memory_space<vmem>>, vector<16xf32>,
        %add3A_1270 = arith.constant 0 : i32
        %add3A_1271 = arith.addi %add3A_1233, %add3A_1270 : i32
        %get3A_1272 = arith.constant 2 : i32
        %get3A_1273 = arith.index_cast %get3A_1272 : i32 to index
        %get3A_1274 = arith.index_cast %add3A_1271 : i32 to index
        %get3A_1275 = arith.constant 32 : index
        %get3A_1276 = tpu.vector_load %arg7[%get3A_1273, %get3A_1274, %get3A_1275] {strides = array<i32>} : memref<5x128x64xf32, #tpu.memory_space<vmem>>, vector<16xf32>,
        %add3A_1277 = arith.constant 0 : i32
        %add3A_1278 = arith.addi %add3A_1233, %add3A_1277 : i32
        %get3A_1279 = arith.constant 2 : i32
        %get3A_1280 = arith.index_cast %get3A_1279 : i32 to index
        %get3A_1281 = arith.index_cast %add3A_1278 : i32 to index
        %get3A_1282 = arith.constant 48 : index
        %get3A_1283 = tpu.vector_load %arg7[%get3A_1280, %get3A_1281, %get3A_1282] {strides = array<i32>} : memref<5x128x64xf32, #tpu.memory_space<vmem>>, vector<16xf32>,
        %add3A_1284 = arith.constant 1 : i32
        %add3A_1285 = arith.addi %add3A_1233, %add3A_1284 : i32
        %get3A_1286 = arith.constant 2 : i32
        %get3A_1287 = arith.index_cast %get3A_1286 : i32 to index
        %get3A_1288 = arith.index_cast %add3A_1285 : i32 to index
        %get3A_1289 = arith.constant 0 : index
        %get3A_1290 = tpu.vector_load %arg7[%get3A_1287, %get3A_1288, %get3A_1289] {strides = array<i32>} : memref<5x128x64xf32, #tpu.memory_space<vmem>>, vector<16xf32>,
        %scatter3A = arith.constant 2 : i32
        %scatter3A_1291 = arith.constant 0 : i32
        %scatter3A_1292 = arith.constant 0 : i32
        %scatter3A_1293 = arith.constant 0 : i32
        %scatter3A_1294 = tpu.memref_slice %arg8[%scatter3A, %scatter3A_1291, %scatter3A_1292, %scatter3A_1293] : memref<5x8x8x129xf32, #tpu.memory_space<vmem>> -> memref<1x8x8x129xf32, #tpu.memory_space<vmem>>
        %scatter3A_1295 = tpu.memref_squeeze %scatter3A_1294 : memref<1x8x8x129xf32, #tpu.memory_space<vmem>> -> memref<8x8x129xf32, #tpu.memory_space<vmem>>
        tpu.vector_store_idx %scatter3A_1295[%select_n3A, %select_n3A_151, %broadcast_in_dim3A], %get3A_1262 : memref<8x8x129xf32, #tpu.memory_space<vmem>>[vector<16xi32>, vector<16xi32>, vector<16xi32>], vector<16xf32>,
        %add3A_1296 = arith.constant 1 : i32
        %add3A_1297 = arith.addi %add3A_1233, %add3A_1296 : i32
        %get3A_1298 = arith.constant 2 : i32
        %get3A_1299 = arith.index_cast %get3A_1298 : i32 to index
        %get3A_1300 = arith.index_cast %add3A_1297 : i32 to index
        %get3A_1301 = arith.constant 16 : index
        %get3A_1302 = tpu.vector_load %arg7[%get3A_1299, %get3A_1300, %get3A_1301] {strides = array<i32>} : memref<5x128x64xf32, #tpu.memory_space<vmem>>, vector<16xf32>,
        %scatter3A_1303 = arith.constant 2 : i32
        %scatter3A_1304 = arith.constant 0 : i32
        %scatter3A_1305 = arith.constant 0 : i32
        %scatter3A_1306 = arith.constant 0 : i32
        %scatter3A_1307 = tpu.memref_slice %arg8[%scatter3A_1303, %scatter3A_1304, %scatter3A_1305, %scatter3A_1306] : memref<5x8x8x129xf32, #tpu.memory_space<vmem>> -> memref<1x8x8x129xf32, #tpu.memory_space<vmem>>
        %scatter3A_1308 = tpu.memref_squeeze %scatter3A_1307 : memref<1x8x8x129xf32, #tpu.memory_space<vmem>> -> memref<8x8x129xf32, #tpu.memory_space<vmem>>
        tpu.vector_store_idx %scatter3A_1308[%select_n3A_60, %select_n3A_176, %broadcast_in_dim3A], %get3A_1269 : memref<8x8x129xf32, #tpu.memory_space<vmem>>[vector<16xi32>, vector<16xi32>, vector<16xi32>], vector<16xf32>,
        %add3A_1309 = arith.constant 1 : i32
        %add3A_1310 = arith.addi %add3A_1233, %add3A_1309 : i32
        %get3A_1311 = arith.constant 2 : i32
        %get3A_1312 = arith.index_cast %get3A_1311 : i32 to index
        %get3A_1313 = arith.index_cast %add3A_1310 : i32 to index
        %get3A_1314 = arith.constant 32 : index
        %get3A_1315 = tpu.vector_load %arg7[%get3A_1312, %get3A_1313, %get3A_1314] {strides = array<i32>} : memref<5x128x64xf32, #tpu.memory_space<vmem>>, vector<16xf32>,
        %scatter3A_1316 = arith.constant 2 : i32
        %scatter3A_1317 = arith.constant 0 : i32
        %scatter3A_1318 = arith.constant 0 : i32
        %scatter3A_1319 = arith.constant 0 : i32
        %scatter3A_1320 = tpu.memref_slice %arg8[%scatter3A_1316, %scatter3A_1317, %scatter3A_1318, %scatter3A_1319] : memref<5x8x8x129xf32, #tpu.memory_space<vmem>> -> memref<1x8x8x129xf32, #tpu.memory_space<vmem>>
        %scatter3A_1321 = tpu.memref_squeeze %scatter3A_1320 : memref<1x8x8x129xf32, #tpu.memory_space<vmem>> -> memref<8x8x129xf32, #tpu.memory_space<vmem>>
        tpu.vector_store_idx %scatter3A_1321[%select_n3A_94, %select_n3A_201, %broadcast_in_dim3A], %get3A_1276 : memref<8x8x129xf32, #tpu.memory_space<vmem>>[vector<16xi32>, vector<16xi32>, vector<16xi32>], vector<16xf32>,
        %add3A_1322 = arith.constant 1 : i32
        %add3A_1323 = arith.addi %add3A_1233, %add3A_1322 : i32
        %get3A_1324 = arith.constant 2 : i32
        %get3A_1325 = arith.index_cast %get3A_1324 : i32 to index
        %get3A_1326 = arith.index_cast %add3A_1323 : i32 to index
        %get3A_1327 = arith.constant 48 : index
        %get3A_1328 = tpu.vector_load %arg7[%get3A_1325, %get3A_1326, %get3A_1327] {strides = array<i32>} : memref<5x128x64xf32, #tpu.memory_space<vmem>>, vector<16xf32>,
        %scatter3A_1329 = arith.constant 2 : i32
        %scatter3A_1330 = arith.constant 0 : i32
        %scatter3A_1331 = arith.constant 0 : i32
        %scatter3A_1332 = arith.constant 0 : i32
        %scatter3A_1333 = tpu.memref_slice %arg8[%scatter3A_1329, %scatter3A_1330, %scatter3A_1331, %scatter3A_1332] : memref<5x8x8x129xf32, #tpu.memory_space<vmem>> -> memref<1x8x8x129xf32, #tpu.memory_space<vmem>>
        %scatter3A_1334 = tpu.memref_squeeze %scatter3A_1333 : memref<1x8x8x129xf32, #tpu.memory_space<vmem>> -> memref<8x8x129xf32, #tpu.memory_space<vmem>>
        tpu.vector_store_idx %scatter3A_1334[%select_n3A_128, %select_n3A_226, %broadcast_in_dim3A], %get3A_1283 : memref<8x8x129xf32, #tpu.memory_space<vmem>>[vector<16xi32>, vector<16xi32>, vector<16xi32>], vector<16xf32>,
        %add3A_1335 = arith.constant 2 : i32
        %add3A_1336 = arith.addi %add3A_1233, %add3A_1335 : i32
        %get3A_1337 = arith.constant 2 : i32
        %get3A_1338 = arith.index_cast %get3A_1337 : i32 to index
        %get3A_1339 = arith.index_cast %add3A_1336 : i32 to index
        %get3A_1340 = arith.constant 0 : index
        %get3A_1341 = tpu.vector_load %arg7[%get3A_1338, %get3A_1339, %get3A_1340] {strides = array<i32>} : memref<5x128x64xf32, #tpu.memory_space<vmem>>, vector<16xf32>,
        %scatter3A_1342 = arith.constant 2 : i32
        %scatter3A_1343 = arith.constant 0 : i32
        %scatter3A_1344 = arith.constant 0 : i32
        %scatter3A_1345 = arith.constant 0 : i32
        %scatter3A_1346 = tpu.memref_slice %arg8[%scatter3A_1342, %scatter3A_1343, %scatter3A_1344, %scatter3A_1345] : memref<5x8x8x129xf32, #tpu.memory_space<vmem>> -> memref<1x8x8x129xf32, #tpu.memory_space<vmem>>
        %scatter3A_1347 = tpu.memref_squeeze %scatter3A_1346 : memref<1x8x8x129xf32, #tpu.memory_space<vmem>> -> memref<8x8x129xf32, #tpu.memory_space<vmem>>
        tpu.vector_store_idx %scatter3A_1347[%select_n3A, %select_n3A_151, %broadcast_in_dim3A_1238], %get3A_1290 : memref<8x8x129xf32, #tpu.memory_space<vmem>>[vector<16xi32>, vector<16xi32>, vector<16xi32>], vector<16xf32>,
        %add3A_1348 = arith.constant 2 : i32
        %add3A_1349 = arith.addi %add3A_1233, %add3A_1348 : i32
        %get3A_1350 = arith.constant 2 : i32
        %get3A_1351 = arith.index_cast %get3A_1350 : i32 to index
        %get3A_1352 = arith.index_cast %add3A_1349 : i32 to index
        %get3A_1353 = arith.constant 16 : index
        %get3A_1354 = tpu.vector_load %arg7[%get3A_1351, %get3A_1352, %get3A_1353] {strides = array<i32>} : memref<5x128x64xf32, #tpu.memory_space<vmem>>, vector<16xf32>,
        %scatter3A_1355 = arith.constant 2 : i32
        %scatter3A_1356 = arith.constant 0 : i32
        %scatter3A_1357 = arith.constant 0 : i32
        %scatter3A_1358 = arith.constant 0 : i32
        %scatter3A_1359 = tpu.memref_slice %arg8[%scatter3A_1355, %scatter3A_1356, %scatter3A_1357, %scatter3A_1358] : memref<5x8x8x129xf32, #tpu.memory_space<vmem>> -> memref<1x8x8x129xf32, #tpu.memory_space<vmem>>
        %scatter3A_1360 = tpu.memref_squeeze %scatter3A_1359 : memref<1x8x8x129xf32, #tpu.memory_space<vmem>> -> memref<8x8x129xf32, #tpu.memory_space<vmem>>
        tpu.vector_store_idx %scatter3A_1360[%select_n3A_60, %select_n3A_176, %broadcast_in_dim3A_1238], %get3A_1302 : memref<8x8x129xf32, #tpu.memory_space<vmem>>[vector<16xi32>, vector<16xi32>, vector<16xi32>], vector<16xf32>,
        %add3A_1361 = arith.constant 2 : i32
        %add3A_1362 = arith.addi %add3A_1233, %add3A_1361 : i32
        %get3A_1363 = arith.constant 2 : i32
        %get3A_1364 = arith.index_cast %get3A_1363 : i32 to index
        %get3A_1365 = arith.index_cast %add3A_1362 : i32 to index
        %get3A_1366 = arith.constant 32 : index
        %get3A_1367 = tpu.vector_load %arg7[%get3A_1364, %get3A_1365, %get3A_1366] {strides = array<i32>} : memref<5x128x64xf32, #tpu.memory_space<vmem>>, vector<16xf32>,
        %scatter3A_1368 = arith.constant 2 : i32
        %scatter3A_1369 = arith.constant 0 : i32
        %scatter3A_1370 = arith.constant 0 : i32
        %scatter3A_1371 = arith.constant 0 : i32
        %scatter3A_1372 = tpu.memref_slice %arg8[%scatter3A_1368, %scatter3A_1369, %scatter3A_1370, %scatter3A_1371] : memref<5x8x8x129xf32, #tpu.memory_space<vmem>> -> memref<1x8x8x129xf32, #tpu.memory_space<vmem>>
        %scatter3A_1373 = tpu.memref_squeeze %scatter3A_1372 : memref<1x8x8x129xf32, #tpu.memory_space<vmem>> -> memref<8x8x129xf32, #tpu.memory_space<vmem>>
        tpu.vector_store_idx %scatter3A_1373[%select_n3A_94, %select_n3A_201, %broadcast_in_dim3A_1238], %get3A_1315 : memref<8x8x129xf32, #tpu.memory_space<vmem>>[vector<16xi32>, vector<16xi32>, vector<16xi32>], vector<16xf32>,
        %add3A_1374 = arith.constant 2 : i32
        %add3A_1375 = arith.addi %add3A_1233, %add3A_1374 : i32
        %get3A_1376 = arith.constant 2 : i32
        %get3A_1377 = arith.index_cast %get3A_1376 : i32 to index
        %get3A_1378 = arith.index_cast %add3A_1375 : i32 to index
        %get3A_1379 = arith.constant 48 : index
        %get3A_1380 = tpu.vector_load %arg7[%get3A_1377, %get3A_1378, %get3A_1379] {strides = array<i32>} : memref<5x128x64xf32, #tpu.memory_space<vmem>>, vector<16xf32>,
        %scatter3A_1381 = arith.constant 2 : i32
        %scatter3A_1382 = arith.constant 0 : i32
        %scatter3A_1383 = arith.constant 0 : i32
        %scatter3A_1384 = arith.constant 0 : i32
        %scatter3A_1385 = tpu.memref_slice %arg8[%scatter3A_1381, %scatter3A_1382, %scatter3A_1383, %scatter3A_1384] : memref<5x8x8x129xf32, #tpu.memory_space<vmem>> -> memref<1x8x8x129xf32, #tpu.memory_space<vmem>>
        %scatter3A_1386 = tpu.memref_squeeze %scatter3A_1385 : memref<1x8x8x129xf32, #tpu.memory_space<vmem>> -> memref<8x8x129xf32, #tpu.memory_space<vmem>>
        tpu.vector_store_idx %scatter3A_1386[%select_n3A_128, %select_n3A_226, %broadcast_in_dim3A_1238], %get3A_1328 : memref<8x8x129xf32, #tpu.memory_space<vmem>>[vector<16xi32>, vector<16xi32>, vector<16xi32>], vector<16xf32>,
        %add3A_1387 = arith.constant 3 : i32
        %add3A_1388 = arith.addi %add3A_1233, %add3A_1387 : i32
        %get3A_1389 = arith.constant 2 : i32
        %get3A_1390 = arith.index_cast %get3A_1389 : i32 to index
        %get3A_1391 = arith.index_cast %add3A_1388 : i32 to index
        %get3A_1392 = arith.constant 0 : index
        %get3A_1393 = tpu.vector_load %arg7[%get3A_1390, %get3A_1391, %get3A_1392] {strides = array<i32>} : memref<5x128x64xf32, #tpu.memory_space<vmem>>, vector<16xf32>,
        %scatter3A_1394 = arith.constant 2 : i32
        %scatter3A_1395 = arith.constant 0 : i32
        %scatter3A_1396 = arith.constant 0 : i32
        %scatter3A_1397 = arith.constant 0 : i32
        %scatter3A_1398 = tpu.memref_slice %arg8[%scatter3A_1394, %scatter3A_1395, %scatter3A_1396, %scatter3A_1397] : memref<5x8x8x129xf32, #tpu.memory_space<vmem>> -> memref<1x8x8x129xf32, #tpu.memory_space<vmem>>
        %scatter3A_1399 = tpu.memref_squeeze %scatter3A_1398 : memref<1x8x8x129xf32, #tpu.memory_space<vmem>> -> memref<8x8x129xf32, #tpu.memory_space<vmem>>
        tpu.vector_store_idx %scatter3A_1399[%select_n3A, %select_n3A_151, %broadcast_in_dim3A_1241], %get3A_1341 : memref<8x8x129xf32, #tpu.memory_space<vmem>>[vector<16xi32>, vector<16xi32>, vector<16xi32>], vector<16xf32>,
        %add3A_1400 = arith.constant 3 : i32
        %add3A_1401 = arith.addi %add3A_1233, %add3A_1400 : i32
        %get3A_1402 = arith.constant 2 : i32
        %get3A_1403 = arith.index_cast %get3A_1402 : i32 to index
        %get3A_1404 = arith.index_cast %add3A_1401 : i32 to index
        %get3A_1405 = arith.constant 16 : index
        %get3A_1406 = tpu.vector_load %arg7[%get3A_1403, %get3A_1404, %get3A_1405] {strides = array<i32>} : memref<5x128x64xf32, #tpu.memory_space<vmem>>, vector<16xf32>,
        %scatter3A_1407 = arith.constant 2 : i32
        %scatter3A_1408 = arith.constant 0 : i32
        %scatter3A_1409 = arith.constant 0 : i32
        %scatter3A_1410 = arith.constant 0 : i32
        %scatter3A_1411 = tpu.memref_slice %arg8[%scatter3A_1407, %scatter3A_1408, %scatter3A_1409, %scatter3A_1410] : memref<5x8x8x129xf32, #tpu.memory_space<vmem>> -> memref<1x8x8x129xf32, #tpu.memory_space<vmem>>
        %scatter3A_1412 = tpu.memref_squeeze %scatter3A_1411 : memref<1x8x8x129xf32, #tpu.memory_space<vmem>> -> memref<8x8x129xf32, #tpu.memory_space<vmem>>
        tpu.vector_store_idx %scatter3A_1412[%select_n3A_60, %select_n3A_176, %broadcast_in_dim3A_1241], %get3A_1354 : memref<8x8x129xf32, #tpu.memory_space<vmem>>[vector<16xi32>, vector<16xi32>, vector<16xi32>], vector<16xf32>,
        %add3A_1413 = arith.constant 3 : i32
        %add3A_1414 = arith.addi %add3A_1233, %add3A_1413 : i32
        %get3A_1415 = arith.constant 2 : i32
        %get3A_1416 = arith.index_cast %get3A_1415 : i32 to index
        %get3A_1417 = arith.index_cast %add3A_1414 : i32 to index
        %get3A_1418 = arith.constant 32 : index
        %get3A_1419 = tpu.vector_load %arg7[%get3A_1416, %get3A_1417, %get3A_1418] {strides = array<i32>} : memref<5x128x64xf32, #tpu.memory_space<vmem>>, vector<16xf32>,
        %scatter3A_1420 = arith.constant 2 : i32
        %scatter3A_1421 = arith.constant 0 : i32
        %scatter3A_1422 = arith.constant 0 : i32
        %scatter3A_1423 = arith.constant 0 : i32
        %scatter3A_1424 = tpu.memref_slice %arg8[%scatter3A_1420, %scatter3A_1421, %scatter3A_1422, %scatter3A_1423] : memref<5x8x8x129xf32, #tpu.memory_space<vmem>> -> memref<1x8x8x129xf32, #tpu.memory_space<vmem>>
        %scatter3A_1425 = tpu.memref_squeeze %scatter3A_1424 : memref<1x8x8x129xf32, #tpu.memory_space<vmem>> -> memref<8x8x129xf32, #tpu.memory_space<vmem>>
        tpu.vector_store_idx %scatter3A_1425[%select_n3A_94, %select_n3A_201, %broadcast_in_dim3A_1241], %get3A_1367 : memref<8x8x129xf32, #tpu.memory_space<vmem>>[vector<16xi32>, vector<16xi32>, vector<16xi32>], vector<16xf32>,
        %add3A_1426 = arith.constant 3 : i32
        %add3A_1427 = arith.addi %add3A_1233, %add3A_1426 : i32
        %get3A_1428 = arith.constant 2 : i32
        %get3A_1429 = arith.index_cast %get3A_1428 : i32 to index
        %get3A_1430 = arith.index_cast %add3A_1427 : i32 to index
        %get3A_1431 = arith.constant 48 : index
        %get3A_1432 = tpu.vector_load %arg7[%get3A_1429, %get3A_1430, %get3A_1431] {strides = array<i32>} : memref<5x128x64xf32, #tpu.memory_space<vmem>>, vector<16xf32>,
        %scatter3A_1433 = arith.constant 2 : i32
        %scatter3A_1434 = arith.constant 0 : i32
        %scatter3A_1435 = arith.constant 0 : i32
        %scatter3A_1436 = arith.constant 0 : i32
        %scatter3A_1437 = tpu.memref_slice %arg8[%scatter3A_1433, %scatter3A_1434, %scatter3A_1435, %scatter3A_1436] : memref<5x8x8x129xf32, #tpu.memory_space<vmem>> -> memref<1x8x8x129xf32, #tpu.memory_space<vmem>>
        %scatter3A_1438 = tpu.memref_squeeze %scatter3A_1437 : memref<1x8x8x129xf32, #tpu.memory_space<vmem>> -> memref<8x8x129xf32, #tpu.memory_space<vmem>>
        tpu.vector_store_idx %scatter3A_1438[%select_n3A_128, %select_n3A_226, %broadcast_in_dim3A_1241], %get3A_1380 : memref<8x8x129xf32, #tpu.memory_space<vmem>>[vector<16xi32>, vector<16xi32>, vector<16xi32>], vector<16xf32>,
        %add3A_1439 = arith.constant 4 : i32
        %add3A_1440 = arith.addi %add3A_1233, %add3A_1439 : i32
        %get3A_1441 = arith.constant 2 : i32
        %get3A_1442 = arith.index_cast %get3A_1441 : i32 to index
        %get3A_1443 = arith.index_cast %add3A_1440 : i32 to index
        %get3A_1444 = arith.constant 0 : index
        %get3A_1445 = tpu.vector_load %arg7[%get3A_1442, %get3A_1443, %get3A_1444] {strides = array<i32>} : memref<5x128x64xf32, #tpu.memory_space<vmem>>, vector<16xf32>,
        %scatter3A_1446 = arith.constant 2 : i32
        %scatter3A_1447 = arith.constant 0 : i32
        %scatter3A_1448 = arith.constant 0 : i32
        %scatter3A_1449 = arith.constant 0 : i32
        %scatter3A_1450 = tpu.memref_slice %arg8[%scatter3A_1446, %scatter3A_1447, %scatter3A_1448, %scatter3A_1449] : memref<5x8x8x129xf32, #tpu.memory_space<vmem>> -> memref<1x8x8x129xf32, #tpu.memory_space<vmem>>
        %scatter3A_1451 = tpu.memref_squeeze %scatter3A_1450 : memref<1x8x8x129xf32, #tpu.memory_space<vmem>> -> memref<8x8x129xf32, #tpu.memory_space<vmem>>
        tpu.vector_store_idx %scatter3A_1451[%select_n3A, %select_n3A_151, %broadcast_in_dim3A_1244], %get3A_1393 : memref<8x8x129xf32, #tpu.memory_space<vmem>>[vector<16xi32>, vector<16xi32>, vector<16xi32>], vector<16xf32>,
        %add3A_1452 = arith.constant 4 : i32
        %add3A_1453 = arith.addi %add3A_1233, %add3A_1452 : i32
        %get3A_1454 = arith.constant 2 : i32
        %get3A_1455 = arith.index_cast %get3A_1454 : i32 to index
        %get3A_1456 = arith.index_cast %add3A_1453 : i32 to index
        %get3A_1457 = arith.constant 16 : index
        %get3A_1458 = tpu.vector_load %arg7[%get3A_1455, %get3A_1456, %get3A_1457] {strides = array<i32>} : memref<5x128x64xf32, #tpu.memory_space<vmem>>, vector<16xf32>,
        %scatter3A_1459 = arith.constant 2 : i32
        %scatter3A_1460 = arith.constant 0 : i32
        %scatter3A_1461 = arith.constant 0 : i32
        %scatter3A_1462 = arith.constant 0 : i32
        %scatter3A_1463 = tpu.memref_slice %arg8[%scatter3A_1459, %scatter3A_1460, %scatter3A_1461, %scatter3A_1462] : memref<5x8x8x129xf32, #tpu.memory_space<vmem>> -> memref<1x8x8x129xf32, #tpu.memory_space<vmem>>
        %scatter3A_1464 = tpu.memref_squeeze %scatter3A_1463 : memref<1x8x8x129xf32, #tpu.memory_space<vmem>> -> memref<8x8x129xf32, #tpu.memory_space<vmem>>
        tpu.vector_store_idx %scatter3A_1464[%select_n3A_60, %select_n3A_176, %broadcast_in_dim3A_1244], %get3A_1406 : memref<8x8x129xf32, #tpu.memory_space<vmem>>[vector<16xi32>, vector<16xi32>, vector<16xi32>], vector<16xf32>,
        %add3A_1465 = arith.constant 4 : i32
        %add3A_1466 = arith.addi %add3A_1233, %add3A_1465 : i32
        %get3A_1467 = arith.constant 2 : i32
        %get3A_1468 = arith.index_cast %get3A_1467 : i32 to index
        %get3A_1469 = arith.index_cast %add3A_1466 : i32 to index
        %get3A_1470 = arith.constant 32 : index
        %get3A_1471 = tpu.vector_load %arg7[%get3A_1468, %get3A_1469, %get3A_1470] {strides = array<i32>} : memref<5x128x64xf32, #tpu.memory_space<vmem>>, vector<16xf32>,
        %scatter3A_1472 = arith.constant 2 : i32
        %scatter3A_1473 = arith.constant 0 : i32
        %scatter3A_1474 = arith.constant 0 : i32
        %scatter3A_1475 = arith.constant 0 : i32
        %scatter3A_1476 = tpu.memref_slice %arg8[%scatter3A_1472, %scatter3A_1473, %scatter3A_1474, %scatter3A_1475] : memref<5x8x8x129xf32, #tpu.memory_space<vmem>> -> memref<1x8x8x129xf32, #tpu.memory_space<vmem>>
        %scatter3A_1477 = tpu.memref_squeeze %scatter3A_1476 : memref<1x8x8x129xf32, #tpu.memory_space<vmem>> -> memref<8x8x129xf32, #tpu.memory_space<vmem>>
        tpu.vector_store_idx %scatter3A_1477[%select_n3A_94, %select_n3A_201, %broadcast_in_dim3A_1244], %get3A_1419 : memref<8x8x129xf32, #tpu.memory_space<vmem>>[vector<16xi32>, vector<16xi32>, vector<16xi32>], vector<16xf32>,
        %add3A_1478 = arith.constant 4 : i32
        %add3A_1479 = arith.addi %add3A_1233, %add3A_1478 : i32
        %get3A_1480 = arith.constant 2 : i32
        %get3A_1481 = arith.index_cast %get3A_1480 : i32 to index
        %get3A_1482 = arith.index_cast %add3A_1479 : i32 to index
        %get3A_1483 = arith.constant 48 : index
        %get3A_1484 = tpu.vector_load %arg7[%get3A_1481, %get3A_1482, %get3A_1483] {strides = array<i32>} : memref<5x128x64xf32, #tpu.memory_space<vmem>>, vector<16xf32>,
        %scatter3A_1485 = arith.constant 2 : i32
        %scatter3A_1486 = arith.constant 0 : i32
        %scatter3A_1487 = arith.constant 0 : i32
        %scatter3A_1488 = arith.constant 0 : i32
        %scatter3A_1489 = tpu.memref_slice %arg8[%scatter3A_1485, %scatter3A_1486, %scatter3A_1487, %scatter3A_1488] : memref<5x8x8x129xf32, #tpu.memory_space<vmem>> -> memref<1x8x8x129xf32, #tpu.memory_space<vmem>>
        %scatter3A_1490 = tpu.memref_squeeze %scatter3A_1489 : memref<1x8x8x129xf32, #tpu.memory_space<vmem>> -> memref<8x8x129xf32, #tpu.memory_space<vmem>>
        tpu.vector_store_idx %scatter3A_1490[%select_n3A_128, %select_n3A_226, %broadcast_in_dim3A_1244], %get3A_1432 : memref<8x8x129xf32, #tpu.memory_space<vmem>>[vector<16xi32>, vector<16xi32>, vector<16xi32>], vector<16xf32>,
        %add3A_1491 = arith.constant 5 : i32
        %add3A_1492 = arith.addi %add3A_1233, %add3A_1491 : i32
        %get3A_1493 = arith.constant 2 : i32
        %get3A_1494 = arith.index_cast %get3A_1493 : i32 to index
        %get3A_1495 = arith.index_cast %add3A_1492 : i32 to index
        %get3A_1496 = arith.constant 0 : index
        %get3A_1497 = tpu.vector_load %arg7[%get3A_1494, %get3A_1495, %get3A_1496] {strides = array<i32>} : memref<5x128x64xf32, #tpu.memory_space<vmem>>, vector<16xf32>,
        %scatter3A_1498 = arith.constant 2 : i32
        %scatter3A_1499 = arith.constant 0 : i32
        %scatter3A_1500 = arith.constant 0 : i32
        %scatter3A_1501 = arith.constant 0 : i32
        %scatter3A_1502 = tpu.memref_slice %arg8[%scatter3A_1498, %scatter3A_1499, %scatter3A_1500, %scatter3A_1501] : memref<5x8x8x129xf32, #tpu.memory_space<vmem>> -> memref<1x8x8x129xf32, #tpu.memory_space<vmem>>
        %scatter3A_1503 = tpu.memref_squeeze %scatter3A_1502 : memref<1x8x8x129xf32, #tpu.memory_space<vmem>> -> memref<8x8x129xf32, #tpu.memory_space<vmem>>
        tpu.vector_store_idx %scatter3A_1503[%select_n3A, %select_n3A_151, %broadcast_in_dim3A_1247], %get3A_1445 : memref<8x8x129xf32, #tpu.memory_space<vmem>>[vector<16xi32>, vector<16xi32>, vector<16xi32>], vector<16xf32>,
        %add3A_1504 = arith.constant 5 : i32
        %add3A_1505 = arith.addi %add3A_1233, %add3A_1504 : i32
        %get3A_1506 = arith.constant 2 : i32
        %get3A_1507 = arith.index_cast %get3A_1506 : i32 to index
        %get3A_1508 = arith.index_cast %add3A_1505 : i32 to index
        %get3A_1509 = arith.constant 16 : index
        %get3A_1510 = tpu.vector_load %arg7[%get3A_1507, %get3A_1508, %get3A_1509] {strides = array<i32>} : memref<5x128x64xf32, #tpu.memory_space<vmem>>, vector<16xf32>,
        %scatter3A_1511 = arith.constant 2 : i32
        %scatter3A_1512 = arith.constant 0 : i32
        %scatter3A_1513 = arith.constant 0 : i32
        %scatter3A_1514 = arith.constant 0 : i32
        %scatter3A_1515 = tpu.memref_slice %arg8[%scatter3A_1511, %scatter3A_1512, %scatter3A_1513, %scatter3A_1514] : memref<5x8x8x129xf32, #tpu.memory_space<vmem>> -> memref<1x8x8x129xf32, #tpu.memory_space<vmem>>
        %scatter3A_1516 = tpu.memref_squeeze %scatter3A_1515 : memref<1x8x8x129xf32, #tpu.memory_space<vmem>> -> memref<8x8x129xf32, #tpu.memory_space<vmem>>
        tpu.vector_store_idx %scatter3A_1516[%select_n3A_60, %select_n3A_176, %broadcast_in_dim3A_1247], %get3A_1458 : memref<8x8x129xf32, #tpu.memory_space<vmem>>[vector<16xi32>, vector<16xi32>, vector<16xi32>], vector<16xf32>,
        %add3A_1517 = arith.constant 5 : i32
        %add3A_1518 = arith.addi %add3A_1233, %add3A_1517 : i32
        %get3A_1519 = arith.constant 2 : i32
        %get3A_1520 = arith.index_cast %get3A_1519 : i32 to index
        %get3A_1521 = arith.index_cast %add3A_1518 : i32 to index
        %get3A_1522 = arith.constant 32 : index
        %get3A_1523 = tpu.vector_load %arg7[%get3A_1520, %get3A_1521, %get3A_1522] {strides = array<i32>} : memref<5x128x64xf32, #tpu.memory_space<vmem>>, vector<16xf32>,
        %scatter3A_1524 = arith.constant 2 : i32
        %scatter3A_1525 = arith.constant 0 : i32
        %scatter3A_1526 = arith.constant 0 : i32
        %scatter3A_1527 = arith.constant 0 : i32
        %scatter3A_1528 = tpu.memref_slice %arg8[%scatter3A_1524, %scatter3A_1525, %scatter3A_1526, %scatter3A_1527] : memref<5x8x8x129xf32, #tpu.memory_space<vmem>> -> memref<1x8x8x129xf32, #tpu.memory_space<vmem>>
        %scatter3A_1529 = tpu.memref_squeeze %scatter3A_1528 : memref<1x8x8x129xf32, #tpu.memory_space<vmem>> -> memref<8x8x129xf32, #tpu.memory_space<vmem>>
        tpu.vector_store_idx %scatter3A_1529[%select_n3A_94, %select_n3A_201, %broadcast_in_dim3A_1247], %get3A_1471 : memref<8x8x129xf32, #tpu.memory_space<vmem>>[vector<16xi32>, vector<16xi32>, vector<16xi32>], vector<16xf32>,
        %add3A_1530 = arith.constant 5 : i32
        %add3A_1531 = arith.addi %add3A_1233, %add3A_1530 : i32
        %get3A_1532 = arith.constant 2 : i32
        %get3A_1533 = arith.index_cast %get3A_1532 : i32 to index
        %get3A_1534 = arith.index_cast %add3A_1531 : i32 to index
        %get3A_1535 = arith.constant 48 : index
        %get3A_1536 = tpu.vector_load %arg7[%get3A_1533, %get3A_1534, %get3A_1535] {strides = array<i32>} : memref<5x128x64xf32, #tpu.memory_space<vmem>>, vector<16xf32>,
        %scatter3A_1537 = arith.constant 2 : i32
        %scatter3A_1538 = arith.constant 0 : i32
        %scatter3A_1539 = arith.constant 0 : i32
        %scatter3A_1540 = arith.constant 0 : i32
        %scatter3A_1541 = tpu.memref_slice %arg8[%scatter3A_1537, %scatter3A_1538, %scatter3A_1539, %scatter3A_1540] : memref<5x8x8x129xf32, #tpu.memory_space<vmem>> -> memref<1x8x8x129xf32, #tpu.memory_space<vmem>>
        %scatter3A_1542 = tpu.memref_squeeze %scatter3A_1541 : memref<1x8x8x129xf32, #tpu.memory_space<vmem>> -> memref<8x8x129xf32, #tpu.memory_space<vmem>>
        tpu.vector_store_idx %scatter3A_1542[%select_n3A_128, %select_n3A_226, %broadcast_in_dim3A_1247], %get3A_1484 : memref<8x8x129xf32, #tpu.memory_space<vmem>>[vector<16xi32>, vector<16xi32>, vector<16xi32>], vector<16xf32>,
        %add3A_1543 = arith.constant 6 : i32
        %add3A_1544 = arith.addi %add3A_1233, %add3A_1543 : i32
        %get3A_1545 = arith.constant 2 : i32
        %get3A_1546 = arith.index_cast %get3A_1545 : i32 to index
        %get3A_1547 = arith.index_cast %add3A_1544 : i32 to index
        %get3A_1548 = arith.constant 0 : index
        %get3A_1549 = tpu.vector_load %arg7[%get3A_1546, %get3A_1547, %get3A_1548] {strides = array<i32>} : memref<5x128x64xf32, #tpu.memory_space<vmem>>, vector<16xf32>,
        %scatter3A_1550 = arith.constant 2 : i32
        %scatter3A_1551 = arith.constant 0 : i32
        %scatter3A_1552 = arith.constant 0 : i32
        %scatter3A_1553 = arith.constant 0 : i32
        %scatter3A_1554 = tpu.memref_slice %arg8[%scatter3A_1550, %scatter3A_1551, %scatter3A_1552, %scatter3A_1553] : memref<5x8x8x129xf32, #tpu.memory_space<vmem>> -> memref<1x8x8x129xf32, #tpu.memory_space<vmem>>
        %scatter3A_1555 = tpu.memref_squeeze %scatter3A_1554 : memref<1x8x8x129xf32, #tpu.memory_space<vmem>> -> memref<8x8x129xf32, #tpu.memory_space<vmem>>
        tpu.vector_store_idx %scatter3A_1555[%select_n3A, %select_n3A_151, %broadcast_in_dim3A_1250], %get3A_1497 : memref<8x8x129xf32, #tpu.memory_space<vmem>>[vector<16xi32>, vector<16xi32>, vector<16xi32>], vector<16xf32>,
        %add3A_1556 = arith.constant 6 : i32
        %add3A_1557 = arith.addi %add3A_1233, %add3A_1556 : i32
        %get3A_1558 = arith.constant 2 : i32
        %get3A_1559 = arith.index_cast %get3A_1558 : i32 to index
        %get3A_1560 = arith.index_cast %add3A_1557 : i32 to index
        %get3A_1561 = arith.constant 16 : index
        %get3A_1562 = tpu.vector_load %arg7[%get3A_1559, %get3A_1560, %get3A_1561] {strides = array<i32>} : memref<5x128x64xf32, #tpu.memory_space<vmem>>, vector<16xf32>,
        %scatter3A_1563 = arith.constant 2 : i32
        %scatter3A_1564 = arith.constant 0 : i32
        %scatter3A_1565 = arith.constant 0 : i32
        %scatter3A_1566 = arith.constant 0 : i32
        %scatter3A_1567 = tpu.memref_slice %arg8[%scatter3A_1563, %scatter3A_1564, %scatter3A_1565, %scatter3A_1566] : memref<5x8x8x129xf32, #tpu.memory_space<vmem>> -> memref<1x8x8x129xf32, #tpu.memory_space<vmem>>
        %scatter3A_1568 = tpu.memref_squeeze %scatter3A_1567 : memref<1x8x8x129xf32, #tpu.memory_space<vmem>> -> memref<8x8x129xf32, #tpu.memory_space<vmem>>
        tpu.vector_store_idx %scatter3A_1568[%select_n3A_60, %select_n3A_176, %broadcast_in_dim3A_1250], %get3A_1510 : memref<8x8x129xf32, #tpu.memory_space<vmem>>[vector<16xi32>, vector<16xi32>, vector<16xi32>], vector<16xf32>,
        %add3A_1569 = arith.constant 6 : i32
        %add3A_1570 = arith.addi %add3A_1233, %add3A_1569 : i32
        %get3A_1571 = arith.constant 2 : i32
        %get3A_1572 = arith.index_cast %get3A_1571 : i32 to index
        %get3A_1573 = arith.index_cast %add3A_1570 : i32 to index
        %get3A_1574 = arith.constant 32 : index
        %get3A_1575 = tpu.vector_load %arg7[%get3A_1572, %get3A_1573, %get3A_1574] {strides = array<i32>} : memref<5x128x64xf32, #tpu.memory_space<vmem>>, vector<16xf32>,
        %scatter3A_1576 = arith.constant 2 : i32
        %scatter3A_1577 = arith.constant 0 : i32
        %scatter3A_1578 = arith.constant 0 : i32
        %scatter3A_1579 = arith.constant 0 : i32
        %scatter3A_1580 = tpu.memref_slice %arg8[%scatter3A_1576, %scatter3A_1577, %scatter3A_1578, %scatter3A_1579] : memref<5x8x8x129xf32, #tpu.memory_space<vmem>> -> memref<1x8x8x129xf32, #tpu.memory_space<vmem>>
        %scatter3A_1581 = tpu.memref_squeeze %scatter3A_1580 : memref<1x8x8x129xf32, #tpu.memory_space<vmem>> -> memref<8x8x129xf32, #tpu.memory_space<vmem>>
        tpu.vector_store_idx %scatter3A_1581[%select_n3A_94, %select_n3A_201, %broadcast_in_dim3A_1250], %get3A_1523 : memref<8x8x129xf32, #tpu.memory_space<vmem>>[vector<16xi32>, vector<16xi32>, vector<16xi32>], vector<16xf32>,
        %add3A_1582 = arith.constant 6 : i32
        %add3A_1583 = arith.addi %add3A_1233, %add3A_1582 : i32
        %get3A_1584 = arith.constant 2 : i32
        %get3A_1585 = arith.index_cast %get3A_1584 : i32 to index
        %get3A_1586 = arith.index_cast %add3A_1583 : i32 to index
        %get3A_1587 = arith.constant 48 : index
        %get3A_1588 = tpu.vector_load %arg7[%get3A_1585, %get3A_1586, %get3A_1587] {strides = array<i32>} : memref<5x128x64xf32, #tpu.memory_space<vmem>>, vector<16xf32>,
        %scatter3A_1589 = arith.constant 2 : i32
        %scatter3A_1590 = arith.constant 0 : i32
        %scatter3A_1591 = arith.constant 0 : i32
        %scatter3A_1592 = arith.constant 0 : i32
        %scatter3A_1593 = tpu.memref_slice %arg8[%scatter3A_1589, %scatter3A_1590, %scatter3A_1591, %scatter3A_1592] : memref<5x8x8x129xf32, #tpu.memory_space<vmem>> -> memref<1x8x8x129xf32, #tpu.memory_space<vmem>>
        %scatter3A_1594 = tpu.memref_squeeze %scatter3A_1593 : memref<1x8x8x129xf32, #tpu.memory_space<vmem>> -> memref<8x8x129xf32, #tpu.memory_space<vmem>>
        tpu.vector_store_idx %scatter3A_1594[%select_n3A_128, %select_n3A_226, %broadcast_in_dim3A_1250], %get3A_1536 : memref<8x8x129xf32, #tpu.memory_space<vmem>>[vector<16xi32>, vector<16xi32>, vector<16xi32>], vector<16xf32>,
        %add3A_1595 = arith.constant 7 : i32
        %add3A_1596 = arith.addi %add3A_1233, %add3A_1595 : i32
        %get3A_1597 = arith.constant 2 : i32
        %get3A_1598 = arith.index_cast %get3A_1597 : i32 to index
        %get3A_1599 = arith.index_cast %add3A_1596 : i32 to index
        %get3A_1600 = arith.constant 0 : index
        %get3A_1601 = tpu.vector_load %arg7[%get3A_1598, %get3A_1599, %get3A_1600] {strides = array<i32>} : memref<5x128x64xf32, #tpu.memory_space<vmem>>, vector<16xf32>,
        %scatter3A_1602 = arith.constant 2 : i32
        %scatter3A_1603 = arith.constant 0 : i32
        %scatter3A_1604 = arith.constant 0 : i32
        %scatter3A_1605 = arith.constant 0 : i32
        %scatter3A_1606 = tpu.memref_slice %arg8[%scatter3A_1602, %scatter3A_1603, %scatter3A_1604, %scatter3A_1605] : memref<5x8x8x129xf32, #tpu.memory_space<vmem>> -> memref<1x8x8x129xf32, #tpu.memory_space<vmem>>
        %scatter3A_1607 = tpu.memref_squeeze %scatter3A_1606 : memref<1x8x8x129xf32, #tpu.memory_space<vmem>> -> memref<8x8x129xf32, #tpu.memory_space<vmem>>
        tpu.vector_store_idx %scatter3A_1607[%select_n3A, %select_n3A_151, %broadcast_in_dim3A_1253], %get3A_1549 : memref<8x8x129xf32, #tpu.memory_space<vmem>>[vector<16xi32>, vector<16xi32>, vector<16xi32>], vector<16xf32>,
        %add3A_1608 = arith.constant 7 : i32
        %add3A_1609 = arith.addi %add3A_1233, %add3A_1608 : i32
        %get3A_1610 = arith.constant 2 : i32
        %get3A_1611 = arith.index_cast %get3A_1610 : i32 to index
        %get3A_1612 = arith.index_cast %add3A_1609 : i32 to index
        %get3A_1613 = arith.constant 16 : index
        %get3A_1614 = tpu.vector_load %arg7[%get3A_1611, %get3A_1612, %get3A_1613] {strides = array<i32>} : memref<5x128x64xf32, #tpu.memory_space<vmem>>, vector<16xf32>,
        %scatter3A_1615 = arith.constant 2 : i32
        %scatter3A_1616 = arith.constant 0 : i32
        %scatter3A_1617 = arith.constant 0 : i32
        %scatter3A_1618 = arith.constant 0 : i32
        %scatter3A_1619 = tpu.memref_slice %arg8[%scatter3A_1615, %scatter3A_1616, %scatter3A_1617, %scatter3A_1618] : memref<5x8x8x129xf32, #tpu.memory_space<vmem>> -> memref<1x8x8x129xf32, #tpu.memory_space<vmem>>
        %scatter3A_1620 = tpu.memref_squeeze %scatter3A_1619 : memref<1x8x8x129xf32, #tpu.memory_space<vmem>> -> memref<8x8x129xf32, #tpu.memory_space<vmem>>
        tpu.vector_store_idx %scatter3A_1620[%select_n3A_60, %select_n3A_176, %broadcast_in_dim3A_1253], %get3A_1562 : memref<8x8x129xf32, #tpu.memory_space<vmem>>[vector<16xi32>, vector<16xi32>, vector<16xi32>], vector<16xf32>,
        %add3A_1621 = arith.constant 7 : i32
        %add3A_1622 = arith.addi %add3A_1233, %add3A_1621 : i32
        %get3A_1623 = arith.constant 2 : i32
        %get3A_1624 = arith.index_cast %get3A_1623 : i32 to index
        %get3A_1625 = arith.index_cast %add3A_1622 : i32 to index
        %get3A_1626 = arith.constant 32 : index
        %get3A_1627 = tpu.vector_load %arg7[%get3A_1624, %get3A_1625, %get3A_1626] {strides = array<i32>} : memref<5x128x64xf32, #tpu.memory_space<vmem>>, vector<16xf32>,
        %scatter3A_1628 = arith.constant 2 : i32
        %scatter3A_1629 = arith.constant 0 : i32
        %scatter3A_1630 = arith.constant 0 : i32
        %scatter3A_1631 = arith.constant 0 : i32
        %scatter3A_1632 = tpu.memref_slice %arg8[%scatter3A_1628, %scatter3A_1629, %scatter3A_1630, %scatter3A_1631] : memref<5x8x8x129xf32, #tpu.memory_space<vmem>> -> memref<1x8x8x129xf32, #tpu.memory_space<vmem>>
        %scatter3A_1633 = tpu.memref_squeeze %scatter3A_1632 : memref<1x8x8x129xf32, #tpu.memory_space<vmem>> -> memref<8x8x129xf32, #tpu.memory_space<vmem>>
        tpu.vector_store_idx %scatter3A_1633[%select_n3A_94, %select_n3A_201, %broadcast_in_dim3A_1253], %get3A_1575 : memref<8x8x129xf32, #tpu.memory_space<vmem>>[vector<16xi32>, vector<16xi32>, vector<16xi32>], vector<16xf32>,
        %add3A_1634 = arith.constant 7 : i32
        %add3A_1635 = arith.addi %add3A_1233, %add3A_1634 : i32
        %get3A_1636 = arith.constant 2 : i32
        %get3A_1637 = arith.index_cast %get3A_1636 : i32 to index
        %get3A_1638 = arith.index_cast %add3A_1635 : i32 to index
        %get3A_1639 = arith.constant 48 : index
        %get3A_1640 = tpu.vector_load %arg7[%get3A_1637, %get3A_1638, %get3A_1639] {strides = array<i32>} : memref<5x128x64xf32, #tpu.memory_space<vmem>>, vector<16xf32>,
        %scatter3A_1641 = arith.constant 2 : i32
        %scatter3A_1642 = arith.constant 0 : i32
        %scatter3A_1643 = arith.constant 0 : i32
        %scatter3A_1644 = arith.constant 0 : i32
        %scatter3A_1645 = tpu.memref_slice %arg8[%scatter3A_1641, %scatter3A_1642, %scatter3A_1643, %scatter3A_1644] : memref<5x8x8x129xf32, #tpu.memory_space<vmem>> -> memref<1x8x8x129xf32, #tpu.memory_space<vmem>>
        %scatter3A_1646 = tpu.memref_squeeze %scatter3A_1645 : memref<1x8x8x129xf32, #tpu.memory_space<vmem>> -> memref<8x8x129xf32, #tpu.memory_space<vmem>>
        tpu.vector_store_idx %scatter3A_1646[%select_n3A_128, %select_n3A_226, %broadcast_in_dim3A_1253], %get3A_1588 : memref<8x8x129xf32, #tpu.memory_space<vmem>>[vector<16xi32>, vector<16xi32>, vector<16xi32>], vector<16xf32>,
        %scatter3A_1647 = arith.constant 2 : i32
        %scatter3A_1648 = arith.constant 0 : i32
        %scatter3A_1649 = arith.constant 0 : i32
        %scatter3A_1650 = arith.constant 0 : i32
        %scatter3A_1651 = tpu.memref_slice %arg8[%scatter3A_1647, %scatter3A_1648, %scatter3A_1649, %scatter3A_1650] : memref<5x8x8x129xf32, #tpu.memory_space<vmem>> -> memref<1x8x8x129xf32, #tpu.memory_space<vmem>>
        %scatter3A_1652 = tpu.memref_squeeze %scatter3A_1651 : memref<1x8x8x129xf32, #tpu.memory_space<vmem>> -> memref<8x8x129xf32, #tpu.memory_space<vmem>>
        tpu.vector_store_idx %scatter3A_1652[%select_n3A, %select_n3A_151, %broadcast_in_dim3A_1256], %get3A_1601 : memref<8x8x129xf32, #tpu.memory_space<vmem>>[vector<16xi32>, vector<16xi32>, vector<16xi32>], vector<16xf32>,
        %scatter3A_1653 = arith.constant 2 : i32
        %scatter3A_1654 = arith.constant 0 : i32
        %scatter3A_1655 = arith.constant 0 : i32
        %scatter3A_1656 = arith.constant 0 : i32
        %scatter3A_1657 = tpu.memref_slice %arg8[%scatter3A_1653, %scatter3A_1654, %scatter3A_1655, %scatter3A_1656] : memref<5x8x8x129xf32, #tpu.memory_space<vmem>> -> memref<1x8x8x129xf32, #tpu.memory_space<vmem>>
        %scatter3A_1658 = tpu.memref_squeeze %scatter3A_1657 : memref<1x8x8x129xf32, #tpu.memory_space<vmem>> -> memref<8x8x129xf32, #tpu.memory_space<vmem>>
        tpu.vector_store_idx %scatter3A_1658[%select_n3A_60, %select_n3A_176, %broadcast_in_dim3A_1256], %get3A_1614 : memref<8x8x129xf32, #tpu.memory_space<vmem>>[vector<16xi32>, vector<16xi32>, vector<16xi32>], vector<16xf32>,
        %scatter3A_1659 = arith.constant 2 : i32
        %scatter3A_1660 = arith.constant 0 : i32
        %scatter3A_1661 = arith.constant 0 : i32
        %scatter3A_1662 = arith.constant 0 : i32
        %scatter3A_1663 = tpu.memref_slice %arg8[%scatter3A_1659, %scatter3A_1660, %scatter3A_1661, %scatter3A_1662] : memref<5x8x8x129xf32, #tpu.memory_space<vmem>> -> memref<1x8x8x129xf32, #tpu.memory_space<vmem>>
        %scatter3A_1664 = tpu.memref_squeeze %scatter3A_1663 : memref<1x8x8x129xf32, #tpu.memory_space<vmem>> -> memref<8x8x129xf32, #tpu.memory_space<vmem>>
        tpu.vector_store_idx %scatter3A_1664[%select_n3A_94, %select_n3A_201, %broadcast_in_dim3A_1256], %get3A_1627 : memref<8x8x129xf32, #tpu.memory_space<vmem>>[vector<16xi32>, vector<16xi32>, vector<16xi32>], vector<16xf32>,
        %scatter3A_1665 = arith.constant 2 : i32
        %scatter3A_1666 = arith.constant 0 : i32
        %scatter3A_1667 = arith.constant 0 : i32
        %scatter3A_1668 = arith.constant 0 : i32
        %scatter3A_1669 = tpu.memref_slice %arg8[%scatter3A_1665, %scatter3A_1666, %scatter3A_1667, %scatter3A_1668] : memref<5x8x8x129xf32, #tpu.memory_space<vmem>> -> memref<1x8x8x129xf32, #tpu.memory_space<vmem>>
        %scatter3A_1670 = tpu.memref_squeeze %scatter3A_1669 : memref<1x8x8x129xf32, #tpu.memory_space<vmem>> -> memref<8x8x129xf32, #tpu.memory_space<vmem>>
        tpu.vector_store_idx %scatter3A_1670[%select_n3A_128, %select_n3A_226, %broadcast_in_dim3A_1256], %get3A_1640 : memref<8x8x129xf32, #tpu.memory_space<vmem>>[vector<16xi32>, vector<16xi32>, vector<16xi32>], vector<16xf32>,
      }
      %scan3A_1092 = arith.constant 16 : i32
      %dma_start3A_1093 = arith.constant 2 : i32
      %dma_start3A_1094 = arith.constant 0 : i32
      %dma_start3A_1095 = arith.constant 0 : i32
      %dma_start3A_1096 = arith.constant 0 : i32
      %dma_start3A_1097 = tpu.memref_slice %arg8[%dma_start3A_1093, %dma_start3A_1094, %dma_start3A_1095, %dma_start3A_1096] : memref<5x8x8x129xf32, #tpu.memory_space<vmem>> -> memref<1x8x8x128xf32, #tpu.memory_space<vmem>>
      %dma_start3A_1098 = tpu.memref_squeeze %dma_start3A_1097 : memref<1x8x8x128xf32, #tpu.memory_space<vmem>> -> memref<8x8x128xf32, #tpu.memory_space<vmem>>
      %dma_start3A_1099 = arith.constant 0 : i32
      %dma_start3A_1100 = arith.constant 0 : i32
      %dma_start3A_1101 = arith.constant 0 : i32
      %dma_start3A_1102 = tpu.memref_slice %arg4[%add3A_1070, %dma_start3A_1099, %add3A, %dma_start3A_1100, %dma_start3A_1101] : memref<50x8x32x8x128xf32, #tpu.memory_space<hbm>> -> memref<1x8x1x8x128xf32, #tpu.memory_space<hbm>>
      %dma_start3A_1103 = tpu.memref_squeeze %dma_start3A_1102 : memref<1x8x1x8x128xf32, #tpu.memory_space<hbm>> -> memref<8x8x128xf32, #tpu.memory_space<hbm>>
      %dma_start3A_1104 = arith.constant 0 : i32
      %dma_start3A_1105 = arith.constant 0 : i32
      %dma_start3A_1106 = arith.constant 0 : i32
      %dma_start3A_1107 = tpu.memref_slice %arg4[%add3A_1070, %dma_start3A_1104, %add3A, %dma_start3A_1105, %dma_start3A_1106] : memref<50x8x32x8x128xf32, #tpu.memory_space<hbm>> -> memref<1x8x1x8x128xf32, #tpu.memory_space<hbm>>
      %dma_start3A_1108 = tpu.memref_squeeze %dma_start3A_1107 : memref<1x8x1x8x128xf32, #tpu.memory_space<hbm>> -> memref<8x8x128xf32, #tpu.memory_space<hbm>>
      %dma_start3A_1109 = arith.constant 0 : i32
      %dma_start3A_1110 = arith.constant 0 : i32
      %dma_start3A_1111 = arith.constant 0 : i32
      %dma_start3A_1112 = tpu.memref_slice %arg8[%dma_start3A_1093, %dma_start3A_1109, %dma_start3A_1110, %dma_start3A_1111] : memref<5x8x8x129xf32, #tpu.memory_space<vmem>> -> memref<1x8x8x128xf32, #tpu.memory_space<vmem>>
      %dma_start3A_1113 = tpu.memref_squeeze %dma_start3A_1112 : memref<1x8x8x128xf32, #tpu.memory_space<vmem>> -> memref<8x8x128xf32, #tpu.memory_space<vmem>>
      tpu.enqueue_dma source(%dma_start3A_1113 : memref<8x8x128xf32, #tpu.memory_space<vmem>>) target(%dma_start3A_1108 : memref<8x8x128xf32, #tpu.memory_space<hbm>>) target_semaphore(%arg16 : memref<!tpu.dma_semaphore, #tpu.memory_space<semaphore_mem>>)
      %add3A_1114 = arith.constant 5 : i32
      %add3A_1115 = arith.addi %add3A_1070, %add3A_1114 : i32
      %lt3A_1116 = arith.constant 50 : i32
      %lt3A_1117 = arith.cmpi slt, %add3A_1115, %lt3A_1116 : i32
      %convert_element_type3A_1118 = arith.extui %lt3A_1117 : i1 to i32
      %cond3A_1119 = arith.constant 0 : i32
      %cond3A_1120 = arith.cmpi ne, %convert_element_type3A_1118, %cond3A_1119 : i32
      scf.if %cond3A_1120 {
        %add3A_1229 = arith.constant 0 : i32
        %add3A_1230 = vector.broadcast %add3A_1229 : i32 to vector<16xi32>
        %add3A_1231 = arith.addi %iota3A, %add3A_1230 : vector<16xi32>
        %mul3A_1232 = arith.constant 50 : i32
        %mul3A_1233 = vector.broadcast %mul3A_1232 : i32 to vector<16xi32>
        %mul3A_1234 = arith.muli %add3A_1231, %mul3A_1233 : vector<16xi32>
        %add3A_1235 = vector.broadcast %add3A_1115 : i32 to vector<16xi32>
        %add3A_1236 = arith.addi %mul3A_1234, %add3A_1235 : vector<16xi32>
        %gather3A_1237 = tpu.vector_load_idx %arg5[%add3A_1236] : memref<6400xi32, #tpu.memory_space<vmem>>[vector<16xi32>], vector<16xi32>,
        %swap3A_1238 = arith.constant 2 : i32
        %swap3A_1239 = arith.index_cast %swap3A_1238 : i32 to index
        %swap3A_1240 = arith.constant 0 : index
        %swap3A_1241 = tpu.vector_load %arg6[%swap3A_1239, %swap3A_1240] {strides = array<i32>} : memref<5x128xi32, #tpu.memory_space<vmem>>, vector<16xi32>,
        tpu.vector_store %arg6[%swap3A_1239, %swap3A_1240], %gather3A_1237 {strides = array<i32>} : memref<5x128xi32, #tpu.memory_space<vmem>>, vector<16xi32>,
        %add3A_1242 = arith.constant 16 : i32
        %add3A_1243 = vector.broadcast %add3A_1242 : i32 to vector<16xi32>
        %add3A_1244 = arith.addi %iota3A, %add3A_1243 : vector<16xi32>
        %mul3A_1245 = arith.constant 50 : i32
        %mul3A_1246 = vector.broadcast %mul3A_1245 : i32 to vector<16xi32>
        %mul3A_1247 = arith.muli %add3A_1244, %mul3A_1246 : vector<16xi32>
        %add3A_1248 = vector.broadcast %add3A_1115 : i32 to vector<16xi32>
        %add3A_1249 = arith.addi %mul3A_1247, %add3A_1248 : vector<16xi32>
        %gather3A_1250 = tpu.vector_load_idx %arg5[%add3A_1249] : memref<6400xi32, #tpu.memory_space<vmem>>[vector<16xi32>], vector<16xi32>,
        %swap3A_1251 = arith.constant 2 : i32
        %swap3A_1252 = arith.index_cast %swap3A_1251 : i32 to index
        %swap3A_1253 = arith.constant 16 : index
        %swap3A_1254 = tpu.vector_load %arg6[%swap3A_1252, %swap3A_1253] {strides = array<i32>} : memref<5x128xi32, #tpu.memory_space<vmem>>, vector<16xi32>,
        tpu.vector_store %arg6[%swap3A_1252, %swap3A_1253], %gather3A_1250 {strides = array<i32>} : memref<5x128xi32, #tpu.memory_space<vmem>>, vector<16xi32>,
        %add3A_1255 = arith.constant 32 : i32
        %add3A_1256 = vector.broadcast %add3A_1255 : i32 to vector<16xi32>
        %add3A_1257 = arith.addi %iota3A, %add3A_1256 : vector<16xi32>
        %mul3A_1258 = arith.constant 50 : i32
        %mul3A_1259 = vector.broadcast %mul3A_1258 : i32 to vector<16xi32>
        %mul3A_1260 = arith.muli %add3A_1257, %mul3A_1259 : vector<16xi32>
        %add3A_1261 = vector.broadcast %add3A_1115 : i32 to vector<16xi32>
        %add3A_1262 = arith.addi %mul3A_1260, %add3A_1261 : vector<16xi32>
        %gather3A_1263 = tpu.vector_load_idx %arg5[%add3A_1262] : memref<6400xi32, #tpu.memory_space<vmem>>[vector<16xi32>], vector<16xi32>,
        %swap3A_1264 = arith.constant 2 : i32
        %swap3A_1265 = arith.index_cast %swap3A_1264 : i32 to index
        %swap3A_1266 = arith.constant 32 : index
        %swap3A_1267 = tpu.vector_load %arg6[%swap3A_1265, %swap3A_1266] {strides = array<i32>} : memref<5x128xi32, #tpu.memory_space<vmem>>, vector<16xi32>,
        tpu.vector_store %arg6[%swap3A_1265, %swap3A_1266], %gather3A_1263 {strides = array<i32>} : memref<5x128xi32, #tpu.memory_space<vmem>>, vector<16xi32>,
        %add3A_1268 = arith.constant 48 : i32
        %add3A_1269 = vector.broadcast %add3A_1268 : i32 to vector<16xi32>
        %add3A_1270 = arith.addi %iota3A, %add3A_1269 : vector<16xi32>
        %mul3A_1271 = arith.constant 50 : i32
        %mul3A_1272 = vector.broadcast %mul3A_1271 : i32 to vector<16xi32>
        %mul3A_1273 = arith.muli %add3A_1270, %mul3A_1272 : vector<16xi32>
        %add3A_1274 = vector.broadcast %add3A_1115 : i32 to vector<16xi32>
        %add3A_1275 = arith.addi %mul3A_1273, %add3A_1274 : vector<16xi32>
        %gather3A_1276 = tpu.vector_load_idx %arg5[%add3A_1275] : memref<6400xi32, #tpu.memory_space<vmem>>[vector<16xi32>], vector<16xi32>,
        %swap3A_1277 = arith.constant 2 : i32
        %swap3A_1278 = arith.index_cast %swap3A_1277 : i32 to index
        %swap3A_1279 = arith.constant 48 : index
        %swap3A_1280 = tpu.vector_load %arg6[%swap3A_1278, %swap3A_1279] {strides = array<i32>} : memref<5x128xi32, #tpu.memory_space<vmem>>, vector<16xi32>,
        tpu.vector_store %arg6[%swap3A_1278, %swap3A_1279], %gather3A_1276 {strides = array<i32>} : memref<5x128xi32, #tpu.memory_space<vmem>>, vector<16xi32>,
        %add3A_1281 = arith.constant 64 : i32
        %add3A_1282 = vector.broadcast %add3A_1281 : i32 to vector<16xi32>
        %add3A_1283 = arith.addi %iota3A, %add3A_1282 : vector<16xi32>
        %mul3A_1284 = arith.constant 50 : i32
        %mul3A_1285 = vector.broadcast %mul3A_1284 : i32 to vector<16xi32>
        %mul3A_1286 = arith.muli %add3A_1283, %mul3A_1285 : vector<16xi32>
        %add3A_1287 = vector.broadcast %add3A_1115 : i32 to vector<16xi32>
        %add3A_1288 = arith.addi %mul3A_1286, %add3A_1287 : vector<16xi32>
        %gather3A_1289 = tpu.vector_load_idx %arg5[%add3A_1288] : memref<6400xi32, #tpu.memory_space<vmem>>[vector<16xi32>], vector<16xi32>,
        %swap3A_1290 = arith.constant 2 : i32
        %swap3A_1291 = arith.index_cast %swap3A_1290 : i32 to index
        %swap3A_1292 = arith.constant 64 : index
        %swap3A_1293 = tpu.vector_load %arg6[%swap3A_1291, %swap3A_1292] {strides = array<i32>} : memref<5x128xi32, #tpu.memory_space<vmem>>, vector<16xi32>,
        tpu.vector_store %arg6[%swap3A_1291, %swap3A_1292], %gather3A_1289 {strides = array<i32>} : memref<5x128xi32, #tpu.memory_space<vmem>>, vector<16xi32>,
        %add3A_1294 = arith.constant 80 : i32
        %add3A_1295 = vector.broadcast %add3A_1294 : i32 to vector<16xi32>
        %add3A_1296 = arith.addi %iota3A, %add3A_1295 : vector<16xi32>
        %mul3A_1297 = arith.constant 50 : i32
        %mul3A_1298 = vector.broadcast %mul3A_1297 : i32 to vector<16xi32>
        %mul3A_1299 = arith.muli %add3A_1296, %mul3A_1298 : vector<16xi32>
        %add3A_1300 = vector.broadcast %add3A_1115 : i32 to vector<16xi32>
        %add3A_1301 = arith.addi %mul3A_1299, %add3A_1300 : vector<16xi32>
        %gather3A_1302 = tpu.vector_load_idx %arg5[%add3A_1301] : memref<6400xi32, #tpu.memory_space<vmem>>[vector<16xi32>], vector<16xi32>,
        %swap3A_1303 = arith.constant 2 : i32
        %swap3A_1304 = arith.index_cast %swap3A_1303 : i32 to index
        %swap3A_1305 = arith.constant 80 : index
        %swap3A_1306 = tpu.vector_load %arg6[%swap3A_1304, %swap3A_1305] {strides = array<i32>} : memref<5x128xi32, #tpu.memory_space<vmem>>, vector<16xi32>,
        tpu.vector_store %arg6[%swap3A_1304, %swap3A_1305], %gather3A_1302 {strides = array<i32>} : memref<5x128xi32, #tpu.memory_space<vmem>>, vector<16xi32>,
        %add3A_1307 = arith.constant 96 : i32
        %add3A_1308 = vector.broadcast %add3A_1307 : i32 to vector<16xi32>
        %add3A_1309 = arith.addi %iota3A, %add3A_1308 : vector<16xi32>
        %mul3A_1310 = arith.constant 50 : i32
        %mul3A_1311 = vector.broadcast %mul3A_1310 : i32 to vector<16xi32>
        %mul3A_1312 = arith.muli %add3A_1309, %mul3A_1311 : vector<16xi32>
        %add3A_1313 = vector.broadcast %add3A_1115 : i32 to vector<16xi32>
        %add3A_1314 = arith.addi %mul3A_1312, %add3A_1313 : vector<16xi32>
        %gather3A_1315 = tpu.vector_load_idx %arg5[%add3A_1314] : memref<6400xi32, #tpu.memory_space<vmem>>[vector<16xi32>], vector<16xi32>,
        %swap3A_1316 = arith.constant 2 : i32
        %swap3A_1317 = arith.index_cast %swap3A_1316 : i32 to index
        %swap3A_1318 = arith.constant 96 : index
        %swap3A_1319 = tpu.vector_load %arg6[%swap3A_1317, %swap3A_1318] {strides = array<i32>} : memref<5x128xi32, #tpu.memory_space<vmem>>, vector<16xi32>,
        tpu.vector_store %arg6[%swap3A_1317, %swap3A_1318], %gather3A_1315 {strides = array<i32>} : memref<5x128xi32, #tpu.memory_space<vmem>>, vector<16xi32>,
        %add3A_1320 = arith.constant 112 : i32
        %add3A_1321 = vector.broadcast %add3A_1320 : i32 to vector<16xi32>
        %add3A_1322 = arith.addi %iota3A, %add3A_1321 : vector<16xi32>
        %mul3A_1323 = arith.constant 50 : i32
        %mul3A_1324 = vector.broadcast %mul3A_1323 : i32 to vector<16xi32>
        %mul3A_1325 = arith.muli %add3A_1322, %mul3A_1324 : vector<16xi32>
        %add3A_1326 = vector.broadcast %add3A_1115 : i32 to vector<16xi32>
        %add3A_1327 = arith.addi %mul3A_1325, %add3A_1326 : vector<16xi32>
        %gather3A_1328 = tpu.vector_load_idx %arg5[%add3A_1327] : memref<6400xi32, #tpu.memory_space<vmem>>[vector<16xi32>], vector<16xi32>,
        %swap3A_1329 = arith.constant 2 : i32
        %swap3A_1330 = arith.index_cast %swap3A_1329 : i32 to index
        %swap3A_1331 = arith.constant 112 : index
        %swap3A_1332 = tpu.vector_load %arg6[%swap3A_1330, %swap3A_1331] {strides = array<i32>} : memref<5x128xi32, #tpu.memory_space<vmem>>, vector<16xi32>,
        tpu.vector_store %arg6[%swap3A_1330, %swap3A_1331], %gather3A_1328 {strides = array<i32>} : memref<5x128xi32, #tpu.memory_space<vmem>>, vector<16xi32>,
        %dma_start3A_1333 = arith.constant 2 : i32
        %dma_start3A_1334 = arith.constant 2 : i32
        %dma_start3A_1335 = arith.constant 0 : i32
        %dma_start3A_1336 = arith.constant 0 : i32
        %dma_start3A_1337 = tpu.memref_slice %arg7[%dma_start3A_1334, %dma_start3A_1335, %dma_start3A_1336] : memref<5x128x64xf32, #tpu.memory_space<vmem>> -> memref<1x128x64xf32, #tpu.memory_space<vmem>>
        %dma_start3A_1338 = tpu.memref_squeeze %dma_start3A_1337 : memref<1x128x64xf32, #tpu.memory_space<vmem>> -> memref<128x64xf32, #tpu.memory_space<vmem>>
        %dma_start3A_1339 = arith.constant 0 : i32
        %dma_start3A_1340 = tpu.memref_slice %arg6[%dma_start3A_1333, %dma_start3A_1339] : memref<5x128xi32, #tpu.memory_space<vmem>> -> memref<1x128xi32, #tpu.memory_space<vmem>>
        %dma_start3A_1341 = tpu.memref_squeeze %dma_start3A_1340 : memref<1x128xi32, #tpu.memory_space<vmem>> -> memref<128xi32, #tpu.memory_space<vmem>>
        %dma_start3A_1342 = arith.constant 0 : i32
        %dma_start3A_1343 = arith.constant 0 : i32
        %dma_start3A_1344 = tpu.memref_slice %arg3[%dma_start3A_1342, %dma_start3A_1343] : memref<100000x64xf32, #tpu.memory_space<hbm>> -> memref<100000x64xf32, #tpu.memory_space<hbm>>
        tpu.enqueue_indirect_dma source(%dma_start3A_1344 : memref<100000x64xf32, #tpu.memory_space<hbm>>) target(%dma_start3A_1338 : memref<128x64xf32, #tpu.memory_space<vmem>>) offsets(%dma_start3A_1341 : memref<128xi32, #tpu.memory_space<vmem>>) semaphore(%arg11 : memref<!tpu.dma_semaphore, #tpu.memory_space<semaphore_mem>>)
      } else {
      }
      %mul3A_1121 = arith.constant 5 : i32
      %mul3A_1122 = arith.muli %add3A_961, %mul3A_1121 : i32
      %add3A_1123 = arith.constant 3 : i32
      %add3A_1124 = arith.addi %mul3A_1122, %add3A_1123 : i32
      %dma_wait3A_1125 = arith.constant 3 : i32
      %dma_wait3A_1126 = arith.constant 3 : i32
      %dma_wait3A_1127 = arith.constant 0 : i32
      %dma_wait3A_1128 = arith.constant 0 : i32
      %dma_wait3A_1129 = tpu.memref_slice %arg7[%dma_wait3A_1126, %dma_wait3A_1127, %dma_wait3A_1128] : memref<5x128x64xf32, #tpu.memory_space<vmem>> -> memref<1x128x64xf32, #tpu.memory_space<vmem>>
      %dma_wait3A_1130 = tpu.memref_squeeze %dma_wait3A_1129 : memref<1x128x64xf32, #tpu.memory_space<vmem>> -> memref<128x64xf32, #tpu.memory_space<vmem>>
      %dma_wait3A_1131 = arith.constant 0 : i32
      %dma_wait3A_1132 = tpu.memref_slice %arg6[%dma_wait3A_1125, %dma_wait3A_1131] : memref<5x128xi32, #tpu.memory_space<vmem>> -> memref<1x128xi32, #tpu.memory_space<vmem>>
      %dma_wait3A_1133 = tpu.memref_squeeze %dma_wait3A_1132 : memref<1x128xi32, #tpu.memory_space<vmem>> -> memref<128xi32, #tpu.memory_space<vmem>>
      %dma_wait3A_1134 = arith.constant 0 : i32
      %dma_wait3A_1135 = arith.constant 0 : i32
      %dma_wait3A_1136 = tpu.memref_slice %arg3[%dma_wait3A_1134, %dma_wait3A_1135] : memref<100000x64xf32, #tpu.memory_space<hbm>> -> memref<100000x64xf32, #tpu.memory_space<hbm>>
      tpu.wait_indirect_dma semaphore(%arg12 : memref<!tpu.dma_semaphore, #tpu.memory_space<semaphore_mem>>) src(%dma_wait3A_1136 : memref<100000x64xf32, #tpu.memory_space<hbm>>) dst(%dma_wait3A_1130 : memref<128x64xf32, #tpu.memory_space<vmem>>)
      %ge3A_1137 = arith.constant 5 : i32
      %ge3A_1138 = arith.cmpi sge, %add3A_1124, %ge3A_1137 : i32
      %convert_element_type3A_1139 = arith.extui %ge3A_1138 : i1 to i32
      %cond3A_1140 = arith.constant 0 : i32
      %cond3A_1141 = arith.cmpi ne, %convert_element_type3A_1139, %cond3A_1140 : i32
      scf.if %cond3A_1141 {
        %sub3A_1229 = arith.constant 5 : i32
        %sub3A_1230 = arith.subi %add3A_1124, %sub3A_1229 : i32
        %dma_wait3A_1231 = arith.constant 3 : i32
        %dma_wait3A_1232 = arith.constant 0 : i32
        %dma_wait3A_1233 = arith.constant 0 : i32
        %dma_wait3A_1234 = arith.constant 0 : i32
        %dma_wait3A_1235 = tpu.memref_slice %arg8[%dma_wait3A_1231, %dma_wait3A_1232, %dma_wait3A_1233, %dma_wait3A_1234] : memref<5x8x8x129xf32, #tpu.memory_space<vmem>> -> memref<1x8x8x128xf32, #tpu.memory_space<vmem>>
        %dma_wait3A_1236 = tpu.memref_squeeze %dma_wait3A_1235 : memref<1x8x8x128xf32, #tpu.memory_space<vmem>> -> memref<8x8x128xf32, #tpu.memory_space<vmem>>
        %dma_wait3A_1237 = arith.constant 0 : i32
        %dma_wait3A_1238 = arith.constant 0 : i32
        %dma_wait3A_1239 = arith.constant 0 : i32
        %dma_wait3A_1240 = tpu.memref_slice %arg4[%sub3A_1230, %dma_wait3A_1237, %add3A, %dma_wait3A_1238, %dma_wait3A_1239] : memref<50x8x32x8x128xf32, #tpu.memory_space<hbm>> -> memref<1x8x1x8x128xf32, #tpu.memory_space<hbm>>
        %dma_wait3A_1241 = tpu.memref_squeeze %dma_wait3A_1240 : memref<1x8x1x8x128xf32, #tpu.memory_space<hbm>> -> memref<8x8x128xf32, #tpu.memory_space<hbm>>
        %dma_wait3A_1242 = arith.constant 0 : i32
        %dma_wait3A_1243 = arith.constant 0 : i32
        %dma_wait3A_1244 = arith.constant 0 : i32
        %dma_wait3A_1245 = tpu.memref_slice %arg4[%sub3A_1230, %dma_wait3A_1242, %add3A, %dma_wait3A_1243, %dma_wait3A_1244] : memref<50x8x32x8x128xf32, #tpu.memory_space<hbm>> -> memref<1x8x1x8x128xf32, #tpu.memory_space<hbm>>
        %dma_wait3A_1246 = tpu.memref_squeeze %dma_wait3A_1245 : memref<1x8x1x8x128xf32, #tpu.memory_space<hbm>> -> memref<8x8x128xf32, #tpu.memory_space<hbm>>
        %dma_wait3A_1247 = arith.constant 0 : i32
        %dma_wait3A_1248 = arith.constant 0 : i32
        %dma_wait3A_1249 = arith.constant 0 : i32
        %dma_wait3A_1250 = tpu.memref_slice %arg8[%dma_wait3A_1231, %dma_wait3A_1247, %dma_wait3A_1248, %dma_wait3A_1249] : memref<5x8x8x129xf32, #tpu.memory_space<vmem>> -> memref<1x8x8x128xf32, #tpu.memory_space<vmem>>
        %dma_wait3A_1251 = tpu.memref_squeeze %dma_wait3A_1250 : memref<1x8x8x128xf32, #tpu.memory_space<vmem>> -> memref<8x8x128xf32, #tpu.memory_space<vmem>>
        tpu.wait_dma2 semaphore(%arg17 : memref<!tpu.dma_semaphore, #tpu.memory_space<semaphore_mem>>) src(%dma_wait3A_1251 : memref<8x8x128xf32, #tpu.memory_space<vmem>>) dst(%dma_wait3A_1246 : memref<8x8x128xf32, #tpu.memory_space<hbm>>)
      } else {
      }
      %scan3A_1142 = arith.constant 0 : i32
      %scan3A_1143 = arith.constant 16 : i32
      %scan3A_1144 = arith.addi %scan3A_1142, %scan3A_1143 : i32
      %scan3A_1145 = arith.constant 1 : i32
      scf.for %scan3A_1229 = %scan3A_1142 to %scan3A_1144 step %scan3A_1145  : i32 {
        %mul3A_1230 = arith.constant 8 : i32
        %mul3A_1231 = arith.muli %scan3A_1229, %mul3A_1230 : i32
        %add3A_1232 = arith.constant 0 : i32
        %add3A_1233 = arith.addi %add3A_1232, %mul3A_1231 : i32
        %add3A_1234 = arith.constant 0 : i32
        %add3A_1235 = arith.addi %add3A_1233, %add3A_1234 : i32
        %broadcast_in_dim3A = vector.broadcast %add3A_1235 : i32 to vector<16xi32>
        %add3A_1236 = arith.constant 1 : i32
        %add3A_1237 = arith.addi %add3A_1233, %add3A_1236 : i32
        %broadcast_in_dim3A_1238 = vector.broadcast %add3A_1237 : i32 to vector<16xi32>
        %add3A_1239 = arith.constant 2 : i32
        %add3A_1240 = arith.addi %add3A_1233, %add3A_1239 : i32
        %broadcast_in_dim3A_1241 = vector.broadcast %add3A_1240 : i32 to vector<16xi32>
        %add3A_1242 = arith.constant 3 : i32
        %add3A_1243 = arith.addi %add3A_1233, %add3A_1242 : i32
        %broadcast_in_dim3A_1244 = vector.broadcast %add3A_1243 : i32 to vector<16xi32>
        %add3A_1245 = arith.constant 4 : i32
        %add3A_1246 = arith.addi %add3A_1233, %add3A_1245 : i32
        %broadcast_in_dim3A_1247 = vector.broadcast %add3A_1246 : i32 to vector<16xi32>
        %add3A_1248 = arith.constant 5 : i32
        %add3A_1249 = arith.addi %add3A_1233, %add3A_1248 : i32
        %broadcast_in_dim3A_1250 = vector.broadcast %add3A_1249 : i32 to vector<16xi32>
        %add3A_1251 = arith.constant 6 : i32
        %add3A_1252 = arith.addi %add3A_1233, %add3A_1251 : i32
        %broadcast_in_dim3A_1253 = vector.broadcast %add3A_1252 : i32 to vector<16xi32>
        %add3A_1254 = arith.constant 7 : i32
        %add3A_1255 = arith.addi %add3A_1233, %add3A_1254 : i32
        %broadcast_in_dim3A_1256 = vector.broadcast %add3A_1255 : i32 to vector<16xi32>
        %add3A_1257 = arith.constant 0 : i32
        %add3A_1258 = arith.addi %add3A_1233, %add3A_1257 : i32
        %get3A = arith.constant 3 : i32
        %get3A_1259 = arith.index_cast %get3A : i32 to index
        %get3A_1260 = arith.index_cast %add3A_1258 : i32 to index
        %get3A_1261 = arith.constant 0 : index
        %get3A_1262 = tpu.vector_load %arg7[%get3A_1259, %get3A_1260, %get3A_1261] {strides = array<i32>} : memref<5x128x64xf32, #tpu.memory_space<vmem>>, vector<16xf32>,
        %add3A_1263 = arith.constant 0 : i32
        %add3A_1264 = arith.addi %add3A_1233, %add3A_1263 : i32
        %get3A_1265 = arith.constant 3 : i32
        %get3A_1266 = arith.index_cast %get3A_1265 : i32 to index
        %get3A_1267 = arith.index_cast %add3A_1264 : i32 to index
        %get3A_1268 = arith.constant 16 : index
        %get3A_1269 = tpu.vector_load %arg7[%get3A_1266, %get3A_1267, %get3A_1268] {strides = array<i32>} : memref<5x128x64xf32, #tpu.memory_space<vmem>>, vector<16xf32>,
        %add3A_1270 = arith.constant 0 : i32
        %add3A_1271 = arith.addi %add3A_1233, %add3A_1270 : i32
        %get3A_1272 = arith.constant 3 : i32
        %get3A_1273 = arith.index_cast %get3A_1272 : i32 to index
        %get3A_1274 = arith.index_cast %add3A_1271 : i32 to index
        %get3A_1275 = arith.constant 32 : index
        %get3A_1276 = tpu.vector_load %arg7[%get3A_1273, %get3A_1274, %get3A_1275] {strides = array<i32>} : memref<5x128x64xf32, #tpu.memory_space<vmem>>, vector<16xf32>,
        %add3A_1277 = arith.constant 0 : i32
        %add3A_1278 = arith.addi %add3A_1233, %add3A_1277 : i32
        %get3A_1279 = arith.constant 3 : i32
        %get3A_1280 = arith.index_cast %get3A_1279 : i32 to index
        %get3A_1281 = arith.index_cast %add3A_1278 : i32 to index
        %get3A_1282 = arith.constant 48 : index
        %get3A_1283 = tpu.vector_load %arg7[%get3A_1280, %get3A_1281, %get3A_1282] {strides = array<i32>} : memref<5x128x64xf32, #tpu.memory_space<vmem>>, vector<16xf32>,
        %add3A_1284 = arith.constant 1 : i32
        %add3A_1285 = arith.addi %add3A_1233, %add3A_1284 : i32
        %get3A_1286 = arith.constant 3 : i32
        %get3A_1287 = arith.index_cast %get3A_1286 : i32 to index
        %get3A_1288 = arith.index_cast %add3A_1285 : i32 to index
        %get3A_1289 = arith.constant 0 : index
        %get3A_1290 = tpu.vector_load %arg7[%get3A_1287, %get3A_1288, %get3A_1289] {strides = array<i32>} : memref<5x128x64xf32, #tpu.memory_space<vmem>>, vector<16xf32>,
        %scatter3A = arith.constant 3 : i32
        %scatter3A_1291 = arith.constant 0 : i32
        %scatter3A_1292 = arith.constant 0 : i32
        %scatter3A_1293 = arith.constant 0 : i32
        %scatter3A_1294 = tpu.memref_slice %arg8[%scatter3A, %scatter3A_1291, %scatter3A_1292, %scatter3A_1293] : memref<5x8x8x129xf32, #tpu.memory_space<vmem>> -> memref<1x8x8x129xf32, #tpu.memory_space<vmem>>
        %scatter3A_1295 = tpu.memref_squeeze %scatter3A_1294 : memref<1x8x8x129xf32, #tpu.memory_space<vmem>> -> memref<8x8x129xf32, #tpu.memory_space<vmem>>
        tpu.vector_store_idx %scatter3A_1295[%select_n3A, %select_n3A_151, %broadcast_in_dim3A], %get3A_1262 : memref<8x8x129xf32, #tpu.memory_space<vmem>>[vector<16xi32>, vector<16xi32>, vector<16xi32>], vector<16xf32>,
        %add3A_1296 = arith.constant 1 : i32
        %add3A_1297 = arith.addi %add3A_1233, %add3A_1296 : i32
        %get3A_1298 = arith.constant 3 : i32
        %get3A_1299 = arith.index_cast %get3A_1298 : i32 to index
        %get3A_1300 = arith.index_cast %add3A_1297 : i32 to index
        %get3A_1301 = arith.constant 16 : index
        %get3A_1302 = tpu.vector_load %arg7[%get3A_1299, %get3A_1300, %get3A_1301] {strides = array<i32>} : memref<5x128x64xf32, #tpu.memory_space<vmem>>, vector<16xf32>,
        %scatter3A_1303 = arith.constant 3 : i32
        %scatter3A_1304 = arith.constant 0 : i32
        %scatter3A_1305 = arith.constant 0 : i32
        %scatter3A_1306 = arith.constant 0 : i32
        %scatter3A_1307 = tpu.memref_slice %arg8[%scatter3A_1303, %scatter3A_1304, %scatter3A_1305, %scatter3A_1306] : memref<5x8x8x129xf32, #tpu.memory_space<vmem>> -> memref<1x8x8x129xf32, #tpu.memory_space<vmem>>
        %scatter3A_1308 = tpu.memref_squeeze %scatter3A_1307 : memref<1x8x8x129xf32, #tpu.memory_space<vmem>> -> memref<8x8x129xf32, #tpu.memory_space<vmem>>
        tpu.vector_store_idx %scatter3A_1308[%select_n3A_60, %select_n3A_176, %broadcast_in_dim3A], %get3A_1269 : memref<8x8x129xf32, #tpu.memory_space<vmem>>[vector<16xi32>, vector<16xi32>, vector<16xi32>], vector<16xf32>,
        %add3A_1309 = arith.constant 1 : i32
        %add3A_1310 = arith.addi %add3A_1233, %add3A_1309 : i32
        %get3A_1311 = arith.constant 3 : i32
        %get3A_1312 = arith.index_cast %get3A_1311 : i32 to index
        %get3A_1313 = arith.index_cast %add3A_1310 : i32 to index
        %get3A_1314 = arith.constant 32 : index
        %get3A_1315 = tpu.vector_load %arg7[%get3A_1312, %get3A_1313, %get3A_1314] {strides = array<i32>} : memref<5x128x64xf32, #tpu.memory_space<vmem>>, vector<16xf32>,
        %scatter3A_1316 = arith.constant 3 : i32
        %scatter3A_1317 = arith.constant 0 : i32
        %scatter3A_1318 = arith.constant 0 : i32
        %scatter3A_1319 = arith.constant 0 : i32
        %scatter3A_1320 = tpu.memref_slice %arg8[%scatter3A_1316, %scatter3A_1317, %scatter3A_1318, %scatter3A_1319] : memref<5x8x8x129xf32, #tpu.memory_space<vmem>> -> memref<1x8x8x129xf32, #tpu.memory_space<vmem>>
        %scatter3A_1321 = tpu.memref_squeeze %scatter3A_1320 : memref<1x8x8x129xf32, #tpu.memory_space<vmem>> -> memref<8x8x129xf32, #tpu.memory_space<vmem>>
        tpu.vector_store_idx %scatter3A_1321[%select_n3A_94, %select_n3A_201, %broadcast_in_dim3A], %get3A_1276 : memref<8x8x129xf32, #tpu.memory_space<vmem>>[vector<16xi32>, vector<16xi32>, vector<16xi32>], vector<16xf32>,
        %add3A_1322 = arith.constant 1 : i32
        %add3A_1323 = arith.addi %add3A_1233, %add3A_1322 : i32
        %get3A_1324 = arith.constant 3 : i32
        %get3A_1325 = arith.index_cast %get3A_1324 : i32 to index
        %get3A_1326 = arith.index_cast %add3A_1323 : i32 to index
        %get3A_1327 = arith.constant 48 : index
        %get3A_1328 = tpu.vector_load %arg7[%get3A_1325, %get3A_1326, %get3A_1327] {strides = array<i32>} : memref<5x128x64xf32, #tpu.memory_space<vmem>>, vector<16xf32>,
        %scatter3A_1329 = arith.constant 3 : i32
        %scatter3A_1330 = arith.constant 0 : i32
        %scatter3A_1331 = arith.constant 0 : i32
        %scatter3A_1332 = arith.constant 0 : i32
        %scatter3A_1333 = tpu.memref_slice %arg8[%scatter3A_1329, %scatter3A_1330, %scatter3A_1331, %scatter3A_1332] : memref<5x8x8x129xf32, #tpu.memory_space<vmem>> -> memref<1x8x8x129xf32, #tpu.memory_space<vmem>>
        %scatter3A_1334 = tpu.memref_squeeze %scatter3A_1333 : memref<1x8x8x129xf32, #tpu.memory_space<vmem>> -> memref<8x8x129xf32, #tpu.memory_space<vmem>>
        tpu.vector_store_idx %scatter3A_1334[%select_n3A_128, %select_n3A_226, %broadcast_in_dim3A], %get3A_1283 : memref<8x8x129xf32, #tpu.memory_space<vmem>>[vector<16xi32>, vector<16xi32>, vector<16xi32>], vector<16xf32>,
        %add3A_1335 = arith.constant 2 : i32
        %add3A_1336 = arith.addi %add3A_1233, %add3A_1335 : i32
        %get3A_1337 = arith.constant 3 : i32
        %get3A_1338 = arith.index_cast %get3A_1337 : i32 to index
        %get3A_1339 = arith.index_cast %add3A_1336 : i32 to index
        %get3A_1340 = arith.constant 0 : index
        %get3A_1341 = tpu.vector_load %arg7[%get3A_1338, %get3A_1339, %get3A_1340] {strides = array<i32>} : memref<5x128x64xf32, #tpu.memory_space<vmem>>, vector<16xf32>,
        %scatter3A_1342 = arith.constant 3 : i32
        %scatter3A_1343 = arith.constant 0 : i32
        %scatter3A_1344 = arith.constant 0 : i32
        %scatter3A_1345 = arith.constant 0 : i32
        %scatter3A_1346 = tpu.memref_slice %arg8[%scatter3A_1342, %scatter3A_1343, %scatter3A_1344, %scatter3A_1345] : memref<5x8x8x129xf32, #tpu.memory_space<vmem>> -> memref<1x8x8x129xf32, #tpu.memory_space<vmem>>
        %scatter3A_1347 = tpu.memref_squeeze %scatter3A_1346 : memref<1x8x8x129xf32, #tpu.memory_space<vmem>> -> memref<8x8x129xf32, #tpu.memory_space<vmem>>
        tpu.vector_store_idx %scatter3A_1347[%select_n3A, %select_n3A_151, %broadcast_in_dim3A_1238], %get3A_1290 : memref<8x8x129xf32, #tpu.memory_space<vmem>>[vector<16xi32>, vector<16xi32>, vector<16xi32>], vector<16xf32>,
        %add3A_1348 = arith.constant 2 : i32
        %add3A_1349 = arith.addi %add3A_1233, %add3A_1348 : i32
        %get3A_1350 = arith.constant 3 : i32
        %get3A_1351 = arith.index_cast %get3A_1350 : i32 to index
        %get3A_1352 = arith.index_cast %add3A_1349 : i32 to index
        %get3A_1353 = arith.constant 16 : index
        %get3A_1354 = tpu.vector_load %arg7[%get3A_1351, %get3A_1352, %get3A_1353] {strides = array<i32>} : memref<5x128x64xf32, #tpu.memory_space<vmem>>, vector<16xf32>,
        %scatter3A_1355 = arith.constant 3 : i32
        %scatter3A_1356 = arith.constant 0 : i32
        %scatter3A_1357 = arith.constant 0 : i32
        %scatter3A_1358 = arith.constant 0 : i32
        %scatter3A_1359 = tpu.memref_slice %arg8[%scatter3A_1355, %scatter3A_1356, %scatter3A_1357, %scatter3A_1358] : memref<5x8x8x129xf32, #tpu.memory_space<vmem>> -> memref<1x8x8x129xf32, #tpu.memory_space<vmem>>
        %scatter3A_1360 = tpu.memref_squeeze %scatter3A_1359 : memref<1x8x8x129xf32, #tpu.memory_space<vmem>> -> memref<8x8x129xf32, #tpu.memory_space<vmem>>
        tpu.vector_store_idx %scatter3A_1360[%select_n3A_60, %select_n3A_176, %broadcast_in_dim3A_1238], %get3A_1302 : memref<8x8x129xf32, #tpu.memory_space<vmem>>[vector<16xi32>, vector<16xi32>, vector<16xi32>], vector<16xf32>,
        %add3A_1361 = arith.constant 2 : i32
        %add3A_1362 = arith.addi %add3A_1233, %add3A_1361 : i32
        %get3A_1363 = arith.constant 3 : i32
        %get3A_1364 = arith.index_cast %get3A_1363 : i32 to index
        %get3A_1365 = arith.index_cast %add3A_1362 : i32 to index
        %get3A_1366 = arith.constant 32 : index
        %get3A_1367 = tpu.vector_load %arg7[%get3A_1364, %get3A_1365, %get3A_1366] {strides = array<i32>} : memref<5x128x64xf32, #tpu.memory_space<vmem>>, vector<16xf32>,
        %scatter3A_1368 = arith.constant 3 : i32
        %scatter3A_1369 = arith.constant 0 : i32
        %scatter3A_1370 = arith.constant 0 : i32
        %scatter3A_1371 = arith.constant 0 : i32
        %scatter3A_1372 = tpu.memref_slice %arg8[%scatter3A_1368, %scatter3A_1369, %scatter3A_1370, %scatter3A_1371] : memref<5x8x8x129xf32, #tpu.memory_space<vmem>> -> memref<1x8x8x129xf32, #tpu.memory_space<vmem>>
        %scatter3A_1373 = tpu.memref_squeeze %scatter3A_1372 : memref<1x8x8x129xf32, #tpu.memory_space<vmem>> -> memref<8x8x129xf32, #tpu.memory_space<vmem>>
        tpu.vector_store_idx %scatter3A_1373[%select_n3A_94, %select_n3A_201, %broadcast_in_dim3A_1238], %get3A_1315 : memref<8x8x129xf32, #tpu.memory_space<vmem>>[vector<16xi32>, vector<16xi32>, vector<16xi32>], vector<16xf32>,
        %add3A_1374 = arith.constant 2 : i32
        %add3A_1375 = arith.addi %add3A_1233, %add3A_1374 : i32
        %get3A_1376 = arith.constant 3 : i32
        %get3A_1377 = arith.index_cast %get3A_1376 : i32 to index
        %get3A_1378 = arith.index_cast %add3A_1375 : i32 to index
        %get3A_1379 = arith.constant 48 : index
        %get3A_1380 = tpu.vector_load %arg7[%get3A_1377, %get3A_1378, %get3A_1379] {strides = array<i32>} : memref<5x128x64xf32, #tpu.memory_space<vmem>>, vector<16xf32>,
        %scatter3A_1381 = arith.constant 3 : i32
        %scatter3A_1382 = arith.constant 0 : i32
        %scatter3A_1383 = arith.constant 0 : i32
        %scatter3A_1384 = arith.constant 0 : i32
        %scatter3A_1385 = tpu.memref_slice %arg8[%scatter3A_1381, %scatter3A_1382, %scatter3A_1383, %scatter3A_1384] : memref<5x8x8x129xf32, #tpu.memory_space<vmem>> -> memref<1x8x8x129xf32, #tpu.memory_space<vmem>>
        %scatter3A_1386 = tpu.memref_squeeze %scatter3A_1385 : memref<1x8x8x129xf32, #tpu.memory_space<vmem>> -> memref<8x8x129xf32, #tpu.memory_space<vmem>>
        tpu.vector_store_idx %scatter3A_1386[%select_n3A_128, %select_n3A_226, %broadcast_in_dim3A_1238], %get3A_1328 : memref<8x8x129xf32, #tpu.memory_space<vmem>>[vector<16xi32>, vector<16xi32>, vector<16xi32>], vector<16xf32>,
        %add3A_1387 = arith.constant 3 : i32
        %add3A_1388 = arith.addi %add3A_1233, %add3A_1387 : i32
        %get3A_1389 = arith.constant 3 : i32
        %get3A_1390 = arith.index_cast %get3A_1389 : i32 to index
        %get3A_1391 = arith.index_cast %add3A_1388 : i32 to index
        %get3A_1392 = arith.constant 0 : index
        %get3A_1393 = tpu.vector_load %arg7[%get3A_1390, %get3A_1391, %get3A_1392] {strides = array<i32>} : memref<5x128x64xf32, #tpu.memory_space<vmem>>, vector<16xf32>,
        %scatter3A_1394 = arith.constant 3 : i32
        %scatter3A_1395 = arith.constant 0 : i32
        %scatter3A_1396 = arith.constant 0 : i32
        %scatter3A_1397 = arith.constant 0 : i32
        %scatter3A_1398 = tpu.memref_slice %arg8[%scatter3A_1394, %scatter3A_1395, %scatter3A_1396, %scatter3A_1397] : memref<5x8x8x129xf32, #tpu.memory_space<vmem>> -> memref<1x8x8x129xf32, #tpu.memory_space<vmem>>
        %scatter3A_1399 = tpu.memref_squeeze %scatter3A_1398 : memref<1x8x8x129xf32, #tpu.memory_space<vmem>> -> memref<8x8x129xf32, #tpu.memory_space<vmem>>
        tpu.vector_store_idx %scatter3A_1399[%select_n3A, %select_n3A_151, %broadcast_in_dim3A_1241], %get3A_1341 : memref<8x8x129xf32, #tpu.memory_space<vmem>>[vector<16xi32>, vector<16xi32>, vector<16xi32>], vector<16xf32>,
        %add3A_1400 = arith.constant 3 : i32
        %add3A_1401 = arith.addi %add3A_1233, %add3A_1400 : i32
        %get3A_1402 = arith.constant 3 : i32
        %get3A_1403 = arith.index_cast %get3A_1402 : i32 to index
        %get3A_1404 = arith.index_cast %add3A_1401 : i32 to index
        %get3A_1405 = arith.constant 16 : index
        %get3A_1406 = tpu.vector_load %arg7[%get3A_1403, %get3A_1404, %get3A_1405] {strides = array<i32>} : memref<5x128x64xf32, #tpu.memory_space<vmem>>, vector<16xf32>,
        %scatter3A_1407 = arith.constant 3 : i32
        %scatter3A_1408 = arith.constant 0 : i32
        %scatter3A_1409 = arith.constant 0 : i32
        %scatter3A_1410 = arith.constant 0 : i32
        %scatter3A_1411 = tpu.memref_slice %arg8[%scatter3A_1407, %scatter3A_1408, %scatter3A_1409, %scatter3A_1410] : memref<5x8x8x129xf32, #tpu.memory_space<vmem>> -> memref<1x8x8x129xf32, #tpu.memory_space<vmem>>
        %scatter3A_1412 = tpu.memref_squeeze %scatter3A_1411 : memref<1x8x8x129xf32, #tpu.memory_space<vmem>> -> memref<8x8x129xf32, #tpu.memory_space<vmem>>
        tpu.vector_store_idx %scatter3A_1412[%select_n3A_60, %select_n3A_176, %broadcast_in_dim3A_1241], %get3A_1354 : memref<8x8x129xf32, #tpu.memory_space<vmem>>[vector<16xi32>, vector<16xi32>, vector<16xi32>], vector<16xf32>,
        %add3A_1413 = arith.constant 3 : i32
        %add3A_1414 = arith.addi %add3A_1233, %add3A_1413 : i32
        %get3A_1415 = arith.constant 3 : i32
        %get3A_1416 = arith.index_cast %get3A_1415 : i32 to index
        %get3A_1417 = arith.index_cast %add3A_1414 : i32 to index
        %get3A_1418 = arith.constant 32 : index
        %get3A_1419 = tpu.vector_load %arg7[%get3A_1416, %get3A_1417, %get3A_1418] {strides = array<i32>} : memref<5x128x64xf32, #tpu.memory_space<vmem>>, vector<16xf32>,
        %scatter3A_1420 = arith.constant 3 : i32
        %scatter3A_1421 = arith.constant 0 : i32
        %scatter3A_1422 = arith.constant 0 : i32
        %scatter3A_1423 = arith.constant 0 : i32
        %scatter3A_1424 = tpu.memref_slice %arg8[%scatter3A_1420, %scatter3A_1421, %scatter3A_1422, %scatter3A_1423] : memref<5x8x8x129xf32, #tpu.memory_space<vmem>> -> memref<1x8x8x129xf32, #tpu.memory_space<vmem>>
        %scatter3A_1425 = tpu.memref_squeeze %scatter3A_1424 : memref<1x8x8x129xf32, #tpu.memory_space<vmem>> -> memref<8x8x129xf32, #tpu.memory_space<vmem>>
        tpu.vector_store_idx %scatter3A_1425[%select_n3A_94, %select_n3A_201, %broadcast_in_dim3A_1241], %get3A_1367 : memref<8x8x129xf32, #tpu.memory_space<vmem>>[vector<16xi32>, vector<16xi32>, vector<16xi32>], vector<16xf32>,
        %add3A_1426 = arith.constant 3 : i32
        %add3A_1427 = arith.addi %add3A_1233, %add3A_1426 : i32
        %get3A_1428 = arith.constant 3 : i32
        %get3A_1429 = arith.index_cast %get3A_1428 : i32 to index
        %get3A_1430 = arith.index_cast %add3A_1427 : i32 to index
        %get3A_1431 = arith.constant 48 : index
        %get3A_1432 = tpu.vector_load %arg7[%get3A_1429, %get3A_1430, %get3A_1431] {strides = array<i32>} : memref<5x128x64xf32, #tpu.memory_space<vmem>>, vector<16xf32>,
        %scatter3A_1433 = arith.constant 3 : i32
        %scatter3A_1434 = arith.constant 0 : i32
        %scatter3A_1435 = arith.constant 0 : i32
        %scatter3A_1436 = arith.constant 0 : i32
        %scatter3A_1437 = tpu.memref_slice %arg8[%scatter3A_1433, %scatter3A_1434, %scatter3A_1435, %scatter3A_1436] : memref<5x8x8x129xf32, #tpu.memory_space<vmem>> -> memref<1x8x8x129xf32, #tpu.memory_space<vmem>>
        %scatter3A_1438 = tpu.memref_squeeze %scatter3A_1437 : memref<1x8x8x129xf32, #tpu.memory_space<vmem>> -> memref<8x8x129xf32, #tpu.memory_space<vmem>>
        tpu.vector_store_idx %scatter3A_1438[%select_n3A_128, %select_n3A_226, %broadcast_in_dim3A_1241], %get3A_1380 : memref<8x8x129xf32, #tpu.memory_space<vmem>>[vector<16xi32>, vector<16xi32>, vector<16xi32>], vector<16xf32>,
        %add3A_1439 = arith.constant 4 : i32
        %add3A_1440 = arith.addi %add3A_1233, %add3A_1439 : i32
        %get3A_1441 = arith.constant 3 : i32
        %get3A_1442 = arith.index_cast %get3A_1441 : i32 to index
        %get3A_1443 = arith.index_cast %add3A_1440 : i32 to index
        %get3A_1444 = arith.constant 0 : index
        %get3A_1445 = tpu.vector_load %arg7[%get3A_1442, %get3A_1443, %get3A_1444] {strides = array<i32>} : memref<5x128x64xf32, #tpu.memory_space<vmem>>, vector<16xf32>,
        %scatter3A_1446 = arith.constant 3 : i32
        %scatter3A_1447 = arith.constant 0 : i32
        %scatter3A_1448 = arith.constant 0 : i32
        %scatter3A_1449 = arith.constant 0 : i32
        %scatter3A_1450 = tpu.memref_slice %arg8[%scatter3A_1446, %scatter3A_1447, %scatter3A_1448, %scatter3A_1449] : memref<5x8x8x129xf32, #tpu.memory_space<vmem>> -> memref<1x8x8x129xf32, #tpu.memory_space<vmem>>
        %scatter3A_1451 = tpu.memref_squeeze %scatter3A_1450 : memref<1x8x8x129xf32, #tpu.memory_space<vmem>> -> memref<8x8x129xf32, #tpu.memory_space<vmem>>
        tpu.vector_store_idx %scatter3A_1451[%select_n3A, %select_n3A_151, %broadcast_in_dim3A_1244], %get3A_1393 : memref<8x8x129xf32, #tpu.memory_space<vmem>>[vector<16xi32>, vector<16xi32>, vector<16xi32>], vector<16xf32>,
        %add3A_1452 = arith.constant 4 : i32
        %add3A_1453 = arith.addi %add3A_1233, %add3A_1452 : i32
        %get3A_1454 = arith.constant 3 : i32
        %get3A_1455 = arith.index_cast %get3A_1454 : i32 to index
        %get3A_1456 = arith.index_cast %add3A_1453 : i32 to index
        %get3A_1457 = arith.constant 16 : index
        %get3A_1458 = tpu.vector_load %arg7[%get3A_1455, %get3A_1456, %get3A_1457] {strides = array<i32>} : memref<5x128x64xf32, #tpu.memory_space<vmem>>, vector<16xf32>,
        %scatter3A_1459 = arith.constant 3 : i32
        %scatter3A_1460 = arith.constant 0 : i32
        %scatter3A_1461 = arith.constant 0 : i32
        %scatter3A_1462 = arith.constant 0 : i32
        %scatter3A_1463 = tpu.memref_slice %arg8[%scatter3A_1459, %scatter3A_1460, %scatter3A_1461, %scatter3A_1462] : memref<5x8x8x129xf32, #tpu.memory_space<vmem>> -> memref<1x8x8x129xf32, #tpu.memory_space<vmem>>
        %scatter3A_1464 = tpu.memref_squeeze %scatter3A_1463 : memref<1x8x8x129xf32, #tpu.memory_space<vmem>> -> memref<8x8x129xf32, #tpu.memory_space<vmem>>
        tpu.vector_store_idx %scatter3A_1464[%select_n3A_60, %select_n3A_176, %broadcast_in_dim3A_1244], %get3A_1406 : memref<8x8x129xf32, #tpu.memory_space<vmem>>[vector<16xi32>, vector<16xi32>, vector<16xi32>], vector<16xf32>,
        %add3A_1465 = arith.constant 4 : i32
        %add3A_1466 = arith.addi %add3A_1233, %add3A_1465 : i32
        %get3A_1467 = arith.constant 3 : i32
        %get3A_1468 = arith.index_cast %get3A_1467 : i32 to index
        %get3A_1469 = arith.index_cast %add3A_1466 : i32 to index
        %get3A_1470 = arith.constant 32 : index
        %get3A_1471 = tpu.vector_load %arg7[%get3A_1468, %get3A_1469, %get3A_1470] {strides = array<i32>} : memref<5x128x64xf32, #tpu.memory_space<vmem>>, vector<16xf32>,
        %scatter3A_1472 = arith.constant 3 : i32
        %scatter3A_1473 = arith.constant 0 : i32
        %scatter3A_1474 = arith.constant 0 : i32
        %scatter3A_1475 = arith.constant 0 : i32
        %scatter3A_1476 = tpu.memref_slice %arg8[%scatter3A_1472, %scatter3A_1473, %scatter3A_1474, %scatter3A_1475] : memref<5x8x8x129xf32, #tpu.memory_space<vmem>> -> memref<1x8x8x129xf32, #tpu.memory_space<vmem>>
        %scatter3A_1477 = tpu.memref_squeeze %scatter3A_1476 : memref<1x8x8x129xf32, #tpu.memory_space<vmem>> -> memref<8x8x129xf32, #tpu.memory_space<vmem>>
        tpu.vector_store_idx %scatter3A_1477[%select_n3A_94, %select_n3A_201, %broadcast_in_dim3A_1244], %get3A_1419 : memref<8x8x129xf32, #tpu.memory_space<vmem>>[vector<16xi32>, vector<16xi32>, vector<16xi32>], vector<16xf32>,
        %add3A_1478 = arith.constant 4 : i32
        %add3A_1479 = arith.addi %add3A_1233, %add3A_1478 : i32
        %get3A_1480 = arith.constant 3 : i32
        %get3A_1481 = arith.index_cast %get3A_1480 : i32 to index
        %get3A_1482 = arith.index_cast %add3A_1479 : i32 to index
        %get3A_1483 = arith.constant 48 : index
        %get3A_1484 = tpu.vector_load %arg7[%get3A_1481, %get3A_1482, %get3A_1483] {strides = array<i32>} : memref<5x128x64xf32, #tpu.memory_space<vmem>>, vector<16xf32>,
        %scatter3A_1485 = arith.constant 3 : i32
        %scatter3A_1486 = arith.constant 0 : i32
        %scatter3A_1487 = arith.constant 0 : i32
        %scatter3A_1488 = arith.constant 0 : i32
        %scatter3A_1489 = tpu.memref_slice %arg8[%scatter3A_1485, %scatter3A_1486, %scatter3A_1487, %scatter3A_1488] : memref<5x8x8x129xf32, #tpu.memory_space<vmem>> -> memref<1x8x8x129xf32, #tpu.memory_space<vmem>>
        %scatter3A_1490 = tpu.memref_squeeze %scatter3A_1489 : memref<1x8x8x129xf32, #tpu.memory_space<vmem>> -> memref<8x8x129xf32, #tpu.memory_space<vmem>>
        tpu.vector_store_idx %scatter3A_1490[%select_n3A_128, %select_n3A_226, %broadcast_in_dim3A_1244], %get3A_1432 : memref<8x8x129xf32, #tpu.memory_space<vmem>>[vector<16xi32>, vector<16xi32>, vector<16xi32>], vector<16xf32>,
        %add3A_1491 = arith.constant 5 : i32
        %add3A_1492 = arith.addi %add3A_1233, %add3A_1491 : i32
        %get3A_1493 = arith.constant 3 : i32
        %get3A_1494 = arith.index_cast %get3A_1493 : i32 to index
        %get3A_1495 = arith.index_cast %add3A_1492 : i32 to index
        %get3A_1496 = arith.constant 0 : index
        %get3A_1497 = tpu.vector_load %arg7[%get3A_1494, %get3A_1495, %get3A_1496] {strides = array<i32>} : memref<5x128x64xf32, #tpu.memory_space<vmem>>, vector<16xf32>,
        %scatter3A_1498 = arith.constant 3 : i32
        %scatter3A_1499 = arith.constant 0 : i32
        %scatter3A_1500 = arith.constant 0 : i32
        %scatter3A_1501 = arith.constant 0 : i32
        %scatter3A_1502 = tpu.memref_slice %arg8[%scatter3A_1498, %scatter3A_1499, %scatter3A_1500, %scatter3A_1501] : memref<5x8x8x129xf32, #tpu.memory_space<vmem>> -> memref<1x8x8x129xf32, #tpu.memory_space<vmem>>
        %scatter3A_1503 = tpu.memref_squeeze %scatter3A_1502 : memref<1x8x8x129xf32, #tpu.memory_space<vmem>> -> memref<8x8x129xf32, #tpu.memory_space<vmem>>
        tpu.vector_store_idx %scatter3A_1503[%select_n3A, %select_n3A_151, %broadcast_in_dim3A_1247], %get3A_1445 : memref<8x8x129xf32, #tpu.memory_space<vmem>>[vector<16xi32>, vector<16xi32>, vector<16xi32>], vector<16xf32>,
        %add3A_1504 = arith.constant 5 : i32
        %add3A_1505 = arith.addi %add3A_1233, %add3A_1504 : i32
        %get3A_1506 = arith.constant 3 : i32
        %get3A_1507 = arith.index_cast %get3A_1506 : i32 to index
        %get3A_1508 = arith.index_cast %add3A_1505 : i32 to index
        %get3A_1509 = arith.constant 16 : index
        %get3A_1510 = tpu.vector_load %arg7[%get3A_1507, %get3A_1508, %get3A_1509] {strides = array<i32>} : memref<5x128x64xf32, #tpu.memory_space<vmem>>, vector<16xf32>,
        %scatter3A_1511 = arith.constant 3 : i32
        %scatter3A_1512 = arith.constant 0 : i32
        %scatter3A_1513 = arith.constant 0 : i32
        %scatter3A_1514 = arith.constant 0 : i32
        %scatter3A_1515 = tpu.memref_slice %arg8[%scatter3A_1511, %scatter3A_1512, %scatter3A_1513, %scatter3A_1514] : memref<5x8x8x129xf32, #tpu.memory_space<vmem>> -> memref<1x8x8x129xf32, #tpu.memory_space<vmem>>
        %scatter3A_1516 = tpu.memref_squeeze %scatter3A_1515 : memref<1x8x8x129xf32, #tpu.memory_space<vmem>> -> memref<8x8x129xf32, #tpu.memory_space<vmem>>
        tpu.vector_store_idx %scatter3A_1516[%select_n3A_60, %select_n3A_176, %broadcast_in_dim3A_1247], %get3A_1458 : memref<8x8x129xf32, #tpu.memory_space<vmem>>[vector<16xi32>, vector<16xi32>, vector<16xi32>], vector<16xf32>,
        %add3A_1517 = arith.constant 5 : i32
        %add3A_1518 = arith.addi %add3A_1233, %add3A_1517 : i32
        %get3A_1519 = arith.constant 3 : i32
        %get3A_1520 = arith.index_cast %get3A_1519 : i32 to index
        %get3A_1521 = arith.index_cast %add3A_1518 : i32 to index
        %get3A_1522 = arith.constant 32 : index
        %get3A_1523 = tpu.vector_load %arg7[%get3A_1520, %get3A_1521, %get3A_1522] {strides = array<i32>} : memref<5x128x64xf32, #tpu.memory_space<vmem>>, vector<16xf32>,
        %scatter3A_1524 = arith.constant 3 : i32
        %scatter3A_1525 = arith.constant 0 : i32
        %scatter3A_1526 = arith.constant 0 : i32
        %scatter3A_1527 = arith.constant 0 : i32
        %scatter3A_1528 = tpu.memref_slice %arg8[%scatter3A_1524, %scatter3A_1525, %scatter3A_1526, %scatter3A_1527] : memref<5x8x8x129xf32, #tpu.memory_space<vmem>> -> memref<1x8x8x129xf32, #tpu.memory_space<vmem>>
        %scatter3A_1529 = tpu.memref_squeeze %scatter3A_1528 : memref<1x8x8x129xf32, #tpu.memory_space<vmem>> -> memref<8x8x129xf32, #tpu.memory_space<vmem>>
        tpu.vector_store_idx %scatter3A_1529[%select_n3A_94, %select_n3A_201, %broadcast_in_dim3A_1247], %get3A_1471 : memref<8x8x129xf32, #tpu.memory_space<vmem>>[vector<16xi32>, vector<16xi32>, vector<16xi32>], vector<16xf32>,
        %add3A_1530 = arith.constant 5 : i32
        %add3A_1531 = arith.addi %add3A_1233, %add3A_1530 : i32
        %get3A_1532 = arith.constant 3 : i32
        %get3A_1533 = arith.index_cast %get3A_1532 : i32 to index
        %get3A_1534 = arith.index_cast %add3A_1531 : i32 to index
        %get3A_1535 = arith.constant 48 : index
        %get3A_1536 = tpu.vector_load %arg7[%get3A_1533, %get3A_1534, %get3A_1535] {strides = array<i32>} : memref<5x128x64xf32, #tpu.memory_space<vmem>>, vector<16xf32>,
        %scatter3A_1537 = arith.constant 3 : i32
        %scatter3A_1538 = arith.constant 0 : i32
        %scatter3A_1539 = arith.constant 0 : i32
        %scatter3A_1540 = arith.constant 0 : i32
        %scatter3A_1541 = tpu.memref_slice %arg8[%scatter3A_1537, %scatter3A_1538, %scatter3A_1539, %scatter3A_1540] : memref<5x8x8x129xf32, #tpu.memory_space<vmem>> -> memref<1x8x8x129xf32, #tpu.memory_space<vmem>>
        %scatter3A_1542 = tpu.memref_squeeze %scatter3A_1541 : memref<1x8x8x129xf32, #tpu.memory_space<vmem>> -> memref<8x8x129xf32, #tpu.memory_space<vmem>>
        tpu.vector_store_idx %scatter3A_1542[%select_n3A_128, %select_n3A_226, %broadcast_in_dim3A_1247], %get3A_1484 : memref<8x8x129xf32, #tpu.memory_space<vmem>>[vector<16xi32>, vector<16xi32>, vector<16xi32>], vector<16xf32>,
        %add3A_1543 = arith.constant 6 : i32
        %add3A_1544 = arith.addi %add3A_1233, %add3A_1543 : i32
        %get3A_1545 = arith.constant 3 : i32
        %get3A_1546 = arith.index_cast %get3A_1545 : i32 to index
        %get3A_1547 = arith.index_cast %add3A_1544 : i32 to index
        %get3A_1548 = arith.constant 0 : index
        %get3A_1549 = tpu.vector_load %arg7[%get3A_1546, %get3A_1547, %get3A_1548] {strides = array<i32>} : memref<5x128x64xf32, #tpu.memory_space<vmem>>, vector<16xf32>,
        %scatter3A_1550 = arith.constant 3 : i32
        %scatter3A_1551 = arith.constant 0 : i32
        %scatter3A_1552 = arith.constant 0 : i32
        %scatter3A_1553 = arith.constant 0 : i32
        %scatter3A_1554 = tpu.memref_slice %arg8[%scatter3A_1550, %scatter3A_1551, %scatter3A_1552, %scatter3A_1553] : memref<5x8x8x129xf32, #tpu.memory_space<vmem>> -> memref<1x8x8x129xf32, #tpu.memory_space<vmem>>
        %scatter3A_1555 = tpu.memref_squeeze %scatter3A_1554 : memref<1x8x8x129xf32, #tpu.memory_space<vmem>> -> memref<8x8x129xf32, #tpu.memory_space<vmem>>
        tpu.vector_store_idx %scatter3A_1555[%select_n3A, %select_n3A_151, %broadcast_in_dim3A_1250], %get3A_1497 : memref<8x8x129xf32, #tpu.memory_space<vmem>>[vector<16xi32>, vector<16xi32>, vector<16xi32>], vector<16xf32>,
        %add3A_1556 = arith.constant 6 : i32
        %add3A_1557 = arith.addi %add3A_1233, %add3A_1556 : i32
        %get3A_1558 = arith.constant 3 : i32
        %get3A_1559 = arith.index_cast %get3A_1558 : i32 to index
        %get3A_1560 = arith.index_cast %add3A_1557 : i32 to index
        %get3A_1561 = arith.constant 16 : index
        %get3A_1562 = tpu.vector_load %arg7[%get3A_1559, %get3A_1560, %get3A_1561] {strides = array<i32>} : memref<5x128x64xf32, #tpu.memory_space<vmem>>, vector<16xf32>,
        %scatter3A_1563 = arith.constant 3 : i32
        %scatter3A_1564 = arith.constant 0 : i32
        %scatter3A_1565 = arith.constant 0 : i32
        %scatter3A_1566 = arith.constant 0 : i32
        %scatter3A_1567 = tpu.memref_slice %arg8[%scatter3A_1563, %scatter3A_1564, %scatter3A_1565, %scatter3A_1566] : memref<5x8x8x129xf32, #tpu.memory_space<vmem>> -> memref<1x8x8x129xf32, #tpu.memory_space<vmem>>
        %scatter3A_1568 = tpu.memref_squeeze %scatter3A_1567 : memref<1x8x8x129xf32, #tpu.memory_space<vmem>> -> memref<8x8x129xf32, #tpu.memory_space<vmem>>
        tpu.vector_store_idx %scatter3A_1568[%select_n3A_60, %select_n3A_176, %broadcast_in_dim3A_1250], %get3A_1510 : memref<8x8x129xf32, #tpu.memory_space<vmem>>[vector<16xi32>, vector<16xi32>, vector<16xi32>], vector<16xf32>,
        %add3A_1569 = arith.constant 6 : i32
        %add3A_1570 = arith.addi %add3A_1233, %add3A_1569 : i32
        %get3A_1571 = arith.constant 3 : i32
        %get3A_1572 = arith.index_cast %get3A_1571 : i32 to index
        %get3A_1573 = arith.index_cast %add3A_1570 : i32 to index
        %get3A_1574 = arith.constant 32 : index
        %get3A_1575 = tpu.vector_load %arg7[%get3A_1572, %get3A_1573, %get3A_1574] {strides = array<i32>} : memref<5x128x64xf32, #tpu.memory_space<vmem>>, vector<16xf32>,
        %scatter3A_1576 = arith.constant 3 : i32
        %scatter3A_1577 = arith.constant 0 : i32
        %scatter3A_1578 = arith.constant 0 : i32
        %scatter3A_1579 = arith.constant 0 : i32
        %scatter3A_1580 = tpu.memref_slice %arg8[%scatter3A_1576, %scatter3A_1577, %scatter3A_1578, %scatter3A_1579] : memref<5x8x8x129xf32, #tpu.memory_space<vmem>> -> memref<1x8x8x129xf32, #tpu.memory_space<vmem>>
        %scatter3A_1581 = tpu.memref_squeeze %scatter3A_1580 : memref<1x8x8x129xf32, #tpu.memory_space<vmem>> -> memref<8x8x129xf32, #tpu.memory_space<vmem>>
        tpu.vector_store_idx %scatter3A_1581[%select_n3A_94, %select_n3A_201, %broadcast_in_dim3A_1250], %get3A_1523 : memref<8x8x129xf32, #tpu.memory_space<vmem>>[vector<16xi32>, vector<16xi32>, vector<16xi32>], vector<16xf32>,
        %add3A_1582 = arith.constant 6 : i32
        %add3A_1583 = arith.addi %add3A_1233, %add3A_1582 : i32
        %get3A_1584 = arith.constant 3 : i32
        %get3A_1585 = arith.index_cast %get3A_1584 : i32 to index
        %get3A_1586 = arith.index_cast %add3A_1583 : i32 to index
        %get3A_1587 = arith.constant 48 : index
        %get3A_1588 = tpu.vector_load %arg7[%get3A_1585, %get3A_1586, %get3A_1587] {strides = array<i32>} : memref<5x128x64xf32, #tpu.memory_space<vmem>>, vector<16xf32>,
        %scatter3A_1589 = arith.constant 3 : i32
        %scatter3A_1590 = arith.constant 0 : i32
        %scatter3A_1591 = arith.constant 0 : i32
        %scatter3A_1592 = arith.constant 0 : i32
        %scatter3A_1593 = tpu.memref_slice %arg8[%scatter3A_1589, %scatter3A_1590, %scatter3A_1591, %scatter3A_1592] : memref<5x8x8x129xf32, #tpu.memory_space<vmem>> -> memref<1x8x8x129xf32, #tpu.memory_space<vmem>>
        %scatter3A_1594 = tpu.memref_squeeze %scatter3A_1593 : memref<1x8x8x129xf32, #tpu.memory_space<vmem>> -> memref<8x8x129xf32, #tpu.memory_space<vmem>>
        tpu.vector_store_idx %scatter3A_1594[%select_n3A_128, %select_n3A_226, %broadcast_in_dim3A_1250], %get3A_1536 : memref<8x8x129xf32, #tpu.memory_space<vmem>>[vector<16xi32>, vector<16xi32>, vector<16xi32>], vector<16xf32>,
        %add3A_1595 = arith.constant 7 : i32
        %add3A_1596 = arith.addi %add3A_1233, %add3A_1595 : i32
        %get3A_1597 = arith.constant 3 : i32
        %get3A_1598 = arith.index_cast %get3A_1597 : i32 to index
        %get3A_1599 = arith.index_cast %add3A_1596 : i32 to index
        %get3A_1600 = arith.constant 0 : index
        %get3A_1601 = tpu.vector_load %arg7[%get3A_1598, %get3A_1599, %get3A_1600] {strides = array<i32>} : memref<5x128x64xf32, #tpu.memory_space<vmem>>, vector<16xf32>,
        %scatter3A_1602 = arith.constant 3 : i32
        %scatter3A_1603 = arith.constant 0 : i32
        %scatter3A_1604 = arith.constant 0 : i32
        %scatter3A_1605 = arith.constant 0 : i32
        %scatter3A_1606 = tpu.memref_slice %arg8[%scatter3A_1602, %scatter3A_1603, %scatter3A_1604, %scatter3A_1605] : memref<5x8x8x129xf32, #tpu.memory_space<vmem>> -> memref<1x8x8x129xf32, #tpu.memory_space<vmem>>
        %scatter3A_1607 = tpu.memref_squeeze %scatter3A_1606 : memref<1x8x8x129xf32, #tpu.memory_space<vmem>> -> memref<8x8x129xf32, #tpu.memory_space<vmem>>
        tpu.vector_store_idx %scatter3A_1607[%select_n3A, %select_n3A_151, %broadcast_in_dim3A_1253], %get3A_1549 : memref<8x8x129xf32, #tpu.memory_space<vmem>>[vector<16xi32>, vector<16xi32>, vector<16xi32>], vector<16xf32>,
        %add3A_1608 = arith.constant 7 : i32
        %add3A_1609 = arith.addi %add3A_1233, %add3A_1608 : i32
        %get3A_1610 = arith.constant 3 : i32
        %get3A_1611 = arith.index_cast %get3A_1610 : i32 to index
        %get3A_1612 = arith.index_cast %add3A_1609 : i32 to index
        %get3A_1613 = arith.constant 16 : index
        %get3A_1614 = tpu.vector_load %arg7[%get3A_1611, %get3A_1612, %get3A_1613] {strides = array<i32>} : memref<5x128x64xf32, #tpu.memory_space<vmem>>, vector<16xf32>,
        %scatter3A_1615 = arith.constant 3 : i32
        %scatter3A_1616 = arith.constant 0 : i32
        %scatter3A_1617 = arith.constant 0 : i32
        %scatter3A_1618 = arith.constant 0 : i32
        %scatter3A_1619 = tpu.memref_slice %arg8[%scatter3A_1615, %scatter3A_1616, %scatter3A_1617, %scatter3A_1618] : memref<5x8x8x129xf32, #tpu.memory_space<vmem>> -> memref<1x8x8x129xf32, #tpu.memory_space<vmem>>
        %scatter3A_1620 = tpu.memref_squeeze %scatter3A_1619 : memref<1x8x8x129xf32, #tpu.memory_space<vmem>> -> memref<8x8x129xf32, #tpu.memory_space<vmem>>
        tpu.vector_store_idx %scatter3A_1620[%select_n3A_60, %select_n3A_176, %broadcast_in_dim3A_1253], %get3A_1562 : memref<8x8x129xf32, #tpu.memory_space<vmem>>[vector<16xi32>, vector<16xi32>, vector<16xi32>], vector<16xf32>,
        %add3A_1621 = arith.constant 7 : i32
        %add3A_1622 = arith.addi %add3A_1233, %add3A_1621 : i32
        %get3A_1623 = arith.constant 3 : i32
        %get3A_1624 = arith.index_cast %get3A_1623 : i32 to index
        %get3A_1625 = arith.index_cast %add3A_1622 : i32 to index
        %get3A_1626 = arith.constant 32 : index
        %get3A_1627 = tpu.vector_load %arg7[%get3A_1624, %get3A_1625, %get3A_1626] {strides = array<i32>} : memref<5x128x64xf32, #tpu.memory_space<vmem>>, vector<16xf32>,
        %scatter3A_1628 = arith.constant 3 : i32
        %scatter3A_1629 = arith.constant 0 : i32
        %scatter3A_1630 = arith.constant 0 : i32
        %scatter3A_1631 = arith.constant 0 : i32
        %scatter3A_1632 = tpu.memref_slice %arg8[%scatter3A_1628, %scatter3A_1629, %scatter3A_1630, %scatter3A_1631] : memref<5x8x8x129xf32, #tpu.memory_space<vmem>> -> memref<1x8x8x129xf32, #tpu.memory_space<vmem>>
        %scatter3A_1633 = tpu.memref_squeeze %scatter3A_1632 : memref<1x8x8x129xf32, #tpu.memory_space<vmem>> -> memref<8x8x129xf32, #tpu.memory_space<vmem>>
        tpu.vector_store_idx %scatter3A_1633[%select_n3A_94, %select_n3A_201, %broadcast_in_dim3A_1253], %get3A_1575 : memref<8x8x129xf32, #tpu.memory_space<vmem>>[vector<16xi32>, vector<16xi32>, vector<16xi32>], vector<16xf32>,
        %add3A_1634 = arith.constant 7 : i32
        %add3A_1635 = arith.addi %add3A_1233, %add3A_1634 : i32
        %get3A_1636 = arith.constant 3 : i32
        %get3A_1637 = arith.index_cast %get3A_1636 : i32 to index
        %get3A_1638 = arith.index_cast %add3A_1635 : i32 to index
        %get3A_1639 = arith.constant 48 : index
        %get3A_1640 = tpu.vector_load %arg7[%get3A_1637, %get3A_1638, %get3A_1639] {strides = array<i32>} : memref<5x128x64xf32, #tpu.memory_space<vmem>>, vector<16xf32>,
        %scatter3A_1641 = arith.constant 3 : i32
        %scatter3A_1642 = arith.constant 0 : i32
        %scatter3A_1643 = arith.constant 0 : i32
        %scatter3A_1644 = arith.constant 0 : i32
        %scatter3A_1645 = tpu.memref_slice %arg8[%scatter3A_1641, %scatter3A_1642, %scatter3A_1643, %scatter3A_1644] : memref<5x8x8x129xf32, #tpu.memory_space<vmem>> -> memref<1x8x8x129xf32, #tpu.memory_space<vmem>>
        %scatter3A_1646 = tpu.memref_squeeze %scatter3A_1645 : memref<1x8x8x129xf32, #tpu.memory_space<vmem>> -> memref<8x8x129xf32, #tpu.memory_space<vmem>>
        tpu.vector_store_idx %scatter3A_1646[%select_n3A_128, %select_n3A_226, %broadcast_in_dim3A_1253], %get3A_1588 : memref<8x8x129xf32, #tpu.memory_space<vmem>>[vector<16xi32>, vector<16xi32>, vector<16xi32>], vector<16xf32>,
        %scatter3A_1647 = arith.constant 3 : i32
        %scatter3A_1648 = arith.constant 0 : i32
        %scatter3A_1649 = arith.constant 0 : i32
        %scatter3A_1650 = arith.constant 0 : i32
        %scatter3A_1651 = tpu.memref_slice %arg8[%scatter3A_1647, %scatter3A_1648, %scatter3A_1649, %scatter3A_1650] : memref<5x8x8x129xf32, #tpu.memory_space<vmem>> -> memref<1x8x8x129xf32, #tpu.memory_space<vmem>>
        %scatter3A_1652 = tpu.memref_squeeze %scatter3A_1651 : memref<1x8x8x129xf32, #tpu.memory_space<vmem>> -> memref<8x8x129xf32, #tpu.memory_space<vmem>>
        tpu.vector_store_idx %scatter3A_1652[%select_n3A, %select_n3A_151, %broadcast_in_dim3A_1256], %get3A_1601 : memref<8x8x129xf32, #tpu.memory_space<vmem>>[vector<16xi32>, vector<16xi32>, vector<16xi32>], vector<16xf32>,
        %scatter3A_1653 = arith.constant 3 : i32
        %scatter3A_1654 = arith.constant 0 : i32
        %scatter3A_1655 = arith.constant 0 : i32
        %scatter3A_1656 = arith.constant 0 : i32
        %scatter3A_1657 = tpu.memref_slice %arg8[%scatter3A_1653, %scatter3A_1654, %scatter3A_1655, %scatter3A_1656] : memref<5x8x8x129xf32, #tpu.memory_space<vmem>> -> memref<1x8x8x129xf32, #tpu.memory_space<vmem>>
        %scatter3A_1658 = tpu.memref_squeeze %scatter3A_1657 : memref<1x8x8x129xf32, #tpu.memory_space<vmem>> -> memref<8x8x129xf32, #tpu.memory_space<vmem>>
        tpu.vector_store_idx %scatter3A_1658[%select_n3A_60, %select_n3A_176, %broadcast_in_dim3A_1256], %get3A_1614 : memref<8x8x129xf32, #tpu.memory_space<vmem>>[vector<16xi32>, vector<16xi32>, vector<16xi32>], vector<16xf32>,
        %scatter3A_1659 = arith.constant 3 : i32
        %scatter3A_1660 = arith.constant 0 : i32
        %scatter3A_1661 = arith.constant 0 : i32
        %scatter3A_1662 = arith.constant 0 : i32
        %scatter3A_1663 = tpu.memref_slice %arg8[%scatter3A_1659, %scatter3A_1660, %scatter3A_1661, %scatter3A_1662] : memref<5x8x8x129xf32, #tpu.memory_space<vmem>> -> memref<1x8x8x129xf32, #tpu.memory_space<vmem>>
        %scatter3A_1664 = tpu.memref_squeeze %scatter3A_1663 : memref<1x8x8x129xf32, #tpu.memory_space<vmem>> -> memref<8x8x129xf32, #tpu.memory_space<vmem>>
        tpu.vector_store_idx %scatter3A_1664[%select_n3A_94, %select_n3A_201, %broadcast_in_dim3A_1256], %get3A_1627 : memref<8x8x129xf32, #tpu.memory_space<vmem>>[vector<16xi32>, vector<16xi32>, vector<16xi32>], vector<16xf32>,
        %scatter3A_1665 = arith.constant 3 : i32
        %scatter3A_1666 = arith.constant 0 : i32
        %scatter3A_1667 = arith.constant 0 : i32
        %scatter3A_1668 = arith.constant 0 : i32
        %scatter3A_1669 = tpu.memref_slice %arg8[%scatter3A_1665, %scatter3A_1666, %scatter3A_1667, %scatter3A_1668] : memref<5x8x8x129xf32, #tpu.memory_space<vmem>> -> memref<1x8x8x129xf32, #tpu.memory_space<vmem>>
        %scatter3A_1670 = tpu.memref_squeeze %scatter3A_1669 : memref<1x8x8x129xf32, #tpu.memory_space<vmem>> -> memref<8x8x129xf32, #tpu.memory_space<vmem>>
        tpu.vector_store_idx %scatter3A_1670[%select_n3A_128, %select_n3A_226, %broadcast_in_dim3A_1256], %get3A_1640 : memref<8x8x129xf32, #tpu.memory_space<vmem>>[vector<16xi32>, vector<16xi32>, vector<16xi32>], vector<16xf32>,
      }
      %scan3A_1146 = arith.constant 16 : i32
      %dma_start3A_1147 = arith.constant 3 : i32
      %dma_start3A_1148 = arith.constant 0 : i32
      %dma_start3A_1149 = arith.constant 0 : i32
      %dma_start3A_1150 = arith.constant 0 : i32
      %dma_start3A_1151 = tpu.memref_slice %arg8[%dma_start3A_1147, %dma_start3A_1148, %dma_start3A_1149, %dma_start3A_1150] : memref<5x8x8x129xf32, #tpu.memory_space<vmem>> -> memref<1x8x8x128xf32, #tpu.memory_space<vmem>>
      %dma_start3A_1152 = tpu.memref_squeeze %dma_start3A_1151 : memref<1x8x8x128xf32, #tpu.memory_space<vmem>> -> memref<8x8x128xf32, #tpu.memory_space<vmem>>
      %dma_start3A_1153 = arith.constant 0 : i32
      %dma_start3A_1154 = arith.constant 0 : i32
      %dma_start3A_1155 = arith.constant 0 : i32
      %dma_start3A_1156 = tpu.memref_slice %arg4[%add3A_1124, %dma_start3A_1153, %add3A, %dma_start3A_1154, %dma_start3A_1155] : memref<50x8x32x8x128xf32, #tpu.memory_space<hbm>> -> memref<1x8x1x8x128xf32, #tpu.memory_space<hbm>>
      %dma_start3A_1157 = tpu.memref_squeeze %dma_start3A_1156 : memref<1x8x1x8x128xf32, #tpu.memory_space<hbm>> -> memref<8x8x128xf32, #tpu.memory_space<hbm>>
      %dma_start3A_1158 = arith.constant 0 : i32
      %dma_start3A_1159 = arith.constant 0 : i32
      %dma_start3A_1160 = arith.constant 0 : i32
      %dma_start3A_1161 = tpu.memref_slice %arg4[%add3A_1124, %dma_start3A_1158, %add3A, %dma_start3A_1159, %dma_start3A_1160] : memref<50x8x32x8x128xf32, #tpu.memory_space<hbm>> -> memref<1x8x1x8x128xf32, #tpu.memory_space<hbm>>
      %dma_start3A_1162 = tpu.memref_squeeze %dma_start3A_1161 : memref<1x8x1x8x128xf32, #tpu.memory_space<hbm>> -> memref<8x8x128xf32, #tpu.memory_space<hbm>>
      %dma_start3A_1163 = arith.constant 0 : i32
      %dma_start3A_1164 = arith.constant 0 : i32
      %dma_start3A_1165 = arith.constant 0 : i32
      %dma_start3A_1166 = tpu.memref_slice %arg8[%dma_start3A_1147, %dma_start3A_1163, %dma_start3A_1164, %dma_start3A_1165] : memref<5x8x8x129xf32, #tpu.memory_space<vmem>> -> memref<1x8x8x128xf32, #tpu.memory_space<vmem>>
      %dma_start3A_1167 = tpu.memref_squeeze %dma_start3A_1166 : memref<1x8x8x128xf32, #tpu.memory_space<vmem>> -> memref<8x8x128xf32, #tpu.memory_space<vmem>>
      tpu.enqueue_dma source(%dma_start3A_1167 : memref<8x8x128xf32, #tpu.memory_space<vmem>>) target(%dma_start3A_1162 : memref<8x8x128xf32, #tpu.memory_space<hbm>>) target_semaphore(%arg17 : memref<!tpu.dma_semaphore, #tpu.memory_space<semaphore_mem>>)
      %add3A_1168 = arith.constant 5 : i32
      %add3A_1169 = arith.addi %add3A_1124, %add3A_1168 : i32
      %lt3A_1170 = arith.constant 50 : i32
      %lt3A_1171 = arith.cmpi slt, %add3A_1169, %lt3A_1170 : i32
      %convert_element_type3A_1172 = arith.extui %lt3A_1171 : i1 to i32
      %cond3A_1173 = arith.constant 0 : i32
      %cond3A_1174 = arith.cmpi ne, %convert_element_type3A_1172, %cond3A_1173 : i32
      scf.if %cond3A_1174 {
        %add3A_1229 = arith.constant 0 : i32
        %add3A_1230 = vector.broadcast %add3A_1229 : i32 to vector<16xi32>
        %add3A_1231 = arith.addi %iota3A, %add3A_1230 : vector<16xi32>
        %mul3A_1232 = arith.constant 50 : i32
        %mul3A_1233 = vector.broadcast %mul3A_1232 : i32 to vector<16xi32>
        %mul3A_1234 = arith.muli %add3A_1231, %mul3A_1233 : vector<16xi32>
        %add3A_1235 = vector.broadcast %add3A_1169 : i32 to vector<16xi32>
        %add3A_1236 = arith.addi %mul3A_1234, %add3A_1235 : vector<16xi32>
        %gather3A_1237 = tpu.vector_load_idx %arg5[%add3A_1236] : memref<6400xi32, #tpu.memory_space<vmem>>[vector<16xi32>], vector<16xi32>,
        %swap3A_1238 = arith.constant 3 : i32
        %swap3A_1239 = arith.index_cast %swap3A_1238 : i32 to index
        %swap3A_1240 = arith.constant 0 : index
        %swap3A_1241 = tpu.vector_load %arg6[%swap3A_1239, %swap3A_1240] {strides = array<i32>} : memref<5x128xi32, #tpu.memory_space<vmem>>, vector<16xi32>,
        tpu.vector_store %arg6[%swap3A_1239, %swap3A_1240], %gather3A_1237 {strides = array<i32>} : memref<5x128xi32, #tpu.memory_space<vmem>>, vector<16xi32>,
        %add3A_1242 = arith.constant 16 : i32
        %add3A_1243 = vector.broadcast %add3A_1242 : i32 to vector<16xi32>
        %add3A_1244 = arith.addi %iota3A, %add3A_1243 : vector<16xi32>
        %mul3A_1245 = arith.constant 50 : i32
        %mul3A_1246 = vector.broadcast %mul3A_1245 : i32 to vector<16xi32>
        %mul3A_1247 = arith.muli %add3A_1244, %mul3A_1246 : vector<16xi32>
        %add3A_1248 = vector.broadcast %add3A_1169 : i32 to vector<16xi32>
        %add3A_1249 = arith.addi %mul3A_1247, %add3A_1248 : vector<16xi32>
        %gather3A_1250 = tpu.vector_load_idx %arg5[%add3A_1249] : memref<6400xi32, #tpu.memory_space<vmem>>[vector<16xi32>], vector<16xi32>,
        %swap3A_1251 = arith.constant 3 : i32
        %swap3A_1252 = arith.index_cast %swap3A_1251 : i32 to index
        %swap3A_1253 = arith.constant 16 : index
        %swap3A_1254 = tpu.vector_load %arg6[%swap3A_1252, %swap3A_1253] {strides = array<i32>} : memref<5x128xi32, #tpu.memory_space<vmem>>, vector<16xi32>,
        tpu.vector_store %arg6[%swap3A_1252, %swap3A_1253], %gather3A_1250 {strides = array<i32>} : memref<5x128xi32, #tpu.memory_space<vmem>>, vector<16xi32>,
        %add3A_1255 = arith.constant 32 : i32
        %add3A_1256 = vector.broadcast %add3A_1255 : i32 to vector<16xi32>
        %add3A_1257 = arith.addi %iota3A, %add3A_1256 : vector<16xi32>
        %mul3A_1258 = arith.constant 50 : i32
        %mul3A_1259 = vector.broadcast %mul3A_1258 : i32 to vector<16xi32>
        %mul3A_1260 = arith.muli %add3A_1257, %mul3A_1259 : vector<16xi32>
        %add3A_1261 = vector.broadcast %add3A_1169 : i32 to vector<16xi32>
        %add3A_1262 = arith.addi %mul3A_1260, %add3A_1261 : vector<16xi32>
        %gather3A_1263 = tpu.vector_load_idx %arg5[%add3A_1262] : memref<6400xi32, #tpu.memory_space<vmem>>[vector<16xi32>], vector<16xi32>,
        %swap3A_1264 = arith.constant 3 : i32
        %swap3A_1265 = arith.index_cast %swap3A_1264 : i32 to index
        %swap3A_1266 = arith.constant 32 : index
        %swap3A_1267 = tpu.vector_load %arg6[%swap3A_1265, %swap3A_1266] {strides = array<i32>} : memref<5x128xi32, #tpu.memory_space<vmem>>, vector<16xi32>,
        tpu.vector_store %arg6[%swap3A_1265, %swap3A_1266], %gather3A_1263 {strides = array<i32>} : memref<5x128xi32, #tpu.memory_space<vmem>>, vector<16xi32>,
        %add3A_1268 = arith.constant 48 : i32
        %add3A_1269 = vector.broadcast %add3A_1268 : i32 to vector<16xi32>
        %add3A_1270 = arith.addi %iota3A, %add3A_1269 : vector<16xi32>
        %mul3A_1271 = arith.constant 50 : i32
        %mul3A_1272 = vector.broadcast %mul3A_1271 : i32 to vector<16xi32>
        %mul3A_1273 = arith.muli %add3A_1270, %mul3A_1272 : vector<16xi32>
        %add3A_1274 = vector.broadcast %add3A_1169 : i32 to vector<16xi32>
        %add3A_1275 = arith.addi %mul3A_1273, %add3A_1274 : vector<16xi32>
        %gather3A_1276 = tpu.vector_load_idx %arg5[%add3A_1275] : memref<6400xi32, #tpu.memory_space<vmem>>[vector<16xi32>], vector<16xi32>,
        %swap3A_1277 = arith.constant 3 : i32
        %swap3A_1278 = arith.index_cast %swap3A_1277 : i32 to index
        %swap3A_1279 = arith.constant 48 : index
        %swap3A_1280 = tpu.vector_load %arg6[%swap3A_1278, %swap3A_1279] {strides = array<i32>} : memref<5x128xi32, #tpu.memory_space<vmem>>, vector<16xi32>,
        tpu.vector_store %arg6[%swap3A_1278, %swap3A_1279], %gather3A_1276 {strides = array<i32>} : memref<5x128xi32, #tpu.memory_space<vmem>>, vector<16xi32>,
        %add3A_1281 = arith.constant 64 : i32
        %add3A_1282 = vector.broadcast %add3A_1281 : i32 to vector<16xi32>
        %add3A_1283 = arith.addi %iota3A, %add3A_1282 : vector<16xi32>
        %mul3A_1284 = arith.constant 50 : i32
        %mul3A_1285 = vector.broadcast %mul3A_1284 : i32 to vector<16xi32>
        %mul3A_1286 = arith.muli %add3A_1283, %mul3A_1285 : vector<16xi32>
        %add3A_1287 = vector.broadcast %add3A_1169 : i32 to vector<16xi32>
        %add3A_1288 = arith.addi %mul3A_1286, %add3A_1287 : vector<16xi32>
        %gather3A_1289 = tpu.vector_load_idx %arg5[%add3A_1288] : memref<6400xi32, #tpu.memory_space<vmem>>[vector<16xi32>], vector<16xi32>,
        %swap3A_1290 = arith.constant 3 : i32
        %swap3A_1291 = arith.index_cast %swap3A_1290 : i32 to index
        %swap3A_1292 = arith.constant 64 : index
        %swap3A_1293 = tpu.vector_load %arg6[%swap3A_1291, %swap3A_1292] {strides = array<i32>} : memref<5x128xi32, #tpu.memory_space<vmem>>, vector<16xi32>,
        tpu.vector_store %arg6[%swap3A_1291, %swap3A_1292], %gather3A_1289 {strides = array<i32>} : memref<5x128xi32, #tpu.memory_space<vmem>>, vector<16xi32>,
        %add3A_1294 = arith.constant 80 : i32
        %add3A_1295 = vector.broadcast %add3A_1294 : i32 to vector<16xi32>
        %add3A_1296 = arith.addi %iota3A, %add3A_1295 : vector<16xi32>
        %mul3A_1297 = arith.constant 50 : i32
        %mul3A_1298 = vector.broadcast %mul3A_1297 : i32 to vector<16xi32>
        %mul3A_1299 = arith.muli %add3A_1296, %mul3A_1298 : vector<16xi32>
        %add3A_1300 = vector.broadcast %add3A_1169 : i32 to vector<16xi32>
        %add3A_1301 = arith.addi %mul3A_1299, %add3A_1300 : vector<16xi32>
        %gather3A_1302 = tpu.vector_load_idx %arg5[%add3A_1301] : memref<6400xi32, #tpu.memory_space<vmem>>[vector<16xi32>], vector<16xi32>,
        %swap3A_1303 = arith.constant 3 : i32
        %swap3A_1304 = arith.index_cast %swap3A_1303 : i32 to index
        %swap3A_1305 = arith.constant 80 : index
        %swap3A_1306 = tpu.vector_load %arg6[%swap3A_1304, %swap3A_1305] {strides = array<i32>} : memref<5x128xi32, #tpu.memory_space<vmem>>, vector<16xi32>,
        tpu.vector_store %arg6[%swap3A_1304, %swap3A_1305], %gather3A_1302 {strides = array<i32>} : memref<5x128xi32, #tpu.memory_space<vmem>>, vector<16xi32>,
        %add3A_1307 = arith.constant 96 : i32
        %add3A_1308 = vector.broadcast %add3A_1307 : i32 to vector<16xi32>
        %add3A_1309 = arith.addi %iota3A, %add3A_1308 : vector<16xi32>
        %mul3A_1310 = arith.constant 50 : i32
        %mul3A_1311 = vector.broadcast %mul3A_1310 : i32 to vector<16xi32>
        %mul3A_1312 = arith.muli %add3A_1309, %mul3A_1311 : vector<16xi32>
        %add3A_1313 = vector.broadcast %add3A_1169 : i32 to vector<16xi32>
        %add3A_1314 = arith.addi %mul3A_1312, %add3A_1313 : vector<16xi32>
        %gather3A_1315 = tpu.vector_load_idx %arg5[%add3A_1314] : memref<6400xi32, #tpu.memory_space<vmem>>[vector<16xi32>], vector<16xi32>,
        %swap3A_1316 = arith.constant 3 : i32
        %swap3A_1317 = arith.index_cast %swap3A_1316 : i32 to index
        %swap3A_1318 = arith.constant 96 : index
        %swap3A_1319 = tpu.vector_load %arg6[%swap3A_1317, %swap3A_1318] {strides = array<i32>} : memref<5x128xi32, #tpu.memory_space<vmem>>, vector<16xi32>,
        tpu.vector_store %arg6[%swap3A_1317, %swap3A_1318], %gather3A_1315 {strides = array<i32>} : memref<5x128xi32, #tpu.memory_space<vmem>>, vector<16xi32>,
        %add3A_1320 = arith.constant 112 : i32
        %add3A_1321 = vector.broadcast %add3A_1320 : i32 to vector<16xi32>
        %add3A_1322 = arith.addi %iota3A, %add3A_1321 : vector<16xi32>
        %mul3A_1323 = arith.constant 50 : i32
        %mul3A_1324 = vector.broadcast %mul3A_1323 : i32 to vector<16xi32>
        %mul3A_1325 = arith.muli %add3A_1322, %mul3A_1324 : vector<16xi32>
        %add3A_1326 = vector.broadcast %add3A_1169 : i32 to vector<16xi32>
        %add3A_1327 = arith.addi %mul3A_1325, %add3A_1326 : vector<16xi32>
        %gather3A_1328 = tpu.vector_load_idx %arg5[%add3A_1327] : memref<6400xi32, #tpu.memory_space<vmem>>[vector<16xi32>], vector<16xi32>,
        %swap3A_1329 = arith.constant 3 : i32
        %swap3A_1330 = arith.index_cast %swap3A_1329 : i32 to index
        %swap3A_1331 = arith.constant 112 : index
        %swap3A_1332 = tpu.vector_load %arg6[%swap3A_1330, %swap3A_1331] {strides = array<i32>} : memref<5x128xi32, #tpu.memory_space<vmem>>, vector<16xi32>,
        tpu.vector_store %arg6[%swap3A_1330, %swap3A_1331], %gather3A_1328 {strides = array<i32>} : memref<5x128xi32, #tpu.memory_space<vmem>>, vector<16xi32>,
        %dma_start3A_1333 = arith.constant 3 : i32
        %dma_start3A_1334 = arith.constant 3 : i32
        %dma_start3A_1335 = arith.constant 0 : i32
        %dma_start3A_1336 = arith.constant 0 : i32
        %dma_start3A_1337 = tpu.memref_slice %arg7[%dma_start3A_1334, %dma_start3A_1335, %dma_start3A_1336] : memref<5x128x64xf32, #tpu.memory_space<vmem>> -> memref<1x128x64xf32, #tpu.memory_space<vmem>>
        %dma_start3A_1338 = tpu.memref_squeeze %dma_start3A_1337 : memref<1x128x64xf32, #tpu.memory_space<vmem>> -> memref<128x64xf32, #tpu.memory_space<vmem>>
        %dma_start3A_1339 = arith.constant 0 : i32
        %dma_start3A_1340 = tpu.memref_slice %arg6[%dma_start3A_1333, %dma_start3A_1339] : memref<5x128xi32, #tpu.memory_space<vmem>> -> memref<1x128xi32, #tpu.memory_space<vmem>>
        %dma_start3A_1341 = tpu.memref_squeeze %dma_start3A_1340 : memref<1x128xi32, #tpu.memory_space<vmem>> -> memref<128xi32, #tpu.memory_space<vmem>>
        %dma_start3A_1342 = arith.constant 0 : i32
        %dma_start3A_1343 = arith.constant 0 : i32
        %dma_start3A_1344 = tpu.memref_slice %arg3[%dma_start3A_1342, %dma_start3A_1343] : memref<100000x64xf32, #tpu.memory_space<hbm>> -> memref<100000x64xf32, #tpu.memory_space<hbm>>
        tpu.enqueue_indirect_dma source(%dma_start3A_1344 : memref<100000x64xf32, #tpu.memory_space<hbm>>) target(%dma_start3A_1338 : memref<128x64xf32, #tpu.memory_space<vmem>>) offsets(%dma_start3A_1341 : memref<128xi32, #tpu.memory_space<vmem>>) semaphore(%arg12 : memref<!tpu.dma_semaphore, #tpu.memory_space<semaphore_mem>>)
      } else {
      }
      %mul3A_1175 = arith.constant 5 : i32
      %mul3A_1176 = arith.muli %add3A_961, %mul3A_1175 : i32
      %add3A_1177 = arith.constant 4 : i32
      %add3A_1178 = arith.addi %mul3A_1176, %add3A_1177 : i32
      %dma_wait3A_1179 = arith.constant 4 : i32
      %dma_wait3A_1180 = arith.constant 4 : i32
      %dma_wait3A_1181 = arith.constant 0 : i32
      %dma_wait3A_1182 = arith.constant 0 : i32
      %dma_wait3A_1183 = tpu.memref_slice %arg7[%dma_wait3A_1180, %dma_wait3A_1181, %dma_wait3A_1182] : memref<5x128x64xf32, #tpu.memory_space<vmem>> -> memref<1x128x64xf32, #tpu.memory_space<vmem>>
      %dma_wait3A_1184 = tpu.memref_squeeze %dma_wait3A_1183 : memref<1x128x64xf32, #tpu.memory_space<vmem>> -> memref<128x64xf32, #tpu.memory_space<vmem>>
      %dma_wait3A_1185 = arith.constant 0 : i32
      %dma_wait3A_1186 = tpu.memref_slice %arg6[%dma_wait3A_1179, %dma_wait3A_1185] : memref<5x128xi32, #tpu.memory_space<vmem>> -> memref<1x128xi32, #tpu.memory_space<vmem>>
      %dma_wait3A_1187 = tpu.memref_squeeze %dma_wait3A_1186 : memref<1x128xi32, #tpu.memory_space<vmem>> -> memref<128xi32, #tpu.memory_space<vmem>>
      %dma_wait3A_1188 = arith.constant 0 : i32
      %dma_wait3A_1189 = arith.constant 0 : i32
      %dma_wait3A_1190 = tpu.memref_slice %arg3[%dma_wait3A_1188, %dma_wait3A_1189] : memref<100000x64xf32, #tpu.memory_space<hbm>> -> memref<100000x64xf32, #tpu.memory_space<hbm>>
      tpu.wait_indirect_dma semaphore(%arg13 : memref<!tpu.dma_semaphore, #tpu.memory_space<semaphore_mem>>) src(%dma_wait3A_1190 : memref<100000x64xf32, #tpu.memory_space<hbm>>) dst(%dma_wait3A_1184 : memref<128x64xf32, #tpu.memory_space<vmem>>)
      %ge3A_1191 = arith.constant 5 : i32
      %ge3A_1192 = arith.cmpi sge, %add3A_1178, %ge3A_1191 : i32
      %convert_element_type3A_1193 = arith.extui %ge3A_1192 : i1 to i32
      %cond3A_1194 = arith.constant 0 : i32
      %cond3A_1195 = arith.cmpi ne, %convert_element_type3A_1193, %cond3A_1194 : i32
      scf.if %cond3A_1195 {
        %sub3A_1229 = arith.constant 5 : i32
        %sub3A_1230 = arith.subi %add3A_1178, %sub3A_1229 : i32
        %dma_wait3A_1231 = arith.constant 4 : i32
        %dma_wait3A_1232 = arith.constant 0 : i32
        %dma_wait3A_1233 = arith.constant 0 : i32
        %dma_wait3A_1234 = arith.constant 0 : i32
        %dma_wait3A_1235 = tpu.memref_slice %arg8[%dma_wait3A_1231, %dma_wait3A_1232, %dma_wait3A_1233, %dma_wait3A_1234] : memref<5x8x8x129xf32, #tpu.memory_space<vmem>> -> memref<1x8x8x128xf32, #tpu.memory_space<vmem>>
        %dma_wait3A_1236 = tpu.memref_squeeze %dma_wait3A_1235 : memref<1x8x8x128xf32, #tpu.memory_space<vmem>> -> memref<8x8x128xf32, #tpu.memory_space<vmem>>
        %dma_wait3A_1237 = arith.constant 0 : i32
        %dma_wait3A_1238 = arith.constant 0 : i32
        %dma_wait3A_1239 = arith.constant 0 : i32
        %dma_wait3A_1240 = tpu.memref_slice %arg4[%sub3A_1230, %dma_wait3A_1237, %add3A, %dma_wait3A_1238, %dma_wait3A_1239] : memref<50x8x32x8x128xf32, #tpu.memory_space<hbm>> -> memref<1x8x1x8x128xf32, #tpu.memory_space<hbm>>
        %dma_wait3A_1241 = tpu.memref_squeeze %dma_wait3A_1240 : memref<1x8x1x8x128xf32, #tpu.memory_space<hbm>> -> memref<8x8x128xf32, #tpu.memory_space<hbm>>
        %dma_wait3A_1242 = arith.constant 0 : i32
        %dma_wait3A_1243 = arith.constant 0 : i32
        %dma_wait3A_1244 = arith.constant 0 : i32
        %dma_wait3A_1245 = tpu.memref_slice %arg4[%sub3A_1230, %dma_wait3A_1242, %add3A, %dma_wait3A_1243, %dma_wait3A_1244] : memref<50x8x32x8x128xf32, #tpu.memory_space<hbm>> -> memref<1x8x1x8x128xf32, #tpu.memory_space<hbm>>
        %dma_wait3A_1246 = tpu.memref_squeeze %dma_wait3A_1245 : memref<1x8x1x8x128xf32, #tpu.memory_space<hbm>> -> memref<8x8x128xf32, #tpu.memory_space<hbm>>
        %dma_wait3A_1247 = arith.constant 0 : i32
        %dma_wait3A_1248 = arith.constant 0 : i32
        %dma_wait3A_1249 = arith.constant 0 : i32
        %dma_wait3A_1250 = tpu.memref_slice %arg8[%dma_wait3A_1231, %dma_wait3A_1247, %dma_wait3A_1248, %dma_wait3A_1249] : memref<5x8x8x129xf32, #tpu.memory_space<vmem>> -> memref<1x8x8x128xf32, #tpu.memory_space<vmem>>
        %dma_wait3A_1251 = tpu.memref_squeeze %dma_wait3A_1250 : memref<1x8x8x128xf32, #tpu.memory_space<vmem>> -> memref<8x8x128xf32, #tpu.memory_space<vmem>>
        tpu.wait_dma2 semaphore(%arg18 : memref<!tpu.dma_semaphore, #tpu.memory_space<semaphore_mem>>) src(%dma_wait3A_1251 : memref<8x8x128xf32, #tpu.memory_space<vmem>>) dst(%dma_wait3A_1246 : memref<8x8x128xf32, #tpu.memory_space<hbm>>)
      } else {
      }
      %scan3A_1196 = arith.constant 0 : i32
      %scan3A_1197 = arith.constant 16 : i32
      %scan3A_1198 = arith.addi %scan3A_1196, %scan3A_1197 : i32
      %scan3A_1199 = arith.constant 1 : i32
      scf.for %scan3A_1229 = %scan3A_1196 to %scan3A_1198 step %scan3A_1199  : i32 {
        %mul3A_1230 = arith.constant 8 : i32
        %mul3A_1231 = arith.muli %scan3A_1229, %mul3A_1230 : i32
        %add3A_1232 = arith.constant 0 : i32
        %add3A_1233 = arith.addi %add3A_1232, %mul3A_1231 : i32
        %add3A_1234 = arith.constant 0 : i32
        %add3A_1235 = arith.addi %add3A_1233, %add3A_1234 : i32
        %broadcast_in_dim3A = vector.broadcast %add3A_1235 : i32 to vector<16xi32>
        %add3A_1236 = arith.constant 1 : i32
        %add3A_1237 = arith.addi %add3A_1233, %add3A_1236 : i32
        %broadcast_in_dim3A_1238 = vector.broadcast %add3A_1237 : i32 to vector<16xi32>
        %add3A_1239 = arith.constant 2 : i32
        %add3A_1240 = arith.addi %add3A_1233, %add3A_1239 : i32
        %broadcast_in_dim3A_1241 = vector.broadcast %add3A_1240 : i32 to vector<16xi32>
        %add3A_1242 = arith.constant 3 : i32
        %add3A_1243 = arith.addi %add3A_1233, %add3A_1242 : i32
        %broadcast_in_dim3A_1244 = vector.broadcast %add3A_1243 : i32 to vector<16xi32>
        %add3A_1245 = arith.constant 4 : i32
        %add3A_1246 = arith.addi %add3A_1233, %add3A_1245 : i32
        %broadcast_in_dim3A_1247 = vector.broadcast %add3A_1246 : i32 to vector<16xi32>
        %add3A_1248 = arith.constant 5 : i32
        %add3A_1249 = arith.addi %add3A_1233, %add3A_1248 : i32
        %broadcast_in_dim3A_1250 = vector.broadcast %add3A_1249 : i32 to vector<16xi32>
        %add3A_1251 = arith.constant 6 : i32
        %add3A_1252 = arith.addi %add3A_1233, %add3A_1251 : i32
        %broadcast_in_dim3A_1253 = vector.broadcast %add3A_1252 : i32 to vector<16xi32>
        %add3A_1254 = arith.constant 7 : i32
        %add3A_1255 = arith.addi %add3A_1233, %add3A_1254 : i32
        %broadcast_in_dim3A_1256 = vector.broadcast %add3A_1255 : i32 to vector<16xi32>
        %add3A_1257 = arith.constant 0 : i32
        %add3A_1258 = arith.addi %add3A_1233, %add3A_1257 : i32
        %get3A = arith.constant 4 : i32
        %get3A_1259 = arith.index_cast %get3A : i32 to index
        %get3A_1260 = arith.index_cast %add3A_1258 : i32 to index
        %get3A_1261 = arith.constant 0 : index
        %get3A_1262 = tpu.vector_load %arg7[%get3A_1259, %get3A_1260, %get3A_1261] {strides = array<i32>} : memref<5x128x64xf32, #tpu.memory_space<vmem>>, vector<16xf32>,
        %add3A_1263 = arith.constant 0 : i32
        %add3A_1264 = arith.addi %add3A_1233, %add3A_1263 : i32
        %get3A_1265 = arith.constant 4 : i32
        %get3A_1266 = arith.index_cast %get3A_1265 : i32 to index
        %get3A_1267 = arith.index_cast %add3A_1264 : i32 to index
        %get3A_1268 = arith.constant 16 : index
        %get3A_1269 = tpu.vector_load %arg7[%get3A_1266, %get3A_1267, %get3A_1268] {strides = array<i32>} : memref<5x128x64xf32, #tpu.memory_space<vmem>>, vector<16xf32>,
        %add3A_1270 = arith.constant 0 : i32
        %add3A_1271 = arith.addi %add3A_1233, %add3A_1270 : i32
        %get3A_1272 = arith.constant 4 : i32
        %get3A_1273 = arith.index_cast %get3A_1272 : i32 to index
        %get3A_1274 = arith.index_cast %add3A_1271 : i32 to index
        %get3A_1275 = arith.constant 32 : index
        %get3A_1276 = tpu.vector_load %arg7[%get3A_1273, %get3A_1274, %get3A_1275] {strides = array<i32>} : memref<5x128x64xf32, #tpu.memory_space<vmem>>, vector<16xf32>,
        %add3A_1277 = arith.constant 0 : i32
        %add3A_1278 = arith.addi %add3A_1233, %add3A_1277 : i32
        %get3A_1279 = arith.constant 4 : i32
        %get3A_1280 = arith.index_cast %get3A_1279 : i32 to index
        %get3A_1281 = arith.index_cast %add3A_1278 : i32 to index
        %get3A_1282 = arith.constant 48 : index
        %get3A_1283 = tpu.vector_load %arg7[%get3A_1280, %get3A_1281, %get3A_1282] {strides = array<i32>} : memref<5x128x64xf32, #tpu.memory_space<vmem>>, vector<16xf32>,
        %add3A_1284 = arith.constant 1 : i32
        %add3A_1285 = arith.addi %add3A_1233, %add3A_1284 : i32
        %get3A_1286 = arith.constant 4 : i32
        %get3A_1287 = arith.index_cast %get3A_1286 : i32 to index
        %get3A_1288 = arith.index_cast %add3A_1285 : i32 to index
        %get3A_1289 = arith.constant 0 : index
        %get3A_1290 = tpu.vector_load %arg7[%get3A_1287, %get3A_1288, %get3A_1289] {strides = array<i32>} : memref<5x128x64xf32, #tpu.memory_space<vmem>>, vector<16xf32>,
        %scatter3A = arith.constant 4 : i32
        %scatter3A_1291 = arith.constant 0 : i32
        %scatter3A_1292 = arith.constant 0 : i32
        %scatter3A_1293 = arith.constant 0 : i32
        %scatter3A_1294 = tpu.memref_slice %arg8[%scatter3A, %scatter3A_1291, %scatter3A_1292, %scatter3A_1293] : memref<5x8x8x129xf32, #tpu.memory_space<vmem>> -> memref<1x8x8x129xf32, #tpu.memory_space<vmem>>
        %scatter3A_1295 = tpu.memref_squeeze %scatter3A_1294 : memref<1x8x8x129xf32, #tpu.memory_space<vmem>> -> memref<8x8x129xf32, #tpu.memory_space<vmem>>
        tpu.vector_store_idx %scatter3A_1295[%select_n3A, %select_n3A_151, %broadcast_in_dim3A], %get3A_1262 : memref<8x8x129xf32, #tpu.memory_space<vmem>>[vector<16xi32>, vector<16xi32>, vector<16xi32>], vector<16xf32>,
        %add3A_1296 = arith.constant 1 : i32
        %add3A_1297 = arith.addi %add3A_1233, %add3A_1296 : i32
        %get3A_1298 = arith.constant 4 : i32
        %get3A_1299 = arith.index_cast %get3A_1298 : i32 to index
        %get3A_1300 = arith.index_cast %add3A_1297 : i32 to index
        %get3A_1301 = arith.constant 16 : index
        %get3A_1302 = tpu.vector_load %arg7[%get3A_1299, %get3A_1300, %get3A_1301] {strides = array<i32>} : memref<5x128x64xf32, #tpu.memory_space<vmem>>, vector<16xf32>,
        %scatter3A_1303 = arith.constant 4 : i32
        %scatter3A_1304 = arith.constant 0 : i32
        %scatter3A_1305 = arith.constant 0 : i32
        %scatter3A_1306 = arith.constant 0 : i32
        %scatter3A_1307 = tpu.memref_slice %arg8[%scatter3A_1303, %scatter3A_1304, %scatter3A_1305, %scatter3A_1306] : memref<5x8x8x129xf32, #tpu.memory_space<vmem>> -> memref<1x8x8x129xf32, #tpu.memory_space<vmem>>
        %scatter3A_1308 = tpu.memref_squeeze %scatter3A_1307 : memref<1x8x8x129xf32, #tpu.memory_space<vmem>> -> memref<8x8x129xf32, #tpu.memory_space<vmem>>
        tpu.vector_store_idx %scatter3A_1308[%select_n3A_60, %select_n3A_176, %broadcast_in_dim3A], %get3A_1269 : memref<8x8x129xf32, #tpu.memory_space<vmem>>[vector<16xi32>, vector<16xi32>, vector<16xi32>], vector<16xf32>,
        %add3A_1309 = arith.constant 1 : i32
        %add3A_1310 = arith.addi %add3A_1233, %add3A_1309 : i32
        %get3A_1311 = arith.constant 4 : i32
        %get3A_1312 = arith.index_cast %get3A_1311 : i32 to index
        %get3A_1313 = arith.index_cast %add3A_1310 : i32 to index
        %get3A_1314 = arith.constant 32 : index
        %get3A_1315 = tpu.vector_load %arg7[%get3A_1312, %get3A_1313, %get3A_1314] {strides = array<i32>} : memref<5x128x64xf32, #tpu.memory_space<vmem>>, vector<16xf32>,
        %scatter3A_1316 = arith.constant 4 : i32
        %scatter3A_1317 = arith.constant 0 : i32
        %scatter3A_1318 = arith.constant 0 : i32
        %scatter3A_1319 = arith.constant 0 : i32
        %scatter3A_1320 = tpu.memref_slice %arg8[%scatter3A_1316, %scatter3A_1317, %scatter3A_1318, %scatter3A_1319] : memref<5x8x8x129xf32, #tpu.memory_space<vmem>> -> memref<1x8x8x129xf32, #tpu.memory_space<vmem>>
        %scatter3A_1321 = tpu.memref_squeeze %scatter3A_1320 : memref<1x8x8x129xf32, #tpu.memory_space<vmem>> -> memref<8x8x129xf32, #tpu.memory_space<vmem>>
        tpu.vector_store_idx %scatter3A_1321[%select_n3A_94, %select_n3A_201, %broadcast_in_dim3A], %get3A_1276 : memref<8x8x129xf32, #tpu.memory_space<vmem>>[vector<16xi32>, vector<16xi32>, vector<16xi32>], vector<16xf32>,
        %add3A_1322 = arith.constant 1 : i32
        %add3A_1323 = arith.addi %add3A_1233, %add3A_1322 : i32
        %get3A_1324 = arith.constant 4 : i32
        %get3A_1325 = arith.index_cast %get3A_1324 : i32 to index
        %get3A_1326 = arith.index_cast %add3A_1323 : i32 to index
        %get3A_1327 = arith.constant 48 : index
        %get3A_1328 = tpu.vector_load %arg7[%get3A_1325, %get3A_1326, %get3A_1327] {strides = array<i32>} : memref<5x128x64xf32, #tpu.memory_space<vmem>>, vector<16xf32>,
        %scatter3A_1329 = arith.constant 4 : i32
        %scatter3A_1330 = arith.constant 0 : i32
        %scatter3A_1331 = arith.constant 0 : i32
        %scatter3A_1332 = arith.constant 0 : i32
        %scatter3A_1333 = tpu.memref_slice %arg8[%scatter3A_1329, %scatter3A_1330, %scatter3A_1331, %scatter3A_1332] : memref<5x8x8x129xf32, #tpu.memory_space<vmem>> -> memref<1x8x8x129xf32, #tpu.memory_space<vmem>>
        %scatter3A_1334 = tpu.memref_squeeze %scatter3A_1333 : memref<1x8x8x129xf32, #tpu.memory_space<vmem>> -> memref<8x8x129xf32, #tpu.memory_space<vmem>>
        tpu.vector_store_idx %scatter3A_1334[%select_n3A_128, %select_n3A_226, %broadcast_in_dim3A], %get3A_1283 : memref<8x8x129xf32, #tpu.memory_space<vmem>>[vector<16xi32>, vector<16xi32>, vector<16xi32>], vector<16xf32>,
        %add3A_1335 = arith.constant 2 : i32
        %add3A_1336 = arith.addi %add3A_1233, %add3A_1335 : i32
        %get3A_1337 = arith.constant 4 : i32
        %get3A_1338 = arith.index_cast %get3A_1337 : i32 to index
        %get3A_1339 = arith.index_cast %add3A_1336 : i32 to index
        %get3A_1340 = arith.constant 0 : index
        %get3A_1341 = tpu.vector_load %arg7[%get3A_1338, %get3A_1339, %get3A_1340] {strides = array<i32>} : memref<5x128x64xf32, #tpu.memory_space<vmem>>, vector<16xf32>,
        %scatter3A_1342 = arith.constant 4 : i32
        %scatter3A_1343 = arith.constant 0 : i32
        %scatter3A_1344 = arith.constant 0 : i32
        %scatter3A_1345 = arith.constant 0 : i32
        %scatter3A_1346 = tpu.memref_slice %arg8[%scatter3A_1342, %scatter3A_1343, %scatter3A_1344, %scatter3A_1345] : memref<5x8x8x129xf32, #tpu.memory_space<vmem>> -> memref<1x8x8x129xf32, #tpu.memory_space<vmem>>
        %scatter3A_1347 = tpu.memref_squeeze %scatter3A_1346 : memref<1x8x8x129xf32, #tpu.memory_space<vmem>> -> memref<8x8x129xf32, #tpu.memory_space<vmem>>
        tpu.vector_store_idx %scatter3A_1347[%select_n3A, %select_n3A_151, %broadcast_in_dim3A_1238], %get3A_1290 : memref<8x8x129xf32, #tpu.memory_space<vmem>>[vector<16xi32>, vector<16xi32>, vector<16xi32>], vector<16xf32>,
        %add3A_1348 = arith.constant 2 : i32
        %add3A_1349 = arith.addi %add3A_1233, %add3A_1348 : i32
        %get3A_1350 = arith.constant 4 : i32
        %get3A_1351 = arith.index_cast %get3A_1350 : i32 to index
        %get3A_1352 = arith.index_cast %add3A_1349 : i32 to index
        %get3A_1353 = arith.constant 16 : index
        %get3A_1354 = tpu.vector_load %arg7[%get3A_1351, %get3A_1352, %get3A_1353] {strides = array<i32>} : memref<5x128x64xf32, #tpu.memory_space<vmem>>, vector<16xf32>,
        %scatter3A_1355 = arith.constant 4 : i32
        %scatter3A_1356 = arith.constant 0 : i32
        %scatter3A_1357 = arith.constant 0 : i32
        %scatter3A_1358 = arith.constant 0 : i32
        %scatter3A_1359 = tpu.memref_slice %arg8[%scatter3A_1355, %scatter3A_1356, %scatter3A_1357, %scatter3A_1358] : memref<5x8x8x129xf32, #tpu.memory_space<vmem>> -> memref<1x8x8x129xf32, #tpu.memory_space<vmem>>
        %scatter3A_1360 = tpu.memref_squeeze %scatter3A_1359 : memref<1x8x8x129xf32, #tpu.memory_space<vmem>> -> memref<8x8x129xf32, #tpu.memory_space<vmem>>
        tpu.vector_store_idx %scatter3A_1360[%select_n3A_60, %select_n3A_176, %broadcast_in_dim3A_1238], %get3A_1302 : memref<8x8x129xf32, #tpu.memory_space<vmem>>[vector<16xi32>, vector<16xi32>, vector<16xi32>], vector<16xf32>,
        %add3A_1361 = arith.constant 2 : i32
        %add3A_1362 = arith.addi %add3A_1233, %add3A_1361 : i32
        %get3A_1363 = arith.constant 4 : i32
        %get3A_1364 = arith.index_cast %get3A_1363 : i32 to index
        %get3A_1365 = arith.index_cast %add3A_1362 : i32 to index
        %get3A_1366 = arith.constant 32 : index
        %get3A_1367 = tpu.vector_load %arg7[%get3A_1364, %get3A_1365, %get3A_1366] {strides = array<i32>} : memref<5x128x64xf32, #tpu.memory_space<vmem>>, vector<16xf32>,
        %scatter3A_1368 = arith.constant 4 : i32
        %scatter3A_1369 = arith.constant 0 : i32
        %scatter3A_1370 = arith.constant 0 : i32
        %scatter3A_1371 = arith.constant 0 : i32
        %scatter3A_1372 = tpu.memref_slice %arg8[%scatter3A_1368, %scatter3A_1369, %scatter3A_1370, %scatter3A_1371] : memref<5x8x8x129xf32, #tpu.memory_space<vmem>> -> memref<1x8x8x129xf32, #tpu.memory_space<vmem>>
        %scatter3A_1373 = tpu.memref_squeeze %scatter3A_1372 : memref<1x8x8x129xf32, #tpu.memory_space<vmem>> -> memref<8x8x129xf32, #tpu.memory_space<vmem>>
        tpu.vector_store_idx %scatter3A_1373[%select_n3A_94, %select_n3A_201, %broadcast_in_dim3A_1238], %get3A_1315 : memref<8x8x129xf32, #tpu.memory_space<vmem>>[vector<16xi32>, vector<16xi32>, vector<16xi32>], vector<16xf32>,
        %add3A_1374 = arith.constant 2 : i32
        %add3A_1375 = arith.addi %add3A_1233, %add3A_1374 : i32
        %get3A_1376 = arith.constant 4 : i32
        %get3A_1377 = arith.index_cast %get3A_1376 : i32 to index
        %get3A_1378 = arith.index_cast %add3A_1375 : i32 to index
        %get3A_1379 = arith.constant 48 : index
        %get3A_1380 = tpu.vector_load %arg7[%get3A_1377, %get3A_1378, %get3A_1379] {strides = array<i32>} : memref<5x128x64xf32, #tpu.memory_space<vmem>>, vector<16xf32>,
        %scatter3A_1381 = arith.constant 4 : i32
        %scatter3A_1382 = arith.constant 0 : i32
        %scatter3A_1383 = arith.constant 0 : i32
        %scatter3A_1384 = arith.constant 0 : i32
        %scatter3A_1385 = tpu.memref_slice %arg8[%scatter3A_1381, %scatter3A_1382, %scatter3A_1383, %scatter3A_1384] : memref<5x8x8x129xf32, #tpu.memory_space<vmem>> -> memref<1x8x8x129xf32, #tpu.memory_space<vmem>>
        %scatter3A_1386 = tpu.memref_squeeze %scatter3A_1385 : memref<1x8x8x129xf32, #tpu.memory_space<vmem>> -> memref<8x8x129xf32, #tpu.memory_space<vmem>>
        tpu.vector_store_idx %scatter3A_1386[%select_n3A_128, %select_n3A_226, %broadcast_in_dim3A_1238], %get3A_1328 : memref<8x8x129xf32, #tpu.memory_space<vmem>>[vector<16xi32>, vector<16xi32>, vector<16xi32>], vector<16xf32>,
        %add3A_1387 = arith.constant 3 : i32
        %add3A_1388 = arith.addi %add3A_1233, %add3A_1387 : i32
        %get3A_1389 = arith.constant 4 : i32
        %get3A_1390 = arith.index_cast %get3A_1389 : i32 to index
        %get3A_1391 = arith.index_cast %add3A_1388 : i32 to index
        %get3A_1392 = arith.constant 0 : index
        %get3A_1393 = tpu.vector_load %arg7[%get3A_1390, %get3A_1391, %get3A_1392] {strides = array<i32>} : memref<5x128x64xf32, #tpu.memory_space<vmem>>, vector<16xf32>,
        %scatter3A_1394 = arith.constant 4 : i32
        %scatter3A_1395 = arith.constant 0 : i32
        %scatter3A_1396 = arith.constant 0 : i32
        %scatter3A_1397 = arith.constant 0 : i32
        %scatter3A_1398 = tpu.memref_slice %arg8[%scatter3A_1394, %scatter3A_1395, %scatter3A_1396, %scatter3A_1397] : memref<5x8x8x129xf32, #tpu.memory_space<vmem>> -> memref<1x8x8x129xf32, #tpu.memory_space<vmem>>
        %scatter3A_1399 = tpu.memref_squeeze %scatter3A_1398 : memref<1x8x8x129xf32, #tpu.memory_space<vmem>> -> memref<8x8x129xf32, #tpu.memory_space<vmem>>
        tpu.vector_store_idx %scatter3A_1399[%select_n3A, %select_n3A_151, %broadcast_in_dim3A_1241], %get3A_1341 : memref<8x8x129xf32, #tpu.memory_space<vmem>>[vector<16xi32>, vector<16xi32>, vector<16xi32>], vector<16xf32>,
        %add3A_1400 = arith.constant 3 : i32
        %add3A_1401 = arith.addi %add3A_1233, %add3A_1400 : i32
        %get3A_1402 = arith.constant 4 : i32
        %get3A_1403 = arith.index_cast %get3A_1402 : i32 to index
        %get3A_1404 = arith.index_cast %add3A_1401 : i32 to index
        %get3A_1405 = arith.constant 16 : index
        %get3A_1406 = tpu.vector_load %arg7[%get3A_1403, %get3A_1404, %get3A_1405] {strides = array<i32>} : memref<5x128x64xf32, #tpu.memory_space<vmem>>, vector<16xf32>,
        %scatter3A_1407 = arith.constant 4 : i32
        %scatter3A_1408 = arith.constant 0 : i32
        %scatter3A_1409 = arith.constant 0 : i32
        %scatter3A_1410 = arith.constant 0 : i32
        %scatter3A_1411 = tpu.memref_slice %arg8[%scatter3A_1407, %scatter3A_1408, %scatter3A_1409, %scatter3A_1410] : memref<5x8x8x129xf32, #tpu.memory_space<vmem>> -> memref<1x8x8x129xf32, #tpu.memory_space<vmem>>
        %scatter3A_1412 = tpu.memref_squeeze %scatter3A_1411 : memref<1x8x8x129xf32, #tpu.memory_space<vmem>> -> memref<8x8x129xf32, #tpu.memory_space<vmem>>
        tpu.vector_store_idx %scatter3A_1412[%select_n3A_60, %select_n3A_176, %broadcast_in_dim3A_1241], %get3A_1354 : memref<8x8x129xf32, #tpu.memory_space<vmem>>[vector<16xi32>, vector<16xi32>, vector<16xi32>], vector<16xf32>,
        %add3A_1413 = arith.constant 3 : i32
        %add3A_1414 = arith.addi %add3A_1233, %add3A_1413 : i32
        %get3A_1415 = arith.constant 4 : i32
        %get3A_1416 = arith.index_cast %get3A_1415 : i32 to index
        %get3A_1417 = arith.index_cast %add3A_1414 : i32 to index
        %get3A_1418 = arith.constant 32 : index
        %get3A_1419 = tpu.vector_load %arg7[%get3A_1416, %get3A_1417, %get3A_1418] {strides = array<i32>} : memref<5x128x64xf32, #tpu.memory_space<vmem>>, vector<16xf32>,
        %scatter3A_1420 = arith.constant 4 : i32
        %scatter3A_1421 = arith.constant 0 : i32
        %scatter3A_1422 = arith.constant 0 : i32
        %scatter3A_1423 = arith.constant 0 : i32
        %scatter3A_1424 = tpu.memref_slice %arg8[%scatter3A_1420, %scatter3A_1421, %scatter3A_1422, %scatter3A_1423] : memref<5x8x8x129xf32, #tpu.memory_space<vmem>> -> memref<1x8x8x129xf32, #tpu.memory_space<vmem>>
        %scatter3A_1425 = tpu.memref_squeeze %scatter3A_1424 : memref<1x8x8x129xf32, #tpu.memory_space<vmem>> -> memref<8x8x129xf32, #tpu.memory_space<vmem>>
        tpu.vector_store_idx %scatter3A_1425[%select_n3A_94, %select_n3A_201, %broadcast_in_dim3A_1241], %get3A_1367 : memref<8x8x129xf32, #tpu.memory_space<vmem>>[vector<16xi32>, vector<16xi32>, vector<16xi32>], vector<16xf32>,
        %add3A_1426 = arith.constant 3 : i32
        %add3A_1427 = arith.addi %add3A_1233, %add3A_1426 : i32
        %get3A_1428 = arith.constant 4 : i32
        %get3A_1429 = arith.index_cast %get3A_1428 : i32 to index
        %get3A_1430 = arith.index_cast %add3A_1427 : i32 to index
        %get3A_1431 = arith.constant 48 : index
        %get3A_1432 = tpu.vector_load %arg7[%get3A_1429, %get3A_1430, %get3A_1431] {strides = array<i32>} : memref<5x128x64xf32, #tpu.memory_space<vmem>>, vector<16xf32>,
        %scatter3A_1433 = arith.constant 4 : i32
        %scatter3A_1434 = arith.constant 0 : i32
        %scatter3A_1435 = arith.constant 0 : i32
        %scatter3A_1436 = arith.constant 0 : i32
        %scatter3A_1437 = tpu.memref_slice %arg8[%scatter3A_1433, %scatter3A_1434, %scatter3A_1435, %scatter3A_1436] : memref<5x8x8x129xf32, #tpu.memory_space<vmem>> -> memref<1x8x8x129xf32, #tpu.memory_space<vmem>>
        %scatter3A_1438 = tpu.memref_squeeze %scatter3A_1437 : memref<1x8x8x129xf32, #tpu.memory_space<vmem>> -> memref<8x8x129xf32, #tpu.memory_space<vmem>>
        tpu.vector_store_idx %scatter3A_1438[%select_n3A_128, %select_n3A_226, %broadcast_in_dim3A_1241], %get3A_1380 : memref<8x8x129xf32, #tpu.memory_space<vmem>>[vector<16xi32>, vector<16xi32>, vector<16xi32>], vector<16xf32>,
        %add3A_1439 = arith.constant 4 : i32
        %add3A_1440 = arith.addi %add3A_1233, %add3A_1439 : i32
        %get3A_1441 = arith.constant 4 : i32
        %get3A_1442 = arith.index_cast %get3A_1441 : i32 to index
        %get3A_1443 = arith.index_cast %add3A_1440 : i32 to index
        %get3A_1444 = arith.constant 0 : index
        %get3A_1445 = tpu.vector_load %arg7[%get3A_1442, %get3A_1443, %get3A_1444] {strides = array<i32>} : memref<5x128x64xf32, #tpu.memory_space<vmem>>, vector<16xf32>,
        %scatter3A_1446 = arith.constant 4 : i32
        %scatter3A_1447 = arith.constant 0 : i32
        %scatter3A_1448 = arith.constant 0 : i32
        %scatter3A_1449 = arith.constant 0 : i32
        %scatter3A_1450 = tpu.memref_slice %arg8[%scatter3A_1446, %scatter3A_1447, %scatter3A_1448, %scatter3A_1449] : memref<5x8x8x129xf32, #tpu.memory_space<vmem>> -> memref<1x8x8x129xf32, #tpu.memory_space<vmem>>
        %scatter3A_1451 = tpu.memref_squeeze %scatter3A_1450 : memref<1x8x8x129xf32, #tpu.memory_space<vmem>> -> memref<8x8x129xf32, #tpu.memory_space<vmem>>
        tpu.vector_store_idx %scatter3A_1451[%select_n3A, %select_n3A_151, %broadcast_in_dim3A_1244], %get3A_1393 : memref<8x8x129xf32, #tpu.memory_space<vmem>>[vector<16xi32>, vector<16xi32>, vector<16xi32>], vector<16xf32>,
        %add3A_1452 = arith.constant 4 : i32
        %add3A_1453 = arith.addi %add3A_1233, %add3A_1452 : i32
        %get3A_1454 = arith.constant 4 : i32
        %get3A_1455 = arith.index_cast %get3A_1454 : i32 to index
        %get3A_1456 = arith.index_cast %add3A_1453 : i32 to index
        %get3A_1457 = arith.constant 16 : index
        %get3A_1458 = tpu.vector_load %arg7[%get3A_1455, %get3A_1456, %get3A_1457] {strides = array<i32>} : memref<5x128x64xf32, #tpu.memory_space<vmem>>, vector<16xf32>,
        %scatter3A_1459 = arith.constant 4 : i32
        %scatter3A_1460 = arith.constant 0 : i32
        %scatter3A_1461 = arith.constant 0 : i32
        %scatter3A_1462 = arith.constant 0 : i32
        %scatter3A_1463 = tpu.memref_slice %arg8[%scatter3A_1459, %scatter3A_1460, %scatter3A_1461, %scatter3A_1462] : memref<5x8x8x129xf32, #tpu.memory_space<vmem>> -> memref<1x8x8x129xf32, #tpu.memory_space<vmem>>
        %scatter3A_1464 = tpu.memref_squeeze %scatter3A_1463 : memref<1x8x8x129xf32, #tpu.memory_space<vmem>> -> memref<8x8x129xf32, #tpu.memory_space<vmem>>
        tpu.vector_store_idx %scatter3A_1464[%select_n3A_60, %select_n3A_176, %broadcast_in_dim3A_1244], %get3A_1406 : memref<8x8x129xf32, #tpu.memory_space<vmem>>[vector<16xi32>, vector<16xi32>, vector<16xi32>], vector<16xf32>,
        %add3A_1465 = arith.constant 4 : i32
        %add3A_1466 = arith.addi %add3A_1233, %add3A_1465 : i32
        %get3A_1467 = arith.constant 4 : i32
        %get3A_1468 = arith.index_cast %get3A_1467 : i32 to index
        %get3A_1469 = arith.index_cast %add3A_1466 : i32 to index
        %get3A_1470 = arith.constant 32 : index
        %get3A_1471 = tpu.vector_load %arg7[%get3A_1468, %get3A_1469, %get3A_1470] {strides = array<i32>} : memref<5x128x64xf32, #tpu.memory_space<vmem>>, vector<16xf32>,
        %scatter3A_1472 = arith.constant 4 : i32
        %scatter3A_1473 = arith.constant 0 : i32
        %scatter3A_1474 = arith.constant 0 : i32
        %scatter3A_1475 = arith.constant 0 : i32
        %scatter3A_1476 = tpu.memref_slice %arg8[%scatter3A_1472, %scatter3A_1473, %scatter3A_1474, %scatter3A_1475] : memref<5x8x8x129xf32, #tpu.memory_space<vmem>> -> memref<1x8x8x129xf32, #tpu.memory_space<vmem>>
        %scatter3A_1477 = tpu.memref_squeeze %scatter3A_1476 : memref<1x8x8x129xf32, #tpu.memory_space<vmem>> -> memref<8x8x129xf32, #tpu.memory_space<vmem>>
        tpu.vector_store_idx %scatter3A_1477[%select_n3A_94, %select_n3A_201, %broadcast_in_dim3A_1244], %get3A_1419 : memref<8x8x129xf32, #tpu.memory_space<vmem>>[vector<16xi32>, vector<16xi32>, vector<16xi32>], vector<16xf32>,
        %add3A_1478 = arith.constant 4 : i32
        %add3A_1479 = arith.addi %add3A_1233, %add3A_1478 : i32
        %get3A_1480 = arith.constant 4 : i32
        %get3A_1481 = arith.index_cast %get3A_1480 : i32 to index
        %get3A_1482 = arith.index_cast %add3A_1479 : i32 to index
        %get3A_1483 = arith.constant 48 : index
        %get3A_1484 = tpu.vector_load %arg7[%get3A_1481, %get3A_1482, %get3A_1483] {strides = array<i32>} : memref<5x128x64xf32, #tpu.memory_space<vmem>>, vector<16xf32>,
        %scatter3A_1485 = arith.constant 4 : i32
        %scatter3A_1486 = arith.constant 0 : i32
        %scatter3A_1487 = arith.constant 0 : i32
        %scatter3A_1488 = arith.constant 0 : i32
        %scatter3A_1489 = tpu.memref_slice %arg8[%scatter3A_1485, %scatter3A_1486, %scatter3A_1487, %scatter3A_1488] : memref<5x8x8x129xf32, #tpu.memory_space<vmem>> -> memref<1x8x8x129xf32, #tpu.memory_space<vmem>>
        %scatter3A_1490 = tpu.memref_squeeze %scatter3A_1489 : memref<1x8x8x129xf32, #tpu.memory_space<vmem>> -> memref<8x8x129xf32, #tpu.memory_space<vmem>>
        tpu.vector_store_idx %scatter3A_1490[%select_n3A_128, %select_n3A_226, %broadcast_in_dim3A_1244], %get3A_1432 : memref<8x8x129xf32, #tpu.memory_space<vmem>>[vector<16xi32>, vector<16xi32>, vector<16xi32>], vector<16xf32>,
        %add3A_1491 = arith.constant 5 : i32
        %add3A_1492 = arith.addi %add3A_1233, %add3A_1491 : i32
        %get3A_1493 = arith.constant 4 : i32
        %get3A_1494 = arith.index_cast %get3A_1493 : i32 to index
        %get3A_1495 = arith.index_cast %add3A_1492 : i32 to index
        %get3A_1496 = arith.constant 0 : index
        %get3A_1497 = tpu.vector_load %arg7[%get3A_1494, %get3A_1495, %get3A_1496] {strides = array<i32>} : memref<5x128x64xf32, #tpu.memory_space<vmem>>, vector<16xf32>,
        %scatter3A_1498 = arith.constant 4 : i32
        %scatter3A_1499 = arith.constant 0 : i32
        %scatter3A_1500 = arith.constant 0 : i32
        %scatter3A_1501 = arith.constant 0 : i32
        %scatter3A_1502 = tpu.memref_slice %arg8[%scatter3A_1498, %scatter3A_1499, %scatter3A_1500, %scatter3A_1501] : memref<5x8x8x129xf32, #tpu.memory_space<vmem>> -> memref<1x8x8x129xf32, #tpu.memory_space<vmem>>
        %scatter3A_1503 = tpu.memref_squeeze %scatter3A_1502 : memref<1x8x8x129xf32, #tpu.memory_space<vmem>> -> memref<8x8x129xf32, #tpu.memory_space<vmem>>
        tpu.vector_store_idx %scatter3A_1503[%select_n3A, %select_n3A_151, %broadcast_in_dim3A_1247], %get3A_1445 : memref<8x8x129xf32, #tpu.memory_space<vmem>>[vector<16xi32>, vector<16xi32>, vector<16xi32>], vector<16xf32>,
        %add3A_1504 = arith.constant 5 : i32
        %add3A_1505 = arith.addi %add3A_1233, %add3A_1504 : i32
        %get3A_1506 = arith.constant 4 : i32
        %get3A_1507 = arith.index_cast %get3A_1506 : i32 to index
        %get3A_1508 = arith.index_cast %add3A_1505 : i32 to index
        %get3A_1509 = arith.constant 16 : index
        %get3A_1510 = tpu.vector_load %arg7[%get3A_1507, %get3A_1508, %get3A_1509] {strides = array<i32>} : memref<5x128x64xf32, #tpu.memory_space<vmem>>, vector<16xf32>,
        %scatter3A_1511 = arith.constant 4 : i32
        %scatter3A_1512 = arith.constant 0 : i32
        %scatter3A_1513 = arith.constant 0 : i32
        %scatter3A_1514 = arith.constant 0 : i32
        %scatter3A_1515 = tpu.memref_slice %arg8[%scatter3A_1511, %scatter3A_1512, %scatter3A_1513, %scatter3A_1514] : memref<5x8x8x129xf32, #tpu.memory_space<vmem>> -> memref<1x8x8x129xf32, #tpu.memory_space<vmem>>
        %scatter3A_1516 = tpu.memref_squeeze %scatter3A_1515 : memref<1x8x8x129xf32, #tpu.memory_space<vmem>> -> memref<8x8x129xf32, #tpu.memory_space<vmem>>
        tpu.vector_store_idx %scatter3A_1516[%select_n3A_60, %select_n3A_176, %broadcast_in_dim3A_1247], %get3A_1458 : memref<8x8x129xf32, #tpu.memory_space<vmem>>[vector<16xi32>, vector<16xi32>, vector<16xi32>], vector<16xf32>,
        %add3A_1517 = arith.constant 5 : i32
        %add3A_1518 = arith.addi %add3A_1233, %add3A_1517 : i32
        %get3A_1519 = arith.constant 4 : i32
        %get3A_1520 = arith.index_cast %get3A_1519 : i32 to index
        %get3A_1521 = arith.index_cast %add3A_1518 : i32 to index
        %get3A_1522 = arith.constant 32 : index
        %get3A_1523 = tpu.vector_load %arg7[%get3A_1520, %get3A_1521, %get3A_1522] {strides = array<i32>} : memref<5x128x64xf32, #tpu.memory_space<vmem>>, vector<16xf32>,
        %scatter3A_1524 = arith.constant 4 : i32
        %scatter3A_1525 = arith.constant 0 : i32
        %scatter3A_1526 = arith.constant 0 : i32
        %scatter3A_1527 = arith.constant 0 : i32
        %scatter3A_1528 = tpu.memref_slice %arg8[%scatter3A_1524, %scatter3A_1525, %scatter3A_1526, %scatter3A_1527] : memref<5x8x8x129xf32, #tpu.memory_space<vmem>> -> memref<1x8x8x129xf32, #tpu.memory_space<vmem>>
        %scatter3A_1529 = tpu.memref_squeeze %scatter3A_1528 : memref<1x8x8x129xf32, #tpu.memory_space<vmem>> -> memref<8x8x129xf32, #tpu.memory_space<vmem>>
        tpu.vector_store_idx %scatter3A_1529[%select_n3A_94, %select_n3A_201, %broadcast_in_dim3A_1247], %get3A_1471 : memref<8x8x129xf32, #tpu.memory_space<vmem>>[vector<16xi32>, vector<16xi32>, vector<16xi32>], vector<16xf32>,
        %add3A_1530 = arith.constant 5 : i32
        %add3A_1531 = arith.addi %add3A_1233, %add3A_1530 : i32
        %get3A_1532 = arith.constant 4 : i32
        %get3A_1533 = arith.index_cast %get3A_1532 : i32 to index
        %get3A_1534 = arith.index_cast %add3A_1531 : i32 to index
        %get3A_1535 = arith.constant 48 : index
        %get3A_1536 = tpu.vector_load %arg7[%get3A_1533, %get3A_1534, %get3A_1535] {strides = array<i32>} : memref<5x128x64xf32, #tpu.memory_space<vmem>>, vector<16xf32>,
        %scatter3A_1537 = arith.constant 4 : i32
        %scatter3A_1538 = arith.constant 0 : i32
        %scatter3A_1539 = arith.constant 0 : i32
        %scatter3A_1540 = arith.constant 0 : i32
        %scatter3A_1541 = tpu.memref_slice %arg8[%scatter3A_1537, %scatter3A_1538, %scatter3A_1539, %scatter3A_1540] : memref<5x8x8x129xf32, #tpu.memory_space<vmem>> -> memref<1x8x8x129xf32, #tpu.memory_space<vmem>>
        %scatter3A_1542 = tpu.memref_squeeze %scatter3A_1541 : memref<1x8x8x129xf32, #tpu.memory_space<vmem>> -> memref<8x8x129xf32, #tpu.memory_space<vmem>>
        tpu.vector_store_idx %scatter3A_1542[%select_n3A_128, %select_n3A_226, %broadcast_in_dim3A_1247], %get3A_1484 : memref<8x8x129xf32, #tpu.memory_space<vmem>>[vector<16xi32>, vector<16xi32>, vector<16xi32>], vector<16xf32>,
        %add3A_1543 = arith.constant 6 : i32
        %add3A_1544 = arith.addi %add3A_1233, %add3A_1543 : i32
        %get3A_1545 = arith.constant 4 : i32
        %get3A_1546 = arith.index_cast %get3A_1545 : i32 to index
        %get3A_1547 = arith.index_cast %add3A_1544 : i32 to index
        %get3A_1548 = arith.constant 0 : index
        %get3A_1549 = tpu.vector_load %arg7[%get3A_1546, %get3A_1547, %get3A_1548] {strides = array<i32>} : memref<5x128x64xf32, #tpu.memory_space<vmem>>, vector<16xf32>,
        %scatter3A_1550 = arith.constant 4 : i32
        %scatter3A_1551 = arith.constant 0 : i32
        %scatter3A_1552 = arith.constant 0 : i32
        %scatter3A_1553 = arith.constant 0 : i32
        %scatter3A_1554 = tpu.memref_slice %arg8[%scatter3A_1550, %scatter3A_1551, %scatter3A_1552, %scatter3A_1553] : memref<5x8x8x129xf32, #tpu.memory_space<vmem>> -> memref<1x8x8x129xf32, #tpu.memory_space<vmem>>
        %scatter3A_1555 = tpu.memref_squeeze %scatter3A_1554 : memref<1x8x8x129xf32, #tpu.memory_space<vmem>> -> memref<8x8x129xf32, #tpu.memory_space<vmem>>
        tpu.vector_store_idx %scatter3A_1555[%select_n3A, %select_n3A_151, %broadcast_in_dim3A_1250], %get3A_1497 : memref<8x8x129xf32, #tpu.memory_space<vmem>>[vector<16xi32>, vector<16xi32>, vector<16xi32>], vector<16xf32>,
        %add3A_1556 = arith.constant 6 : i32
        %add3A_1557 = arith.addi %add3A_1233, %add3A_1556 : i32
        %get3A_1558 = arith.constant 4 : i32
        %get3A_1559 = arith.index_cast %get3A_1558 : i32 to index
        %get3A_1560 = arith.index_cast %add3A_1557 : i32 to index
        %get3A_1561 = arith.constant 16 : index
        %get3A_1562 = tpu.vector_load %arg7[%get3A_1559, %get3A_1560, %get3A_1561] {strides = array<i32>} : memref<5x128x64xf32, #tpu.memory_space<vmem>>, vector<16xf32>,
        %scatter3A_1563 = arith.constant 4 : i32
        %scatter3A_1564 = arith.constant 0 : i32
        %scatter3A_1565 = arith.constant 0 : i32
        %scatter3A_1566 = arith.constant 0 : i32
        %scatter3A_1567 = tpu.memref_slice %arg8[%scatter3A_1563, %scatter3A_1564, %scatter3A_1565, %scatter3A_1566] : memref<5x8x8x129xf32, #tpu.memory_space<vmem>> -> memref<1x8x8x129xf32, #tpu.memory_space<vmem>>
        %scatter3A_1568 = tpu.memref_squeeze %scatter3A_1567 : memref<1x8x8x129xf32, #tpu.memory_space<vmem>> -> memref<8x8x129xf32, #tpu.memory_space<vmem>>
        tpu.vector_store_idx %scatter3A_1568[%select_n3A_60, %select_n3A_176, %broadcast_in_dim3A_1250], %get3A_1510 : memref<8x8x129xf32, #tpu.memory_space<vmem>>[vector<16xi32>, vector<16xi32>, vector<16xi32>], vector<16xf32>,
        %add3A_1569 = arith.constant 6 : i32
        %add3A_1570 = arith.addi %add3A_1233, %add3A_1569 : i32
        %get3A_1571 = arith.constant 4 : i32
        %get3A_1572 = arith.index_cast %get3A_1571 : i32 to index
        %get3A_1573 = arith.index_cast %add3A_1570 : i32 to index
        %get3A_1574 = arith.constant 32 : index
        %get3A_1575 = tpu.vector_load %arg7[%get3A_1572, %get3A_1573, %get3A_1574] {strides = array<i32>} : memref<5x128x64xf32, #tpu.memory_space<vmem>>, vector<16xf32>,
        %scatter3A_1576 = arith.constant 4 : i32
        %scatter3A_1577 = arith.constant 0 : i32
        %scatter3A_1578 = arith.constant 0 : i32
        %scatter3A_1579 = arith.constant 0 : i32
        %scatter3A_1580 = tpu.memref_slice %arg8[%scatter3A_1576, %scatter3A_1577, %scatter3A_1578, %scatter3A_1579] : memref<5x8x8x129xf32, #tpu.memory_space<vmem>> -> memref<1x8x8x129xf32, #tpu.memory_space<vmem>>
        %scatter3A_1581 = tpu.memref_squeeze %scatter3A_1580 : memref<1x8x8x129xf32, #tpu.memory_space<vmem>> -> memref<8x8x129xf32, #tpu.memory_space<vmem>>
        tpu.vector_store_idx %scatter3A_1581[%select_n3A_94, %select_n3A_201, %broadcast_in_dim3A_1250], %get3A_1523 : memref<8x8x129xf32, #tpu.memory_space<vmem>>[vector<16xi32>, vector<16xi32>, vector<16xi32>], vector<16xf32>,
        %add3A_1582 = arith.constant 6 : i32
        %add3A_1583 = arith.addi %add3A_1233, %add3A_1582 : i32
        %get3A_1584 = arith.constant 4 : i32
        %get3A_1585 = arith.index_cast %get3A_1584 : i32 to index
        %get3A_1586 = arith.index_cast %add3A_1583 : i32 to index
        %get3A_1587 = arith.constant 48 : index
        %get3A_1588 = tpu.vector_load %arg7[%get3A_1585, %get3A_1586, %get3A_1587] {strides = array<i32>} : memref<5x128x64xf32, #tpu.memory_space<vmem>>, vector<16xf32>,
        %scatter3A_1589 = arith.constant 4 : i32
        %scatter3A_1590 = arith.constant 0 : i32
        %scatter3A_1591 = arith.constant 0 : i32
        %scatter3A_1592 = arith.constant 0 : i32
        %scatter3A_1593 = tpu.memref_slice %arg8[%scatter3A_1589, %scatter3A_1590, %scatter3A_1591, %scatter3A_1592] : memref<5x8x8x129xf32, #tpu.memory_space<vmem>> -> memref<1x8x8x129xf32, #tpu.memory_space<vmem>>
        %scatter3A_1594 = tpu.memref_squeeze %scatter3A_1593 : memref<1x8x8x129xf32, #tpu.memory_space<vmem>> -> memref<8x8x129xf32, #tpu.memory_space<vmem>>
        tpu.vector_store_idx %scatter3A_1594[%select_n3A_128, %select_n3A_226, %broadcast_in_dim3A_1250], %get3A_1536 : memref<8x8x129xf32, #tpu.memory_space<vmem>>[vector<16xi32>, vector<16xi32>, vector<16xi32>], vector<16xf32>,
        %add3A_1595 = arith.constant 7 : i32
        %add3A_1596 = arith.addi %add3A_1233, %add3A_1595 : i32
        %get3A_1597 = arith.constant 4 : i32
        %get3A_1598 = arith.index_cast %get3A_1597 : i32 to index
        %get3A_1599 = arith.index_cast %add3A_1596 : i32 to index
        %get3A_1600 = arith.constant 0 : index
        %get3A_1601 = tpu.vector_load %arg7[%get3A_1598, %get3A_1599, %get3A_1600] {strides = array<i32>} : memref<5x128x64xf32, #tpu.memory_space<vmem>>, vector<16xf32>,
        %scatter3A_1602 = arith.constant 4 : i32
        %scatter3A_1603 = arith.constant 0 : i32
        %scatter3A_1604 = arith.constant 0 : i32
        %scatter3A_1605 = arith.constant 0 : i32
        %scatter3A_1606 = tpu.memref_slice %arg8[%scatter3A_1602, %scatter3A_1603, %scatter3A_1604, %scatter3A_1605] : memref<5x8x8x129xf32, #tpu.memory_space<vmem>> -> memref<1x8x8x129xf32, #tpu.memory_space<vmem>>
        %scatter3A_1607 = tpu.memref_squeeze %scatter3A_1606 : memref<1x8x8x129xf32, #tpu.memory_space<vmem>> -> memref<8x8x129xf32, #tpu.memory_space<vmem>>
        tpu.vector_store_idx %scatter3A_1607[%select_n3A, %select_n3A_151, %broadcast_in_dim3A_1253], %get3A_1549 : memref<8x8x129xf32, #tpu.memory_space<vmem>>[vector<16xi32>, vector<16xi32>, vector<16xi32>], vector<16xf32>,
        %add3A_1608 = arith.constant 7 : i32
        %add3A_1609 = arith.addi %add3A_1233, %add3A_1608 : i32
        %get3A_1610 = arith.constant 4 : i32
        %get3A_1611 = arith.index_cast %get3A_1610 : i32 to index
        %get3A_1612 = arith.index_cast %add3A_1609 : i32 to index
        %get3A_1613 = arith.constant 16 : index
        %get3A_1614 = tpu.vector_load %arg7[%get3A_1611, %get3A_1612, %get3A_1613] {strides = array<i32>} : memref<5x128x64xf32, #tpu.memory_space<vmem>>, vector<16xf32>,
        %scatter3A_1615 = arith.constant 4 : i32
        %scatter3A_1616 = arith.constant 0 : i32
        %scatter3A_1617 = arith.constant 0 : i32
        %scatter3A_1618 = arith.constant 0 : i32
        %scatter3A_1619 = tpu.memref_slice %arg8[%scatter3A_1615, %scatter3A_1616, %scatter3A_1617, %scatter3A_1618] : memref<5x8x8x129xf32, #tpu.memory_space<vmem>> -> memref<1x8x8x129xf32, #tpu.memory_space<vmem>>
        %scatter3A_1620 = tpu.memref_squeeze %scatter3A_1619 : memref<1x8x8x129xf32, #tpu.memory_space<vmem>> -> memref<8x8x129xf32, #tpu.memory_space<vmem>>
        tpu.vector_store_idx %scatter3A_1620[%select_n3A_60, %select_n3A_176, %broadcast_in_dim3A_1253], %get3A_1562 : memref<8x8x129xf32, #tpu.memory_space<vmem>>[vector<16xi32>, vector<16xi32>, vector<16xi32>], vector<16xf32>,
        %add3A_1621 = arith.constant 7 : i32
        %add3A_1622 = arith.addi %add3A_1233, %add3A_1621 : i32
        %get3A_1623 = arith.constant 4 : i32
        %get3A_1624 = arith.index_cast %get3A_1623 : i32 to index
        %get3A_1625 = arith.index_cast %add3A_1622 : i32 to index
        %get3A_1626 = arith.constant 32 : index
        %get3A_1627 = tpu.vector_load %arg7[%get3A_1624, %get3A_1625, %get3A_1626] {strides = array<i32>} : memref<5x128x64xf32, #tpu.memory_space<vmem>>, vector<16xf32>,
        %scatter3A_1628 = arith.constant 4 : i32
        %scatter3A_1629 = arith.constant 0 : i32
        %scatter3A_1630 = arith.constant 0 : i32
        %scatter3A_1631 = arith.constant 0 : i32
        %scatter3A_1632 = tpu.memref_slice %arg8[%scatter3A_1628, %scatter3A_1629, %scatter3A_1630, %scatter3A_1631] : memref<5x8x8x129xf32, #tpu.memory_space<vmem>> -> memref<1x8x8x129xf32, #tpu.memory_space<vmem>>
        %scatter3A_1633 = tpu.memref_squeeze %scatter3A_1632 : memref<1x8x8x129xf32, #tpu.memory_space<vmem>> -> memref<8x8x129xf32, #tpu.memory_space<vmem>>
        tpu.vector_store_idx %scatter3A_1633[%select_n3A_94, %select_n3A_201, %broadcast_in_dim3A_1253], %get3A_1575 : memref<8x8x129xf32, #tpu.memory_space<vmem>>[vector<16xi32>, vector<16xi32>, vector<16xi32>], vector<16xf32>,
        %add3A_1634 = arith.constant 7 : i32
        %add3A_1635 = arith.addi %add3A_1233, %add3A_1634 : i32
        %get3A_1636 = arith.constant 4 : i32
        %get3A_1637 = arith.index_cast %get3A_1636 : i32 to index
        %get3A_1638 = arith.index_cast %add3A_1635 : i32 to index
        %get3A_1639 = arith.constant 48 : index
        %get3A_1640 = tpu.vector_load %arg7[%get3A_1637, %get3A_1638, %get3A_1639] {strides = array<i32>} : memref<5x128x64xf32, #tpu.memory_space<vmem>>, vector<16xf32>,
        %scatter3A_1641 = arith.constant 4 : i32
        %scatter3A_1642 = arith.constant 0 : i32
        %scatter3A_1643 = arith.constant 0 : i32
        %scatter3A_1644 = arith.constant 0 : i32
        %scatter3A_1645 = tpu.memref_slice %arg8[%scatter3A_1641, %scatter3A_1642, %scatter3A_1643, %scatter3A_1644] : memref<5x8x8x129xf32, #tpu.memory_space<vmem>> -> memref<1x8x8x129xf32, #tpu.memory_space<vmem>>
        %scatter3A_1646 = tpu.memref_squeeze %scatter3A_1645 : memref<1x8x8x129xf32, #tpu.memory_space<vmem>> -> memref<8x8x129xf32, #tpu.memory_space<vmem>>
        tpu.vector_store_idx %scatter3A_1646[%select_n3A_128, %select_n3A_226, %broadcast_in_dim3A_1253], %get3A_1588 : memref<8x8x129xf32, #tpu.memory_space<vmem>>[vector<16xi32>, vector<16xi32>, vector<16xi32>], vector<16xf32>,
        %scatter3A_1647 = arith.constant 4 : i32
        %scatter3A_1648 = arith.constant 0 : i32
        %scatter3A_1649 = arith.constant 0 : i32
        %scatter3A_1650 = arith.constant 0 : i32
        %scatter3A_1651 = tpu.memref_slice %arg8[%scatter3A_1647, %scatter3A_1648, %scatter3A_1649, %scatter3A_1650] : memref<5x8x8x129xf32, #tpu.memory_space<vmem>> -> memref<1x8x8x129xf32, #tpu.memory_space<vmem>>
        %scatter3A_1652 = tpu.memref_squeeze %scatter3A_1651 : memref<1x8x8x129xf32, #tpu.memory_space<vmem>> -> memref<8x8x129xf32, #tpu.memory_space<vmem>>
        tpu.vector_store_idx %scatter3A_1652[%select_n3A, %select_n3A_151, %broadcast_in_dim3A_1256], %get3A_1601 : memref<8x8x129xf32, #tpu.memory_space<vmem>>[vector<16xi32>, vector<16xi32>, vector<16xi32>], vector<16xf32>,
        %scatter3A_1653 = arith.constant 4 : i32
        %scatter3A_1654 = arith.constant 0 : i32
        %scatter3A_1655 = arith.constant 0 : i32
        %scatter3A_1656 = arith.constant 0 : i32
        %scatter3A_1657 = tpu.memref_slice %arg8[%scatter3A_1653, %scatter3A_1654, %scatter3A_1655, %scatter3A_1656] : memref<5x8x8x129xf32, #tpu.memory_space<vmem>> -> memref<1x8x8x129xf32, #tpu.memory_space<vmem>>
        %scatter3A_1658 = tpu.memref_squeeze %scatter3A_1657 : memref<1x8x8x129xf32, #tpu.memory_space<vmem>> -> memref<8x8x129xf32, #tpu.memory_space<vmem>>
        tpu.vector_store_idx %scatter3A_1658[%select_n3A_60, %select_n3A_176, %broadcast_in_dim3A_1256], %get3A_1614 : memref<8x8x129xf32, #tpu.memory_space<vmem>>[vector<16xi32>, vector<16xi32>, vector<16xi32>], vector<16xf32>,
        %scatter3A_1659 = arith.constant 4 : i32
        %scatter3A_1660 = arith.constant 0 : i32
        %scatter3A_1661 = arith.constant 0 : i32
        %scatter3A_1662 = arith.constant 0 : i32
        %scatter3A_1663 = tpu.memref_slice %arg8[%scatter3A_1659, %scatter3A_1660, %scatter3A_1661, %scatter3A_1662] : memref<5x8x8x129xf32, #tpu.memory_space<vmem>> -> memref<1x8x8x129xf32, #tpu.memory_space<vmem>>
        %scatter3A_1664 = tpu.memref_squeeze %scatter3A_1663 : memref<1x8x8x129xf32, #tpu.memory_space<vmem>> -> memref<8x8x129xf32, #tpu.memory_space<vmem>>
        tpu.vector_store_idx %scatter3A_1664[%select_n3A_94, %select_n3A_201, %broadcast_in_dim3A_1256], %get3A_1627 : memref<8x8x129xf32, #tpu.memory_space<vmem>>[vector<16xi32>, vector<16xi32>, vector<16xi32>], vector<16xf32>,
        %scatter3A_1665 = arith.constant 4 : i32
        %scatter3A_1666 = arith.constant 0 : i32
        %scatter3A_1667 = arith.constant 0 : i32
        %scatter3A_1668 = arith.constant 0 : i32
        %scatter3A_1669 = tpu.memref_slice %arg8[%scatter3A_1665, %scatter3A_1666, %scatter3A_1667, %scatter3A_1668] : memref<5x8x8x129xf32, #tpu.memory_space<vmem>> -> memref<1x8x8x129xf32, #tpu.memory_space<vmem>>
        %scatter3A_1670 = tpu.memref_squeeze %scatter3A_1669 : memref<1x8x8x129xf32, #tpu.memory_space<vmem>> -> memref<8x8x129xf32, #tpu.memory_space<vmem>>
        tpu.vector_store_idx %scatter3A_1670[%select_n3A_128, %select_n3A_226, %broadcast_in_dim3A_1256], %get3A_1640 : memref<8x8x129xf32, #tpu.memory_space<vmem>>[vector<16xi32>, vector<16xi32>, vector<16xi32>], vector<16xf32>,
      }
      %scan3A_1200 = arith.constant 16 : i32
      %dma_start3A_1201 = arith.constant 4 : i32
      %dma_start3A_1202 = arith.constant 0 : i32
      %dma_start3A_1203 = arith.constant 0 : i32
      %dma_start3A_1204 = arith.constant 0 : i32
      %dma_start3A_1205 = tpu.memref_slice %arg8[%dma_start3A_1201, %dma_start3A_1202, %dma_start3A_1203, %dma_start3A_1204] : memref<5x8x8x129xf32, #tpu.memory_space<vmem>> -> memref<1x8x8x128xf32, #tpu.memory_space<vmem>>
      %dma_start3A_1206 = tpu.memref_squeeze %dma_start3A_1205 : memref<1x8x8x128xf32, #tpu.memory_space<vmem>> -> memref<8x8x128xf32, #tpu.memory_space<vmem>>
      %dma_start3A_1207 = arith.constant 0 : i32
      %dma_start3A_1208 = arith.constant 0 : i32
      %dma_start3A_1209 = arith.constant 0 : i32
      %dma_start3A_1210 = tpu.memref_slice %arg4[%add3A_1178, %dma_start3A_1207, %add3A, %dma_start3A_1208, %dma_start3A_1209] : memref<50x8x32x8x128xf32, #tpu.memory_space<hbm>> -> memref<1x8x1x8x128xf32, #tpu.memory_space<hbm>>
      %dma_start3A_1211 = tpu.memref_squeeze %dma_start3A_1210 : memref<1x8x1x8x128xf32, #tpu.memory_space<hbm>> -> memref<8x8x128xf32, #tpu.memory_space<hbm>>
      %dma_start3A_1212 = arith.constant 0 : i32
      %dma_start3A_1213 = arith.constant 0 : i32
      %dma_start3A_1214 = arith.constant 0 : i32
      %dma_start3A_1215 = tpu.memref_slice %arg4[%add3A_1178, %dma_start3A_1212, %add3A, %dma_start3A_1213, %dma_start3A_1214] : memref<50x8x32x8x128xf32, #tpu.memory_space<hbm>> -> memref<1x8x1x8x128xf32, #tpu.memory_space<hbm>>
      %dma_start3A_1216 = tpu.memref_squeeze %dma_start3A_1215 : memref<1x8x1x8x128xf32, #tpu.memory_space<hbm>> -> memref<8x8x128xf32, #tpu.memory_space<hbm>>
      %dma_start3A_1217 = arith.constant 0 : i32
      %dma_start3A_1218 = arith.constant 0 : i32
      %dma_start3A_1219 = arith.constant 0 : i32
      %dma_start3A_1220 = tpu.memref_slice %arg8[%dma_start3A_1201, %dma_start3A_1217, %dma_start3A_1218, %dma_start3A_1219] : memref<5x8x8x129xf32, #tpu.memory_space<vmem>> -> memref<1x8x8x128xf32, #tpu.memory_space<vmem>>
      %dma_start3A_1221 = tpu.memref_squeeze %dma_start3A_1220 : memref<1x8x8x128xf32, #tpu.memory_space<vmem>> -> memref<8x8x128xf32, #tpu.memory_space<vmem>>
      tpu.enqueue_dma source(%dma_start3A_1221 : memref<8x8x128xf32, #tpu.memory_space<vmem>>) target(%dma_start3A_1216 : memref<8x8x128xf32, #tpu.memory_space<hbm>>) target_semaphore(%arg18 : memref<!tpu.dma_semaphore, #tpu.memory_space<semaphore_mem>>)
      %add3A_1222 = arith.constant 5 : i32
      %add3A_1223 = arith.addi %add3A_1178, %add3A_1222 : i32
      %lt3A_1224 = arith.constant 50 : i32
      %lt3A_1225 = arith.cmpi slt, %add3A_1223, %lt3A_1224 : i32
      %convert_element_type3A_1226 = arith.extui %lt3A_1225 : i1 to i32
      %cond3A_1227 = arith.constant 0 : i32
      %cond3A_1228 = arith.cmpi ne, %convert_element_type3A_1226, %cond3A_1227 : i32
      scf.if %cond3A_1228 {
        %add3A_1229 = arith.constant 0 : i32
        %add3A_1230 = vector.broadcast %add3A_1229 : i32 to vector<16xi32>
        %add3A_1231 = arith.addi %iota3A, %add3A_1230 : vector<16xi32>
        %mul3A_1232 = arith.constant 50 : i32
        %mul3A_1233 = vector.broadcast %mul3A_1232 : i32 to vector<16xi32>
        %mul3A_1234 = arith.muli %add3A_1231, %mul3A_1233 : vector<16xi32>
        %add3A_1235 = vector.broadcast %add3A_1223 : i32 to vector<16xi32>
        %add3A_1236 = arith.addi %mul3A_1234, %add3A_1235 : vector<16xi32>
        %gather3A_1237 = tpu.vector_load_idx %arg5[%add3A_1236] : memref<6400xi32, #tpu.memory_space<vmem>>[vector<16xi32>], vector<16xi32>,
        %swap3A_1238 = arith.constant 4 : i32
        %swap3A_1239 = arith.index_cast %swap3A_1238 : i32 to index
        %swap3A_1240 = arith.constant 0 : index
        %swap3A_1241 = tpu.vector_load %arg6[%swap3A_1239, %swap3A_1240] {strides = array<i32>} : memref<5x128xi32, #tpu.memory_space<vmem>>, vector<16xi32>,
        tpu.vector_store %arg6[%swap3A_1239, %swap3A_1240], %gather3A_1237 {strides = array<i32>} : memref<5x128xi32, #tpu.memory_space<vmem>>, vector<16xi32>,
        %add3A_1242 = arith.constant 16 : i32
        %add3A_1243 = vector.broadcast %add3A_1242 : i32 to vector<16xi32>
        %add3A_1244 = arith.addi %iota3A, %add3A_1243 : vector<16xi32>
        %mul3A_1245 = arith.constant 50 : i32
        %mul3A_1246 = vector.broadcast %mul3A_1245 : i32 to vector<16xi32>
        %mul3A_1247 = arith.muli %add3A_1244, %mul3A_1246 : vector<16xi32>
        %add3A_1248 = vector.broadcast %add3A_1223 : i32 to vector<16xi32>
        %add3A_1249 = arith.addi %mul3A_1247, %add3A_1248 : vector<16xi32>
        %gather3A_1250 = tpu.vector_load_idx %arg5[%add3A_1249] : memref<6400xi32, #tpu.memory_space<vmem>>[vector<16xi32>], vector<16xi32>,
        %swap3A_1251 = arith.constant 4 : i32
        %swap3A_1252 = arith.index_cast %swap3A_1251 : i32 to index
        %swap3A_1253 = arith.constant 16 : index
        %swap3A_1254 = tpu.vector_load %arg6[%swap3A_1252, %swap3A_1253] {strides = array<i32>} : memref<5x128xi32, #tpu.memory_space<vmem>>, vector<16xi32>,
        tpu.vector_store %arg6[%swap3A_1252, %swap3A_1253], %gather3A_1250 {strides = array<i32>} : memref<5x128xi32, #tpu.memory_space<vmem>>, vector<16xi32>,
        %add3A_1255 = arith.constant 32 : i32
        %add3A_1256 = vector.broadcast %add3A_1255 : i32 to vector<16xi32>
        %add3A_1257 = arith.addi %iota3A, %add3A_1256 : vector<16xi32>
        %mul3A_1258 = arith.constant 50 : i32
        %mul3A_1259 = vector.broadcast %mul3A_1258 : i32 to vector<16xi32>
        %mul3A_1260 = arith.muli %add3A_1257, %mul3A_1259 : vector<16xi32>
        %add3A_1261 = vector.broadcast %add3A_1223 : i32 to vector<16xi32>
        %add3A_1262 = arith.addi %mul3A_1260, %add3A_1261 : vector<16xi32>
        %gather3A_1263 = tpu.vector_load_idx %arg5[%add3A_1262] : memref<6400xi32, #tpu.memory_space<vmem>>[vector<16xi32>], vector<16xi32>,
        %swap3A_1264 = arith.constant 4 : i32
        %swap3A_1265 = arith.index_cast %swap3A_1264 : i32 to index
        %swap3A_1266 = arith.constant 32 : index
        %swap3A_1267 = tpu.vector_load %arg6[%swap3A_1265, %swap3A_1266] {strides = array<i32>} : memref<5x128xi32, #tpu.memory_space<vmem>>, vector<16xi32>,
        tpu.vector_store %arg6[%swap3A_1265, %swap3A_1266], %gather3A_1263 {strides = array<i32>} : memref<5x128xi32, #tpu.memory_space<vmem>>, vector<16xi32>,
        %add3A_1268 = arith.constant 48 : i32
        %add3A_1269 = vector.broadcast %add3A_1268 : i32 to vector<16xi32>
        %add3A_1270 = arith.addi %iota3A, %add3A_1269 : vector<16xi32>
        %mul3A_1271 = arith.constant 50 : i32
        %mul3A_1272 = vector.broadcast %mul3A_1271 : i32 to vector<16xi32>
        %mul3A_1273 = arith.muli %add3A_1270, %mul3A_1272 : vector<16xi32>
        %add3A_1274 = vector.broadcast %add3A_1223 : i32 to vector<16xi32>
        %add3A_1275 = arith.addi %mul3A_1273, %add3A_1274 : vector<16xi32>
        %gather3A_1276 = tpu.vector_load_idx %arg5[%add3A_1275] : memref<6400xi32, #tpu.memory_space<vmem>>[vector<16xi32>], vector<16xi32>,
        %swap3A_1277 = arith.constant 4 : i32
        %swap3A_1278 = arith.index_cast %swap3A_1277 : i32 to index
        %swap3A_1279 = arith.constant 48 : index
        %swap3A_1280 = tpu.vector_load %arg6[%swap3A_1278, %swap3A_1279] {strides = array<i32>} : memref<5x128xi32, #tpu.memory_space<vmem>>, vector<16xi32>,
        tpu.vector_store %arg6[%swap3A_1278, %swap3A_1279], %gather3A_1276 {strides = array<i32>} : memref<5x128xi32, #tpu.memory_space<vmem>>, vector<16xi32>,
        %add3A_1281 = arith.constant 64 : i32
        %add3A_1282 = vector.broadcast %add3A_1281 : i32 to vector<16xi32>
        %add3A_1283 = arith.addi %iota3A, %add3A_1282 : vector<16xi32>
        %mul3A_1284 = arith.constant 50 : i32
        %mul3A_1285 = vector.broadcast %mul3A_1284 : i32 to vector<16xi32>
        %mul3A_1286 = arith.muli %add3A_1283, %mul3A_1285 : vector<16xi32>
        %add3A_1287 = vector.broadcast %add3A_1223 : i32 to vector<16xi32>
        %add3A_1288 = arith.addi %mul3A_1286, %add3A_1287 : vector<16xi32>
        %gather3A_1289 = tpu.vector_load_idx %arg5[%add3A_1288] : memref<6400xi32, #tpu.memory_space<vmem>>[vector<16xi32>], vector<16xi32>,
        %swap3A_1290 = arith.constant 4 : i32
        %swap3A_1291 = arith.index_cast %swap3A_1290 : i32 to index
        %swap3A_1292 = arith.constant 64 : index
        %swap3A_1293 = tpu.vector_load %arg6[%swap3A_1291, %swap3A_1292] {strides = array<i32>} : memref<5x128xi32, #tpu.memory_space<vmem>>, vector<16xi32>,
        tpu.vector_store %arg6[%swap3A_1291, %swap3A_1292], %gather3A_1289 {strides = array<i32>} : memref<5x128xi32, #tpu.memory_space<vmem>>, vector<16xi32>,
        %add3A_1294 = arith.constant 80 : i32
        %add3A_1295 = vector.broadcast %add3A_1294 : i32 to vector<16xi32>
        %add3A_1296 = arith.addi %iota3A, %add3A_1295 : vector<16xi32>
        %mul3A_1297 = arith.constant 50 : i32
        %mul3A_1298 = vector.broadcast %mul3A_1297 : i32 to vector<16xi32>
        %mul3A_1299 = arith.muli %add3A_1296, %mul3A_1298 : vector<16xi32>
        %add3A_1300 = vector.broadcast %add3A_1223 : i32 to vector<16xi32>
        %add3A_1301 = arith.addi %mul3A_1299, %add3A_1300 : vector<16xi32>
        %gather3A_1302 = tpu.vector_load_idx %arg5[%add3A_1301] : memref<6400xi32, #tpu.memory_space<vmem>>[vector<16xi32>], vector<16xi32>,
        %swap3A_1303 = arith.constant 4 : i32
        %swap3A_1304 = arith.index_cast %swap3A_1303 : i32 to index
        %swap3A_1305 = arith.constant 80 : index
        %swap3A_1306 = tpu.vector_load %arg6[%swap3A_1304, %swap3A_1305] {strides = array<i32>} : memref<5x128xi32, #tpu.memory_space<vmem>>, vector<16xi32>,
        tpu.vector_store %arg6[%swap3A_1304, %swap3A_1305], %gather3A_1302 {strides = array<i32>} : memref<5x128xi32, #tpu.memory_space<vmem>>, vector<16xi32>,
        %add3A_1307 = arith.constant 96 : i32
        %add3A_1308 = vector.broadcast %add3A_1307 : i32 to vector<16xi32>
        %add3A_1309 = arith.addi %iota3A, %add3A_1308 : vector<16xi32>
        %mul3A_1310 = arith.constant 50 : i32
        %mul3A_1311 = vector.broadcast %mul3A_1310 : i32 to vector<16xi32>
        %mul3A_1312 = arith.muli %add3A_1309, %mul3A_1311 : vector<16xi32>
        %add3A_1313 = vector.broadcast %add3A_1223 : i32 to vector<16xi32>
        %add3A_1314 = arith.addi %mul3A_1312, %add3A_1313 : vector<16xi32>
        %gather3A_1315 = tpu.vector_load_idx %arg5[%add3A_1314] : memref<6400xi32, #tpu.memory_space<vmem>>[vector<16xi32>], vector<16xi32>,
        %swap3A_1316 = arith.constant 4 : i32
        %swap3A_1317 = arith.index_cast %swap3A_1316 : i32 to index
        %swap3A_1318 = arith.constant 96 : index
        %swap3A_1319 = tpu.vector_load %arg6[%swap3A_1317, %swap3A_1318] {strides = array<i32>} : memref<5x128xi32, #tpu.memory_space<vmem>>, vector<16xi32>,
        tpu.vector_store %arg6[%swap3A_1317, %swap3A_1318], %gather3A_1315 {strides = array<i32>} : memref<5x128xi32, #tpu.memory_space<vmem>>, vector<16xi32>,
        %add3A_1320 = arith.constant 112 : i32
        %add3A_1321 = vector.broadcast %add3A_1320 : i32 to vector<16xi32>
        %add3A_1322 = arith.addi %iota3A, %add3A_1321 : vector<16xi32>
        %mul3A_1323 = arith.constant 50 : i32
        %mul3A_1324 = vector.broadcast %mul3A_1323 : i32 to vector<16xi32>
        %mul3A_1325 = arith.muli %add3A_1322, %mul3A_1324 : vector<16xi32>
        %add3A_1326 = vector.broadcast %add3A_1223 : i32 to vector<16xi32>
        %add3A_1327 = arith.addi %mul3A_1325, %add3A_1326 : vector<16xi32>
        %gather3A_1328 = tpu.vector_load_idx %arg5[%add3A_1327] : memref<6400xi32, #tpu.memory_space<vmem>>[vector<16xi32>], vector<16xi32>,
        %swap3A_1329 = arith.constant 4 : i32
        %swap3A_1330 = arith.index_cast %swap3A_1329 : i32 to index
        %swap3A_1331 = arith.constant 112 : index
        %swap3A_1332 = tpu.vector_load %arg6[%swap3A_1330, %swap3A_1331] {strides = array<i32>} : memref<5x128xi32, #tpu.memory_space<vmem>>, vector<16xi32>,
        tpu.vector_store %arg6[%swap3A_1330, %swap3A_1331], %gather3A_1328 {strides = array<i32>} : memref<5x128xi32, #tpu.memory_space<vmem>>, vector<16xi32>,
        %dma_start3A_1333 = arith.constant 4 : i32
        %dma_start3A_1334 = arith.constant 4 : i32
        %dma_start3A_1335 = arith.constant 0 : i32
        %dma_start3A_1336 = arith.constant 0 : i32
        %dma_start3A_1337 = tpu.memref_slice %arg7[%dma_start3A_1334, %dma_start3A_1335, %dma_start3A_1336] : memref<5x128x64xf32, #tpu.memory_space<vmem>> -> memref<1x128x64xf32, #tpu.memory_space<vmem>>
        %dma_start3A_1338 = tpu.memref_squeeze %dma_start3A_1337 : memref<1x128x64xf32, #tpu.memory_space<vmem>> -> memref<128x64xf32, #tpu.memory_space<vmem>>
        %dma_start3A_1339 = arith.constant 0 : i32
        %dma_start3A_1340 = tpu.memref_slice %arg6[%dma_start3A_1333, %dma_start3A_1339] : memref<5x128xi32, #tpu.memory_space<vmem>> -> memref<1x128xi32, #tpu.memory_space<vmem>>
        %dma_start3A_1341 = tpu.memref_squeeze %dma_start3A_1340 : memref<1x128xi32, #tpu.memory_space<vmem>> -> memref<128xi32, #tpu.memory_space<vmem>>
        %dma_start3A_1342 = arith.constant 0 : i32
        %dma_start3A_1343 = arith.constant 0 : i32
        %dma_start3A_1344 = tpu.memref_slice %arg3[%dma_start3A_1342, %dma_start3A_1343] : memref<100000x64xf32, #tpu.memory_space<hbm>> -> memref<100000x64xf32, #tpu.memory_space<hbm>>
        tpu.enqueue_indirect_dma source(%dma_start3A_1344 : memref<100000x64xf32, #tpu.memory_space<hbm>>) target(%dma_start3A_1338 : memref<128x64xf32, #tpu.memory_space<vmem>>) offsets(%dma_start3A_1341 : memref<128xi32, #tpu.memory_space<vmem>>) semaphore(%arg13 : memref<!tpu.dma_semaphore, #tpu.memory_space<semaphore_mem>>)
      } else {
      }
    }
    %scan3A_847 = arith.constant 10 : i32
    %dma_wait3A = arith.constant 0 : i32
    %dma_wait3A_848 = arith.constant 45 : i32
    %dma_wait3A_849 = arith.constant 0 : i32
    %dma_wait3A_850 = arith.constant 0 : i32
    %dma_wait3A_851 = arith.constant 0 : i32
    %dma_wait3A_852 = tpu.memref_slice %arg8[%dma_wait3A, %dma_wait3A_849, %dma_wait3A_850, %dma_wait3A_851] : memref<5x8x8x129xf32, #tpu.memory_space<vmem>> -> memref<1x8x8x128xf32, #tpu.memory_space<vmem>>
    %dma_wait3A_853 = tpu.memref_squeeze %dma_wait3A_852 : memref<1x8x8x128xf32, #tpu.memory_space<vmem>> -> memref<8x8x128xf32, #tpu.memory_space<vmem>>
    %dma_wait3A_854 = arith.constant 0 : i32
    %dma_wait3A_855 = arith.constant 0 : i32
    %dma_wait3A_856 = arith.constant 0 : i32
    %dma_wait3A_857 = tpu.memref_slice %arg4[%dma_wait3A_848, %dma_wait3A_854, %add3A, %dma_wait3A_855, %dma_wait3A_856] : memref<50x8x32x8x128xf32, #tpu.memory_space<hbm>> -> memref<1x8x1x8x128xf32, #tpu.memory_space<hbm>>
    %dma_wait3A_858 = tpu.memref_squeeze %dma_wait3A_857 : memref<1x8x1x8x128xf32, #tpu.memory_space<hbm>> -> memref<8x8x128xf32, #tpu.memory_space<hbm>>
    %dma_wait3A_859 = arith.constant 0 : i32
    %dma_wait3A_860 = arith.constant 0 : i32
    %dma_wait3A_861 = arith.constant 0 : i32
    %dma_wait3A_862 = tpu.memref_slice %arg4[%dma_wait3A_848, %dma_wait3A_859, %add3A, %dma_wait3A_860, %dma_wait3A_861] : memref<50x8x32x8x128xf32, #tpu.memory_space<hbm>> -> memref<1x8x1x8x128xf32, #tpu.memory_space<hbm>>
    %dma_wait3A_863 = tpu.memref_squeeze %dma_wait3A_862 : memref<1x8x1x8x128xf32, #tpu.memory_space<hbm>> -> memref<8x8x128xf32, #tpu.memory_space<hbm>>
    %dma_wait3A_864 = arith.constant 0 : i32
    %dma_wait3A_865 = arith.constant 0 : i32
    %dma_wait3A_866 = arith.constant 0 : i32
    %dma_wait3A_867 = tpu.memref_slice %arg8[%dma_wait3A, %dma_wait3A_864, %dma_wait3A_865, %dma_wait3A_866] : memref<5x8x8x129xf32, #tpu.memory_space<vmem>> -> memref<1x8x8x128xf32, #tpu.memory_space<vmem>>
    %dma_wait3A_868 = tpu.memref_squeeze %dma_wait3A_867 : memref<1x8x8x128xf32, #tpu.memory_space<vmem>> -> memref<8x8x128xf32, #tpu.memory_space<vmem>>
    tpu.wait_dma2 semaphore(%arg14 : memref<!tpu.dma_semaphore, #tpu.memory_space<semaphore_mem>>) src(%dma_wait3A_868 : memref<8x8x128xf32, #tpu.memory_space<vmem>>) dst(%dma_wait3A_863 : memref<8x8x128xf32, #tpu.memory_space<hbm>>)
    %dma_wait3A_869 = arith.constant 1 : i32
    %dma_wait3A_870 = arith.constant 46 : i32
    %dma_wait3A_871 = arith.constant 0 : i32
    %dma_wait3A_872 = arith.constant 0 : i32
    %dma_wait3A_873 = arith.constant 0 : i32
    %dma_wait3A_874 = tpu.memref_slice %arg8[%dma_wait3A_869, %dma_wait3A_871, %dma_wait3A_872, %dma_wait3A_873] : memref<5x8x8x129xf32, #tpu.memory_space<vmem>> -> memref<1x8x8x128xf32, #tpu.memory_space<vmem>>
    %dma_wait3A_875 = tpu.memref_squeeze %dma_wait3A_874 : memref<1x8x8x128xf32, #tpu.memory_space<vmem>> -> memref<8x8x128xf32, #tpu.memory_space<vmem>>
    %dma_wait3A_876 = arith.constant 0 : i32
    %dma_wait3A_877 = arith.constant 0 : i32
    %dma_wait3A_878 = arith.constant 0 : i32
    %dma_wait3A_879 = tpu.memref_slice %arg4[%dma_wait3A_870, %dma_wait3A_876, %add3A, %dma_wait3A_877, %dma_wait3A_878] : memref<50x8x32x8x128xf32, #tpu.memory_space<hbm>> -> memref<1x8x1x8x128xf32, #tpu.memory_space<hbm>>
    %dma_wait3A_880 = tpu.memref_squeeze %dma_wait3A_879 : memref<1x8x1x8x128xf32, #tpu.memory_space<hbm>> -> memref<8x8x128xf32, #tpu.memory_space<hbm>>
    %dma_wait3A_881 = arith.constant 0 : i32
    %dma_wait3A_882 = arith.constant 0 : i32
    %dma_wait3A_883 = arith.constant 0 : i32
    %dma_wait3A_884 = tpu.memref_slice %arg4[%dma_wait3A_870, %dma_wait3A_881, %add3A, %dma_wait3A_882, %dma_wait3A_883] : memref<50x8x32x8x128xf32, #tpu.memory_space<hbm>> -> memref<1x8x1x8x128xf32, #tpu.memory_space<hbm>>
    %dma_wait3A_885 = tpu.memref_squeeze %dma_wait3A_884 : memref<1x8x1x8x128xf32, #tpu.memory_space<hbm>> -> memref<8x8x128xf32, #tpu.memory_space<hbm>>
    %dma_wait3A_886 = arith.constant 0 : i32
    %dma_wait3A_887 = arith.constant 0 : i32
    %dma_wait3A_888 = arith.constant 0 : i32
    %dma_wait3A_889 = tpu.memref_slice %arg8[%dma_wait3A_869, %dma_wait3A_886, %dma_wait3A_887, %dma_wait3A_888] : memref<5x8x8x129xf32, #tpu.memory_space<vmem>> -> memref<1x8x8x128xf32, #tpu.memory_space<vmem>>
    %dma_wait3A_890 = tpu.memref_squeeze %dma_wait3A_889 : memref<1x8x8x128xf32, #tpu.memory_space<vmem>> -> memref<8x8x128xf32, #tpu.memory_space<vmem>>
    tpu.wait_dma2 semaphore(%arg15 : memref<!tpu.dma_semaphore, #tpu.memory_space<semaphore_mem>>) src(%dma_wait3A_890 : memref<8x8x128xf32, #tpu.memory_space<vmem>>) dst(%dma_wait3A_885 : memref<8x8x128xf32, #tpu.memory_space<hbm>>)
    %dma_wait3A_891 = arith.constant 2 : i32
    %dma_wait3A_892 = arith.constant 47 : i32
    %dma_wait3A_893 = arith.constant 0 : i32
    %dma_wait3A_894 = arith.constant 0 : i32
    %dma_wait3A_895 = arith.constant 0 : i32
    %dma_wait3A_896 = tpu.memref_slice %arg8[%dma_wait3A_891, %dma_wait3A_893, %dma_wait3A_894, %dma_wait3A_895] : memref<5x8x8x129xf32, #tpu.memory_space<vmem>> -> memref<1x8x8x128xf32, #tpu.memory_space<vmem>>
    %dma_wait3A_897 = tpu.memref_squeeze %dma_wait3A_896 : memref<1x8x8x128xf32, #tpu.memory_space<vmem>> -> memref<8x8x128xf32, #tpu.memory_space<vmem>>
    %dma_wait3A_898 = arith.constant 0 : i32
    %dma_wait3A_899 = arith.constant 0 : i32
    %dma_wait3A_900 = arith.constant 0 : i32
    %dma_wait3A_901 = tpu.memref_slice %arg4[%dma_wait3A_892, %dma_wait3A_898, %add3A, %dma_wait3A_899, %dma_wait3A_900] : memref<50x8x32x8x128xf32, #tpu.memory_space<hbm>> -> memref<1x8x1x8x128xf32, #tpu.memory_space<hbm>>
    %dma_wait3A_902 = tpu.memref_squeeze %dma_wait3A_901 : memref<1x8x1x8x128xf32, #tpu.memory_space<hbm>> -> memref<8x8x128xf32, #tpu.memory_space<hbm>>
    %dma_wait3A_903 = arith.constant 0 : i32
    %dma_wait3A_904 = arith.constant 0 : i32
    %dma_wait3A_905 = arith.constant 0 : i32
    %dma_wait3A_906 = tpu.memref_slice %arg4[%dma_wait3A_892, %dma_wait3A_903, %add3A, %dma_wait3A_904, %dma_wait3A_905] : memref<50x8x32x8x128xf32, #tpu.memory_space<hbm>> -> memref<1x8x1x8x128xf32, #tpu.memory_space<hbm>>
    %dma_wait3A_907 = tpu.memref_squeeze %dma_wait3A_906 : memref<1x8x1x8x128xf32, #tpu.memory_space<hbm>> -> memref<8x8x128xf32, #tpu.memory_space<hbm>>
    %dma_wait3A_908 = arith.constant 0 : i32
    %dma_wait3A_909 = arith.constant 0 : i32
    %dma_wait3A_910 = arith.constant 0 : i32
    %dma_wait3A_911 = tpu.memref_slice %arg8[%dma_wait3A_891, %dma_wait3A_908, %dma_wait3A_909, %dma_wait3A_910] : memref<5x8x8x129xf32, #tpu.memory_space<vmem>> -> memref<1x8x8x128xf32, #tpu.memory_space<vmem>>
    %dma_wait3A_912 = tpu.memref_squeeze %dma_wait3A_911 : memref<1x8x8x128xf32, #tpu.memory_space<vmem>> -> memref<8x8x128xf32, #tpu.memory_space<vmem>>
    tpu.wait_dma2 semaphore(%arg16 : memref<!tpu.dma_semaphore, #tpu.memory_space<semaphore_mem>>) src(%dma_wait3A_912 : memref<8x8x128xf32, #tpu.memory_space<vmem>>) dst(%dma_wait3A_907 : memref<8x8x128xf32, #tpu.memory_space<hbm>>)
    %dma_wait3A_913 = arith.constant 3 : i32
    %dma_wait3A_914 = arith.constant 48 : i32
    %dma_wait3A_915 = arith.constant 0 : i32
    %dma_wait3A_916 = arith.constant 0 : i32
    %dma_wait3A_917 = arith.constant 0 : i32
    %dma_wait3A_918 = tpu.memref_slice %arg8[%dma_wait3A_913, %dma_wait3A_915, %dma_wait3A_916, %dma_wait3A_917] : memref<5x8x8x129xf32, #tpu.memory_space<vmem>> -> memref<1x8x8x128xf32, #tpu.memory_space<vmem>>
    %dma_wait3A_919 = tpu.memref_squeeze %dma_wait3A_918 : memref<1x8x8x128xf32, #tpu.memory_space<vmem>> -> memref<8x8x128xf32, #tpu.memory_space<vmem>>
    %dma_wait3A_920 = arith.constant 0 : i32
    %dma_wait3A_921 = arith.constant 0 : i32
    %dma_wait3A_922 = arith.constant 0 : i32
    %dma_wait3A_923 = tpu.memref_slice %arg4[%dma_wait3A_914, %dma_wait3A_920, %add3A, %dma_wait3A_921, %dma_wait3A_922] : memref<50x8x32x8x128xf32, #tpu.memory_space<hbm>> -> memref<1x8x1x8x128xf32, #tpu.memory_space<hbm>>
    %dma_wait3A_924 = tpu.memref_squeeze %dma_wait3A_923 : memref<1x8x1x8x128xf32, #tpu.memory_space<hbm>> -> memref<8x8x128xf32, #tpu.memory_space<hbm>>
    %dma_wait3A_925 = arith.constant 0 : i32
    %dma_wait3A_926 = arith.constant 0 : i32
    %dma_wait3A_927 = arith.constant 0 : i32
    %dma_wait3A_928 = tpu.memref_slice %arg4[%dma_wait3A_914, %dma_wait3A_925, %add3A, %dma_wait3A_926, %dma_wait3A_927] : memref<50x8x32x8x128xf32, #tpu.memory_space<hbm>> -> memref<1x8x1x8x128xf32, #tpu.memory_space<hbm>>
    %dma_wait3A_929 = tpu.memref_squeeze %dma_wait3A_928 : memref<1x8x1x8x128xf32, #tpu.memory_space<hbm>> -> memref<8x8x128xf32, #tpu.memory_space<hbm>>
    %dma_wait3A_930 = arith.constant 0 : i32
    %dma_wait3A_931 = arith.constant 0 : i32
    %dma_wait3A_932 = arith.constant 0 : i32
    %dma_wait3A_933 = tpu.memref_slice %arg8[%dma_wait3A_913, %dma_wait3A_930, %dma_wait3A_931, %dma_wait3A_932] : memref<5x8x8x129xf32, #tpu.memory_space<vmem>> -> memref<1x8x8x128xf32, #tpu.memory_space<vmem>>
    %dma_wait3A_934 = tpu.memref_squeeze %dma_wait3A_933 : memref<1x8x8x128xf32, #tpu.memory_space<vmem>> -> memref<8x8x128xf32, #tpu.memory_space<vmem>>
    tpu.wait_dma2 semaphore(%arg17 : memref<!tpu.dma_semaphore, #tpu.memory_space<semaphore_mem>>) src(%dma_wait3A_934 : memref<8x8x128xf32, #tpu.memory_space<vmem>>) dst(%dma_wait3A_929 : memref<8x8x128xf32, #tpu.memory_space<hbm>>)
    %dma_wait3A_935 = arith.constant 4 : i32
    %dma_wait3A_936 = arith.constant 49 : i32
    %dma_wait3A_937 = arith.constant 0 : i32
    %dma_wait3A_938 = arith.constant 0 : i32
    %dma_wait3A_939 = arith.constant 0 : i32
    %dma_wait3A_940 = tpu.memref_slice %arg8[%dma_wait3A_935, %dma_wait3A_937, %dma_wait3A_938, %dma_wait3A_939] : memref<5x8x8x129xf32, #tpu.memory_space<vmem>> -> memref<1x8x8x128xf32, #tpu.memory_space<vmem>>
    %dma_wait3A_941 = tpu.memref_squeeze %dma_wait3A_940 : memref<1x8x8x128xf32, #tpu.memory_space<vmem>> -> memref<8x8x128xf32, #tpu.memory_space<vmem>>
    %dma_wait3A_942 = arith.constant 0 : i32
    %dma_wait3A_943 = arith.constant 0 : i32
    %dma_wait3A_944 = arith.constant 0 : i32
    %dma_wait3A_945 = tpu.memref_slice %arg4[%dma_wait3A_936, %dma_wait3A_942, %add3A, %dma_wait3A_943, %dma_wait3A_944] : memref<50x8x32x8x128xf32, #tpu.memory_space<hbm>> -> memref<1x8x1x8x128xf32, #tpu.memory_space<hbm>>
    %dma_wait3A_946 = tpu.memref_squeeze %dma_wait3A_945 : memref<1x8x1x8x128xf32, #tpu.memory_space<hbm>> -> memref<8x8x128xf32, #tpu.memory_space<hbm>>
    %dma_wait3A_947 = arith.constant 0 : i32
    %dma_wait3A_948 = arith.constant 0 : i32
    %dma_wait3A_949 = arith.constant 0 : i32
    %dma_wait3A_950 = tpu.memref_slice %arg4[%dma_wait3A_936, %dma_wait3A_947, %add3A, %dma_wait3A_948, %dma_wait3A_949] : memref<50x8x32x8x128xf32, #tpu.memory_space<hbm>> -> memref<1x8x1x8x128xf32, #tpu.memory_space<hbm>>
    %dma_wait3A_951 = tpu.memref_squeeze %dma_wait3A_950 : memref<1x8x1x8x128xf32, #tpu.memory_space<hbm>> -> memref<8x8x128xf32, #tpu.memory_space<hbm>>
    %dma_wait3A_952 = arith.constant 0 : i32
    %dma_wait3A_953 = arith.constant 0 : i32
    %dma_wait3A_954 = arith.constant 0 : i32
    %dma_wait3A_955 = tpu.memref_slice %arg8[%dma_wait3A_935, %dma_wait3A_952, %dma_wait3A_953, %dma_wait3A_954] : memref<5x8x8x129xf32, #tpu.memory_space<vmem>> -> memref<1x8x8x128xf32, #tpu.memory_space<vmem>>
    %dma_wait3A_956 = tpu.memref_squeeze %dma_wait3A_955 : memref<1x8x8x128xf32, #tpu.memory_space<vmem>> -> memref<8x8x128xf32, #tpu.memory_space<vmem>>
    tpu.wait_dma2 semaphore(%arg18 : memref<!tpu.dma_semaphore, #tpu.memory_space<semaphore_mem>>) src(%dma_wait3A_956 : memref<8x8x128xf32, #tpu.memory_space<vmem>>) dst(%dma_wait3A_951 : memref<8x8x128xf32, #tpu.memory_space<hbm>>)
    return
  }
}

</mosaic_0001>

<sc_bundles>
// kernel: sc_embedding_gather.3.cloned.1.call-start
scs
__scs_entry_jumppad:
0x0: {  	(pc) =	sbr.rel $0x88, $3  }
0x1: {  	(tag) =	ssettag $0x0;
	lr =	simm.s32 $0x1  }
0x2: {  	[smem:$0x3F9F] =	sst lr;
	_ =	strace $0xD0000000  }
0x3: {  	_ = 	snop  }
0x4: {  	_ = 	snop  }
0x5: {  	_ = 	snop  }
0x6: {  	_ = 	snop  }
0x7: {  	_ = 	snop  }
__scs_overlays_trampoline_lowered:
0x8: {  	[smem:$0x3FAE] =	sst s0  }
0x9: {  	[smem:$0x3FAF] =	sst s1  }
0xa: {  	[smem:$0x3FB0] =	sst s2  }
0xb: {  	[smem:$0x3FB1] =	sst s3  }
0xc: {  	[smem:$0x3FB2] =	sst s4  }
0xd: {  	[smem:$0x3FB3] =	sst s5  }
0xe: {  	[smem:$0x3FB4] =	sst s6  }
0xf: {  	[smem:$0x3FB5] =	sst s7  }
0x10: {  	[smem:$0x3FB6] =	sst s8  }
0x11: {  	[smem:$0x3FB7] =	sst s9;
	s0 =	simm.s32 @!p0 $0x0  }
0x12: {  	s1 =	sld [smem:$0x3F9D];
	s0 =	simm.s32 @p0 $0x1  }
0x13: {  	[smem:$0x3FB8] =	sst s0;
	s0 =	simm.s32 @!p1 $0x0  }
0x14: {  	s2 =	sld [smem:$0x3F9C];
	s0 =	simm.s32 @p1 $0x1  }
0x15: {  	[smem:$0x3FB9] =	sst s0;
	s0 =	simm.s32 @!p2 $0x0  }
0x16: {  	s3 =	sld [smem:$0x3FDB];
	s0 =	simm.s32 @p2 $0x1  }
0x17: {  	s4 =	simm.s32 $0x1BF5;
	[smem:$0x3FBB] =	sst s0  }
0x18: {  	s0 =	sld [smem:$0x3F9E];
	_ =	swait.ge [sflag:s4], $0x0  }
0x19: {  	s7 =	sld [smem:$0x3F9F]  }
0x1a: {  	s8 =	sadd.s32 $0xFFFFE003, lr  }
0x1b: {  	s9 =	sadd.s32 $0xFFFFFEF7, lr;
	s5 =	simm.s32 $0xFFFFFFFF;
	p2 =	slt.u32 s8, $0xFFFFF086  }
0x1c: {  	p1 =	slt.u32 s9, $0xF7A;
	s5 =	simm.s32 @!p2 $0x0  }
0x1d: {  	s5 =	simm.s32 @p1 $0x1;
	p0 =	seq.s32 s7, s2  }
0x1e: {  	s7 =	smul.u32 @!p0 $0xF7A, s2;
	p2 =	seq.s32 @!p0 s5, $0x0  }
0x1f: {  	s9 =	smul.u32 $0xF7A, s1;
	s8 =	simm.s32 @!p0 $0x1BF5;
	p2 =	por !p2, p0  }
0x20: {  	[sflag:s8] =	ssyncset.s32 @!p0 $0xFFFFF086;
	s6 =	sadd.s32 @!p0 s3, s7;
	s7 =	simm.s32 @!p0 $0x108  }
0x21: {  	s3 =	sadd.s32 s3, s9;
	s6 =	sadd.s32 @!p0 $0x88, s6;
	s7 =	simm.s32 @p2 $0x1082  }
0x22: {  	[simem:s7], [sflag:s8] =	dma.local @!p0 [hbm:s6], $0xF7A  }
0x23: {  	s9 =	sor.u32 $0xD0000000, s2;
	s6 =	simm.s32 $0x108;
	_ =	swait.ge @!p0 [sflag:s8], $0x0  }
0x24: {  	s3 =	sadd.s32 $0x88, s3;
	s6 =	simm.s32 @!p1 $0x1082;
	[sflag:s4] =	ssyncset.s32 $0xFFFFF086  }
0x25: {  	[simem:s6], [sflag:s4] =	dma.local [hbm:s3], $0xF7A  }
0x26: {  	[smem:$0x3F9F] =	sst s1;
	(tag) =	ssettag s2;
	_ =	strace s9  }
0x27: {  	s1 =	sld [smem:$0x3FAF]  }
0x28: {  	s2 =	sld [smem:$0x3FB0]  }
0x29: {  	s4 =	sld [smem:$0x3FB2]  }
0x2a: {  	p0 =	seq.s32 s5, $0x0;
	s5 =	sld [smem:$0x3FB3]  }
0x2b: {  	s6 =	sld [smem:$0x3FB4]  }
0x2c: {  	s7 =	sld [smem:$0x3FB5]  }
0x2d: {  	s3 =	simm.s32 $0x108;
	s8 =	sld [smem:$0x3FB6]  }
0x2e: {  	s3 =	simm.s32 @!p0 $0x1082;
	s9 =	sld [smem:$0x3FB7]  }
0x2f: {  	lr =	sadd.s32 s0, s3;
	s0 =	sld [smem:$0x3FAE]  }
0x30: {  	s3 =	sld [smem:$0x3FB1]  }
0x31: {  	[smem:$0x3FBA] =	sst s10  }
0x32: {  	s10 =	sld [smem:$0x3FB8];
	_ =	sdelay $0x3  }
0x33: {  	p0 =	seq.s32 s10, $0x1;
	s10 =	sld [smem:$0x3FBA];
	_ =	sdelay $0x3  }
0x34: {  	[smem:$0x3FBA] =	sst s10  }
0x35: {  	s10 =	sld [smem:$0x3FB9];
	_ =	sdelay $0x3  }
0x36: {  	p1 =	seq.s32 s10, $0x1;
	s10 =	sld [smem:$0x3FBA];
	_ =	sdelay $0x3  }
0x37: {  	[smem:$0x3FBA] =	sst s10  }
0x38: {  	s10 =	sld [smem:$0x3FBB]  }
0x39: {  	_ = 	snop;
	(pc) =	sbr.ind lr, $3  }
0x3a: {  	_ = 	snop  }
0x3b: {  	_ = 	snop  }
0x3c: {  	p2 =	seq.s32 s10, $0x1;
	s10 =	sld [smem:$0x3FBA]  }
0x3d: {  	_ =	shalt  }
0x3e: {  	_ =	shalt  }
0x3f: {  	_ =	shalt  }
0x40: {  	_ =	shalt  }
0x41: {  	_ =	shalt  }
0x42: {  	_ =	shalt  }
0x43: {  	_ =	shalt  }
0x44: {  	_ =	shalt  }
0x45: {  	_ =	shalt  }
0x46: {  	_ =	shalt  }
0x47: {  	_ =	shalt  }
0x48: {  	_ =	shalt  }
0x49: {  	_ =	shalt  }
0x4a: {  	_ =	shalt  }
0x4b: {  	_ =	shalt  }
0x4c: {  	_ =	shalt  }
0x4d: {  	_ =	shalt  }
0x4e: {  	_ =	shalt  }
0x4f: {  	_ =	shalt  }
0x50: {  	_ =	shalt  }
0x51: {  	_ =	shalt  }
0x52: {  	_ =	shalt  }
0x53: {  	_ =	shalt  }
0x54: {  	_ =	shalt  }
0x55: {  	_ =	shalt  }
0x56: {  	_ =	shalt  }
0x57: {  	_ =	shalt  }
0x58: {  	_ =	shalt  }
0x59: {  	_ =	shalt  }
0x5a: {  	_ =	shalt  }
0x5b: {  	_ =	shalt  }
0x5c: {  	_ =	shalt  }
0x5d: {  	_ =	shalt  }
0x5e: {  	_ =	shalt  }
0x5f: {  	_ =	shalt  }
0x60: {  	_ =	shalt  }
0x61: {  	_ =	shalt  }
0x62: {  	_ =	shalt  }
0x63: {  	_ =	shalt  }
0x64: {  	_ =	shalt  }
0x65: {  	_ =	shalt  }
0x66: {  	_ =	shalt  }
0x67: {  	_ =	shalt  }
0x68: {  	_ =	shalt  }
0x69: {  	_ =	shalt  }
0x6a: {  	_ =	shalt  }
0x6b: {  	_ =	shalt  }
0x6c: {  	_ =	shalt  }
0x6d: {  	_ =	shalt  }
0x6e: {  	_ =	shalt  }
0x6f: {  	_ =	shalt  }
0x70: {  	_ =	shalt  }
0x71: {  	_ =	shalt  }
0x72: {  	_ =	shalt  }
0x73: {  	_ =	shalt  }
0x74: {  	_ =	shalt  }
0x75: {  	_ =	shalt  }
0x76: {  	_ =	shalt  }
0x77: {  	_ =	shalt  }
0x78: {  	_ =	shalt  }
0x79: {  	_ =	shalt  }
0x7a: {  	_ =	shalt  }
0x7b: {  	_ =	shalt  }
0x7c: {  	_ =	shalt  }
0x7d: {  	_ =	shalt  }
0x7e: {  	_ =	shalt  }
0x7f: {  	_ =	shalt  }
0x80: {  	_ =	shalt  }
0x81: {  	_ =	shalt  }
0x82: {  	_ =	shalt  }
0x83: {  	_ =	shalt  }
0x84: {  	_ =	shalt  }
0x85: {  	_ =	shalt  }
0x86: {  	_ =	shalt  }
0x87: {  	_ =	shalt  }
.Lfunc_end0:
.L_simem_size_0:
called_computation_lowered:
.L_overlay_start_0:
0x88: {  	s2 =	sld [smem:$0x3FD9]  }
0x89: {  	s3 =	sld [smem:$0x3FFE];
	_ =	sdelay $0x1  }
0x8a: {  	s1 =	srdreg.scid  }
0x8b: {  	s0 =	sand.u32 $0x1, s1  }
0x8c: {  	s17 =	sshll.u32 s0, $0xA;
	s2 =	sadd.s32 s3, s2  }
0x8d: {  	s2 =	sadd.s32 s2, s17  }
0x8e: {  	[smem:$0x3FC6] =	sst s2  }
0x8f: {  	_ = 	snop  }
0x90: {  	s2 =	sld [smem:$0x3FD0];
	(tm) =	ssettm $0x1  }
0x91: {  	s18 =	sld [smem:$0x3FFB];
	_ =	sdelay $0x3  }
0x92: {  	_ =	strace s18  }
0x93: {  	s3 =	sld [smem:$0x3FFC];
	_ =	sdelay $0x3  }
0x94: {  	_ =	strace s3  }
0x95: {  	s3 =	sld [smem:$0x3FFD];
	_ =	sdelay $0x3  }
0x96: {  	_ =	strace s3  }
0x97: {  	_ =	strace $0x8FFFFFFF  }
0x98: {  	s19 =	sld [smem:$0x3FDB];
	_ =	sdelay $0x1  }
0x99: {  	s4 =	simm.s32 $_scs_section_size  }
0x9a: {  	s5 =	simm.s32 $_size__tile_overlayer_lowered;
	s6 =	simm.s32 $_tile_overlayer_lowered  }
0x9b: {  	s22 =	simm.s32 $0x1BFF;
	s21 =	sshll.u32 s6, $0x1;
	s3 =	sadd.s32 s4, s19  }
0x9c: {  	s7 =	simm.s32 $0x0;
	s20 =	sshll.u32 s5, $0x1;
	s5 =	sadd.s32 s21, s3  }
0x9d: {  	[timem:s7], [sflag:s22] =	dma.local [hbm:s5], s20  }
0x9e: {  	_ =	swait.ge [sflag:s22], s20  }
0x9f: {  	s4 =	ssub.s32 $0x0, s20;
	[sflag:s22] =	ssyncset.done $0x0  }
0xa0: {  	[sflag:s22] =	ssyncadd.s32 s4;
	_ =	sdelay $0x1  }
0xa1: {  	s23 =	simm.s32 $0x1B8B  }
0xa2: {  	_ =	swait.ge [sflag:s23], $0x1  }
0xa3: {  	[sflag:s23] =	ssyncset.done $0x0  }
0xa4: {  	s25 =	simm.s32 $0x1B8E;
	s24 =	sld [smem:$0x3FFE];
	[sflag:s23] =	ssyncadd.s32 $0xFFFFFFFF  }
0xa5: {  	s26 =	simm.s32 $execute0_lowered;
	[smem:$0x3FD2] =	sst s25  }
0xa6: {  	s5 =	sshll.u32 s26, $0x1;
	_ =	strace $0x80000046;
	[dreg:$0x1] =	wrdreg $0xFFFFFFFF  }
0xa7: {  	s28 =	simm.s32 $_size_execute0_lowered;
	s3 =	sadd.s32 s3, s5;
	[dreg:$0x0] =	wrdreg $0x0  }
0xa8: {  	s5 =	sshll.u32 s28, $0x1;
	[dreg:$0x2] =	wrdreg s3  }
0xa9: {  	[dreg:$0x3] =	wrdreg s5  }
0xaa: {  	[dreg:$0x4] =	wrdreg $0xC0  }
0xab: {  	_ =	task [dreg:s7], $0x5FFFF  }
0xac: {  	[dreg:$0x1] =	wrdreg $0xFFFFFFFF  }
0xad: {  	[dreg:$0x0] =	wrdreg $0x60  }
0xae: {  	[dreg:$0x2] =	wrdreg s24  }
0xaf: {  	[dreg:$0x3] =	wrdreg s2  }
0xb0: {  	[dreg:$0x4] =	wrdreg $0x9  }
0xb1: {  	_ =	task.clear_ibuf [dreg:s7], $0x5FFFF;
	_ =	strace $0x90000046  }
0xb2: {  	s29 =	simm.s32 $0x9;
	_ =	strace $0x80000048  }
0xb3: {  	_ =	swait.ge [sflag:s29], $0x1  }
0xb4: {  	[sflag:s29] =	ssyncadd.s32 $0xFFFFFFFF  }
0xb5: {  	_ =	strace $0x90000048  }
0xb6: {  	_ =	sfence  }
0xb7: {  	s30 =	sld [smem:$0x0];
	_ =	sdelay $0x2  }
0xb8: {  	s31 =	sshll.u32 s1, $0xD;
	s1 =	sshrl.u32 s1, $0x2  }
0xb9: {  	s3 =	sand.u32 $0x4000, s31;
	s1 =	sadd.s32 s1, s30  }
0xba: {  	s0 =	sor.u32 s3, s0;
	s1 =	sshll.u32 s1, $0x11  }
0xbb: {  	s0 =	sor.u32 s1, s0  }
0xbc: {  	s0 =	sadd.s32 $0x8F2B, s0  }
0xbd: {  	[sflag:s0] =	ssyncadd.remote.s32 $0x1  }
0xbe: {  	_ =	sfence.sel $0xFFFF  }
0xbf: {  	[dreg:$0x0] =	wrdreg $0xFFFFFFFF;
	(pc) =	sbr.abs _section_cstart, $3  }
0xc0: {  	[dreg:$0x1] =	wrdreg $0xFFFFFFFF  }
0xc1: {  	_ =	task.clear_ibuf [dreg:s7], $0x2FFFF;
	_ =	strace $0x9FFFFFFF  }
0xc2: {  	(tm) =	ssettm $0x7FFFFFFF  }
0xc3: {  	_ =	shalt  }
tec
execute0_lowered:
.L_overlay_start_1:
0x0: {  	(tag) =	ssettag $0x1  }
0x1: {  	v8 =	vlaneseq.u32  }
0x2: {  	v0 =	vmul.u32 $0x32, v8;
	_ =	sdelay $0x1  }
0x3: {  	v9 =	vor.u32 $0x1, v0  }
0x4: {  	v46 =	vadd.s32 $0x321, v0;
	[tilespmem:$0x1FED0] =	vst v9  }
0x5: {  	v47 =	vadd.s32 $0x641, v0;
	[tilespmem:$0x1FEE0] =	vst v46  }
0x6: {  	v48 =	vadd.s32 $0x961, v0;
	[tilespmem:$0x1FEF0] =	vst v47  }
0x7: {  	vm0 =	vcmask $0x300;
	v49 =	vadd.s32 $0xC81, v0;
	[tilespmem:$0x1FF00] =	vst v48  }
0x8: {  	v38 =	vmul.u32 $0x88, v8;
	v8 =	vimm.s32 $0x0;
	v50 =	vadd.s32 $0xFA1, v0;
	[tilespmem:$0x1FF10] =	vst v49  }
0x9: {  	v41 =	vsel vm0, $0x3, v8;
	v51 =	vadd.s32 $0x12C1, v0;
	[tilespmem:$0x1FF20] =	vst v50  }
0xa: {  	v1 =	vadd.s32 $0x320, v0;
	v2 =	vadd.s32 $0x640, v0;
	v52 =	vadd.s32 $0x15E1, v0;
	[tilespmem:$0x1FF30] =	vst v51  }
0xb: {  	v3 =	vadd.s32 $0x960, v0;
	v4 =	vadd.s32 $0xC80, v0;
	v53 =	vadd.s32 $0x2, v0;
	[tilespmem:$0x1FF40] =	vst v52  }
0xc: {  	v5 =	vadd.s32 $0xFA0, v0;
	v6 =	vadd.s32 $0x12C0, v0;
	v54 =	vadd.s32 $0x322, v0;
	[tilespmem:$0x1FF50] =	vst v53  }
0xd: {  	s0 =	rddreg [dreg:$0x0];
	s1 =	srdreg.scid;
	v7 =	vadd.s32 $0x15E0, v0;
	v55 =	vadd.s32 $0x642, v0;
	v56 =	vadd.s32 $0x962, v0;
	[tilespmem:$0x1FF60] =	vst v54  }
0xe: {  	s3 =	stileid.u32;
	s2 =	rddreg [dreg:$0x1];
	s13 =	simm.s32 $0x80;
	v57 =	vadd.s32 $0xC82, v0;
	v58 =	vadd.s32 $0xFA2, v0;
	v59 =	vadd.s32 $0x12C2, v0;
	[tilespmem:$0x1FF70] =	vst v55  }
0xf: {  	s28 =	simm.s32 $0x7;
	s29 =	simm.s32 $0xDD80;
	s30 =	simm.s32 $0x3;
	v60 =	vadd.s32 $0x15E2, v0;
	v61 =	vadd.s32 $0x3, v0;
	v62 =	vadd.s32 $0x323, v0;
	[tilespmem:$0x1FF80] =	vst v56  }
0x10: {  	s31 =	simm.s32 $0x8;
	s11 =	simm.s32 $0x12180;
	s12 =	simm.s32 $0x5;
	v63 =	vadd.s32 $0x643, v0;
	v27 =	vadd.s32 $0x963, v0;
	v28 =	vadd.s32 $0xC83, v0;
	[tilespmem:$0x1FF90] =	vst v57  }
0x11: {  	s14 =	simm.s32 $0xA;
	s1 =	sand.u32 $0x1, s1;
	s4 =	sshll.u32 s3, $0x1;
	v29 =	vadd.s32 $0xFA3, v0;
	v30 =	vadd.s32 $0x12C3, v0;
	v31 =	vadd.s32 $0x15E3, v0;
	[tilespmem:$0x1FFA0] =	vst v58  }
0x12: {  	s15 =	simm.s32 $0x14380;
	s3 =	simm.s32 $0x0;
	s5 =	sor.u32 s1, s4;
	v32 =	vadd.s32 $0x4, v0;
	v33 =	vadd.s32 $0x324, v0;
	v34 =	vadd.s32 $0x644, v0;
	[tilespmem:$0x1FFB0] =	vst v59  }
0x13: {  	[smem:$0x7FF] =	sst s3;
	s1 =	ssub.s32 $0x2, s1;
	s4 =	smul.u32 $0x320, s5;
	v35 =	vadd.s32 $0x964, v0;
	v36 =	vadd.s32 $0xC84, v0;
	v37 =	vadd.s32 $0xFA4, v0;
	[tilespmem:$0x1FFC0] =	vst v60  }
0x14: {  	s8 =	simm.s32 $0x0;
	s23 =	sshrl.u32 s1, $0x1;
	v39 =	vadd.s32 $0x12C4, v0;
	v40 =	vadd.s32 $0x15E4, v0;
	v42 =	vadd.s32 $0x880, v38;
	_ =	strace $0x80000047  }
0x15: {  	v43 =	vadd.s32 $0x1100, v38;
	v44 =	vadd.s32 $0x1980, v38;
	v45 =	vor.u32 $0x1, v38;
	s6 =	sadd.s32 s4, s0;
	s4 =	sadd.s32 $0x6800, s0;
	s0 =	ssub.s32 s1, s23  }
0x16: {  	v46 =	vadd.s32 $0x881, v38;
	v47 =	vadd.s32 $0x1101, v38;
	v48 =	vadd.s32 $0x1981, v38;
	s1 =	simm.s32 $0xFF80;
	s24 =	sadd.s32 $0x400, s6;
	s6 =	sshll.u32 s5, $0xA  }
.Ltmp0:
0x17: {  	v49 =	vor.u32 $0x2, v38;
	v50 =	vadd.s32 $0x882, v38;
	v51 =	vadd.s32 $0x1102, v38;
	s0 =	smax.u32 s0, $0x1;
	s5 =	simm.s32 $0x9;
	(pc) =	sbr.rel .LBB2_1-.Ltmp0, $4  }
0x18: {  	v52 =	vadd.s32 $0x1982, v38;
	v53 =	vor.u32 $0x3, v38;
	v54 =	vadd.s32 $0x883, v38;
	[dreg:$0x3] =	wrdreg s24;
	s25 =	sor.u32 $0x40000, s6;
	s26 =	sor.u32 $0x80000, s6  }
0x19: {  	v55 =	vadd.s32 $0x1103, v38;
	v56 =	vadd.s32 $0x1983, v38;
	v57 =	vor.u32 $0x4, v38;
	[tilespmem:$0x1FFD0] =	vst v61;
	s9 =	sor.u32 $0xC0000, s6;
	s10 =	sor.u32 $0x100000, s6;
	[dreg:$0x6] =	wrdreg s0  }
0x1a: {  	v58 =	vadd.s32 $0x884, v38;
	v59 =	vadd.s32 $0x1104, v38;
	v60 =	vadd.s32 $0x1984, v38;
	[tilespmem:$0x1FFE0] =	vst v62;
	s24 =	simm.s32 $0x1;
	s0 =	simm.s32 $0x4;
	[dreg:$0x4] =	wrdreg s25  }
0x1b: {  	[tilespmem:$0x1FFF0] =	vst v63;
	v61 =	vor.u32 $0x5, v38;
	v62 =	vadd.s32 $0x885, v38;
	v63 =	vadd.s32 $0x1105, v38;
	[dreg:$0x5] =	wrdreg s26;
	s25 =	simm.s32 $0xBB80;
	s26 =	simm.s32 $0x2  }
.LBB2_40:
0x1c: {  	s7 =	simm.s32 $0x6  }
0x1d: {  	_ =	swait.ge [sflag:s7], $0x2000  }
0x1e: {  	[sflag:s7] =	ssyncset.done $0x0  }
0x1f: {  	[sflag:s7] =	ssyncadd.s32 $0xFFFFE000  }
0x20: {  	_ =	swait.ge [sflag:s28], $0x2000  }
0x21: {  	[sflag:s28] =	ssyncset.done $0x0  }
0x22: {  	[sflag:s28] =	ssyncadd.s32 $0xFFFFE000  }
0x23: {  	_ =	swait.ge [sflag:s31], $0x2000  }
0x24: {  	[sflag:s31] =	ssyncset.done $0x0  }
0x25: {  	[sflag:s31] =	ssyncadd.s32 $0xFFFFE000  }
0x26: {  	_ =	swait.ge [sflag:s5], $0x2000  }
0x27: {  	[sflag:s5] =	ssyncset.done $0x0  }
0x28: {  	[sflag:s5] =	ssyncadd.s32 $0xFFFFE000  }
0x29: {  	_ =	swait.ge [sflag:s14], $0x2000  }
0x2a: {  	s8 =	rddreg [dreg:$0x7]  }
0x2b: {  	s23 =	rddreg [dreg:$0x6];
	s8 =	sadd.s32 $0x1, s8  }
0x2c: {  	p0 =	sne.s32 s8, s23  }
.Ltmp1:
0x2d: {  	_ = 	snop;
	(pc) =	sbr.rel @!p0 .LBB2_41-.Ltmp1, $3  }
0x2e: {  	_ =	sdelay $0x1  }
0x2f: {  	[sflag:s14] =	ssyncset.done $0x0  }
0x30: {  	[sflag:s14] =	ssyncadd.s32 $0xFFFFE000  }
.LBB2_1:
0x31: {  	[dreg:$0x7] =	wrdreg s8  }
0x32: {  	s7 =	rddreg [dreg:$0x3];
	s21 =	simm.s32 $0xB  }
0x33: {  	[tilespmem:s3], [sflag:$0xB] =	stream.linear.gather [hbm4b:s7+s3], $0x1900, $0x38;
	[tilespmem:$0x16580] =	vst v63  }
0x34: {  	_ =	swait.ge [sflag:s21], $0x1900  }
0x35: {  	[sflag:s21] =	ssyncset.done $0x0  }
0x36: {  	[sflag:s21] =	ssyncadd.s32 $0xFFFFE700  }
0x37: {  	v8 =	vld.idx.msk [tilespmem:v0+s3+$0x0], $0xffff;
	_ =	sdelay $0x4  }
0x38: {  	[tilespmem:$0x1900] =	vst v8  }
0x39: {  	v8 =	vld.idx.msk [tilespmem:v1+s3+$0x0], $0xffff;
	_ =	sdelay $0x4  }
0x3a: {  	[tilespmem:$0x1910] =	vst v8  }
0x3b: {  	v8 =	vld.idx.msk [tilespmem:v2+s3+$0x0], $0xffff;
	_ =	sdelay $0x4  }
0x3c: {  	[tilespmem:$0x1920] =	vst v8  }
0x3d: {  	v8 =	vld.idx.msk [tilespmem:v3+s3+$0x0], $0xffff;
	_ =	sdelay $0x4  }
0x3e: {  	[tilespmem:$0x1930] =	vst v8  }
0x3f: {  	v8 =	vld.idx.msk [tilespmem:v4+s3+$0x0], $0xffff;
	_ =	sdelay $0x4  }
0x40: {  	[tilespmem:$0x1940] =	vst v8  }
0x41: {  	v8 =	vld.idx.msk [tilespmem:v5+s3+$0x0], $0xffff;
	_ =	sdelay $0x4  }
0x42: {  	[tilespmem:$0x1950] =	vst v8  }
0x43: {  	v8 =	vld.idx.msk [tilespmem:v6+s3+$0x0], $0xffff;
	_ =	sdelay $0x4  }
0x44: {  	[tilespmem:$0x1960] =	vst v8  }
0x45: {  	v8 =	vld.idx.msk [tilespmem:v7+s3+$0x0], $0xffff;
	_ =	sdelay $0x4  }
0x46: {  	[tilespmem:$0x1970] =	vst v8;
	v8 =	vld [tilespmem:$0x1FED0];
	_ =	sdelay $0x5  }
0x47: {  	s22 =	simm.s32 $0x1900;
	s23 =	simm.s32 $0x1B80  }
0x48: {  	[tilespmem:s23], [sflag:$0x1] =	stream.indirect.gather [hbm4b:s4+s13], $0x40, s22, s13, $0xb8;
	[tilespmem:$0x16580] =	vst v63  }
0x49: {  	v8 =	vld.idx.msk [tilespmem:v8+s3+$0x0], $0xffff;
	_ =	sdelay $0x4  }
0x4a: {  	[tilespmem:$0x1980] =	vst v8;
	v8 =	vld [tilespmem:$0x1FEE0];
	_ =	sdelay $0x7  }
0x4b: {  	v8 =	vld.idx.msk [tilespmem:v8+s3+$0x0], $0xffff;
	_ =	sdelay $0x4  }
0x4c: {  	[tilespmem:$0x1990] =	vst v8;
	v8 =	vld [tilespmem:$0x1FEF0];
	_ =	sdelay $0x7  }
0x4d: {  	v8 =	vld.idx.msk [tilespmem:v8+s3+$0x0], $0xffff;
	_ =	sdelay $0x4  }
0x4e: {  	[tilespmem:$0x19A0] =	vst v8;
	v8 =	vld [tilespmem:$0x1FF00];
	_ =	sdelay $0x7  }
0x4f: {  	v8 =	vld.idx.msk [tilespmem:v8+s3+$0x0], $0xffff;
	_ =	sdelay $0x4  }
0x50: {  	[tilespmem:$0x19B0] =	vst v8;
	v8 =	vld [tilespmem:$0x1FF10];
	_ =	sdelay $0x7  }
0x51: {  	v8 =	vld.idx.msk [tilespmem:v8+s3+$0x0], $0xffff;
	_ =	sdelay $0x4  }
0x52: {  	[tilespmem:$0x19C0] =	vst v8;
	v8 =	vld [tilespmem:$0x1FF20];
	_ =	sdelay $0x7  }
0x53: {  	v8 =	vld.idx.msk [tilespmem:v8+s3+$0x0], $0xffff;
	_ =	sdelay $0x4  }
0x54: {  	[tilespmem:$0x19D0] =	vst v8;
	v8 =	vld [tilespmem:$0x1FF30];
	_ =	sdelay $0x7  }
0x55: {  	v8 =	vld.idx.msk [tilespmem:v8+s3+$0x0], $0xffff;
	_ =	sdelay $0x4  }
0x56: {  	[tilespmem:$0x19E0] =	vst v8;
	v8 =	vld [tilespmem:$0x1FF40];
	_ =	sdelay $0x7  }
0x57: {  	v8 =	vld.idx.msk [tilespmem:v8+s3+$0x0], $0xffff;
	_ =	sdelay $0x4  }
0x58: {  	[tilespmem:$0x19F0] =	vst v8;
	v8 =	vld [tilespmem:$0x1FF50];
	_ =	sdelay $0x5  }
0x59: {  	s16 =	simm.s32 $0x1980;
	s17 =	simm.s32 $0x3B80  }
0x5a: {  	[tilespmem:s17], [sflag:$0x2] =	stream.indirect.gather [hbm4b:s4+s13], $0x40, s16, s13, $0xb8;
	[tilespmem:$0x16580] =	vst v63  }
0x5b: {  	v8 =	vld.idx.msk [tilespmem:v8+s3+$0x0], $0xffff;
	_ =	sdelay $0x4  }
0x5c: {  	[tilespmem:$0x1A00] =	vst v8;
	v8 =	vld [tilespmem:$0x1FF60];
	_ =	sdelay $0x7  }
0x5d: {  	v8 =	vld.idx.msk [tilespmem:v8+s3+$0x0], $0xffff;
	_ =	sdelay $0x4  }
0x5e: {  	[tilespmem:$0x1A10] =	vst v8;
	v8 =	vld [tilespmem:$0x1FF70];
	_ =	sdelay $0x7  }
0x5f: {  	v8 =	vld.idx.msk [tilespmem:v8+s3+$0x0], $0xffff;
	_ =	sdelay $0x4  }
0x60: {  	[tilespmem:$0x1A20] =	vst v8;
	v8 =	vld [tilespmem:$0x1FF80];
	_ =	sdelay $0x7  }
0x61: {  	v8 =	vld.idx.msk [tilespmem:v8+s3+$0x0], $0xffff;
	_ =	sdelay $0x4  }
0x62: {  	[tilespmem:$0x1A30] =	vst v8;
	v8 =	vld [tilespmem:$0x1FF90];
	_ =	sdelay $0x7  }
0x63: {  	v8 =	vld.idx.msk [tilespmem:v8+s3+$0x0], $0xffff;
	_ =	sdelay $0x4  }
0x64: {  	[tilespmem:$0x1A40] =	vst v8;
	v8 =	vld [tilespmem:$0x1FFA0];
	_ =	sdelay $0x7  }
0x65: {  	v8 =	vld.idx.msk [tilespmem:v8+s3+$0x0], $0xffff;
	_ =	sdelay $0x4  }
0x66: {  	[tilespmem:$0x1A50] =	vst v8;
	v8 =	vld [tilespmem:$0x1FFB0];
	_ =	sdelay $0x7  }
0x67: {  	v8 =	vld.idx.msk [tilespmem:v8+s3+$0x0], $0xffff;
	_ =	sdelay $0x4  }
0x68: {  	[tilespmem:$0x1A60] =	vst v8;
	v8 =	vld [tilespmem:$0x1FFC0];
	_ =	sdelay $0x7  }
0x69: {  	v8 =	vld.idx.msk [tilespmem:v8+s3+$0x0], $0xffff;
	_ =	sdelay $0x4  }
0x6a: {  	[tilespmem:$0x1A70] =	vst v8;
	v8 =	vld [tilespmem:$0x1FFD0];
	_ =	sdelay $0x5  }
0x6b: {  	s18 =	simm.s32 $0x1A00;
	s19 =	simm.s32 $0x5B80  }
0x6c: {  	[tilespmem:s19], [sflag:$0x3] =	stream.indirect.gather [hbm4b:s4+s13], $0x40, s18, s13, $0xb8;
	[tilespmem:$0x16580] =	vst v63  }
0x6d: {  	v8 =	vld.idx.msk [tilespmem:v8+s3+$0x0], $0xffff;
	_ =	sdelay $0x4  }
0x6e: {  	[tilespmem:$0x1A80] =	vst v8;
	v8 =	vld [tilespmem:$0x1FFE0];
	_ =	sdelay $0x7  }
0x6f: {  	v8 =	vld.idx.msk [tilespmem:v8+s3+$0x0], $0xffff;
	_ =	sdelay $0x4  }
0x70: {  	[tilespmem:$0x1A90] =	vst v8;
	v8 =	vld [tilespmem:$0x1FFF0];
	_ =	sdelay $0x7  }
0x71: {  	v8 =	vld.idx.msk [tilespmem:v8+s3+$0x0], $0xffff;
	_ =	sdelay $0x4  }
0x72: {  	[tilespmem:$0x1AA0] =	vst v8  }
0x73: {  	v8 =	vld.idx.msk [tilespmem:v27+s3+$0x0], $0xffff;
	_ =	sdelay $0x4  }
0x74: {  	[tilespmem:$0x1AB0] =	vst v8  }
0x75: {  	v8 =	vld.idx.msk [tilespmem:v28+s3+$0x0], $0xffff;
	_ =	sdelay $0x4  }
0x76: {  	[tilespmem:$0x1AC0] =	vst v8  }
0x77: {  	v8 =	vld.idx.msk [tilespmem:v29+s3+$0x0], $0xffff;
	_ =	sdelay $0x4  }
0x78: {  	[tilespmem:$0x1AD0] =	vst v8  }
0x79: {  	v8 =	vld.idx.msk [tilespmem:v30+s3+$0x0], $0xffff;
	_ =	sdelay $0x4  }
0x7a: {  	[tilespmem:$0x1AE0] =	vst v8  }
0x7b: {  	v8 =	vld.idx.msk [tilespmem:v31+s3+$0x0], $0xffff;
	_ =	sdelay $0x4  }
0x7c: {  	s20 =	simm.s32 $0x1A80;
	s21 =	simm.s32 $0x7B80;
	[tilespmem:$0x1AF0] =	vst v8  }
0x7d: {  	[tilespmem:s21], [sflag:$0x4] =	stream.indirect.gather [hbm4b:s4+s13], $0x40, s20, s13, $0xb8;
	[tilespmem:$0x16580] =	vst v63  }
0x7e: {  	v8 =	vld.idx.msk [tilespmem:v32+s3+$0x0], $0xffff;
	_ =	sdelay $0x4  }
0x7f: {  	[tilespmem:$0x1B00] =	vst v8  }
0x80: {  	v8 =	vld.idx.msk [tilespmem:v33+s3+$0x0], $0xffff;
	_ =	sdelay $0x4  }
0x81: {  	[tilespmem:$0x1B10] =	vst v8  }
0x82: {  	v8 =	vld.idx.msk [tilespmem:v34+s3+$0x0], $0xffff;
	_ =	sdelay $0x4  }
0x83: {  	[tilespmem:$0x1B20] =	vst v8  }
0x84: {  	v8 =	vld.idx.msk [tilespmem:v35+s3+$0x0], $0xffff;
	_ =	sdelay $0x4  }
0x85: {  	[tilespmem:$0x1B30] =	vst v8  }
0x86: {  	v8 =	vld.idx.msk [tilespmem:v36+s3+$0x0], $0xffff;
	_ =	sdelay $0x4  }
0x87: {  	[tilespmem:$0x1B40] =	vst v8  }
0x88: {  	v8 =	vld.idx.msk [tilespmem:v37+s3+$0x0], $0xffff;
	_ =	sdelay $0x4  }
0x89: {  	[tilespmem:$0x1B50] =	vst v8  }
0x8a: {  	v8 =	vld.idx.msk [tilespmem:v39+s3+$0x0], $0xffff;
	_ =	sdelay $0x4  }
0x8b: {  	[tilespmem:$0x1B60] =	vst v8  }
0x8c: {  	v8 =	vld.idx.msk [tilespmem:v40+s3+$0x0], $0xffff;
	_ =	sdelay $0x4  }
0x8d: {  	s22 =	simm.s32 $0x1B00;
	s23 =	simm.s32 $0x9B80;
	s16 =	simm.s32 $0x0;
	[tilespmem:$0x1B70] =	vst v8  }
0x8e: {  	[tilespmem:s23], [sflag:$0x5] =	stream.indirect.gather [hbm4b:s4+s13], $0x40, s22, s13, $0xb8;
	[tilespmem:$0x16580] =	vst v63  }
.LBB2_2:
0x8f: {  	_ =	swait.ge [sflag:s24], $0x2000  }
0x90: {  	p0 =	seq.s32 s16, $0x0;
	[sflag:s24] =	ssyncset.done $0x0  }
0x91: {  	s18 =	simm.s32 @!p0 $0x6;
	[sflag:s24] =	ssyncadd.s32 $0xFFFFE000  }
0x92: {  	_ =	swait.ge @!p0 [sflag:s18], $0x2000  }
0x93: {  	s17 =	smul.u32 $0x5, s16;
	[sflag:s18] =	ssyncset.done @!p0 $0x0  }
0x94: {  	s19 =	simm.s32 $0x1C80;
	[sflag:s18] =	ssyncadd.s32 @!p0 $0xFFFFE000;
	s18 =	simm.s32 $0x7  }
.LBB2_3:
0x95: {  	s20 =	sadd.s32 $0xFFFFFFF9, s18  }
0x96: {  	v8 =	vmov s20  }
0x97: {  	v8 =	vshrl.u32 v8, $0x3  }
0x98: {  	v8 =	vshll.u32 v8, v41  }
0x99: {  	v8 =	vbroadcast v8, $0x0;
	_ =	sdelay $0x1  }
0x9a: {  	v9 =	vld [tilespmem:s19+$0xFFFFFF00];
	v10 =	vadd.s32 v38, v8;
	_ =	sdelay $0x1  }
0x9b: {  	v11 =	vld [tilespmem:s19+$0xFFFFFF10];
	s23 =	sadd.s32 $0xFFFFFFFA, s18  }
0x9c: {  	v12 =	vld [tilespmem:s19+$0xFFFFFF20];
	v14 =	vmov s23;
	v13 =	vadd.s32 v42, v8  }
0x9d: {  	v15 =	vld [tilespmem:s19+$0xFFFFFF30];
	v14 =	vshrl.u32 v14, $0x3  }
0x9e: {  	v16 =	vld [tilespmem:s19+$0xFFFFFF40];
	[tilespmem:v10+s25+$0x0] =	vst.idx.msk $0xffff, v9;
	v9 =	vshll.u32 v14, v41  }
0x9f: {  	v17 =	vadd.s32 v43, v8;
	v9 =	vbroadcast v9, $0x0  }
0xa0: {  	v8 =	vadd.s32 v44, v8  }
0xa1: {  	v10 =	vld [tilespmem:s19+$0xFFFFFF50];
	[tilespmem:v13+s25+$0x0] =	vst.idx.msk $0xffff, v11;
	v13 =	vadd.s32 v45, v9;
	_ =	sdelay $0x1  }
0xa2: {  	s7 =	sadd.s32 $0xFFFFFFFB, s18  }
0xa3: {  	v11 =	vld [tilespmem:s19+$0xFFFFFF60];
	[tilespmem:v17+s25+$0x0] =	vst.idx.msk $0xffff, v12;
	v17 =	vmov s7;
	v14 =	vadd.s32 v46, v9  }
0xa4: {  	v12 =	vld [tilespmem:s19+$0xFFFFFF70];
	[tilespmem:v8+s25+$0x0] =	vst.idx.msk $0xffff, v15;
	v17 =	vshrl.u32 v17, $0x3  }
0xa5: {  	v8 =	vld [tilespmem:s19+$0xFFFFFF80];
	[tilespmem:v13+s25+$0x0] =	vst.idx.msk $0xffff, v16;
	v13 =	vshll.u32 v17, v41  }
0xa6: {  	v15 =	vadd.s32 v47, v9;
	v13 =	vbroadcast v13, $0x0  }
0xa7: {  	v9 =	vadd.s32 v48, v9  }
0xa8: {  	v16 =	vld [tilespmem:s19+$0xFFFFFF90];
	[tilespmem:v14+s25+$0x0] =	vst.idx.msk $0xffff, v10;
	v14 =	vadd.s32 v49, v13;
	_ =	sdelay $0x1  }
0xa9: {  	s8 =	sadd.s32 $0xFFFFFFFC, s18  }
0xaa: {  	v17 =	vmov s8;
	v10 =	vld [tilespmem:s19+$0xFFFFFFA0];
	[tilespmem:v15+s25+$0x0] =	vst.idx.msk $0xffff, v11;
	v15 =	vadd.s32 v50, v13  }
0xab: {  	v17 =	vshrl.u32 v17, $0x3;
	v11 =	vld [tilespmem:s19+$0xFFFFFFB0];
	[tilespmem:v9+s25+$0x0] =	vst.idx.msk $0xffff, v12  }
0xac: {  	v9 =	vld [tilespmem:s19+$0xFFFFFFC0];
	[tilespmem:v14+s25+$0x0] =	vst.idx.msk $0xffff, v8;
	v8 =	vshll.u32 v17, v41  }
0xad: {  	v12 =	vadd.s32 v51, v13;
	v8 =	vbroadcast v8, $0x0  }
0xae: {  	v13 =	vadd.s32 v52, v13  }
0xaf: {  	v14 =	vld [tilespmem:s19+$0xFFFFFFD0];
	[tilespmem:v15+s25+$0x0] =	vst.idx.msk $0xffff, v16;
	v16 =	vadd.s32 v53, v8;
	_ =	sdelay $0x1  }
0xb0: {  	s21 =	sadd.s32 $0xFFFFFFFD, s18  }
0xb1: {  	v17 =	vmov s21;
	v15 =	vld [tilespmem:s19+$0xFFFFFFE0];
	[tilespmem:v12+s25+$0x0] =	vst.idx.msk $0xffff, v10;
	v12 =	vadd.s32 v54, v8  }
0xb2: {  	v17 =	vshrl.u32 v17, $0x3;
	v10 =	vld [tilespmem:s19+$0xFFFFFFF0];
	[tilespmem:v13+s25+$0x0] =	vst.idx.msk $0xffff, v11  }
0xb3: {  	v11 =	vld [tilespmem:s19+$0x0];
	[tilespmem:v16+s25+$0x0] =	vst.idx.msk $0xffff, v9;
	v9 =	vshll.u32 v17, v41  }
0xb4: {  	v13 =	vadd.s32 v55, v8;
	v9 =	vbroadcast v9, $0x0  }
0xb5: {  	v8 =	vadd.s32 v56, v8  }
0xb6: {  	v16 =	vld [tilespmem:s19+$0x10];
	[tilespmem:v12+s25+$0x0] =	vst.idx.msk $0xffff, v14;
	v14 =	vadd.s32 v57, v9;
	_ =	sdelay $0x1  }
0xb7: {  	s22 =	sadd.s32 $0xFFFFFFFE, s18  }
0xb8: {  	v17 =	vmov s22;
	v12 =	vld [tilespmem:s19+$0x20];
	[tilespmem:v13+s25+$0x0] =	vst.idx.msk $0xffff, v15;
	v15 =	vadd.s32 v58, v9  }
0xb9: {  	v17 =	vshrl.u32 v17, $0x3;
	v13 =	vld [tilespmem:s19+$0x30];
	[tilespmem:v8+s25+$0x0] =	vst.idx.msk $0xffff, v10  }
0xba: {  	v8 =	vld [tilespmem:s19+$0x40];
	[tilespmem:v14+s25+$0x0] =	vst.idx.msk $0xffff, v11;
	v11 =	vshll.u32 v17, v41  }
0xbb: {  	v10 =	vadd.s32 v59, v9;
	v11 =	vbroadcast v11, $0x0  }
0xbc: {  	v9 =	vadd.s32 v60, v9  }
0xbd: {  	v14 =	vld [tilespmem:s19+$0x50];
	[tilespmem:v15+s25+$0x0] =	vst.idx.msk $0xffff, v16;
	v16 =	vadd.s32 v61, v11;
	_ =	sdelay $0x2  }
0xbe: {  	s23 =	sadd.s32 $0xFFFFFFFF, s18;
	v15 =	vld [tilespmem:s19+$0x60];
	[tilespmem:v10+s25+$0x0] =	vst.idx.msk $0xffff, v12  }
0xbf: {  	v17 =	vmov s23;
	v12 =	vld [tilespmem:s19+$0x70];
	v10 =	vadd.s32 v62, v11;
	[tilespmem:v9+s25+$0x0] =	vst.idx.msk $0xffff, v13  }
0xc0: {  	v18 =	vadd.s32 v63, v11;
	v9 =	vshrl.u32 v17, $0x3;
	v13 =	vld [tilespmem:s19+$0x80];
	[tilespmem:v16+s25+$0x0] =	vst.idx.msk $0xffff, v8;
	v8 =	vadd.s32 $0x1985, v38  }
0xc1: {  	v9 =	vshll.u32 v9, v41;
	v11 =	vadd.s32 v8, v11  }
0xc2: {  	v17 =	vbroadcast v9, $0x0  }
0xc3: {  	v9 =	vor.u32 $0x6, v38  }
0xc4: {  	v16 =	vld [tilespmem:s19+$0x90];
	[tilespmem:v10+s25+$0x0] =	vst.idx.msk $0xffff, v14;
	v14 =	vadd.s32 v9, v17;
	v10 =	vadd.s32 $0x886, v38  }
0xc5: {  	v19 =	vld [tilespmem:s19+$0xA0];
	[tilespmem:v18+s25+$0x0] =	vst.idx.msk $0xffff, v15;
	v15 =	vmov s18;
	v20 =	vadd.s32 v10, v17  }
0xc6: {  	v18 =	vld [tilespmem:s19+$0xB0];
	[tilespmem:v11+s25+$0x0] =	vst.idx.msk $0xffff, v12;
	v11 =	vadd.s32 $0x1106, v38;
	v12 =	vshrl.u32 v15, $0x3  }
0xc7: {  	v22 =	vadd.s32 v11, v17;
	v15 =	vshll.u32 v12, v41  }
0xc8: {  	v12 =	vadd.s32 $0x1986, v38;
	v23 =	vbroadcast v15, $0x0  }
0xc9: {  	v21 =	vld [tilespmem:s19+$0xC0];
	[tilespmem:v14+s25+$0x0] =	vst.idx.msk $0xffff, v13;
	v13 =	vor.u32 $0x7, v38;
	v17 =	vadd.s32 v12, v17  }
0xca: {  	v14 =	vadd.s32 $0x887, v38;
	v24 =	vld [tilespmem:s19+$0xD0];
	[tilespmem:v20+s25+$0x0] =	vst.idx.msk $0xffff, v16;
	v20 =	vadd.s32 v13, v23  }
0xcb: {  	v15 =	vadd.s32 $0x1107, v38;
	v26 =	vadd.s32 v14, v23  }
0xcc: {  	v16 =	vadd.s32 $0x1987, v38;
	v25 =	vld [tilespmem:s19+$0xE0];
	[tilespmem:v22+s25+$0x0] =	vst.idx.msk $0xffff, v19;
	v19 =	vadd.s32 v15, v23  }
0xcd: {  	p1 =	sne.s32 s18, $0x7F;
	v23 =	vadd.s32 v16, v23;
	v22 =	vld [tilespmem:s19+$0xF0]  }
.Ltmp2:
0xce: {  	[tilespmem:v17+s25+$0x0] =	vst.idx.msk $0xffff, v18;
	(pc) =	sbr.rel @p1 .LBB2_3-.Ltmp2, $4  }
0xcf: {  	[tilespmem:v20+s25+$0x0] =	vst.idx.msk $0xffff, v21  }
0xd0: {  	[tilespmem:v26+s25+$0x0] =	vst.idx.msk $0xffff, v24  }
0xd1: {  	[tilespmem:v19+s25+$0x0] =	vst.idx.msk $0xffff, v25  }
0xd2: {  	s18 =	sadd.s32 $0x8, s18;
	s19 =	sadd.s32 $0x200, s19;
	[tilespmem:v23+s25+$0x0] =	vst.idx.msk $0xffff, v22  }
0xd3: {  	s18 =	smul.u32 $0x140000, s16;
	_ =	sdelay $0x1  }
0xd4: {  	s19 =	sor.u32 s6, s18  }
0xd5: {  	s19 =	sshrl.u32 s19, $0x3  }
0xd6: {  	s7 =	simm.s32 $0xBB80;
	s20 =	sadd.s32 s2, s19  }
0xd7: {  	[hbm4b:s20+s3] =	stream.linear.scatter [tilespmem:s7], [sflag:$0x6], $0x80, $0x38;
	[tilespmem:$0x16580] =	vst v63  }
0xd8: {  	s8 =	simm.s32 $0xBC08;
	s21 =	sadd.s32 $0x10, s20  }
0xd9: {  	[hbm4b:s21+s3] =	stream.linear.scatter [tilespmem:s8], [sflag:$0x6], $0x80, $0x38;
	[tilespmem:$0x16580] =	vst v63  }
0xda: {  	s22 =	simm.s32 $0xBC90;
	s23 =	sadd.s32 $0x20, s20  }
0xdb: {  	[hbm4b:s23+s3] =	stream.linear.scatter [tilespmem:s22], [sflag:$0x6], $0x80, $0x38;
	[tilespmem:$0x16580] =	vst v63  }
0xdc: {  	s7 =	simm.s32 $0xBD18;
	s8 =	sadd.s32 $0x30, s20  }
0xdd: {  	[hbm4b:s8+s3] =	stream.linear.scatter [tilespmem:s7], [sflag:$0x6], $0x80, $0x38;
	[tilespmem:$0x16580] =	vst v63  }
0xde: {  	s22 =	simm.s32 $0xBDA0;
	s23 =	sadd.s32 $0x40, s20  }
0xdf: {  	[hbm4b:s23+s3] =	stream.linear.scatter [tilespmem:s22], [sflag:$0x6], $0x80, $0x38;
	[tilespmem:$0x16580] =	vst v63  }
0xe0: {  	s19 =	simm.s32 $0x440;
	s7 =	simm.s32 $0xBE28;
	s8 =	sadd.s32 $0x50, s20  }
0xe1: {  	[hbm4b:s8+s3] =	stream.linear.scatter [tilespmem:s7], [sflag:$0x6], $0x80, $0x38;
	[tilespmem:$0x16580] =	vst v63  }
0xe2: {  	s21 =	simm.s32 $0x2200;
	s22 =	simm.s32 $0xBEB0;
	s23 =	sadd.s32 $0x60, s20  }
0xe3: {  	[hbm4b:s23+s3] =	stream.linear.scatter [tilespmem:s22], [sflag:$0x6], $0x80, $0x38;
	[tilespmem:$0x16580] =	vst v63  }
0xe4: {  	s22 =	simm.s32 $0xBF38;
	s23 =	sadd.s32 $0x70, s20;
	s20 =	sadd.s32 $0x1000, s20  }
.LBB2_5:
0xe5: {  	[hbm4b:s23+s3] =	stream.linear.scatter [tilespmem:s22], [sflag:$0x6], $0x80, $0x38;
	[tilespmem:$0x16580] =	vst v63  }
0xe6: {  	s22 =	smov.u32 s19;
	s19 =	smov.u32 s21  }
0xe7: {  	s7 =	sadd.s32 $0x1100, s21;
	s19 =	sshra.s32 s19, $0x2;
	s23 =	sadd.s32 $0xBB80, s22  }
0xe8: {  	[hbm4b:s20+s3] =	stream.linear.scatter [tilespmem:s23], [sflag:$0x6], $0x80, $0x38;
	[tilespmem:$0x16580] =	vst v63  }
0xe9: {  	p1 =	sne.s32 s21, $0x7700;
	s21 =	sadd.s32 $0xBC08, s22;
	s23 =	sadd.s32 $0x10, s20  }
0xea: {  	[hbm4b:s23+s3] =	stream.linear.scatter [tilespmem:s21], [sflag:$0x6], $0x80, $0x38;
	[tilespmem:$0x16580] =	vst v63  }
0xeb: {  	s21 =	sadd.s32 $0xBC90, s22;
	s23 =	sadd.s32 $0x20, s20  }
0xec: {  	[hbm4b:s23+s3] =	stream.linear.scatter [tilespmem:s21], [sflag:$0x6], $0x80, $0x38;
	[tilespmem:$0x16580] =	vst v63  }
0xed: {  	s21 =	sadd.s32 $0xBD18, s22;
	s23 =	sadd.s32 $0x30, s20  }
0xee: {  	[hbm4b:s23+s3] =	stream.linear.scatter [tilespmem:s21], [sflag:$0x6], $0x80, $0x38;
	[tilespmem:$0x16580] =	vst v63  }
0xef: {  	s21 =	sadd.s32 $0xBDA0, s22;
	s23 =	sadd.s32 $0x40, s20  }
0xf0: {  	[hbm4b:s23+s3] =	stream.linear.scatter [tilespmem:s21], [sflag:$0x6], $0x80, $0x38;
	[tilespmem:$0x16580] =	vst v63  }
.Ltmp3:
0xf1: {  	s21 =	sadd.s32 $0xBE28, s22;
	s23 =	sadd.s32 $0x50, s20;
	(pc) =	sbr.rel @p1 .LBB2_5-.Ltmp3, $4  }
0xf2: {  	[hbm4b:s23+s3] =	stream.linear.scatter [tilespmem:s21], [sflag:$0x6], $0x80, $0x38;
	[tilespmem:$0x16580] =	vst v63  }
0xf3: {  	s21 =	sadd.s32 $0xBEB0, s22;
	s23 =	sadd.s32 $0x60, s20;
	s22 =	sadd.s32 $0xBF38, s22  }
0xf4: {  	[hbm4b:s23+s3] =	stream.linear.scatter [tilespmem:s21], [sflag:$0x6], $0x80, $0x38;
	[tilespmem:$0x16580] =	vst v63  }
0xf5: {  	s23 =	sadd.s32 $0x70, s20;
	s20 =	sadd.s32 $0x1000, s20;
	s21 =	smov.u32 s7  }
0xf6: {  	[hbm4b:s23+s3] =	stream.linear.scatter [tilespmem:s22], [sflag:$0x6], $0x80, $0x38;
	[tilespmem:$0x16580] =	vst v63  }
0xf7: {  	s7 =	sadd.s32 $0xBB80, s19  }
0xf8: {  	[hbm4b:s20+s3] =	stream.linear.scatter [tilespmem:s7], [sflag:$0x6], $0x80, $0x38;
	[tilespmem:$0x16580] =	vst v63  }
0xf9: {  	s22 =	sadd.s32 $0xBC08, s19;
	s21 =	sadd.s32 $0x10, s20  }
0xfa: {  	[hbm4b:s21+s3] =	stream.linear.scatter [tilespmem:s22], [sflag:$0x6], $0x80, $0x38;
	[tilespmem:$0x16580] =	vst v63  }
0xfb: {  	s23 =	sadd.s32 $0xBC90, s19;
	s8 =	sadd.s32 $0x20, s20  }
0xfc: {  	[hbm4b:s8+s3] =	stream.linear.scatter [tilespmem:s23], [sflag:$0x6], $0x80, $0x38;
	[tilespmem:$0x16580] =	vst v63  }
0xfd: {  	s21 =	sadd.s32 $0xBD18, s19;
	s22 =	sadd.s32 $0x30, s20  }
0xfe: {  	[hbm4b:s22+s3] =	stream.linear.scatter [tilespmem:s21], [sflag:$0x6], $0x80, $0x38;
	[tilespmem:$0x16580] =	vst v63  }
0xff: {  	s23 =	sadd.s32 $0xBDA0, s19;
	s8 =	sadd.s32 $0x40, s20  }
0x100: {  	[hbm4b:s8+s3] =	stream.linear.scatter [tilespmem:s23], [sflag:$0x6], $0x80, $0x38;
	[tilespmem:$0x16580] =	vst v63  }
0x101: {  	p1 =	sne.s32 s16, $0x9;
	s21 =	sadd.s32 $0xBE28, s19;
	s22 =	sadd.s32 $0x50, s20  }
0x102: {  	[hbm4b:s22+s3] =	stream.linear.scatter [tilespmem:s21], [sflag:$0x6], $0x80, $0x38;
	[tilespmem:$0x16580] =	vst v63  }
.Ltmp4:
0x103: {  	_ = 	snop;
	(pc) =	sbr.rel @p1 .LBB2_8-.Ltmp4, $4  }
0x104: {  	s23 =	sadd.s32 $0xBEB0, s19;
	s8 =	sadd.s32 $0x60, s20  }
0x105: {  	[hbm4b:s8+s3] =	stream.linear.scatter [tilespmem:s23], [sflag:$0x6], $0x80, $0x38;
	[tilespmem:$0x16580] =	vst v63  }
0x106: {  	s22 =	sadd.s32 $0xBF38, s19;
	s23 =	sadd.s32 $0x70, s20  }
0x107: {  	[hbm4b:s23+s3] =	stream.linear.scatter [tilespmem:s22], [sflag:$0x6], $0x80, $0x38;
	[tilespmem:$0x16580] =	vst v63  }
.Ltmp5:
0x108: {  	(pc) =	sbr.rel .LBB2_9-.Ltmp5, $4  }
0x109: {  	_ = 	snop  }
0x10a: {  	_ =	swait.ge [sflag:s26], $0x2000  }
0x10b: {  	[sflag:s26] =	ssyncset.done $0x0  }
0x10c: {  	[sflag:s26] =	ssyncadd.s32 $0xFFFFE000  }
.LBB2_8:
0x10d: {  	s7 =	sadd.s32 $0x5, s17  }
0x10e: {  	v17 =	vadd.s32 s7, v0;
	_ =	sdelay $0x4  }
0x10f: {  	v17 =	vld.idx.msk [tilespmem:v17+s3+$0x0], $0xffff  }
0x110: {  	v18 =	vadd.s32 s7, v1;
	_ =	sdelay $0x3  }
0x111: {  	[tilespmem:$0x1900] =	vst v17  }
0x112: {  	v17 =	vld.idx.msk [tilespmem:v18+s3+$0x0], $0xffff  }
0x113: {  	v18 =	vadd.s32 s7, v2;
	_ =	sdelay $0x3  }
0x114: {  	[tilespmem:$0x1910] =	vst v17  }
0x115: {  	v17 =	vld.idx.msk [tilespmem:v18+s3+$0x0], $0xffff  }
0x116: {  	v18 =	vadd.s32 s7, v3;
	_ =	sdelay $0x3  }
0x117: {  	[tilespmem:$0x1920] =	vst v17  }
0x118: {  	v17 =	vld.idx.msk [tilespmem:v18+s3+$0x0], $0xffff  }
0x119: {  	v18 =	vadd.s32 s7, v4;
	_ =	sdelay $0x3  }
0x11a: {  	[tilespmem:$0x1930] =	vst v17  }
0x11b: {  	v17 =	vld.idx.msk [tilespmem:v18+s3+$0x0], $0xffff  }
0x11c: {  	v18 =	vadd.s32 s7, v5;
	_ =	sdelay $0x3  }
0x11d: {  	[tilespmem:$0x1940] =	vst v17  }
0x11e: {  	v17 =	vld.idx.msk [tilespmem:v18+s3+$0x0], $0xffff  }
0x11f: {  	v18 =	vadd.s32 s7, v6;
	_ =	sdelay $0x3  }
0x120: {  	[tilespmem:$0x1950] =	vst v17  }
0x121: {  	v17 =	vld.idx.msk [tilespmem:v18+s3+$0x0], $0xffff  }
0x122: {  	v18 =	vadd.s32 s7, v7;
	_ =	sdelay $0x3  }
0x123: {  	[tilespmem:$0x1960] =	vst v17  }
0x124: {  	v17 =	vld.idx.msk [tilespmem:v18+s3+$0x0], $0xffff;
	_ =	sdelay $0x4  }
.Ltmp6:
0x125: {  	s23 =	simm.s32 $0x1900;
	s8 =	simm.s32 $0x1B80;
	[tilespmem:$0x1970] =	vst v17;
	(pc) =	sbr.rel @p0 .LBB2_10-.Ltmp6, $4  }
0x126: {  	[tilespmem:s8], [sflag:$0x1] =	stream.indirect.gather [hbm4b:s4+s13], $0x40, s23, s13, $0xb8;
	[tilespmem:$0x16580] =	vst v63  }
0x127: {  	_ =	swait.ge [sflag:s26], $0x2000  }
0x128: {  	[sflag:s26] =	ssyncset.done $0x0  }
0x129: {  	[sflag:s26] =	ssyncadd.s32 $0xFFFFE000  }
.LBB2_9:
0x12a: {  	_ =	swait.ge [sflag:s28], $0x2000  }
0x12b: {  	[sflag:s28] =	ssyncset.done $0x0  }
0x12c: {  	[sflag:s28] =	ssyncadd.s32 $0xFFFFE000  }
.LBB2_10:
0x12d: {  	s19 =	simm.s32 $0x7;
	s20 =	simm.s32 $0x3D70  }
.LBB2_11:
0x12e: {  	s7 =	sadd.s32 $0xFFFFFFF9, s19  }
0x12f: {  	v17 =	vmov s7  }
0x130: {  	v17 =	vshrl.u32 v17, $0x3  }
0x131: {  	v17 =	vshll.u32 v17, v41  }
0x132: {  	v17 =	vbroadcast v17, $0x0;
	_ =	sdelay $0x1  }
0x133: {  	v18 =	vld [tilespmem:s20+$0xFFFFFE10];
	v19 =	vadd.s32 v38, v17;
	_ =	sdelay $0x1  }
0x134: {  	v20 =	vld [tilespmem:s20+$0xFFFFFE20];
	s22 =	sadd.s32 $0xFFFFFFFA, s19  }
0x135: {  	v21 =	vld [tilespmem:s20+$0xFFFFFE30];
	v23 =	vmov s22;
	v22 =	vadd.s32 v42, v17  }
0x136: {  	v24 =	vld [tilespmem:s20+$0xFFFFFE40];
	v23 =	vshrl.u32 v23, $0x3  }
0x137: {  	v25 =	vld [tilespmem:s20+$0xFFFFFE50];
	[tilespmem:v19+s29+$0x0] =	vst.idx.msk $0xffff, v18;
	v18 =	vshll.u32 v23, v41  }
0x138: {  	v26 =	vadd.s32 v43, v17;
	v18 =	vbroadcast v18, $0x0  }
0x139: {  	v17 =	vadd.s32 v44, v17  }
0x13a: {  	v19 =	vld [tilespmem:s20+$0xFFFFFE60];
	[tilespmem:v22+s29+$0x0] =	vst.idx.msk $0xffff, v20;
	v22 =	vadd.s32 v45, v18;
	_ =	sdelay $0x1  }
0x13b: {  	s23 =	sadd.s32 $0xFFFFFFFB, s19  }
0x13c: {  	v20 =	vld [tilespmem:s20+$0xFFFFFE70];
	[tilespmem:v26+s29+$0x0] =	vst.idx.msk $0xffff, v21;
	v26 =	vmov s23;
	v23 =	vadd.s32 v46, v18  }
0x13d: {  	v21 =	vld [tilespmem:s20+$0xFFFFFE80];
	[tilespmem:v17+s29+$0x0] =	vst.idx.msk $0xffff, v24;
	v26 =	vshrl.u32 v26, $0x3  }
0x13e: {  	v17 =	vld [tilespmem:s20+$0xFFFFFE90];
	[tilespmem:v22+s29+$0x0] =	vst.idx.msk $0xffff, v25;
	v22 =	vshll.u32 v26, v41  }
0x13f: {  	v24 =	vadd.s32 v47, v18;
	v22 =	vbroadcast v22, $0x0  }
0x140: {  	v18 =	vadd.s32 v48, v18  }
0x141: {  	v25 =	vld [tilespmem:s20+$0xFFFFFEA0];
	[tilespmem:v23+s29+$0x0] =	vst.idx.msk $0xffff, v19;
	v23 =	vadd.s32 v49, v22;
	_ =	sdelay $0x1  }
0x142: {  	s8 =	sadd.s32 $0xFFFFFFFC, s19  }
0x143: {  	v26 =	vmov s8;
	v19 =	vld [tilespmem:s20+$0xFFFFFEB0];
	[tilespmem:v24+s29+$0x0] =	vst.idx.msk $0xffff, v20;
	v24 =	vadd.s32 v50, v22  }
0x144: {  	v26 =	vshrl.u32 v26, $0x3;
	v20 =	vld [tilespmem:s20+$0xFFFFFEC0];
	[tilespmem:v18+s29+$0x0] =	vst.idx.msk $0xffff, v21  }
0x145: {  	v18 =	vld [tilespmem:s20+$0xFFFFFED0];
	[tilespmem:v23+s29+$0x0] =	vst.idx.msk $0xffff, v17;
	v17 =	vshll.u32 v26, v41  }
0x146: {  	v21 =	vadd.s32 v51, v22;
	v17 =	vbroadcast v17, $0x0  }
0x147: {  	v22 =	vadd.s32 v52, v22  }
0x148: {  	v23 =	vld [tilespmem:s20+$0xFFFFFEE0];
	[tilespmem:v24+s29+$0x0] =	vst.idx.msk $0xffff, v25;
	v25 =	vadd.s32 v53, v17;
	_ =	sdelay $0x1  }
0x149: {  	s21 =	sadd.s32 $0xFFFFFFFD, s19  }
0x14a: {  	v26 =	vmov s21;
	v24 =	vld [tilespmem:s20+$0xFFFFFEF0];
	[tilespmem:v21+s29+$0x0] =	vst.idx.msk $0xffff, v19;
	v21 =	vadd.s32 v54, v17  }
0x14b: {  	v26 =	vshrl.u32 v26, $0x3;
	v19 =	vld [tilespmem:s20+$0xFFFFFF00];
	[tilespmem:v22+s29+$0x0] =	vst.idx.msk $0xffff, v20  }
0x14c: {  	v20 =	vld [tilespmem:s20+$0xFFFFFF10];
	[tilespmem:v25+s29+$0x0] =	vst.idx.msk $0xffff, v18;
	v18 =	vshll.u32 v26, v41  }
0x14d: {  	v22 =	vadd.s32 v55, v17;
	v18 =	vbroadcast v18, $0x0  }
0x14e: {  	v17 =	vadd.s32 v56, v17  }
0x14f: {  	v25 =	vld [tilespmem:s20+$0xFFFFFF20];
	[tilespmem:v21+s29+$0x0] =	vst.idx.msk $0xffff, v23;
	v23 =	vadd.s32 v57, v18;
	_ =	sdelay $0x1  }
0x150: {  	s22 =	sadd.s32 $0xFFFFFFFE, s19  }
0x151: {  	v26 =	vmov s22;
	v21 =	vld [tilespmem:s20+$0xFFFFFF30];
	[tilespmem:v22+s29+$0x0] =	vst.idx.msk $0xffff, v24;
	v24 =	vadd.s32 v58, v18  }
0x152: {  	v26 =	vshrl.u32 v26, $0x3;
	v22 =	vld [tilespmem:s20+$0xFFFFFF40];
	[tilespmem:v17+s29+$0x0] =	vst.idx.msk $0xffff, v19  }
0x153: {  	v17 =	vld [tilespmem:s20+$0xFFFFFF50];
	[tilespmem:v23+s29+$0x0] =	vst.idx.msk $0xffff, v20;
	v20 =	vshll.u32 v26, v41  }
0x154: {  	v19 =	vadd.s32 v59, v18;
	v20 =	vbroadcast v20, $0x0  }
0x155: {  	v18 =	vadd.s32 v60, v18  }
0x156: {  	v23 =	vld [tilespmem:s20+$0xFFFFFF60];
	[tilespmem:v24+s29+$0x0] =	vst.idx.msk $0xffff, v25;
	v25 =	vadd.s32 v61, v20;
	_ =	sdelay $0x1  }
0x157: {  	s23 =	sadd.s32 $0xFFFFFFFF, s19  }
0x158: {  	v26 =	vmov s23;
	v24 =	vld [tilespmem:s20+$0xFFFFFF70];
	[tilespmem:v19+s29+$0x0] =	vst.idx.msk $0xffff, v21;
	v21 =	vadd.s32 v62, v20  }
0x159: {  	v26 =	vshrl.u32 v26, $0x3;
	v19 =	vld [tilespmem:s20+$0xFFFFFF80];
	[tilespmem:v18+s29+$0x0] =	vst.idx.msk $0xffff, v22  }
0x15a: {  	v22 =	vadd.s32 v63, v20;
	v18 =	vld [tilespmem:s20+$0xFFFFFF90];
	[tilespmem:v25+s29+$0x0] =	vst.idx.msk $0xffff, v17;
	v17 =	vshll.u32 v26, v41  }
0x15b: {  	v20 =	vadd.s32 v8, v20;
	v17 =	vbroadcast v17, $0x0;
	_ =	sdelay $0x1  }
0x15c: {  	v25 =	vld [tilespmem:s20+$0xFFFFFFA0];
	[tilespmem:v21+s29+$0x0] =	vst.idx.msk $0xffff, v23;
	v23 =	vadd.s32 v9, v17;
	_ =	sdelay $0x1  }
0x15d: {  	v21 =	vld [tilespmem:s20+$0xFFFFFFB0];
	[tilespmem:v22+s29+$0x0] =	vst.idx.msk $0xffff, v24;
	v22 =	vmov s19  }
0x15e: {  	v24 =	vld [tilespmem:s20+$0xFFFFFFC0];
	v26 =	vadd.s32 v10, v17;
	[tilespmem:v20+s29+$0x0] =	vst.idx.msk $0xffff, v19;
	v19 =	vshrl.u32 v22, $0x3  }
0x15f: {  	v22 =	vadd.s32 v11, v17;
	v19 =	vshll.u32 v19, v41  }
0x160: {  	v20 =	vld [tilespmem:s20+$0xFFFFFFD0];
	[tilespmem:v23+s29+$0x0] =	vst.idx.msk $0xffff, v18;
	v18 =	vbroadcast v19, $0x0  }
0x161: {  	v17 =	vadd.s32 v12, v17  }
0x162: {  	v23 =	vadd.s32 v13, v18  }
0x163: {  	v19 =	vld [tilespmem:s20+$0xFFFFFFE0];
	[tilespmem:v26+s29+$0x0] =	vst.idx.msk $0xffff, v25;
	v26 =	vadd.s32 v14, v18  }
0x164: {  	v25 =	vld [tilespmem:s20+$0xFFFFFFF0];
	[tilespmem:v22+s29+$0x0] =	vst.idx.msk $0xffff, v21;
	v21 =	vadd.s32 v15, v18  }
0x165: {  	p2 =	sne.s32 s19, $0x7F;
	v18 =	vadd.s32 v16, v18;
	v22 =	vld [tilespmem:s20+$0x0]  }
.Ltmp7:
0x166: {  	[tilespmem:v17+s29+$0x0] =	vst.idx.msk $0xffff, v24;
	(pc) =	sbr.rel @p2 .LBB2_11-.Ltmp7, $4  }
0x167: {  	[tilespmem:v23+s29+$0x0] =	vst.idx.msk $0xffff, v20  }
0x168: {  	[tilespmem:v26+s29+$0x0] =	vst.idx.msk $0xffff, v19  }
0x169: {  	[tilespmem:v21+s29+$0x0] =	vst.idx.msk $0xffff, v25  }
0x16a: {  	s19 =	sadd.s32 $0x8, s19;
	s20 =	sadd.s32 $0x200, s20;
	[tilespmem:v18+s29+$0x0] =	vst.idx.msk $0xffff, v22  }
0x16b: {  	s7 =	rddreg [dreg:$0x4]  }
0x16c: {  	s7 =	sadd.s32 s7, s18  }
0x16d: {  	s7 =	sshrl.u32 s7, $0x3  }
0x16e: {  	s19 =	simm.s32 $0xDD80;
	s7 =	sadd.s32 s2, s7  }
0x16f: {  	[hbm4b:s7+s3] =	stream.linear.scatter [tilespmem:s19], [sflag:$0x7], $0x80, $0x38;
	[tilespmem:$0x16580] =	vst v63  }
0x170: {  	s22 =	simm.s32 $0xDE08;
	s20 =	sadd.s32 $0x10, s7  }
0x171: {  	[hbm4b:s20+s3] =	stream.linear.scatter [tilespmem:s22], [sflag:$0x7], $0x80, $0x38;
	[tilespmem:$0x16580] =	vst v63  }
0x172: {  	s23 =	simm.s32 $0xDE90;
	s8 =	sadd.s32 $0x20, s7  }
0x173: {  	[hbm4b:s8+s3] =	stream.linear.scatter [tilespmem:s23], [sflag:$0x7], $0x80, $0x38;
	[tilespmem:$0x16580] =	vst v63  }
0x174: {  	s21 =	simm.s32 $0xDF18;
	s22 =	sadd.s32 $0x30, s7  }
0x175: {  	[hbm4b:s22+s3] =	stream.linear.scatter [tilespmem:s21], [sflag:$0x7], $0x80, $0x38;
	[tilespmem:$0x16580] =	vst v63  }
0x176: {  	s23 =	simm.s32 $0xDFA0;
	s8 =	sadd.s32 $0x40, s7  }
0x177: {  	[hbm4b:s8+s3] =	stream.linear.scatter [tilespmem:s23], [sflag:$0x7], $0x80, $0x38;
	[tilespmem:$0x16580] =	vst v63  }
0x178: {  	s19 =	simm.s32 $0x440;
	s20 =	simm.s32 $0xE028;
	s21 =	sadd.s32 $0x50, s7  }
0x179: {  	[hbm4b:s21+s3] =	stream.linear.scatter [tilespmem:s20], [sflag:$0x7], $0x80, $0x38;
	[tilespmem:$0x16580] =	vst v63  }
0x17a: {  	s22 =	simm.s32 $0xE0B0;
	s23 =	sadd.s32 $0x60, s7;
	s21 =	simm.s32 $0x2200  }
0x17b: {  	[hbm4b:s23+s3] =	stream.linear.scatter [tilespmem:s22], [sflag:$0x7], $0x80, $0x38;
	[tilespmem:$0x16580] =	vst v63  }
0x17c: {  	s20 =	sadd.s32 $0x1000, s7;
	s22 =	simm.s32 $0xE138;
	s23 =	sadd.s32 $0x70, s7  }
.LBB2_13:
0x17d: {  	[hbm4b:s23+s3] =	stream.linear.scatter [tilespmem:s22], [sflag:$0x7], $0x80, $0x38;
	[tilespmem:$0x16580] =	vst v63  }
0x17e: {  	s7 =	smov.u32 s19;
	s19 =	smov.u32 s21  }
0x17f: {  	s8 =	sadd.s32 $0x1100, s21;
	s19 =	sshra.s32 s19, $0x2;
	s22 =	sadd.s32 $0xDD80, s7  }
0x180: {  	[hbm4b:s20+s3] =	stream.linear.scatter [tilespmem:s22], [sflag:$0x7], $0x80, $0x38;
	[tilespmem:$0x16580] =	vst v63  }
0x181: {  	p2 =	sne.s32 s21, $0x7700;
	s21 =	sadd.s32 $0xDE08, s7;
	s22 =	sadd.s32 $0x10, s20  }
0x182: {  	[hbm4b:s22+s3] =	stream.linear.scatter [tilespmem:s21], [sflag:$0x7], $0x80, $0x38;
	[tilespmem:$0x16580] =	vst v63  }
0x183: {  	s21 =	sadd.s32 $0xDE90, s7;
	s22 =	sadd.s32 $0x20, s20  }
0x184: {  	[hbm4b:s22+s3] =	stream.linear.scatter [tilespmem:s21], [sflag:$0x7], $0x80, $0x38;
	[tilespmem:$0x16580] =	vst v63  }
0x185: {  	s21 =	sadd.s32 $0xDF18, s7;
	s22 =	sadd.s32 $0x30, s20  }
0x186: {  	[hbm4b:s22+s3] =	stream.linear.scatter [tilespmem:s21], [sflag:$0x7], $0x80, $0x38;
	[tilespmem:$0x16580] =	vst v63  }
0x187: {  	s21 =	sadd.s32 $0xDFA0, s7;
	s22 =	sadd.s32 $0x40, s20  }
0x188: {  	[hbm4b:s22+s3] =	stream.linear.scatter [tilespmem:s21], [sflag:$0x7], $0x80, $0x38;
	[tilespmem:$0x16580] =	vst v63  }
.Ltmp8:
0x189: {  	s21 =	sadd.s32 $0xE028, s7;
	s22 =	sadd.s32 $0x50, s20;
	(pc) =	sbr.rel @p2 .LBB2_13-.Ltmp8, $4  }
0x18a: {  	[hbm4b:s22+s3] =	stream.linear.scatter [tilespmem:s21], [sflag:$0x7], $0x80, $0x38;
	[tilespmem:$0x16580] =	vst v63  }
0x18b: {  	s23 =	sadd.s32 $0x70, s20;
	s21 =	sadd.s32 $0xE0B0, s7;
	s22 =	sadd.s32 $0x60, s20  }
0x18c: {  	[hbm4b:s22+s3] =	stream.linear.scatter [tilespmem:s21], [sflag:$0x7], $0x80, $0x38;
	[tilespmem:$0x16580] =	vst v63  }
0x18d: {  	s20 =	sadd.s32 $0x1000, s20;
	s22 =	sadd.s32 $0xE138, s7;
	s21 =	smov.u32 s8  }
0x18e: {  	[hbm4b:s23+s3] =	stream.linear.scatter [tilespmem:s22], [sflag:$0x7], $0x80, $0x38;
	[tilespmem:$0x16580] =	vst v63  }
0x18f: {  	s7 =	sadd.s32 $0xDD80, s19  }
0x190: {  	[hbm4b:s20+s3] =	stream.linear.scatter [tilespmem:s7], [sflag:$0x7], $0x80, $0x38;
	[tilespmem:$0x16580] =	vst v63  }
0x191: {  	s23 =	sadd.s32 $0xDE08, s19;
	s8 =	sadd.s32 $0x10, s20  }
0x192: {  	[hbm4b:s8+s3] =	stream.linear.scatter [tilespmem:s23], [sflag:$0x7], $0x80, $0x38;
	[tilespmem:$0x16580] =	vst v63  }
0x193: {  	s21 =	sadd.s32 $0x20, s20;
	s8 =	sadd.s32 $0xDE90, s19  }
0x194: {  	[hbm4b:s21+s3] =	stream.linear.scatter [tilespmem:s8], [sflag:$0x7], $0x80, $0x38;
	[tilespmem:$0x16580] =	vst v63  }
0x195: {  	s22 =	sadd.s32 $0xDF18, s19;
	s23 =	sadd.s32 $0x30, s20  }
0x196: {  	[hbm4b:s23+s3] =	stream.linear.scatter [tilespmem:s22], [sflag:$0x7], $0x80, $0x38;
	[tilespmem:$0x16580] =	vst v63  }
0x197: {  	s8 =	sadd.s32 $0xDFA0, s19;
	s21 =	sadd.s32 $0x40, s20  }
0x198: {  	[hbm4b:s21+s3] =	stream.linear.scatter [tilespmem:s8], [sflag:$0x7], $0x80, $0x38;
	[tilespmem:$0x16580] =	vst v63  }
0x199: {  	s22 =	sadd.s32 $0xE028, s19;
	s23 =	sadd.s32 $0x50, s20  }
0x19a: {  	[hbm4b:s23+s3] =	stream.linear.scatter [tilespmem:s22], [sflag:$0x7], $0x80, $0x38;
	[tilespmem:$0x16580] =	vst v63  }
.Ltmp9:
0x19b: {  	_ = 	snop;
	(pc) =	sbr.rel @p1 .LBB2_16-.Ltmp9, $4  }
0x19c: {  	s8 =	sadd.s32 $0xE0B0, s19;
	s21 =	sadd.s32 $0x60, s20  }
0x19d: {  	[hbm4b:s21+s3] =	stream.linear.scatter [tilespmem:s8], [sflag:$0x7], $0x80, $0x38;
	[tilespmem:$0x16580] =	vst v63  }
0x19e: {  	s22 =	sadd.s32 $0xE138, s19;
	s23 =	sadd.s32 $0x70, s20  }
0x19f: {  	[hbm4b:s23+s3] =	stream.linear.scatter [tilespmem:s22], [sflag:$0x7], $0x80, $0x38;
	[tilespmem:$0x16580] =	vst v63  }
.Ltmp10:
0x1a0: {  	(pc) =	sbr.rel .LBB2_17-.Ltmp10, $4  }
0x1a1: {  	_ = 	snop  }
0x1a2: {  	_ =	swait.ge [sflag:s30], $0x2000  }
0x1a3: {  	[sflag:s30] =	ssyncset.done $0x0  }
0x1a4: {  	[sflag:s30] =	ssyncadd.s32 $0xFFFFE000  }
.LBB2_16:
0x1a5: {  	s7 =	sadd.s32 $0x6, s17  }
0x1a6: {  	v17 =	vadd.s32 s7, v0;
	_ =	sdelay $0x4  }
0x1a7: {  	v17 =	vld.idx.msk [tilespmem:v17+s3+$0x0], $0xffff  }
0x1a8: {  	v18 =	vadd.s32 s7, v1;
	_ =	sdelay $0x3  }
0x1a9: {  	[tilespmem:$0x1980] =	vst v17  }
0x1aa: {  	v17 =	vld.idx.msk [tilespmem:v18+s3+$0x0], $0xffff  }
0x1ab: {  	v18 =	vadd.s32 s7, v2;
	_ =	sdelay $0x3  }
0x1ac: {  	[tilespmem:$0x1990] =	vst v17  }
0x1ad: {  	v17 =	vld.idx.msk [tilespmem:v18+s3+$0x0], $0xffff  }
0x1ae: {  	v18 =	vadd.s32 s7, v3;
	_ =	sdelay $0x3  }
0x1af: {  	[tilespmem:$0x19A0] =	vst v17  }
0x1b0: {  	v17 =	vld.idx.msk [tilespmem:v18+s3+$0x0], $0xffff  }
0x1b1: {  	v18 =	vadd.s32 s7, v4;
	_ =	sdelay $0x3  }
0x1b2: {  	[tilespmem:$0x19B0] =	vst v17  }
0x1b3: {  	v17 =	vld.idx.msk [tilespmem:v18+s3+$0x0], $0xffff  }
0x1b4: {  	v18 =	vadd.s32 s7, v5;
	_ =	sdelay $0x3  }
0x1b5: {  	[tilespmem:$0x19C0] =	vst v17  }
0x1b6: {  	v17 =	vld.idx.msk [tilespmem:v18+s3+$0x0], $0xffff  }
0x1b7: {  	v18 =	vadd.s32 s7, v6;
	_ =	sdelay $0x3  }
0x1b8: {  	[tilespmem:$0x19D0] =	vst v17  }
0x1b9: {  	v17 =	vld.idx.msk [tilespmem:v18+s3+$0x0], $0xffff  }
0x1ba: {  	v18 =	vadd.s32 s7, v7;
	_ =	sdelay $0x3  }
0x1bb: {  	[tilespmem:$0x19E0] =	vst v17  }
0x1bc: {  	v17 =	vld.idx.msk [tilespmem:v18+s3+$0x0], $0xffff;
	_ =	sdelay $0x4  }
.Ltmp11:
0x1bd: {  	s23 =	simm.s32 $0x1980;
	s8 =	simm.s32 $0x3B80;
	[tilespmem:$0x19F0] =	vst v17;
	(pc) =	sbr.rel @p0 .LBB2_18-.Ltmp11, $4  }
0x1be: {  	[tilespmem:s8], [sflag:$0x2] =	stream.indirect.gather [hbm4b:s4+s13], $0x40, s23, s13, $0xb8;
	[tilespmem:$0x16580] =	vst v63  }
0x1bf: {  	_ =	swait.ge [sflag:s30], $0x2000  }
0x1c0: {  	[sflag:s30] =	ssyncset.done $0x0  }
0x1c1: {  	[sflag:s30] =	ssyncadd.s32 $0xFFFFE000  }
.LBB2_17:
0x1c2: {  	_ =	swait.ge [sflag:s31], $0x2000  }
0x1c3: {  	[sflag:s31] =	ssyncset.done $0x0  }
0x1c4: {  	[sflag:s31] =	ssyncadd.s32 $0xFFFFE000  }
.LBB2_18:
0x1c5: {  	s19 =	simm.s32 $0x0;
	s20 =	simm.s32 $0x7  }
.LBB2_19:
0x1c6: {  	s7 =	sadd.s32 $0xFFFFFFF9, s20  }
0x1c7: {  	v17 =	vmov s7  }
0x1c8: {  	v17 =	vshrl.u32 v17, $0x3  }
0x1c9: {  	v17 =	vshll.u32 v17, v41  }
0x1ca: {  	v17 =	vbroadcast v17, $0x0  }
0x1cb: {  	s21 =	sshra.s32 s19, $0x2  }
0x1cc: {  	v18 =	vld [tilespmem:s21+$0x5B80];
	v19 =	vadd.s32 v38, v17;
	_ =	sdelay $0x1  }
0x1cd: {  	s8 =	sadd.s32 $0xFFFFFFFA, s20;
	v20 =	vld [tilespmem:s21+$0x5B90]  }
0x1ce: {  	v21 =	vld [tilespmem:s21+$0x5BA0];
	v23 =	vmov s8;
	v22 =	vadd.s32 v42, v17  }
0x1cf: {  	v24 =	vld [tilespmem:s21+$0x5BB0];
	v23 =	vshrl.u32 v23, $0x3  }
0x1d0: {  	v25 =	vld [tilespmem:s21+$0x5BC0];
	[tilespmem:v19+s1+$0x0] =	vst.idx.msk $0xffff, v18;
	v18 =	vshll.u32 v23, v41  }
0x1d1: {  	v26 =	vadd.s32 v43, v17;
	v18 =	vbroadcast v18, $0x0  }
0x1d2: {  	v17 =	vadd.s32 v44, v17  }
0x1d3: {  	v19 =	vld [tilespmem:s21+$0x5BD0];
	[tilespmem:v22+s1+$0x0] =	vst.idx.msk $0xffff, v20;
	v22 =	vadd.s32 v45, v18;
	_ =	sdelay $0x1  }
0x1d4: {  	s22 =	sadd.s32 $0xFFFFFFFB, s20  }
0x1d5: {  	v20 =	vld [tilespmem:s21+$0x5BE0];
	[tilespmem:v26+s1+$0x0] =	vst.idx.msk $0xffff, v21;
	v26 =	vmov s22;
	v23 =	vadd.s32 v46, v18  }
0x1d6: {  	v21 =	vld [tilespmem:s21+$0x5BF0];
	[tilespmem:v17+s1+$0x0] =	vst.idx.msk $0xffff, v24;
	v26 =	vshrl.u32 v26, $0x3  }
0x1d7: {  	v17 =	vld [tilespmem:s21+$0x5C00];
	[tilespmem:v22+s1+$0x0] =	vst.idx.msk $0xffff, v25;
	v22 =	vshll.u32 v26, v41  }
0x1d8: {  	v24 =	vadd.s32 v47, v18;
	v22 =	vbroadcast v22, $0x0  }
0x1d9: {  	v18 =	vadd.s32 v48, v18  }
0x1da: {  	v25 =	vld [tilespmem:s21+$0x5C10];
	[tilespmem:v23+s1+$0x0] =	vst.idx.msk $0xffff, v19;
	v23 =	vadd.s32 v49, v22;
	_ =	sdelay $0x1  }
0x1db: {  	s23 =	sadd.s32 $0xFFFFFFFC, s20  }
0x1dc: {  	v26 =	vmov s23;
	v19 =	vld [tilespmem:s21+$0x5C20];
	[tilespmem:v24+s1+$0x0] =	vst.idx.msk $0xffff, v20;
	v24 =	vadd.s32 v50, v22  }
0x1dd: {  	v26 =	vshrl.u32 v26, $0x3;
	v20 =	vld [tilespmem:s21+$0x5C30];
	[tilespmem:v18+s1+$0x0] =	vst.idx.msk $0xffff, v21  }
0x1de: {  	v18 =	vld [tilespmem:s21+$0x5C40];
	[tilespmem:v23+s1+$0x0] =	vst.idx.msk $0xffff, v17;
	v17 =	vshll.u32 v26, v41  }
0x1df: {  	v21 =	vadd.s32 v51, v22;
	v17 =	vbroadcast v17, $0x0  }
0x1e0: {  	v22 =	vadd.s32 v52, v22  }
0x1e1: {  	v23 =	vld [tilespmem:s21+$0x5C50];
	[tilespmem:v24+s1+$0x0] =	vst.idx.msk $0xffff, v25;
	v25 =	vadd.s32 v53, v17;
	_ =	sdelay $0x1  }
0x1e2: {  	s8 =	sadd.s32 $0xFFFFFFFD, s20  }
0x1e3: {  	v26 =	vmov s8;
	v24 =	vld [tilespmem:s21+$0x5C60];
	[tilespmem:v21+s1+$0x0] =	vst.idx.msk $0xffff, v19;
	v21 =	vadd.s32 v54, v17  }
0x1e4: {  	v26 =	vshrl.u32 v26, $0x3;
	v19 =	vld [tilespmem:s21+$0x5C70];
	[tilespmem:v22+s1+$0x0] =	vst.idx.msk $0xffff, v20  }
0x1e5: {  	v20 =	vld [tilespmem:s21+$0x5C80];
	[tilespmem:v25+s1+$0x0] =	vst.idx.msk $0xffff, v18;
	v18 =	vshll.u32 v26, v41  }
0x1e6: {  	v22 =	vadd.s32 v55, v17;
	v18 =	vbroadcast v18, $0x0  }
0x1e7: {  	v17 =	vadd.s32 v56, v17  }
0x1e8: {  	v25 =	vld [tilespmem:s21+$0x5C90];
	[tilespmem:v21+s1+$0x0] =	vst.idx.msk $0xffff, v23;
	v23 =	vadd.s32 v57, v18;
	_ =	sdelay $0x1  }
0x1e9: {  	s22 =	sadd.s32 $0xFFFFFFFE, s20  }
0x1ea: {  	v26 =	vmov s22;
	v21 =	vld [tilespmem:s21+$0x5CA0];
	[tilespmem:v22+s1+$0x0] =	vst.idx.msk $0xffff, v24;
	v24 =	vadd.s32 v58, v18  }
0x1eb: {  	v26 =	vshrl.u32 v26, $0x3;
	v22 =	vld [tilespmem:s21+$0x5CB0];
	[tilespmem:v17+s1+$0x0] =	vst.idx.msk $0xffff, v19  }
0x1ec: {  	v17 =	vld [tilespmem:s21+$0x5CC0];
	[tilespmem:v23+s1+$0x0] =	vst.idx.msk $0xffff, v20;
	v20 =	vshll.u32 v26, v41  }
0x1ed: {  	v19 =	vadd.s32 v59, v18;
	v20 =	vbroadcast v20, $0x0  }
0x1ee: {  	v18 =	vadd.s32 v60, v18  }
0x1ef: {  	v23 =	vld [tilespmem:s21+$0x5CD0];
	[tilespmem:v24+s1+$0x0] =	vst.idx.msk $0xffff, v25;
	v25 =	vadd.s32 v61, v20;
	_ =	sdelay $0x1  }
0x1f0: {  	s23 =	sadd.s32 $0xFFFFFFFF, s20  }
0x1f1: {  	v26 =	vmov s23;
	v24 =	vld [tilespmem:s21+$0x5CE0];
	[tilespmem:v19+s1+$0x0] =	vst.idx.msk $0xffff, v21;
	v21 =	vadd.s32 v62, v20  }
0x1f2: {  	v26 =	vshrl.u32 v26, $0x3;
	v19 =	vld [tilespmem:s21+$0x5CF0];
	[tilespmem:v18+s1+$0x0] =	vst.idx.msk $0xffff, v22  }
0x1f3: {  	v22 =	vadd.s32 v63, v20;
	v18 =	vld [tilespmem:s21+$0x5D00];
	[tilespmem:v25+s1+$0x0] =	vst.idx.msk $0xffff, v17;
	v17 =	vshll.u32 v26, v41  }
0x1f4: {  	v20 =	vadd.s32 v8, v20;
	v17 =	vbroadcast v17, $0x0;
	_ =	sdelay $0x1  }
0x1f5: {  	v25 =	vld [tilespmem:s21+$0x5D10];
	[tilespmem:v21+s1+$0x0] =	vst.idx.msk $0xffff, v23;
	v23 =	vadd.s32 v9, v17;
	_ =	sdelay $0x1  }
0x1f6: {  	v21 =	vld [tilespmem:s21+$0x5D20];
	[tilespmem:v22+s1+$0x0] =	vst.idx.msk $0xffff, v24;
	v22 =	vmov s20  }
0x1f7: {  	v24 =	vld [tilespmem:s21+$0x5D30];
	v26 =	vadd.s32 v10, v17;
	[tilespmem:v20+s1+$0x0] =	vst.idx.msk $0xffff, v19;
	v19 =	vshrl.u32 v22, $0x3  }
0x1f8: {  	v22 =	vadd.s32 v11, v17;
	v19 =	vshll.u32 v19, v41  }
0x1f9: {  	v20 =	vld [tilespmem:s21+$0x5D40];
	[tilespmem:v23+s1+$0x0] =	vst.idx.msk $0xffff, v18;
	v18 =	vbroadcast v19, $0x0  }
0x1fa: {  	v17 =	vadd.s32 v12, v17  }
0x1fb: {  	v23 =	vadd.s32 v13, v18  }
0x1fc: {  	v19 =	vld [tilespmem:s21+$0x5D50];
	[tilespmem:v26+s1+$0x0] =	vst.idx.msk $0xffff, v25;
	v26 =	vadd.s32 v14, v18  }
0x1fd: {  	v25 =	vld [tilespmem:s21+$0x5D60];
	[tilespmem:v22+s1+$0x0] =	vst.idx.msk $0xffff, v21;
	v21 =	vadd.s32 v15, v18  }
0x1fe: {  	p2 =	sne.s32 s19, $0x7800;
	v18 =	vadd.s32 v16, v18;
	v22 =	vld [tilespmem:s21+$0x5D70]  }
.Ltmp12:
0x1ff: {  	[tilespmem:v17+s1+$0x0] =	vst.idx.msk $0xffff, v24;
	(pc) =	sbr.rel @p2 .LBB2_19-.Ltmp12, $4  }
0x200: {  	[tilespmem:v23+s1+$0x0] =	vst.idx.msk $0xffff, v20  }
0x201: {  	[tilespmem:v26+s1+$0x0] =	vst.idx.msk $0xffff, v19  }
0x202: {  	[tilespmem:v21+s1+$0x0] =	vst.idx.msk $0xffff, v25  }
0x203: {  	s19 =	sadd.s32 $0x800, s19;
	s20 =	sadd.s32 $0x8, s20;
	[tilespmem:v18+s1+$0x0] =	vst.idx.msk $0xffff, v22  }
0x204: {  	s7 =	rddreg [dreg:$0x5]  }
0x205: {  	s7 =	sadd.s32 s7, s18  }
0x206: {  	s7 =	sshrl.u32 s7, $0x3  }
0x207: {  	s8 =	simm.s32 $0xFF80;
	s7 =	sadd.s32 s2, s7  }
0x208: {  	[hbm4b:s7+s3] =	stream.linear.scatter [tilespmem:s8], [sflag:$0x8], $0x80, $0x38;
	[tilespmem:$0x16580] =	vst v63  }
0x209: {  	s21 =	simm.s32 $0x10008;
	s19 =	sadd.s32 $0x10, s7  }
0x20a: {  	[hbm4b:s19+s3] =	stream.linear.scatter [tilespmem:s21], [sflag:$0x8], $0x80, $0x38;
	[tilespmem:$0x16580] =	vst v63  }
0x20b: {  	s22 =	simm.s32 $0x10090;
	s23 =	sadd.s32 $0x20, s7  }
0x20c: {  	[hbm4b:s23+s3] =	stream.linear.scatter [tilespmem:s22], [sflag:$0x8], $0x80, $0x38;
	[tilespmem:$0x16580] =	vst v63  }
0x20d: {  	s20 =	simm.s32 $0x10118;
	s21 =	sadd.s32 $0x30, s7  }
0x20e: {  	[hbm4b:s21+s3] =	stream.linear.scatter [tilespmem:s20], [sflag:$0x8], $0x80, $0x38;
	[tilespmem:$0x16580] =	vst v63  }
0x20f: {  	s22 =	simm.s32 $0x101A0;
	s23 =	sadd.s32 $0x40, s7  }
0x210: {  	[hbm4b:s23+s3] =	stream.linear.scatter [tilespmem:s22], [sflag:$0x8], $0x80, $0x38;
	[tilespmem:$0x16580] =	vst v63  }
0x211: {  	s19 =	simm.s32 $0x440;
	s20 =	simm.s32 $0x10228;
	s21 =	sadd.s32 $0x50, s7  }
0x212: {  	[hbm4b:s21+s3] =	stream.linear.scatter [tilespmem:s20], [sflag:$0x8], $0x80, $0x38;
	[tilespmem:$0x16580] =	vst v63  }
0x213: {  	s22 =	simm.s32 $0x102B0;
	s23 =	sadd.s32 $0x60, s7;
	s21 =	simm.s32 $0x2200  }
0x214: {  	[hbm4b:s23+s3] =	stream.linear.scatter [tilespmem:s22], [sflag:$0x8], $0x80, $0x38;
	[tilespmem:$0x16580] =	vst v63  }
0x215: {  	s20 =	sadd.s32 $0x1000, s7;
	s22 =	simm.s32 $0x10338;
	s23 =	sadd.s32 $0x70, s7  }
.LBB2_21:
0x216: {  	[hbm4b:s23+s3] =	stream.linear.scatter [tilespmem:s22], [sflag:$0x8], $0x80, $0x38;
	[tilespmem:$0x16580] =	vst v63  }
0x217: {  	s7 =	smov.u32 s19;
	s8 =	smov.u32 s21  }
0x218: {  	s19 =	sshra.s32 s8, $0x2;
	s8 =	sadd.s32 $0x1100, s21;
	s22 =	sadd.s32 $0xFF80, s7  }
0x219: {  	[hbm4b:s20+s3] =	stream.linear.scatter [tilespmem:s22], [sflag:$0x8], $0x80, $0x38;
	[tilespmem:$0x16580] =	vst v63  }
0x21a: {  	p2 =	sne.s32 s21, $0x7700;
	s21 =	sadd.s32 $0x10008, s7;
	s22 =	sadd.s32 $0x10, s20  }
0x21b: {  	[hbm4b:s22+s3] =	stream.linear.scatter [tilespmem:s21], [sflag:$0x8], $0x80, $0x38;
	[tilespmem:$0x16580] =	vst v63  }
0x21c: {  	s21 =	sadd.s32 $0x10090, s7;
	s22 =	sadd.s32 $0x20, s20  }
0x21d: {  	[hbm4b:s22+s3] =	stream.linear.scatter [tilespmem:s21], [sflag:$0x8], $0x80, $0x38;
	[tilespmem:$0x16580] =	vst v63  }
0x21e: {  	s21 =	sadd.s32 $0x10118, s7;
	s22 =	sadd.s32 $0x30, s20  }
0x21f: {  	[hbm4b:s22+s3] =	stream.linear.scatter [tilespmem:s21], [sflag:$0x8], $0x80, $0x38;
	[tilespmem:$0x16580] =	vst v63  }
0x220: {  	s21 =	sadd.s32 $0x101A0, s7;
	s22 =	sadd.s32 $0x40, s20  }
0x221: {  	[hbm4b:s22+s3] =	stream.linear.scatter [tilespmem:s21], [sflag:$0x8], $0x80, $0x38;
	[tilespmem:$0x16580] =	vst v63  }
.Ltmp13:
0x222: {  	s21 =	sadd.s32 $0x10228, s7;
	s22 =	sadd.s32 $0x50, s20;
	(pc) =	sbr.rel @p2 .LBB2_21-.Ltmp13, $4  }
0x223: {  	[hbm4b:s22+s3] =	stream.linear.scatter [tilespmem:s21], [sflag:$0x8], $0x80, $0x38;
	[tilespmem:$0x16580] =	vst v63  }
0x224: {  	s23 =	sadd.s32 $0x70, s20;
	s21 =	sadd.s32 $0x102B0, s7;
	s22 =	sadd.s32 $0x60, s20  }
0x225: {  	[hbm4b:s22+s3] =	stream.linear.scatter [tilespmem:s21], [sflag:$0x8], $0x80, $0x38;
	[tilespmem:$0x16580] =	vst v63  }
0x226: {  	s20 =	sadd.s32 $0x1000, s20;
	s22 =	sadd.s32 $0x10338, s7;
	s21 =	smov.u32 s8  }
0x227: {  	[hbm4b:s23+s3] =	stream.linear.scatter [tilespmem:s22], [sflag:$0x8], $0x80, $0x38;
	[tilespmem:$0x16580] =	vst v63  }
0x228: {  	s7 =	sadd.s32 $0xFF80, s19  }
0x229: {  	[hbm4b:s20+s3] =	stream.linear.scatter [tilespmem:s7], [sflag:$0x8], $0x80, $0x38;
	[tilespmem:$0x16580] =	vst v63  }
0x22a: {  	s23 =	sadd.s32 $0x10008, s19;
	s8 =	sadd.s32 $0x10, s20  }
0x22b: {  	[hbm4b:s8+s3] =	stream.linear.scatter [tilespmem:s23], [sflag:$0x8], $0x80, $0x38;
	[tilespmem:$0x16580] =	vst v63  }
0x22c: {  	s21 =	sadd.s32 $0x20, s20;
	s8 =	sadd.s32 $0x10090, s19  }
0x22d: {  	[hbm4b:s21+s3] =	stream.linear.scatter [tilespmem:s8], [sflag:$0x8], $0x80, $0x38;
	[tilespmem:$0x16580] =	vst v63  }
0x22e: {  	s22 =	sadd.s32 $0x10118, s19;
	s23 =	sadd.s32 $0x30, s20  }
0x22f: {  	[hbm4b:s23+s3] =	stream.linear.scatter [tilespmem:s22], [sflag:$0x8], $0x80, $0x38;
	[tilespmem:$0x16580] =	vst v63  }
0x230: {  	s8 =	sadd.s32 $0x101A0, s19;
	s21 =	sadd.s32 $0x40, s20  }
0x231: {  	[hbm4b:s21+s3] =	stream.linear.scatter [tilespmem:s8], [sflag:$0x8], $0x80, $0x38;
	[tilespmem:$0x16580] =	vst v63  }
0x232: {  	s22 =	sadd.s32 $0x10228, s19;
	s23 =	sadd.s32 $0x50, s20  }
0x233: {  	[hbm4b:s23+s3] =	stream.linear.scatter [tilespmem:s22], [sflag:$0x8], $0x80, $0x38;
	[tilespmem:$0x16580] =	vst v63  }
.Ltmp14:
0x234: {  	_ = 	snop;
	(pc) =	sbr.rel @p1 .LBB2_24-.Ltmp14, $4  }
0x235: {  	s8 =	sadd.s32 $0x102B0, s19;
	s21 =	sadd.s32 $0x60, s20  }
0x236: {  	[hbm4b:s21+s3] =	stream.linear.scatter [tilespmem:s8], [sflag:$0x8], $0x80, $0x38;
	[tilespmem:$0x16580] =	vst v63  }
0x237: {  	s22 =	sadd.s32 $0x10338, s19;
	s23 =	sadd.s32 $0x70, s20  }
0x238: {  	[hbm4b:s23+s3] =	stream.linear.scatter [tilespmem:s22], [sflag:$0x8], $0x80, $0x38;
	[tilespmem:$0x16580] =	vst v63  }
.Ltmp15:
0x239: {  	(pc) =	sbr.rel .LBB2_25-.Ltmp15, $4  }
0x23a: {  	_ = 	snop  }
0x23b: {  	_ =	swait.ge [sflag:s0], $0x2000  }
0x23c: {  	[sflag:s0] =	ssyncset.done $0x0  }
0x23d: {  	[sflag:s0] =	ssyncadd.s32 $0xFFFFE000  }
.LBB2_24:
0x23e: {  	s7 =	sadd.s32 $0x7, s17  }
0x23f: {  	v17 =	vadd.s32 s7, v0;
	_ =	sdelay $0x4  }
0x240: {  	v17 =	vld.idx.msk [tilespmem:v17+s3+$0x0], $0xffff  }
0x241: {  	v18 =	vadd.s32 s7, v1;
	_ =	sdelay $0x3  }
0x242: {  	[tilespmem:$0x1A00] =	vst v17  }
0x243: {  	v17 =	vld.idx.msk [tilespmem:v18+s3+$0x0], $0xffff  }
0x244: {  	v18 =	vadd.s32 s7, v2;
	_ =	sdelay $0x3  }
0x245: {  	[tilespmem:$0x1A10] =	vst v17  }
0x246: {  	v17 =	vld.idx.msk [tilespmem:v18+s3+$0x0], $0xffff  }
0x247: {  	v18 =	vadd.s32 s7, v3;
	_ =	sdelay $0x3  }
0x248: {  	[tilespmem:$0x1A20] =	vst v17  }
0x249: {  	v17 =	vld.idx.msk [tilespmem:v18+s3+$0x0], $0xffff  }
0x24a: {  	v18 =	vadd.s32 s7, v4;
	_ =	sdelay $0x3  }
0x24b: {  	[tilespmem:$0x1A30] =	vst v17  }
0x24c: {  	v17 =	vld.idx.msk [tilespmem:v18+s3+$0x0], $0xffff  }
0x24d: {  	v18 =	vadd.s32 s7, v5;
	_ =	sdelay $0x3  }
0x24e: {  	[tilespmem:$0x1A40] =	vst v17  }
0x24f: {  	v17 =	vld.idx.msk [tilespmem:v18+s3+$0x0], $0xffff  }
0x250: {  	v18 =	vadd.s32 s7, v6;
	_ =	sdelay $0x3  }
0x251: {  	[tilespmem:$0x1A50] =	vst v17  }
0x252: {  	v17 =	vld.idx.msk [tilespmem:v18+s3+$0x0], $0xffff  }
0x253: {  	v18 =	vadd.s32 s7, v7;
	_ =	sdelay $0x3  }
0x254: {  	[tilespmem:$0x1A60] =	vst v17  }
0x255: {  	v17 =	vld.idx.msk [tilespmem:v18+s3+$0x0], $0xffff;
	_ =	sdelay $0x4  }
.Ltmp16:
0x256: {  	s23 =	simm.s32 $0x1A00;
	s8 =	simm.s32 $0x5B80;
	[tilespmem:$0x1A70] =	vst v17;
	(pc) =	sbr.rel @p0 .LBB2_26-.Ltmp16, $4  }
0x257: {  	[tilespmem:s8], [sflag:$0x3] =	stream.indirect.gather [hbm4b:s4+s13], $0x40, s23, s13, $0xb8;
	[tilespmem:$0x16580] =	vst v63  }
0x258: {  	_ =	swait.ge [sflag:s0], $0x2000  }
0x259: {  	[sflag:s0] =	ssyncset.done $0x0  }
0x25a: {  	[sflag:s0] =	ssyncadd.s32 $0xFFFFE000  }
.LBB2_25:
0x25b: {  	_ =	swait.ge [sflag:s5], $0x2000  }
0x25c: {  	[sflag:s5] =	ssyncset.done $0x0  }
0x25d: {  	[sflag:s5] =	ssyncadd.s32 $0xFFFFE000  }
.LBB2_26:
0x25e: {  	s19 =	simm.s32 $0x0;
	s20 =	simm.s32 $0x7  }
.LBB2_27:
0x25f: {  	s7 =	sadd.s32 $0xFFFFFFF9, s20  }
0x260: {  	v17 =	vmov s7  }
0x261: {  	v17 =	vshrl.u32 v17, $0x3  }
0x262: {  	v17 =	vshll.u32 v17, v41  }
0x263: {  	v17 =	vbroadcast v17, $0x0  }
0x264: {  	s21 =	sshra.s32 s19, $0x2  }
0x265: {  	v18 =	vld [tilespmem:s21+$0x7B80];
	v19 =	vadd.s32 v38, v17;
	_ =	sdelay $0x1  }
0x266: {  	s8 =	sadd.s32 $0xFFFFFFFA, s20;
	v20 =	vld [tilespmem:s21+$0x7B90]  }
0x267: {  	v21 =	vld [tilespmem:s21+$0x7BA0];
	v23 =	vmov s8;
	v22 =	vadd.s32 v42, v17  }
0x268: {  	v24 =	vld [tilespmem:s21+$0x7BB0];
	v23 =	vshrl.u32 v23, $0x3  }
0x269: {  	v25 =	vld [tilespmem:s21+$0x7BC0];
	[tilespmem:v19+s11+$0x0] =	vst.idx.msk $0xffff, v18;
	v18 =	vshll.u32 v23, v41  }
0x26a: {  	v26 =	vadd.s32 v43, v17;
	v18 =	vbroadcast v18, $0x0  }
0x26b: {  	v17 =	vadd.s32 v44, v17  }
0x26c: {  	v19 =	vld [tilespmem:s21+$0x7BD0];
	[tilespmem:v22+s11+$0x0] =	vst.idx.msk $0xffff, v20;
	v22 =	vadd.s32 v45, v18;
	_ =	sdelay $0x1  }
0x26d: {  	s22 =	sadd.s32 $0xFFFFFFFB, s20  }
0x26e: {  	v20 =	vld [tilespmem:s21+$0x7BE0];
	[tilespmem:v26+s11+$0x0] =	vst.idx.msk $0xffff, v21;
	v26 =	vmov s22;
	v23 =	vadd.s32 v46, v18  }
0x26f: {  	v21 =	vld [tilespmem:s21+$0x7BF0];
	[tilespmem:v17+s11+$0x0] =	vst.idx.msk $0xffff, v24;
	v26 =	vshrl.u32 v26, $0x3  }
0x270: {  	v17 =	vld [tilespmem:s21+$0x7C00];
	[tilespmem:v22+s11+$0x0] =	vst.idx.msk $0xffff, v25;
	v22 =	vshll.u32 v26, v41  }
0x271: {  	v24 =	vadd.s32 v47, v18;
	v22 =	vbroadcast v22, $0x0  }
0x272: {  	v18 =	vadd.s32 v48, v18  }
0x273: {  	v25 =	vld [tilespmem:s21+$0x7C10];
	[tilespmem:v23+s11+$0x0] =	vst.idx.msk $0xffff, v19;
	v23 =	vadd.s32 v49, v22;
	_ =	sdelay $0x1  }
0x274: {  	s23 =	sadd.s32 $0xFFFFFFFC, s20  }
0x275: {  	v26 =	vmov s23;
	v19 =	vld [tilespmem:s21+$0x7C20];
	[tilespmem:v24+s11+$0x0] =	vst.idx.msk $0xffff, v20;
	v24 =	vadd.s32 v50, v22  }
0x276: {  	v26 =	vshrl.u32 v26, $0x3;
	v20 =	vld [tilespmem:s21+$0x7C30];
	[tilespmem:v18+s11+$0x0] =	vst.idx.msk $0xffff, v21  }
0x277: {  	v18 =	vld [tilespmem:s21+$0x7C40];
	[tilespmem:v23+s11+$0x0] =	vst.idx.msk $0xffff, v17;
	v17 =	vshll.u32 v26, v41  }
0x278: {  	v21 =	vadd.s32 v51, v22;
	v17 =	vbroadcast v17, $0x0  }
0x279: {  	v22 =	vadd.s32 v52, v22  }
0x27a: {  	v23 =	vld [tilespmem:s21+$0x7C50];
	[tilespmem:v24+s11+$0x0] =	vst.idx.msk $0xffff, v25;
	v25 =	vadd.s32 v53, v17;
	_ =	sdelay $0x1  }
0x27b: {  	s8 =	sadd.s32 $0xFFFFFFFD, s20  }
0x27c: {  	v26 =	vmov s8;
	v24 =	vld [tilespmem:s21+$0x7C60];
	[tilespmem:v21+s11+$0x0] =	vst.idx.msk $0xffff, v19;
	v21 =	vadd.s32 v54, v17  }
0x27d: {  	v26 =	vshrl.u32 v26, $0x3;
	v19 =	vld [tilespmem:s21+$0x7C70];
	[tilespmem:v22+s11+$0x0] =	vst.idx.msk $0xffff, v20  }
0x27e: {  	v20 =	vld [tilespmem:s21+$0x7C80];
	[tilespmem:v25+s11+$0x0] =	vst.idx.msk $0xffff, v18;
	v18 =	vshll.u32 v26, v41  }
0x27f: {  	v22 =	vadd.s32 v55, v17;
	v18 =	vbroadcast v18, $0x0  }
0x280: {  	v17 =	vadd.s32 v56, v17  }
0x281: {  	v25 =	vld [tilespmem:s21+$0x7C90];
	[tilespmem:v21+s11+$0x0] =	vst.idx.msk $0xffff, v23;
	v23 =	vadd.s32 v57, v18;
	_ =	sdelay $0x1  }
0x282: {  	s22 =	sadd.s32 $0xFFFFFFFE, s20  }
0x283: {  	v26 =	vmov s22;
	v21 =	vld [tilespmem:s21+$0x7CA0];
	[tilespmem:v22+s11+$0x0] =	vst.idx.msk $0xffff, v24;
	v24 =	vadd.s32 v58, v18  }
0x284: {  	v26 =	vshrl.u32 v26, $0x3;
	v22 =	vld [tilespmem:s21+$0x7CB0];
	[tilespmem:v17+s11+$0x0] =	vst.idx.msk $0xffff, v19  }
0x285: {  	v17 =	vld [tilespmem:s21+$0x7CC0];
	[tilespmem:v23+s11+$0x0] =	vst.idx.msk $0xffff, v20;
	v20 =	vshll.u32 v26, v41  }
0x286: {  	v19 =	vadd.s32 v59, v18;
	v20 =	vbroadcast v20, $0x0  }
0x287: {  	v18 =	vadd.s32 v60, v18  }
0x288: {  	v23 =	vld [tilespmem:s21+$0x7CD0];
	[tilespmem:v24+s11+$0x0] =	vst.idx.msk $0xffff, v25;
	v25 =	vadd.s32 v61, v20;
	_ =	sdelay $0x1  }
0x289: {  	s23 =	sadd.s32 $0xFFFFFFFF, s20  }
0x28a: {  	v26 =	vmov s23;
	v24 =	vld [tilespmem:s21+$0x7CE0];
	[tilespmem:v19+s11+$0x0] =	vst.idx.msk $0xffff, v21;
	v21 =	vadd.s32 v62, v20  }
0x28b: {  	v26 =	vshrl.u32 v26, $0x3;
	v19 =	vld [tilespmem:s21+$0x7CF0];
	[tilespmem:v18+s11+$0x0] =	vst.idx.msk $0xffff, v22  }
0x28c: {  	v22 =	vadd.s32 v63, v20;
	v18 =	vld [tilespmem:s21+$0x7D00];
	[tilespmem:v25+s11+$0x0] =	vst.idx.msk $0xffff, v17;
	v17 =	vshll.u32 v26, v41  }
0x28d: {  	v20 =	vadd.s32 v8, v20;
	v17 =	vbroadcast v17, $0x0;
	_ =	sdelay $0x1  }
0x28e: {  	v25 =	vld [tilespmem:s21+$0x7D10];
	[tilespmem:v21+s11+$0x0] =	vst.idx.msk $0xffff, v23;
	v23 =	vadd.s32 v9, v17;
	_ =	sdelay $0x1  }
0x28f: {  	v21 =	vld [tilespmem:s21+$0x7D20];
	[tilespmem:v22+s11+$0x0] =	vst.idx.msk $0xffff, v24;
	v22 =	vmov s20  }
0x290: {  	v24 =	vld [tilespmem:s21+$0x7D30];
	v26 =	vadd.s32 v10, v17;
	[tilespmem:v20+s11+$0x0] =	vst.idx.msk $0xffff, v19;
	v19 =	vshrl.u32 v22, $0x3  }
0x291: {  	v22 =	vadd.s32 v11, v17;
	v19 =	vshll.u32 v19, v41  }
0x292: {  	v20 =	vld [tilespmem:s21+$0x7D40];
	[tilespmem:v23+s11+$0x0] =	vst.idx.msk $0xffff, v18;
	v18 =	vbroadcast v19, $0x0  }
0x293: {  	v17 =	vadd.s32 v12, v17  }
0x294: {  	v23 =	vadd.s32 v13, v18  }
0x295: {  	v19 =	vld [tilespmem:s21+$0x7D50];
	[tilespmem:v26+s11+$0x0] =	vst.idx.msk $0xffff, v25;
	v26 =	vadd.s32 v14, v18  }
0x296: {  	v25 =	vld [tilespmem:s21+$0x7D60];
	[tilespmem:v22+s11+$0x0] =	vst.idx.msk $0xffff, v21;
	v21 =	vadd.s32 v15, v18  }
0x297: {  	p2 =	sne.s32 s19, $0x7800;
	v18 =	vadd.s32 v16, v18;
	v22 =	vld [tilespmem:s21+$0x7D70]  }
.Ltmp17:
0x298: {  	[tilespmem:v17+s11+$0x0] =	vst.idx.msk $0xffff, v24;
	(pc) =	sbr.rel @p2 .LBB2_27-.Ltmp17, $4  }
0x299: {  	[tilespmem:v23+s11+$0x0] =	vst.idx.msk $0xffff, v20  }
0x29a: {  	[tilespmem:v26+s11+$0x0] =	vst.idx.msk $0xffff, v19  }
0x29b: {  	[tilespmem:v21+s11+$0x0] =	vst.idx.msk $0xffff, v25  }
0x29c: {  	s19 =	sadd.s32 $0x800, s19;
	s20 =	sadd.s32 $0x8, s20;
	[tilespmem:v18+s11+$0x0] =	vst.idx.msk $0xffff, v22  }
0x29d: {  	s7 =	sadd.s32 s9, s18  }
0x29e: {  	s7 =	sshrl.u32 s7, $0x3  }
0x29f: {  	s8 =	simm.s32 $0x12180;
	s7 =	sadd.s32 s2, s7  }
0x2a0: {  	[hbm4b:s7+s3] =	stream.linear.scatter [tilespmem:s8], [sflag:$0x9], $0x80, $0x38;
	[tilespmem:$0x16580] =	vst v63  }
0x2a1: {  	s21 =	simm.s32 $0x12208;
	s19 =	sadd.s32 $0x10, s7  }
0x2a2: {  	[hbm4b:s19+s3] =	stream.linear.scatter [tilespmem:s21], [sflag:$0x9], $0x80, $0x38;
	[tilespmem:$0x16580] =	vst v63  }
0x2a3: {  	s22 =	simm.s32 $0x12290;
	s23 =	sadd.s32 $0x20, s7  }
0x2a4: {  	[hbm4b:s23+s3] =	stream.linear.scatter [tilespmem:s22], [sflag:$0x9], $0x80, $0x38;
	[tilespmem:$0x16580] =	vst v63  }
0x2a5: {  	s20 =	simm.s32 $0x12318;
	s21 =	sadd.s32 $0x30, s7  }
0x2a6: {  	[hbm4b:s21+s3] =	stream.linear.scatter [tilespmem:s20], [sflag:$0x9], $0x80, $0x38;
	[tilespmem:$0x16580] =	vst v63  }
0x2a7: {  	s22 =	simm.s32 $0x123A0;
	s23 =	sadd.s32 $0x40, s7  }
0x2a8: {  	[hbm4b:s23+s3] =	stream.linear.scatter [tilespmem:s22], [sflag:$0x9], $0x80, $0x38;
	[tilespmem:$0x16580] =	vst v63  }
0x2a9: {  	s19 =	simm.s32 $0x440;
	s20 =	simm.s32 $0x12428;
	s21 =	sadd.s32 $0x50, s7  }
0x2aa: {  	[hbm4b:s21+s3] =	stream.linear.scatter [tilespmem:s20], [sflag:$0x9], $0x80, $0x38;
	[tilespmem:$0x16580] =	vst v63  }
0x2ab: {  	s22 =	simm.s32 $0x124B0;
	s23 =	sadd.s32 $0x60, s7;
	s21 =	simm.s32 $0x2200  }
0x2ac: {  	[hbm4b:s23+s3] =	stream.linear.scatter [tilespmem:s22], [sflag:$0x9], $0x80, $0x38;
	[tilespmem:$0x16580] =	vst v63  }
0x2ad: {  	s20 =	sadd.s32 $0x1000, s7;
	s22 =	simm.s32 $0x12538;
	s23 =	sadd.s32 $0x70, s7  }
.LBB2_29:
0x2ae: {  	[hbm4b:s23+s3] =	stream.linear.scatter [tilespmem:s22], [sflag:$0x9], $0x80, $0x38;
	[tilespmem:$0x16580] =	vst v63  }
0x2af: {  	s7 =	smov.u32 s19;
	s8 =	smov.u32 s21  }
0x2b0: {  	s19 =	sshra.s32 s8, $0x2;
	s8 =	sadd.s32 $0x1100, s21;
	s22 =	sadd.s32 $0x12180, s7  }
0x2b1: {  	[hbm4b:s20+s3] =	stream.linear.scatter [tilespmem:s22], [sflag:$0x9], $0x80, $0x38;
	[tilespmem:$0x16580] =	vst v63  }
0x2b2: {  	p2 =	sne.s32 s21, $0x7700;
	s21 =	sadd.s32 $0x12208, s7;
	s22 =	sadd.s32 $0x10, s20  }
0x2b3: {  	[hbm4b:s22+s3] =	stream.linear.scatter [tilespmem:s21], [sflag:$0x9], $0x80, $0x38;
	[tilespmem:$0x16580] =	vst v63  }
0x2b4: {  	s21 =	sadd.s32 $0x12290, s7;
	s22 =	sadd.s32 $0x20, s20  }
0x2b5: {  	[hbm4b:s22+s3] =	stream.linear.scatter [tilespmem:s21], [sflag:$0x9], $0x80, $0x38;
	[tilespmem:$0x16580] =	vst v63  }
0x2b6: {  	s21 =	sadd.s32 $0x12318, s7;
	s22 =	sadd.s32 $0x30, s20  }
0x2b7: {  	[hbm4b:s22+s3] =	stream.linear.scatter [tilespmem:s21], [sflag:$0x9], $0x80, $0x38;
	[tilespmem:$0x16580] =	vst v63  }
0x2b8: {  	s21 =	sadd.s32 $0x123A0, s7;
	s22 =	sadd.s32 $0x40, s20  }
0x2b9: {  	[hbm4b:s22+s3] =	stream.linear.scatter [tilespmem:s21], [sflag:$0x9], $0x80, $0x38;
	[tilespmem:$0x16580] =	vst v63  }
.Ltmp18:
0x2ba: {  	s21 =	sadd.s32 $0x12428, s7;
	s22 =	sadd.s32 $0x50, s20;
	(pc) =	sbr.rel @p2 .LBB2_29-.Ltmp18, $4  }
0x2bb: {  	[hbm4b:s22+s3] =	stream.linear.scatter [tilespmem:s21], [sflag:$0x9], $0x80, $0x38;
	[tilespmem:$0x16580] =	vst v63  }
0x2bc: {  	s23 =	sadd.s32 $0x70, s20;
	s21 =	sadd.s32 $0x124B0, s7;
	s22 =	sadd.s32 $0x60, s20  }
0x2bd: {  	[hbm4b:s22+s3] =	stream.linear.scatter [tilespmem:s21], [sflag:$0x9], $0x80, $0x38;
	[tilespmem:$0x16580] =	vst v63  }
0x2be: {  	s20 =	sadd.s32 $0x1000, s20;
	s22 =	sadd.s32 $0x12538, s7;
	s21 =	smov.u32 s8  }
0x2bf: {  	[hbm4b:s23+s3] =	stream.linear.scatter [tilespmem:s22], [sflag:$0x9], $0x80, $0x38;
	[tilespmem:$0x16580] =	vst v63  }
0x2c0: {  	s7 =	sadd.s32 $0x12180, s19  }
0x2c1: {  	[hbm4b:s20+s3] =	stream.linear.scatter [tilespmem:s7], [sflag:$0x9], $0x80, $0x38;
	[tilespmem:$0x16580] =	vst v63  }
0x2c2: {  	s23 =	sadd.s32 $0x12208, s19;
	s8 =	sadd.s32 $0x10, s20  }
0x2c3: {  	[hbm4b:s8+s3] =	stream.linear.scatter [tilespmem:s23], [sflag:$0x9], $0x80, $0x38;
	[tilespmem:$0x16580] =	vst v63  }
0x2c4: {  	s21 =	sadd.s32 $0x20, s20;
	s8 =	sadd.s32 $0x12290, s19  }
0x2c5: {  	[hbm4b:s21+s3] =	stream.linear.scatter [tilespmem:s8], [sflag:$0x9], $0x80, $0x38;
	[tilespmem:$0x16580] =	vst v63  }
0x2c6: {  	s22 =	sadd.s32 $0x12318, s19;
	s23 =	sadd.s32 $0x30, s20  }
0x2c7: {  	[hbm4b:s23+s3] =	stream.linear.scatter [tilespmem:s22], [sflag:$0x9], $0x80, $0x38;
	[tilespmem:$0x16580] =	vst v63  }
0x2c8: {  	s8 =	sadd.s32 $0x123A0, s19;
	s21 =	sadd.s32 $0x40, s20  }
0x2c9: {  	[hbm4b:s21+s3] =	stream.linear.scatter [tilespmem:s8], [sflag:$0x9], $0x80, $0x38;
	[tilespmem:$0x16580] =	vst v63  }
0x2ca: {  	s22 =	sadd.s32 $0x12428, s19;
	s23 =	sadd.s32 $0x50, s20  }
0x2cb: {  	[hbm4b:s23+s3] =	stream.linear.scatter [tilespmem:s22], [sflag:$0x9], $0x80, $0x38;
	[tilespmem:$0x16580] =	vst v63  }
.Ltmp19:
0x2cc: {  	_ = 	snop;
	(pc) =	sbr.rel @p1 .LBB2_32-.Ltmp19, $4  }
0x2cd: {  	s8 =	sadd.s32 $0x124B0, s19;
	s21 =	sadd.s32 $0x60, s20  }
0x2ce: {  	[hbm4b:s21+s3] =	stream.linear.scatter [tilespmem:s8], [sflag:$0x9], $0x80, $0x38;
	[tilespmem:$0x16580] =	vst v63  }
0x2cf: {  	s22 =	sadd.s32 $0x12538, s19;
	s23 =	sadd.s32 $0x70, s20  }
0x2d0: {  	[hbm4b:s23+s3] =	stream.linear.scatter [tilespmem:s22], [sflag:$0x9], $0x80, $0x38;
	[tilespmem:$0x16580] =	vst v63  }
.Ltmp20:
0x2d1: {  	(pc) =	sbr.rel .LBB2_33-.Ltmp20, $4  }
0x2d2: {  	_ = 	snop  }
0x2d3: {  	_ =	swait.ge [sflag:s12], $0x2000  }
0x2d4: {  	[sflag:s12] =	ssyncset.done $0x0  }
0x2d5: {  	[sflag:s12] =	ssyncadd.s32 $0xFFFFE000  }
.LBB2_32:
0x2d6: {  	s7 =	sadd.s32 $0x8, s17  }
0x2d7: {  	v17 =	vadd.s32 s7, v0;
	_ =	sdelay $0x4  }
0x2d8: {  	v17 =	vld.idx.msk [tilespmem:v17+s3+$0x0], $0xffff  }
0x2d9: {  	v18 =	vadd.s32 s7, v1;
	_ =	sdelay $0x3  }
0x2da: {  	[tilespmem:$0x1A80] =	vst v17  }
0x2db: {  	v17 =	vld.idx.msk [tilespmem:v18+s3+$0x0], $0xffff  }
0x2dc: {  	v18 =	vadd.s32 s7, v2;
	_ =	sdelay $0x3  }
0x2dd: {  	[tilespmem:$0x1A90] =	vst v17  }
0x2de: {  	v17 =	vld.idx.msk [tilespmem:v18+s3+$0x0], $0xffff  }
0x2df: {  	v18 =	vadd.s32 s7, v3;
	_ =	sdelay $0x3  }
0x2e0: {  	[tilespmem:$0x1AA0] =	vst v17  }
0x2e1: {  	v17 =	vld.idx.msk [tilespmem:v18+s3+$0x0], $0xffff  }
0x2e2: {  	v18 =	vadd.s32 s7, v4;
	_ =	sdelay $0x3  }
0x2e3: {  	[tilespmem:$0x1AB0] =	vst v17  }
0x2e4: {  	v17 =	vld.idx.msk [tilespmem:v18+s3+$0x0], $0xffff  }
0x2e5: {  	v18 =	vadd.s32 s7, v5;
	_ =	sdelay $0x3  }
0x2e6: {  	[tilespmem:$0x1AC0] =	vst v17  }
0x2e7: {  	v17 =	vld.idx.msk [tilespmem:v18+s3+$0x0], $0xffff  }
0x2e8: {  	v18 =	vadd.s32 s7, v6;
	_ =	sdelay $0x3  }
0x2e9: {  	[tilespmem:$0x1AD0] =	vst v17  }
0x2ea: {  	v17 =	vld.idx.msk [tilespmem:v18+s3+$0x0], $0xffff  }
0x2eb: {  	v18 =	vadd.s32 s7, v7;
	_ =	sdelay $0x3  }
0x2ec: {  	[tilespmem:$0x1AE0] =	vst v17  }
0x2ed: {  	v17 =	vld.idx.msk [tilespmem:v18+s3+$0x0], $0xffff;
	_ =	sdelay $0x4  }
.Ltmp21:
0x2ee: {  	s23 =	simm.s32 $0x1A80;
	s8 =	simm.s32 $0x7B80;
	[tilespmem:$0x1AF0] =	vst v17;
	(pc) =	sbr.rel @p0 .LBB2_34-.Ltmp21, $4  }
0x2ef: {  	[tilespmem:s8], [sflag:$0x4] =	stream.indirect.gather [hbm4b:s4+s13], $0x40, s23, s13, $0xb8;
	[tilespmem:$0x16580] =	vst v63  }
0x2f0: {  	_ =	swait.ge [sflag:s12], $0x2000  }
0x2f1: {  	[sflag:s12] =	ssyncset.done $0x0  }
0x2f2: {  	[sflag:s12] =	ssyncadd.s32 $0xFFFFE000  }
.LBB2_33:
0x2f3: {  	_ =	swait.ge [sflag:s14], $0x2000  }
0x2f4: {  	[sflag:s14] =	ssyncset.done $0x0  }
0x2f5: {  	[sflag:s14] =	ssyncadd.s32 $0xFFFFE000  }
.LBB2_34:
0x2f6: {  	s19 =	simm.s32 $0x0;
	s20 =	simm.s32 $0x7  }
.LBB2_35:
0x2f7: {  	s7 =	sadd.s32 $0xFFFFFFF9, s20  }
0x2f8: {  	v17 =	vmov s7  }
0x2f9: {  	v17 =	vshrl.u32 v17, $0x3  }
0x2fa: {  	v17 =	vshll.u32 v17, v41  }
0x2fb: {  	v17 =	vbroadcast v17, $0x0  }
0x2fc: {  	s21 =	sshra.s32 s19, $0x2  }
0x2fd: {  	v18 =	vld [tilespmem:s21+$0x9B80];
	v19 =	vadd.s32 v38, v17;
	_ =	sdelay $0x1  }
0x2fe: {  	s8 =	sadd.s32 $0xFFFFFFFA, s20;
	v20 =	vld [tilespmem:s21+$0x9B90]  }
0x2ff: {  	v21 =	vld [tilespmem:s21+$0x9BA0];
	v23 =	vmov s8;
	v22 =	vadd.s32 v42, v17  }
0x300: {  	v24 =	vld [tilespmem:s21+$0x9BB0];
	v23 =	vshrl.u32 v23, $0x3  }
0x301: {  	v25 =	vld [tilespmem:s21+$0x9BC0];
	[tilespmem:v19+s15+$0x0] =	vst.idx.msk $0xffff, v18;
	v18 =	vshll.u32 v23, v41  }
0x302: {  	v26 =	vadd.s32 v43, v17;
	v18 =	vbroadcast v18, $0x0  }
0x303: {  	v17 =	vadd.s32 v44, v17  }
0x304: {  	v19 =	vld [tilespmem:s21+$0x9BD0];
	[tilespmem:v22+s15+$0x0] =	vst.idx.msk $0xffff, v20;
	v22 =	vadd.s32 v45, v18;
	_ =	sdelay $0x1  }
0x305: {  	s22 =	sadd.s32 $0xFFFFFFFB, s20  }
0x306: {  	v20 =	vld [tilespmem:s21+$0x9BE0];
	[tilespmem:v26+s15+$0x0] =	vst.idx.msk $0xffff, v21;
	v26 =	vmov s22;
	v23 =	vadd.s32 v46, v18  }
0x307: {  	v21 =	vld [tilespmem:s21+$0x9BF0];
	[tilespmem:v17+s15+$0x0] =	vst.idx.msk $0xffff, v24;
	v26 =	vshrl.u32 v26, $0x3  }
0x308: {  	v17 =	vld [tilespmem:s21+$0x9C00];
	[tilespmem:v22+s15+$0x0] =	vst.idx.msk $0xffff, v25;
	v22 =	vshll.u32 v26, v41  }
0x309: {  	v24 =	vadd.s32 v47, v18;
	v22 =	vbroadcast v22, $0x0  }
0x30a: {  	v18 =	vadd.s32 v48, v18  }
0x30b: {  	v25 =	vld [tilespmem:s21+$0x9C10];
	[tilespmem:v23+s15+$0x0] =	vst.idx.msk $0xffff, v19;
	v23 =	vadd.s32 v49, v22;
	_ =	sdelay $0x1  }
0x30c: {  	s23 =	sadd.s32 $0xFFFFFFFC, s20  }
0x30d: {  	v26 =	vmov s23;
	v19 =	vld [tilespmem:s21+$0x9C20];
	[tilespmem:v24+s15+$0x0] =	vst.idx.msk $0xffff, v20;
	v24 =	vadd.s32 v50, v22  }
0x30e: {  	v26 =	vshrl.u32 v26, $0x3;
	v20 =	vld [tilespmem:s21+$0x9C30];
	[tilespmem:v18+s15+$0x0] =	vst.idx.msk $0xffff, v21  }
0x30f: {  	v18 =	vld [tilespmem:s21+$0x9C40];
	[tilespmem:v23+s15+$0x0] =	vst.idx.msk $0xffff, v17;
	v17 =	vshll.u32 v26, v41  }
0x310: {  	v21 =	vadd.s32 v51, v22;
	v17 =	vbroadcast v17, $0x0  }
0x311: {  	v22 =	vadd.s32 v52, v22  }
0x312: {  	v23 =	vld [tilespmem:s21+$0x9C50];
	[tilespmem:v24+s15+$0x0] =	vst.idx.msk $0xffff, v25;
	v25 =	vadd.s32 v53, v17;
	_ =	sdelay $0x1  }
0x313: {  	s8 =	sadd.s32 $0xFFFFFFFD, s20  }
0x314: {  	v26 =	vmov s8;
	v24 =	vld [tilespmem:s21+$0x9C60];
	[tilespmem:v21+s15+$0x0] =	vst.idx.msk $0xffff, v19;
	v21 =	vadd.s32 v54, v17  }
0x315: {  	v26 =	vshrl.u32 v26, $0x3;
	v19 =	vld [tilespmem:s21+$0x9C70];
	[tilespmem:v22+s15+$0x0] =	vst.idx.msk $0xffff, v20  }
0x316: {  	v20 =	vld [tilespmem:s21+$0x9C80];
	[tilespmem:v25+s15+$0x0] =	vst.idx.msk $0xffff, v18;
	v18 =	vshll.u32 v26, v41  }
0x317: {  	v22 =	vadd.s32 v55, v17;
	v18 =	vbroadcast v18, $0x0  }
0x318: {  	v17 =	vadd.s32 v56, v17  }
0x319: {  	v25 =	vld [tilespmem:s21+$0x9C90];
	[tilespmem:v21+s15+$0x0] =	vst.idx.msk $0xffff, v23;
	v23 =	vadd.s32 v57, v18;
	_ =	sdelay $0x1  }
0x31a: {  	s22 =	sadd.s32 $0xFFFFFFFE, s20  }
0x31b: {  	v26 =	vmov s22;
	v21 =	vld [tilespmem:s21+$0x9CA0];
	[tilespmem:v22+s15+$0x0] =	vst.idx.msk $0xffff, v24;
	v24 =	vadd.s32 v58, v18  }
0x31c: {  	v26 =	vshrl.u32 v26, $0x3;
	v22 =	vld [tilespmem:s21+$0x9CB0];
	[tilespmem:v17+s15+$0x0] =	vst.idx.msk $0xffff, v19  }
0x31d: {  	v17 =	vld [tilespmem:s21+$0x9CC0];
	[tilespmem:v23+s15+$0x0] =	vst.idx.msk $0xffff, v20;
	v20 =	vshll.u32 v26, v41  }
0x31e: {  	v19 =	vadd.s32 v59, v18;
	v20 =	vbroadcast v20, $0x0  }
0x31f: {  	v18 =	vadd.s32 v60, v18  }
0x320: {  	v23 =	vld [tilespmem:s21+$0x9CD0];
	[tilespmem:v24+s15+$0x0] =	vst.idx.msk $0xffff, v25;
	v25 =	vadd.s32 v61, v20;
	_ =	sdelay $0x1  }
0x321: {  	s23 =	sadd.s32 $0xFFFFFFFF, s20  }
0x322: {  	v26 =	vmov s23;
	v24 =	vld [tilespmem:s21+$0x9CE0];
	[tilespmem:v19+s15+$0x0] =	vst.idx.msk $0xffff, v21;
	v21 =	vadd.s32 v62, v20  }
0x323: {  	v26 =	vshrl.u32 v26, $0x3;
	v19 =	vld [tilespmem:s21+$0x9CF0];
	[tilespmem:v18+s15+$0x0] =	vst.idx.msk $0xffff, v22  }
0x324: {  	v22 =	vadd.s32 v63, v20;
	v18 =	vld [tilespmem:s21+$0x9D00];
	[tilespmem:v25+s15+$0x0] =	vst.idx.msk $0xffff, v17;
	v17 =	vshll.u32 v26, v41  }
0x325: {  	v20 =	vadd.s32 v8, v20;
	v17 =	vbroadcast v17, $0x0;
	_ =	sdelay $0x1  }
0x326: {  	v25 =	vld [tilespmem:s21+$0x9D10];
	[tilespmem:v21+s15+$0x0] =	vst.idx.msk $0xffff, v23;
	v23 =	vadd.s32 v9, v17;
	_ =	sdelay $0x1  }
0x327: {  	v21 =	vld [tilespmem:s21+$0x9D20];
	[tilespmem:v22+s15+$0x0] =	vst.idx.msk $0xffff, v24;
	v22 =	vmov s20  }
0x328: {  	v24 =	vld [tilespmem:s21+$0x9D30];
	v26 =	vadd.s32 v10, v17;
	[tilespmem:v20+s15+$0x0] =	vst.idx.msk $0xffff, v19;
	v19 =	vshrl.u32 v22, $0x3  }
0x329: {  	v22 =	vadd.s32 v11, v17;
	v19 =	vshll.u32 v19, v41  }
0x32a: {  	v20 =	vld [tilespmem:s21+$0x9D40];
	[tilespmem:v23+s15+$0x0] =	vst.idx.msk $0xffff, v18;
	v18 =	vbroadcast v19, $0x0  }
0x32b: {  	v17 =	vadd.s32 v12, v17  }
0x32c: {  	v23 =	vadd.s32 v13, v18  }
0x32d: {  	v19 =	vld [tilespmem:s21+$0x9D50];
	[tilespmem:v26+s15+$0x0] =	vst.idx.msk $0xffff, v25;
	v26 =	vadd.s32 v14, v18  }
0x32e: {  	v25 =	vld [tilespmem:s21+$0x9D60];
	[tilespmem:v22+s15+$0x0] =	vst.idx.msk $0xffff, v21;
	v21 =	vadd.s32 v15, v18  }
0x32f: {  	p0 =	sne.s32 s19, $0x7800;
	v18 =	vadd.s32 v16, v18;
	v22 =	vld [tilespmem:s21+$0x9D70]  }
.Ltmp22:
0x330: {  	[tilespmem:v17+s15+$0x0] =	vst.idx.msk $0xffff, v24;
	(pc) =	sbr.rel @p0 .LBB2_35-.Ltmp22, $4  }
0x331: {  	[tilespmem:v23+s15+$0x0] =	vst.idx.msk $0xffff, v20  }
0x332: {  	[tilespmem:v26+s15+$0x0] =	vst.idx.msk $0xffff, v19  }
0x333: {  	[tilespmem:v21+s15+$0x0] =	vst.idx.msk $0xffff, v25  }
0x334: {  	s19 =	sadd.s32 $0x800, s19;
	s20 =	sadd.s32 $0x8, s20;
	[tilespmem:v18+s15+$0x0] =	vst.idx.msk $0xffff, v22  }
0x335: {  	s7 =	sadd.s32 s10, s18  }
0x336: {  	s7 =	sshrl.u32 s7, $0x3  }
0x337: {  	s8 =	simm.s32 $0x14380;
	s7 =	sadd.s32 s2, s7  }
0x338: {  	[hbm4b:s7+s3] =	stream.linear.scatter [tilespmem:s8], [sflag:$0xA], $0x80, $0x38;
	[tilespmem:$0x16580] =	vst v63  }
0x339: {  	s18 =	simm.s32 $0x14408;
	s19 =	sadd.s32 $0x10, s7  }
0x33a: {  	[hbm4b:s19+s3] =	stream.linear.scatter [tilespmem:s18], [sflag:$0xA], $0x80, $0x38;
	[tilespmem:$0x16580] =	vst v63  }
0x33b: {  	s20 =	simm.s32 $0x14490;
	s21 =	sadd.s32 $0x20, s7  }
0x33c: {  	[hbm4b:s21+s3] =	stream.linear.scatter [tilespmem:s20], [sflag:$0xA], $0x80, $0x38;
	[tilespmem:$0x16580] =	vst v63  }
0x33d: {  	s22 =	simm.s32 $0x14518;
	s23 =	sadd.s32 $0x30, s7  }
0x33e: {  	[hbm4b:s23+s3] =	stream.linear.scatter [tilespmem:s22], [sflag:$0xA], $0x80, $0x38;
	[tilespmem:$0x16580] =	vst v63  }
0x33f: {  	s18 =	simm.s32 $0x145A0;
	s19 =	sadd.s32 $0x40, s7  }
0x340: {  	[hbm4b:s19+s3] =	stream.linear.scatter [tilespmem:s18], [sflag:$0xA], $0x80, $0x38;
	[tilespmem:$0x16580] =	vst v63  }
0x341: {  	s20 =	simm.s32 $0x14628;
	s21 =	sadd.s32 $0x50, s7;
	s22 =	simm.s32 $0x146B0  }
0x342: {  	[hbm4b:s21+s3] =	stream.linear.scatter [tilespmem:s20], [sflag:$0xA], $0x80, $0x38;
	[tilespmem:$0x16580] =	vst v63  }
0x343: {  	s23 =	sadd.s32 $0x60, s7;
	s18 =	simm.s32 $0x440;
	s19 =	sadd.s32 $0x1000, s7  }
0x344: {  	[hbm4b:s23+s3] =	stream.linear.scatter [tilespmem:s22], [sflag:$0xA], $0x80, $0x38;
	[tilespmem:$0x16580] =	vst v63  }
0x345: {  	s20 =	simm.s32 $0x2200;
	s21 =	simm.s32 $0x14738;
	s22 =	sadd.s32 $0x70, s7  }
.LBB2_37:
0x346: {  	[hbm4b:s22+s3] =	stream.linear.scatter [tilespmem:s21], [sflag:$0xA], $0x80, $0x38;
	[tilespmem:$0x16580] =	vst v63  }
0x347: {  	s7 =	smov.u32 s18;
	s8 =	smov.u32 s20  }
0x348: {  	s18 =	sshra.s32 s8, $0x2;
	s8 =	sadd.s32 $0x1100, s20;
	s21 =	sadd.s32 $0x14380, s7  }
0x349: {  	[hbm4b:s19+s3] =	stream.linear.scatter [tilespmem:s21], [sflag:$0xA], $0x80, $0x38;
	[tilespmem:$0x16580] =	vst v63  }
0x34a: {  	p0 =	sne.s32 s20, $0x7700;
	s20 =	sadd.s32 $0x14408, s7;
	s21 =	sadd.s32 $0x10, s19  }
0x34b: {  	[hbm4b:s21+s3] =	stream.linear.scatter [tilespmem:s20], [sflag:$0xA], $0x80, $0x38;
	[tilespmem:$0x16580] =	vst v63  }
0x34c: {  	s20 =	sadd.s32 $0x14490, s7;
	s21 =	sadd.s32 $0x20, s19  }
0x34d: {  	[hbm4b:s21+s3] =	stream.linear.scatter [tilespmem:s20], [sflag:$0xA], $0x80, $0x38;
	[tilespmem:$0x16580] =	vst v63  }
0x34e: {  	s20 =	sadd.s32 $0x14518, s7;
	s21 =	sadd.s32 $0x30, s19  }
0x34f: {  	[hbm4b:s21+s3] =	stream.linear.scatter [tilespmem:s20], [sflag:$0xA], $0x80, $0x38;
	[tilespmem:$0x16580] =	vst v63  }
0x350: {  	s20 =	sadd.s32 $0x145A0, s7;
	s21 =	sadd.s32 $0x40, s19  }
0x351: {  	[hbm4b:s21+s3] =	stream.linear.scatter [tilespmem:s20], [sflag:$0xA], $0x80, $0x38;
	[tilespmem:$0x16580] =	vst v63  }
.Ltmp23:
0x352: {  	s20 =	sadd.s32 $0x14628, s7;
	s21 =	sadd.s32 $0x50, s19;
	(pc) =	sbr.rel @p0 .LBB2_37-.Ltmp23, $4  }
0x353: {  	[hbm4b:s21+s3] =	stream.linear.scatter [tilespmem:s20], [sflag:$0xA], $0x80, $0x38;
	[tilespmem:$0x16580] =	vst v63  }
0x354: {  	s22 =	sadd.s32 $0x70, s19;
	s20 =	sadd.s32 $0x146B0, s7;
	s21 =	sadd.s32 $0x60, s19  }
0x355: {  	[hbm4b:s21+s3] =	stream.linear.scatter [tilespmem:s20], [sflag:$0xA], $0x80, $0x38;
	[tilespmem:$0x16580] =	vst v63  }
0x356: {  	s19 =	sadd.s32 $0x1000, s19;
	s21 =	sadd.s32 $0x14738, s7;
	s20 =	smov.u32 s8  }
0x357: {  	[hbm4b:s22+s3] =	stream.linear.scatter [tilespmem:s21], [sflag:$0xA], $0x80, $0x38;
	[tilespmem:$0x16580] =	vst v63  }
0x358: {  	s7 =	sadd.s32 $0x14380, s18  }
0x359: {  	[hbm4b:s19+s3] =	stream.linear.scatter [tilespmem:s7], [sflag:$0xA], $0x80, $0x38;
	[tilespmem:$0x16580] =	vst v63  }
0x35a: {  	s23 =	sadd.s32 $0x14408, s18;
	s8 =	sadd.s32 $0x10, s19  }
0x35b: {  	[hbm4b:s8+s3] =	stream.linear.scatter [tilespmem:s23], [sflag:$0xA], $0x80, $0x38;
	[tilespmem:$0x16580] =	vst v63  }
0x35c: {  	s20 =	sadd.s32 $0x14490, s18;
	s21 =	sadd.s32 $0x20, s19  }
0x35d: {  	[hbm4b:s21+s3] =	stream.linear.scatter [tilespmem:s20], [sflag:$0xA], $0x80, $0x38;
	[tilespmem:$0x16580] =	vst v63  }
0x35e: {  	s22 =	sadd.s32 $0x14518, s18;
	s23 =	sadd.s32 $0x30, s19  }
0x35f: {  	[hbm4b:s23+s3] =	stream.linear.scatter [tilespmem:s22], [sflag:$0xA], $0x80, $0x38;
	[tilespmem:$0x16580] =	vst v63  }
0x360: {  	s20 =	sadd.s32 $0x145A0, s18;
	s21 =	sadd.s32 $0x40, s19  }
0x361: {  	[hbm4b:s21+s3] =	stream.linear.scatter [tilespmem:s20], [sflag:$0xA], $0x80, $0x38;
	[tilespmem:$0x16580] =	vst v63  }
0x362: {  	p0 =	seq.s32 s16, $0x9;
	s22 =	sadd.s32 $0x14628, s18;
	s23 =	sadd.s32 $0x50, s19  }
0x363: {  	[hbm4b:s23+s3] =	stream.linear.scatter [tilespmem:s22], [sflag:$0xA], $0x80, $0x38;
	[tilespmem:$0x16580] =	vst v63  }
.Ltmp24:
0x364: {  	_ = 	snop;
	(pc) =	sbr.rel @p0 .LBB2_40-.Ltmp24, $4  }
0x365: {  	s20 =	sadd.s32 $0x146B0, s18;
	s21 =	sadd.s32 $0x60, s19  }
0x366: {  	[hbm4b:s21+s3] =	stream.linear.scatter [tilespmem:s20], [sflag:$0xA], $0x80, $0x38;
	[tilespmem:$0x16580] =	vst v63  }
0x367: {  	s22 =	sadd.s32 $0x14738, s18;
	s23 =	sadd.s32 $0x70, s19  }
0x368: {  	[hbm4b:s23+s3] =	stream.linear.scatter [tilespmem:s22], [sflag:$0xA], $0x80, $0x38;
	[tilespmem:$0x16580] =	vst v63  }
0x369: {  	s7 =	sadd.s32 $0x9, s17  }
0x36a: {  	v8 =	vadd.s32 s7, v0;
	_ =	sdelay $0x4  }
0x36b: {  	v8 =	vld.idx.msk [tilespmem:v8+s3+$0x0], $0xffff  }
0x36c: {  	v9 =	vadd.s32 s7, v1;
	_ =	sdelay $0x3  }
0x36d: {  	[tilespmem:$0x1B00] =	vst v8  }
0x36e: {  	v8 =	vld.idx.msk [tilespmem:v9+s3+$0x0], $0xffff  }
0x36f: {  	v18 =	vadd.s32 s7, v2;
	_ =	sdelay $0x3  }
0x370: {  	[tilespmem:$0x1B10] =	vst v8  }
0x371: {  	v8 =	vld.idx.msk [tilespmem:v18+s3+$0x0], $0xffff  }
0x372: {  	v19 =	vadd.s32 s7, v3;
	_ =	sdelay $0x3  }
0x373: {  	[tilespmem:$0x1B20] =	vst v8  }
0x374: {  	v8 =	vld.idx.msk [tilespmem:v19+s3+$0x0], $0xffff  }
0x375: {  	v20 =	vadd.s32 s7, v4;
	_ =	sdelay $0x3  }
0x376: {  	[tilespmem:$0x1B30] =	vst v8  }
0x377: {  	v8 =	vld.idx.msk [tilespmem:v20+s3+$0x0], $0xffff  }
0x378: {  	v21 =	vadd.s32 s7, v5;
	_ =	sdelay $0x3  }
0x379: {  	[tilespmem:$0x1B40] =	vst v8  }
0x37a: {  	v8 =	vld.idx.msk [tilespmem:v21+s3+$0x0], $0xffff  }
0x37b: {  	v22 =	vadd.s32 s7, v6;
	_ =	sdelay $0x3  }
0x37c: {  	[tilespmem:$0x1B50] =	vst v8  }
0x37d: {  	v8 =	vld.idx.msk [tilespmem:v22+s3+$0x0], $0xffff  }
0x37e: {  	v23 =	vadd.s32 s7, v7;
	_ =	sdelay $0x3  }
0x37f: {  	[tilespmem:$0x1B60] =	vst v8  }
0x380: {  	v8 =	vld.idx.msk [tilespmem:v23+s3+$0x0], $0xffff;
	_ =	sdelay $0x1  }
.Ltmp25:
0x381: {  	_ = 	snop;
	(pc) =	sbr.rel .LBB2_2-.Ltmp25, $3  }
0x382: {  	_ =	sdelay $0x1  }
0x383: {  	s23 =	simm.s32 $0x1B00;
	s8 =	simm.s32 $0x9B80;
	s16 =	sadd.s32 $0x1, s16;
	[tilespmem:$0x1B70] =	vst v8  }
0x384: {  	[tilespmem:s8], [sflag:$0x5] =	stream.indirect.gather [hbm4b:s4+s13], $0x40, s23, s13, $0xb8;
	[tilespmem:$0x16580] =	vst v63  }
.LBB2_41:
0x385: {  	_ =	sfence.sel $0x180000  }
0x386: {  	[bflag:$0x0] =	sbarrier.arrive $0xFFFF  }
0x387: {  	_ =	strace $0x90000047  }
0x388: {  	s0 =	stileid.u32;
	[bflag:$0x2] =	sbarrier.arrive $0xFFFF  }
0x389: {  	p0 =	sne.s32 s0, $0x0;
	s0 =	rddreg [dreg:$0x2]  }
0x38a: {  	s0 =	sadd.s32 @!p0 $0x100000, s0  }
0x38b: {  	[sflag:s0] =	ssyncadd.tile.s32 @!p0 $0x1;
	_ =	shalt  }
.Lfunc_end2:
_tile_overlayer_lowered:
.L_overlay_start_2:
0x38c: {  	(tag) =	ssettag $0x2  }
0x38d: {  	s0 =	rddreg [dreg:$0x0];
	s2 =	stileid.u32  }
0x38e: {  	s1 =	rddreg [dreg:$0x1];
	p0 =	sne.s32 s2, $0x0  }
0x38f: {  	s3 =	rddreg [dreg:$0x2];
	[bflag:$0x3] =	sbarrier.arrive $0xFFFF;
	s2 =	simm.s32 @!p0 $0x1C0B  }
0x390: {  	[timem:s3], [sflag:s2] =	dma.local @!p0 [hbm:s0], s1  }
0x391: {  	s0 =	simm.s32 @!p0 $0xB  }
0x392: {  	_ =	swait.ge @!p0 [sflag:s0], s1  }
0x393: {  	s1 =	ssub.s32 @!p0 $0x0, s1;
	[sflag:s0] =	ssyncset.done @!p0 $0x0  }
0x394: {  	[sflag:s0] =	ssyncadd.s32 @!p0 s1  }
0x395: {  	[bflag:$0x3] =	sbarrier.arrive $0xFFFF  }
0x396: {  	_ =	shalt  }

</sc_bundles>
